<compile_context>
chip_gen: v7x
topology: tpu7x:2x2x1
jax: 0.10.2.dev20260603
libtpu: 0.0.44.dev20260713+nightly
codegen_flags: <defaults>
</compile_context>

<pallas_src>
import jax
import jax.numpy as jnp
from jax import lax
from jax.experimental import pallas as pl
from jax.experimental.pallas import tpu as pltpu
from jax.experimental.pallas import tpu_sc as plsc

DIM = 32
BATCH = 16384
VOCAB = 1000000
LANE = 128
PACK = 4
UBLK = PACK * LANE
N_BLOCKS = (VOCAB + UBLK - 1) // UBLK
PACKED_ROWS = N_BLOCKS * LANE

NUM_WORKERS = 32
B_PER_W = BATCH // NUM_WORKERS
CHUNK = 256
N_CHUNKS = B_PER_W // CHUNK
IDX_BLK = 128
BLK_PER_CHUNK = CHUNK // IDX_BLK
LANES = 16
GROUPS = CHUNK // LANES


SUB = 64


def _placement(q):
    e = jnp.eye(DIM, dtype=jnp.float32)
    return jnp.pad(e, ((0, 0), (DIM * q, LANE - DIM * (q + 1))))


def _pack_body(x_ref, o_ref):
    es = [_placement(q) for q in range(PACK)]
    for b in range(SUB):
        y = jnp.zeros((LANE, LANE), jnp.float32)
        for q in range(PACK):
            xs = x_ref[:, pl.ds(UBLK * b + LANE * q, LANE)]
            y = y + lax.dot_general(
                xs, es[q], (((0,), (0,)), ((), ())),
                preferred_element_type=jnp.float32)
        o_ref[LANE * b:LANE * (b + 1), :] = y


def _tc_pack(table):
    tt = table.T
    return pl.pallas_call(
        _pack_body,
        grid=(pl.cdiv(N_BLOCKS, SUB),),
        in_specs=[pl.BlockSpec((DIM, UBLK * SUB), lambda i: (0, i))],
        out_specs=pl.BlockSpec((LANE * SUB, LANE), lambda i: (i, 0)),
        out_shape=jax.ShapeDtypeStruct((pl.cdiv(N_BLOCKS, SUB) * SUB * LANE,
                                        LANE), jnp.float32),
    )(tt)


def _dot_body(user_hbm, item_hbm, utab_hbm, itab_hbm, out_hbm,
              uidx_v, iidx_v, upid_v, ipid_v, urows_v, irows_v, out_v, sem):
    wid = lax.axis_index("s") * 2 + lax.axis_index("c")
    base = wid * B_PER_W

    iota = lax.iota(jnp.int32, LANES)

    def packed_row(u):
        return lax.shift_left(lax.shift_right_logical(u, 9), 7) + \
            jnp.bitwise_and(u, 127)

    def col_base(u):
        return lax.shift_left(
            jnp.bitwise_and(lax.shift_right_logical(u, 7), 3), 5)

    for ch in range(N_CHUNKS):
        off = base + ch * CHUNK
        for j in range(BLK_PER_CHUNK):
            pltpu.sync_copy(user_hbm.at[pl.ds(off + j * IDX_BLK, IDX_BLK)],
                            uidx_v.at[j])
            pltpu.sync_copy(item_hbm.at[pl.ds(off + j * IDX_BLK, IDX_BLK)],
                            iidx_v.at[j])

        def pid_body(g, carry):
            j = g // (IDX_BLK // LANES)
            lane0 = (g % (IDX_BLK // LANES)) * LANES
            sl = pl.ds(lane0, LANES)
            upid_v[j, sl] = packed_row(uidx_v[j, sl])
            ipid_v[j, sl] = packed_row(iidx_v[j, sl])
            return carry

        lax.fori_loop(0, CHUNK // LANES, pid_body, 0)

        copies = []
        for j in range(BLK_PER_CHUNK):
            dst = pl.ds(j * IDX_BLK, IDX_BLK)
            copies.append(pltpu.async_copy(utab_hbm.at[upid_v.at[j]],
                                           urows_v.at[dst], sem))
            copies.append(pltpu.async_copy(itab_hbm.at[ipid_v.at[j]],
                                           irows_v.at[dst], sem))
        for c in copies:
            c.wait()

        def group_body(g, carry):
            rows = g * LANES + iota
            j = g // (IDX_BLK // LANES)
            lane0 = (g % (IDX_BLK // LANES)) * LANES
            sl = pl.ds(lane0, LANES)
            ucol0 = col_base(uidx_v[j, sl])
            icol0 = col_base(iidx_v[j, sl])
            acc = jnp.zeros((LANES,), jnp.float32)
            for d in range(DIM):
                uc = plsc.load_gather(urows_v, [rows, ucol0 + d])
                ic = plsc.load_gather(irows_v, [rows, icol0 + d])
                acc = acc + uc * ic
            out_v[pl.ds(ch * CHUNK + g * LANES, LANES)] = acc
            return carry

        lax.fori_loop(0, GROUPS, group_body, 0)

    pltpu.sync_copy(out_v, out_hbm.at[pl.ds(base, B_PER_W)])


def _sc_dot(user, item, utab, itab):
    mesh = plsc.VectorSubcoreMesh(core_axis_name="c", subcore_axis_name="s")
    return pl.kernel(
        _dot_body,
        out_type=jax.ShapeDtypeStruct((BATCH,), jnp.float32),
        mesh=mesh,
        compiler_params=pltpu.CompilerParams(
            needs_layout_passes=False,
            use_tc_tiling_on_sc=True,
        ),
        scratch_types=[
            pltpu.VMEM((BLK_PER_CHUNK, IDX_BLK), jnp.int32),
            pltpu.VMEM((BLK_PER_CHUNK, IDX_BLK), jnp.int32),
            pltpu.VMEM((BLK_PER_CHUNK, IDX_BLK), jnp.int32),
            pltpu.VMEM((BLK_PER_CHUNK, IDX_BLK), jnp.int32),
            pltpu.VMEM((CHUNK, LANE), jnp.float32),
            pltpu.VMEM((CHUNK, LANE), jnp.float32),
            pltpu.VMEM((B_PER_W,), jnp.float32),
            pltpu.SemaphoreType.DMA,
        ],
    )(user, item, utab, itab)


@jax.jit
def _mf(user, item, user_table, item_table):
    utab = _tc_pack(user_table)
    itab = _tc_pack(item_table)
    return _sc_dot(user, item, utab, itab)


def kernel(user, item, user_table, item_table):
    return _mf(user, item, user_table, item_table)

# --- scband reference (transcript-rebuilt; emitter-appended) ---
"""Pipeline reference for scband-mf-8083128451665 (READ-ONLY COPY).

The authoritative reference and input builder live on the scoring server;
editing this copy changes nothing except your own understanding.
"""

import jax, jax.numpy as jnp
import numpy as np

USER_NUM = 1000000
ITEM_NUM = 1000000
DIM = 32
BATCH = 16384

def setup_inputs(seed: int = 0) -> dict:
    key = jax.random.key(seed)
    k1, k2, k3, k4 = jax.random.split(key, 4)
    stdv = 1.0 / np.sqrt(DIM)
    user = jax.random.randint(k1, (BATCH,), 0, USER_NUM, dtype=jnp.int64 if jax.config.jax_enable_x64 else jnp.int32).astype(jnp.int32)
    item = jax.random.randint(k2, (BATCH,), 0, ITEM_NUM, dtype=jnp.int64 if jax.config.jax_enable_x64 else jnp.int32).astype(jnp.int32)
    user_table = jax.random.normal(k3, (USER_NUM, DIM), dtype=jnp.float32) * stdv
    item_table = jax.random.normal(k4, (ITEM_NUM, DIM), dtype=jnp.float32) * stdv
    return {"user": user, "item": item, "user_table": user_table, "item_table": item_table}

def reference(user, item, user_table, item_table):
    # user_emb = self.user_emb(data['user'])  -> gather
    user_emb = jnp.take(user_table, user, axis=0)
    # item_emb = self.item_emb(data['item'])  -> gather
    item_emb = jnp.take(item_table, item, axis=0)
    # (user_emb * item_emb).sum(-1)
    return (user_emb * item_emb).sum(-1)

if __name__ == "__main__":
    import jax
    _d = setup_inputs()
    print(jax.jit(kernel)(*tuple(_d.values())))

</pallas_src>

<mosaic_0001>
#map = affine_map<(d0, d1) -> (0)>
#map1 = affine_map<(d0, d1) -> (0, 0)>
module attributes {stable_mosaic.version = 14 : i64} {
  func.func @_dot_body(%arg0: i32, %arg1: i32, %arg2: memref<16384xi32, #tpu.memory_space<hbm>>, %arg3: memref<16384xi32, #tpu.memory_space<hbm>>, %arg4: memref<253952x128xf32, #tpu.memory_space<hbm>>, %arg5: memref<253952x128xf32, #tpu.memory_space<hbm>>, %arg6: memref<16384xf32, #tpu.memory_space<hbm>>, %arg7: memref<2x128xi32, #tpu.memory_space<vmem>>, %arg8: memref<2x128xi32, #tpu.memory_space<vmem>>, %arg9: memref<2x128xi32, #tpu.memory_space<vmem>>, %arg10: memref<2x128xi32, #tpu.memory_space<vmem>>, %arg11: memref<256x128xf32, #tpu.memory_space<vmem>>, %arg12: memref<256x128xf32, #tpu.memory_space<vmem>>, %arg13: memref<512xf32, #tpu.memory_space<vmem>>, %arg14: memref<!tpu.dma_semaphore, #tpu.memory_space<semaphore_mem>>) attributes {dimension_semantics = [#tpu.dimension_semantics<core_parallel>, #tpu.dimension_semantics<subcore_parallel>], iteration_bounds = array<i64: 2, 16>, scalar_prefetch = 0 : i64, scratch_operands = 8 : i64, tpu.core_type = #tpu.core_type<sc_vector_subcore>, window_params = [{transform_indices = #map}, {transform_indices = #map}, {transform_indices = #map1}, {transform_indices = #map1}, {transform_indices = #map}]} {
    %mul3A = arith.constant 2 : i32
    %mul3A_0 = arith.muli %arg1, %mul3A : i32
    %add3A = arith.addi %mul3A_0, %arg0 : i32
    %mul3A_1 = arith.constant 512 : i32
    %mul3A_2 = arith.muli %add3A, %mul3A_1 : i32
    %iota3A = tpu.iota {dimensions = array<i32: 0>} : vector<16xi32>
    %add3A_3 = arith.constant 0 : i32
    %add3A_4 = arith.addi %mul3A_2, %add3A_3 : i32
    %add3A_5 = arith.constant 0 : i32
    %add3A_6 = arith.addi %add3A_4, %add3A_5 : i32
    %run_scoped3A = arith.constant 0 : i32
    "tpu.region"() ({
      %run_scoped3A_211 = tpu.sem_alloc : memref<!tpu.dma_semaphore, #tpu.memory_space<semaphore_mem>>
      %dma_start3A_212 = arith.constant 0 : i32
      %dma_start3A_213 = tpu.memref_slice %arg7[%run_scoped3A, %dma_start3A_212] : memref<2x128xi32, #tpu.memory_space<vmem>> -> memref<1x128xi32, #tpu.memory_space<vmem>>
      %dma_start3A_214 = tpu.memref_squeeze %dma_start3A_213 : memref<1x128xi32, #tpu.memory_space<vmem>> -> memref<128xi32, #tpu.memory_space<vmem>>
      %dma_start3A_215 = tpu.memref_slice %arg2[%add3A_6] : memref<16384xi32, #tpu.memory_space<hbm>> -> memref<128xi32, #tpu.memory_space<hbm>>
      %dma_start3A_216 = arith.constant 0 : i32
      %dma_start3A_217 = tpu.memref_slice %arg7[%run_scoped3A, %dma_start3A_216] : memref<2x128xi32, #tpu.memory_space<vmem>> -> memref<1x128xi32, #tpu.memory_space<vmem>>
      %dma_start3A_218 = tpu.memref_squeeze %dma_start3A_217 : memref<1x128xi32, #tpu.memory_space<vmem>> -> memref<128xi32, #tpu.memory_space<vmem>>
      %dma_start3A_219 = tpu.memref_slice %arg2[%add3A_6] : memref<16384xi32, #tpu.memory_space<hbm>> -> memref<128xi32, #tpu.memory_space<hbm>>
      tpu.enqueue_dma source(%dma_start3A_219 : memref<128xi32, #tpu.memory_space<hbm>>) target(%dma_start3A_218 : memref<128xi32, #tpu.memory_space<vmem>>) target_semaphore(%run_scoped3A_211 : memref<!tpu.dma_semaphore, #tpu.memory_space<semaphore_mem>>)
      %dma_wait3A_220 = arith.constant 0 : i32
      %dma_wait3A_221 = tpu.memref_slice %arg7[%run_scoped3A, %dma_wait3A_220] : memref<2x128xi32, #tpu.memory_space<vmem>> -> memref<1x128xi32, #tpu.memory_space<vmem>>
      %dma_wait3A_222 = tpu.memref_squeeze %dma_wait3A_221 : memref<1x128xi32, #tpu.memory_space<vmem>> -> memref<128xi32, #tpu.memory_space<vmem>>
      %dma_wait3A_223 = tpu.memref_slice %arg2[%add3A_6] : memref<16384xi32, #tpu.memory_space<hbm>> -> memref<128xi32, #tpu.memory_space<hbm>>
      %dma_wait3A_224 = arith.constant 0 : i32
      %dma_wait3A_225 = tpu.memref_slice %arg7[%run_scoped3A, %dma_wait3A_224] : memref<2x128xi32, #tpu.memory_space<vmem>> -> memref<1x128xi32, #tpu.memory_space<vmem>>
      %dma_wait3A_226 = tpu.memref_squeeze %dma_wait3A_225 : memref<1x128xi32, #tpu.memory_space<vmem>> -> memref<128xi32, #tpu.memory_space<vmem>>
      %dma_wait3A_227 = tpu.memref_slice %arg2[%add3A_6] : memref<16384xi32, #tpu.memory_space<hbm>> -> memref<128xi32, #tpu.memory_space<hbm>>
      tpu.wait_dma2 semaphore(%run_scoped3A_211 : memref<!tpu.dma_semaphore, #tpu.memory_space<semaphore_mem>>) src(%dma_wait3A_227 : memref<128xi32, #tpu.memory_space<hbm>>) dst(%dma_wait3A_226 : memref<128xi32, #tpu.memory_space<vmem>>)
      tpu.yield
    }) : () -> ()
    %add3A_7 = arith.constant 0 : i32
    %add3A_8 = arith.addi %add3A_4, %add3A_7 : i32
    %run_scoped3A_9 = arith.constant 0 : i32
    "tpu.region"() ({
      %run_scoped3A_211 = tpu.sem_alloc : memref<!tpu.dma_semaphore, #tpu.memory_space<semaphore_mem>>
      %dma_start3A_212 = arith.constant 0 : i32
      %dma_start3A_213 = tpu.memref_slice %arg8[%run_scoped3A_9, %dma_start3A_212] : memref<2x128xi32, #tpu.memory_space<vmem>> -> memref<1x128xi32, #tpu.memory_space<vmem>>
      %dma_start3A_214 = tpu.memref_squeeze %dma_start3A_213 : memref<1x128xi32, #tpu.memory_space<vmem>> -> memref<128xi32, #tpu.memory_space<vmem>>
      %dma_start3A_215 = tpu.memref_slice %arg3[%add3A_8] : memref<16384xi32, #tpu.memory_space<hbm>> -> memref<128xi32, #tpu.memory_space<hbm>>
      %dma_start3A_216 = arith.constant 0 : i32
      %dma_start3A_217 = tpu.memref_slice %arg8[%run_scoped3A_9, %dma_start3A_216] : memref<2x128xi32, #tpu.memory_space<vmem>> -> memref<1x128xi32, #tpu.memory_space<vmem>>
      %dma_start3A_218 = tpu.memref_squeeze %dma_start3A_217 : memref<1x128xi32, #tpu.memory_space<vmem>> -> memref<128xi32, #tpu.memory_space<vmem>>
      %dma_start3A_219 = tpu.memref_slice %arg3[%add3A_8] : memref<16384xi32, #tpu.memory_space<hbm>> -> memref<128xi32, #tpu.memory_space<hbm>>
      tpu.enqueue_dma source(%dma_start3A_219 : memref<128xi32, #tpu.memory_space<hbm>>) target(%dma_start3A_218 : memref<128xi32, #tpu.memory_space<vmem>>) target_semaphore(%run_scoped3A_211 : memref<!tpu.dma_semaphore, #tpu.memory_space<semaphore_mem>>)
      %dma_wait3A_220 = arith.constant 0 : i32
      %dma_wait3A_221 = tpu.memref_slice %arg8[%run_scoped3A_9, %dma_wait3A_220] : memref<2x128xi32, #tpu.memory_space<vmem>> -> memref<1x128xi32, #tpu.memory_space<vmem>>
      %dma_wait3A_222 = tpu.memref_squeeze %dma_wait3A_221 : memref<1x128xi32, #tpu.memory_space<vmem>> -> memref<128xi32, #tpu.memory_space<vmem>>
      %dma_wait3A_223 = tpu.memref_slice %arg3[%add3A_8] : memref<16384xi32, #tpu.memory_space<hbm>> -> memref<128xi32, #tpu.memory_space<hbm>>
      %dma_wait3A_224 = arith.constant 0 : i32
      %dma_wait3A_225 = tpu.memref_slice %arg8[%run_scoped3A_9, %dma_wait3A_224] : memref<2x128xi32, #tpu.memory_space<vmem>> -> memref<1x128xi32, #tpu.memory_space<vmem>>
      %dma_wait3A_226 = tpu.memref_squeeze %dma_wait3A_225 : memref<1x128xi32, #tpu.memory_space<vmem>> -> memref<128xi32, #tpu.memory_space<vmem>>
      %dma_wait3A_227 = tpu.memref_slice %arg3[%add3A_8] : memref<16384xi32, #tpu.memory_space<hbm>> -> memref<128xi32, #tpu.memory_space<hbm>>
      tpu.wait_dma2 semaphore(%run_scoped3A_211 : memref<!tpu.dma_semaphore, #tpu.memory_space<semaphore_mem>>) src(%dma_wait3A_227 : memref<128xi32, #tpu.memory_space<hbm>>) dst(%dma_wait3A_226 : memref<128xi32, #tpu.memory_space<vmem>>)
      tpu.yield
    }) : () -> ()
    %add3A_10 = arith.constant 128 : i32
    %add3A_11 = arith.addi %add3A_4, %add3A_10 : i32
    %run_scoped3A_12 = arith.constant 1 : i32
    "tpu.region"() ({
      %run_scoped3A_211 = tpu.sem_alloc : memref<!tpu.dma_semaphore, #tpu.memory_space<semaphore_mem>>
      %dma_start3A_212 = arith.constant 0 : i32
      %dma_start3A_213 = tpu.memref_slice %arg7[%run_scoped3A_12, %dma_start3A_212] : memref<2x128xi32, #tpu.memory_space<vmem>> -> memref<1x128xi32, #tpu.memory_space<vmem>>
      %dma_start3A_214 = tpu.memref_squeeze %dma_start3A_213 : memref<1x128xi32, #tpu.memory_space<vmem>> -> memref<128xi32, #tpu.memory_space<vmem>>
      %dma_start3A_215 = tpu.memref_slice %arg2[%add3A_11] : memref<16384xi32, #tpu.memory_space<hbm>> -> memref<128xi32, #tpu.memory_space<hbm>>
      %dma_start3A_216 = arith.constant 0 : i32
      %dma_start3A_217 = tpu.memref_slice %arg7[%run_scoped3A_12, %dma_start3A_216] : memref<2x128xi32, #tpu.memory_space<vmem>> -> memref<1x128xi32, #tpu.memory_space<vmem>>
      %dma_start3A_218 = tpu.memref_squeeze %dma_start3A_217 : memref<1x128xi32, #tpu.memory_space<vmem>> -> memref<128xi32, #tpu.memory_space<vmem>>
      %dma_start3A_219 = tpu.memref_slice %arg2[%add3A_11] : memref<16384xi32, #tpu.memory_space<hbm>> -> memref<128xi32, #tpu.memory_space<hbm>>
      tpu.enqueue_dma source(%dma_start3A_219 : memref<128xi32, #tpu.memory_space<hbm>>) target(%dma_start3A_218 : memref<128xi32, #tpu.memory_space<vmem>>) target_semaphore(%run_scoped3A_211 : memref<!tpu.dma_semaphore, #tpu.memory_space<semaphore_mem>>)
      %dma_wait3A_220 = arith.constant 0 : i32
      %dma_wait3A_221 = tpu.memref_slice %arg7[%run_scoped3A_12, %dma_wait3A_220] : memref<2x128xi32, #tpu.memory_space<vmem>> -> memref<1x128xi32, #tpu.memory_space<vmem>>
      %dma_wait3A_222 = tpu.memref_squeeze %dma_wait3A_221 : memref<1x128xi32, #tpu.memory_space<vmem>> -> memref<128xi32, #tpu.memory_space<vmem>>
      %dma_wait3A_223 = tpu.memref_slice %arg2[%add3A_11] : memref<16384xi32, #tpu.memory_space<hbm>> -> memref<128xi32, #tpu.memory_space<hbm>>
      %dma_wait3A_224 = arith.constant 0 : i32
      %dma_wait3A_225 = tpu.memref_slice %arg7[%run_scoped3A_12, %dma_wait3A_224] : memref<2x128xi32, #tpu.memory_space<vmem>> -> memref<1x128xi32, #tpu.memory_space<vmem>>
      %dma_wait3A_226 = tpu.memref_squeeze %dma_wait3A_225 : memref<1x128xi32, #tpu.memory_space<vmem>> -> memref<128xi32, #tpu.memory_space<vmem>>
      %dma_wait3A_227 = tpu.memref_slice %arg2[%add3A_11] : memref<16384xi32, #tpu.memory_space<hbm>> -> memref<128xi32, #tpu.memory_space<hbm>>
      tpu.wait_dma2 semaphore(%run_scoped3A_211 : memref<!tpu.dma_semaphore, #tpu.memory_space<semaphore_mem>>) src(%dma_wait3A_227 : memref<128xi32, #tpu.memory_space<hbm>>) dst(%dma_wait3A_226 : memref<128xi32, #tpu.memory_space<vmem>>)
      tpu.yield
    }) : () -> ()
    %add3A_13 = arith.constant 128 : i32
    %add3A_14 = arith.addi %add3A_4, %add3A_13 : i32
    %run_scoped3A_15 = arith.constant 1 : i32
    "tpu.region"() ({
      %run_scoped3A_211 = tpu.sem_alloc : memref<!tpu.dma_semaphore, #tpu.memory_space<semaphore_mem>>
      %dma_start3A_212 = arith.constant 0 : i32
      %dma_start3A_213 = tpu.memref_slice %arg8[%run_scoped3A_15, %dma_start3A_212] : memref<2x128xi32, #tpu.memory_space<vmem>> -> memref<1x128xi32, #tpu.memory_space<vmem>>
      %dma_start3A_214 = tpu.memref_squeeze %dma_start3A_213 : memref<1x128xi32, #tpu.memory_space<vmem>> -> memref<128xi32, #tpu.memory_space<vmem>>
      %dma_start3A_215 = tpu.memref_slice %arg3[%add3A_14] : memref<16384xi32, #tpu.memory_space<hbm>> -> memref<128xi32, #tpu.memory_space<hbm>>
      %dma_start3A_216 = arith.constant 0 : i32
      %dma_start3A_217 = tpu.memref_slice %arg8[%run_scoped3A_15, %dma_start3A_216] : memref<2x128xi32, #tpu.memory_space<vmem>> -> memref<1x128xi32, #tpu.memory_space<vmem>>
      %dma_start3A_218 = tpu.memref_squeeze %dma_start3A_217 : memref<1x128xi32, #tpu.memory_space<vmem>> -> memref<128xi32, #tpu.memory_space<vmem>>
      %dma_start3A_219 = tpu.memref_slice %arg3[%add3A_14] : memref<16384xi32, #tpu.memory_space<hbm>> -> memref<128xi32, #tpu.memory_space<hbm>>
      tpu.enqueue_dma source(%dma_start3A_219 : memref<128xi32, #tpu.memory_space<hbm>>) target(%dma_start3A_218 : memref<128xi32, #tpu.memory_space<vmem>>) target_semaphore(%run_scoped3A_211 : memref<!tpu.dma_semaphore, #tpu.memory_space<semaphore_mem>>)
      %dma_wait3A_220 = arith.constant 0 : i32
      %dma_wait3A_221 = tpu.memref_slice %arg8[%run_scoped3A_15, %dma_wait3A_220] : memref<2x128xi32, #tpu.memory_space<vmem>> -> memref<1x128xi32, #tpu.memory_space<vmem>>
      %dma_wait3A_222 = tpu.memref_squeeze %dma_wait3A_221 : memref<1x128xi32, #tpu.memory_space<vmem>> -> memref<128xi32, #tpu.memory_space<vmem>>
      %dma_wait3A_223 = tpu.memref_slice %arg3[%add3A_14] : memref<16384xi32, #tpu.memory_space<hbm>> -> memref<128xi32, #tpu.memory_space<hbm>>
      %dma_wait3A_224 = arith.constant 0 : i32
      %dma_wait3A_225 = tpu.memref_slice %arg8[%run_scoped3A_15, %dma_wait3A_224] : memref<2x128xi32, #tpu.memory_space<vmem>> -> memref<1x128xi32, #tpu.memory_space<vmem>>
      %dma_wait3A_226 = tpu.memref_squeeze %dma_wait3A_225 : memref<1x128xi32, #tpu.memory_space<vmem>> -> memref<128xi32, #tpu.memory_space<vmem>>
      %dma_wait3A_227 = tpu.memref_slice %arg3[%add3A_14] : memref<16384xi32, #tpu.memory_space<hbm>> -> memref<128xi32, #tpu.memory_space<hbm>>
      tpu.wait_dma2 semaphore(%run_scoped3A_211 : memref<!tpu.dma_semaphore, #tpu.memory_space<semaphore_mem>>) src(%dma_wait3A_227 : memref<128xi32, #tpu.memory_space<hbm>>) dst(%dma_wait3A_226 : memref<128xi32, #tpu.memory_space<vmem>>)
      tpu.yield
    }) : () -> ()
    %scan3A = arith.constant 0 : i32
    %scan3A_16 = arith.constant 0 : i32
    %scan3A_17 = arith.constant 16 : i32
    %scan3A_18 = arith.addi %scan3A_16, %scan3A_17 : i32
    %scan3A_19 = arith.constant 1 : i32
    scf.for %scan3A_211 = %scan3A_16 to %scan3A_18 step %scan3A_19  : i32 {
      %jit3A = arith.constant 8 : i32
      %div3A = arith.divsi %scan3A_211, %jit3A : i32
      %sign3A = arith.constant 0 : i32
      %sign3A_212 = arith.cmpi sgt, %scan3A_211, %sign3A : i32
      %sign3A_213 = arith.extui %sign3A_212 : i1 to i32
      %sign3A_214 = arith.constant 0 : i32
      %sign3A_215 = arith.cmpi slt, %scan3A_211, %sign3A_214 : i32
      %sign3A_216 = arith.extui %sign3A_215 : i1 to i32
      %sign3A_217 = arith.subi %sign3A_213, %sign3A_216 : i32
      %sign3A_218 = arith.constant 0 : i32
      %sign3A_219 = arith.cmpi sgt, %jit3A, %sign3A_218 : i32
      %sign3A_220 = arith.extui %sign3A_219 : i1 to i32
      %sign3A_221 = arith.constant 0 : i32
      %sign3A_222 = arith.cmpi slt, %jit3A, %sign3A_221 : i32
      %sign3A_223 = arith.extui %sign3A_222 : i1 to i32
      %sign3A_224 = arith.subi %sign3A_220, %sign3A_223 : i32
      %ne3A = arith.cmpi ne, %sign3A_217, %sign3A_224 : i32
      %rem3A = arith.remsi %scan3A_211, %jit3A : i32
      %ne3A_225 = arith.constant 0 : i32
      %ne3A_226 = arith.cmpi ne, %rem3A, %ne3A_225 : i32
      %and3A = arith.andi %ne3A, %ne3A_226 : i1
      %sub3A = arith.constant 1 : i32
      %sub3A_227 = arith.subi %div3A, %sub3A : i32
      %select_n3A = arith.select %and3A, %sub3A_227, %div3A : i32
      %jit3A_228 = arith.constant 8 : i32
      %eq3A = arith.constant 0 : i32
      %eq3A_229 = arith.cmpi eq, %jit3A_228, %eq3A : i32
      %jit3A_230 = arith.constant 1 : i32
      %select_n3A_231 = arith.select %eq3A_229, %jit3A_230, %jit3A_228 : i32
      %rem3A_232 = arith.remsi %scan3A_211, %select_n3A_231 : i32
      %ne3A_233 = arith.constant 0 : i32
      %ne3A_234 = arith.cmpi ne, %rem3A_232, %ne3A_233 : i32
      %lt3A = arith.constant 0 : i32
      %lt3A_235 = arith.cmpi slt, %rem3A_232, %lt3A : i32
      %lt3A_236 = arith.constant 0 : i32
      %lt3A_237 = arith.cmpi slt, %select_n3A_231, %lt3A_236 : i32
      %ne3A_238 = arith.xori %lt3A_235, %lt3A_237 : i1
      %and3A_239 = arith.andi %ne3A_238, %ne3A_234 : i1
      %add3A_240 = arith.addi %rem3A_232, %select_n3A_231 : i32
      %select_n3A_241 = arith.select %and3A_239, %add3A_240, %rem3A_232 : i32
      %mul3A_242 = arith.constant 16 : i32
      %mul3A_243 = arith.muli %select_n3A_241, %mul3A_242 : i32
      %get3A = arith.index_cast %select_n3A : i32 to index
      %get3A_244 = arith.index_cast %mul3A_243 : i32 to index
      %get3A_245 = tpu.vector_load %arg7[%get3A, %get3A_244] {strides = array<i32>} : memref<2x128xi32, #tpu.memory_space<vmem>>, vector<16xi32>,
      %shift_right_logical3A = arith.constant 9 : i32
      %shift_right_logical3A_246 = vector.broadcast %shift_right_logical3A : i32 to vector<16xi32>
      %shift_right_logical3A_247 = arith.shrui %get3A_245, %shift_right_logical3A_246 : vector<16xi32>
      %shift_left3A = arith.constant 7 : i32
      %shift_left3A_248 = vector.broadcast %shift_left3A : i32 to vector<16xi32>
      %shift_left3A_249 = arith.shli %shift_right_logical3A_247, %shift_left3A_248 : vector<16xi32>
      %and3A_250 = arith.constant 127 : i32
      %and3A_251 = vector.broadcast %and3A_250 : i32 to vector<16xi32>
      %and3A_252 = arith.andi %get3A_245, %and3A_251 : vector<16xi32>
      %add3A_253 = arith.addi %shift_left3A_249, %and3A_252 : vector<16xi32>
      %swap3A = arith.index_cast %select_n3A : i32 to index
      %swap3A_254 = arith.index_cast %mul3A_243 : i32 to index
      %swap3A_255 = tpu.vector_load %arg9[%swap3A, %swap3A_254] {strides = array<i32>} : memref<2x128xi32, #tpu.memory_space<vmem>>, vector<16xi32>,
      tpu.vector_store %arg9[%swap3A, %swap3A_254], %add3A_253 {strides = array<i32>} : memref<2x128xi32, #tpu.memory_space<vmem>>, vector<16xi32>,
      %get3A_256 = arith.index_cast %select_n3A : i32 to index
      %get3A_257 = arith.index_cast %mul3A_243 : i32 to index
      %get3A_258 = tpu.vector_load %arg8[%get3A_256, %get3A_257] {strides = array<i32>} : memref<2x128xi32, #tpu.memory_space<vmem>>, vector<16xi32>,
      %shift_right_logical3A_259 = arith.constant 9 : i32
      %shift_right_logical3A_260 = vector.broadcast %shift_right_logical3A_259 : i32 to vector<16xi32>
      %shift_right_logical3A_261 = arith.shrui %get3A_258, %shift_right_logical3A_260 : vector<16xi32>
      %shift_left3A_262 = arith.constant 7 : i32
      %shift_left3A_263 = vector.broadcast %shift_left3A_262 : i32 to vector<16xi32>
      %shift_left3A_264 = arith.shli %shift_right_logical3A_261, %shift_left3A_263 : vector<16xi32>
      %and3A_265 = arith.constant 127 : i32
      %and3A_266 = vector.broadcast %and3A_265 : i32 to vector<16xi32>
      %and3A_267 = arith.andi %get3A_258, %and3A_266 : vector<16xi32>
      %add3A_268 = arith.addi %shift_left3A_264, %and3A_267 : vector<16xi32>
      %swap3A_269 = arith.index_cast %select_n3A : i32 to index
      %swap3A_270 = arith.index_cast %mul3A_243 : i32 to index
      %swap3A_271 = tpu.vector_load %arg10[%swap3A_269, %swap3A_270] {strides = array<i32>} : memref<2x128xi32, #tpu.memory_space<vmem>>, vector<16xi32>,
      tpu.vector_store %arg10[%swap3A_269, %swap3A_270], %add3A_268 {strides = array<i32>} : memref<2x128xi32, #tpu.memory_space<vmem>>, vector<16xi32>,
    }
    %scan3A_20 = arith.constant 16 : i32
    %dma_start3A = arith.constant 0 : i32
    %dma_start3A_21 = arith.constant 0 : i32
    %dma_start3A_22 = arith.constant 0 : i32
    %dma_start3A_23 = tpu.memref_slice %arg11[%dma_start3A_21, %dma_start3A_22] : memref<256x128xf32, #tpu.memory_space<vmem>> -> memref<128x128xf32, #tpu.memory_space<vmem>>
    %dma_start3A_24 = arith.constant 0 : i32
    %dma_start3A_25 = tpu.memref_slice %arg9[%dma_start3A, %dma_start3A_24] : memref<2x128xi32, #tpu.memory_space<vmem>> -> memref<1x128xi32, #tpu.memory_space<vmem>>
    %dma_start3A_26 = tpu.memref_squeeze %dma_start3A_25 : memref<1x128xi32, #tpu.memory_space<vmem>> -> memref<128xi32, #tpu.memory_space<vmem>>
    %dma_start3A_27 = arith.constant 0 : i32
    %dma_start3A_28 = arith.constant 0 : i32
    %dma_start3A_29 = tpu.memref_slice %arg4[%dma_start3A_27, %dma_start3A_28] : memref<253952x128xf32, #tpu.memory_space<hbm>> -> memref<253952x128xf32, #tpu.memory_space<hbm>>
    tpu.enqueue_indirect_dma source(%dma_start3A_29 : memref<253952x128xf32, #tpu.memory_space<hbm>>) target(%dma_start3A_23 : memref<128x128xf32, #tpu.memory_space<vmem>>) offsets(%dma_start3A_26 : memref<128xi32, #tpu.memory_space<vmem>>) semaphore(%arg14 : memref<!tpu.dma_semaphore, #tpu.memory_space<semaphore_mem>>)
    %dma_start3A_30 = arith.constant 0 : i32
    %dma_start3A_31 = arith.constant 0 : i32
    %dma_start3A_32 = arith.constant 0 : i32
    %dma_start3A_33 = tpu.memref_slice %arg12[%dma_start3A_31, %dma_start3A_32] : memref<256x128xf32, #tpu.memory_space<vmem>> -> memref<128x128xf32, #tpu.memory_space<vmem>>
    %dma_start3A_34 = arith.constant 0 : i32
    %dma_start3A_35 = tpu.memref_slice %arg10[%dma_start3A_30, %dma_start3A_34] : memref<2x128xi32, #tpu.memory_space<vmem>> -> memref<1x128xi32, #tpu.memory_space<vmem>>
    %dma_start3A_36 = tpu.memref_squeeze %dma_start3A_35 : memref<1x128xi32, #tpu.memory_space<vmem>> -> memref<128xi32, #tpu.memory_space<vmem>>
    %dma_start3A_37 = arith.constant 0 : i32
    %dma_start3A_38 = arith.constant 0 : i32
    %dma_start3A_39 = tpu.memref_slice %arg5[%dma_start3A_37, %dma_start3A_38] : memref<253952x128xf32, #tpu.memory_space<hbm>> -> memref<253952x128xf32, #tpu.memory_space<hbm>>
    tpu.enqueue_indirect_dma source(%dma_start3A_39 : memref<253952x128xf32, #tpu.memory_space<hbm>>) target(%dma_start3A_33 : memref<128x128xf32, #tpu.memory_space<vmem>>) offsets(%dma_start3A_36 : memref<128xi32, #tpu.memory_space<vmem>>) semaphore(%arg14 : memref<!tpu.dma_semaphore, #tpu.memory_space<semaphore_mem>>)
    %dma_start3A_40 = arith.constant 1 : i32
    %dma_start3A_41 = arith.constant 128 : i32
    %dma_start3A_42 = arith.constant 0 : i32
    %dma_start3A_43 = tpu.memref_slice %arg11[%dma_start3A_41, %dma_start3A_42] : memref<256x128xf32, #tpu.memory_space<vmem>> -> memref<128x128xf32, #tpu.memory_space<vmem>>
    %dma_start3A_44 = arith.constant 0 : i32
    %dma_start3A_45 = tpu.memref_slice %arg9[%dma_start3A_40, %dma_start3A_44] : memref<2x128xi32, #tpu.memory_space<vmem>> -> memref<1x128xi32, #tpu.memory_space<vmem>>
    %dma_start3A_46 = tpu.memref_squeeze %dma_start3A_45 : memref<1x128xi32, #tpu.memory_space<vmem>> -> memref<128xi32, #tpu.memory_space<vmem>>
    %dma_start3A_47 = arith.constant 0 : i32
    %dma_start3A_48 = arith.constant 0 : i32
    %dma_start3A_49 = tpu.memref_slice %arg4[%dma_start3A_47, %dma_start3A_48] : memref<253952x128xf32, #tpu.memory_space<hbm>> -> memref<253952x128xf32, #tpu.memory_space<hbm>>
    tpu.enqueue_indirect_dma source(%dma_start3A_49 : memref<253952x128xf32, #tpu.memory_space<hbm>>) target(%dma_start3A_43 : memref<128x128xf32, #tpu.memory_space<vmem>>) offsets(%dma_start3A_46 : memref<128xi32, #tpu.memory_space<vmem>>) semaphore(%arg14 : memref<!tpu.dma_semaphore, #tpu.memory_space<semaphore_mem>>)
    %dma_start3A_50 = arith.constant 1 : i32
    %dma_start3A_51 = arith.constant 128 : i32
    %dma_start3A_52 = arith.constant 0 : i32
    %dma_start3A_53 = tpu.memref_slice %arg12[%dma_start3A_51, %dma_start3A_52] : memref<256x128xf32, #tpu.memory_space<vmem>> -> memref<128x128xf32, #tpu.memory_space<vmem>>
    %dma_start3A_54 = arith.constant 0 : i32
    %dma_start3A_55 = tpu.memref_slice %arg10[%dma_start3A_50, %dma_start3A_54] : memref<2x128xi32, #tpu.memory_space<vmem>> -> memref<1x128xi32, #tpu.memory_space<vmem>>
    %dma_start3A_56 = tpu.memref_squeeze %dma_start3A_55 : memref<1x128xi32, #tpu.memory_space<vmem>> -> memref<128xi32, #tpu.memory_space<vmem>>
    %dma_start3A_57 = arith.constant 0 : i32
    %dma_start3A_58 = arith.constant 0 : i32
    %dma_start3A_59 = tpu.memref_slice %arg5[%dma_start3A_57, %dma_start3A_58] : memref<253952x128xf32, #tpu.memory_space<hbm>> -> memref<253952x128xf32, #tpu.memory_space<hbm>>
    tpu.enqueue_indirect_dma source(%dma_start3A_59 : memref<253952x128xf32, #tpu.memory_space<hbm>>) target(%dma_start3A_53 : memref<128x128xf32, #tpu.memory_space<vmem>>) offsets(%dma_start3A_56 : memref<128xi32, #tpu.memory_space<vmem>>) semaphore(%arg14 : memref<!tpu.dma_semaphore, #tpu.memory_space<semaphore_mem>>)
    %dma_wait3A = arith.constant 0 : i32
    %dma_wait3A_60 = arith.constant 0 : i32
    %dma_wait3A_61 = arith.constant 0 : i32
    %dma_wait3A_62 = tpu.memref_slice %arg11[%dma_wait3A_60, %dma_wait3A_61] : memref<256x128xf32, #tpu.memory_space<vmem>> -> memref<128x128xf32, #tpu.memory_space<vmem>>
    %dma_wait3A_63 = arith.constant 0 : i32
    %dma_wait3A_64 = tpu.memref_slice %arg9[%dma_wait3A, %dma_wait3A_63] : memref<2x128xi32, #tpu.memory_space<vmem>> -> memref<1x128xi32, #tpu.memory_space<vmem>>
    %dma_wait3A_65 = tpu.memref_squeeze %dma_wait3A_64 : memref<1x128xi32, #tpu.memory_space<vmem>> -> memref<128xi32, #tpu.memory_space<vmem>>
    %dma_wait3A_66 = arith.constant 0 : i32
    %dma_wait3A_67 = arith.constant 0 : i32
    %dma_wait3A_68 = tpu.memref_slice %arg4[%dma_wait3A_66, %dma_wait3A_67] : memref<253952x128xf32, #tpu.memory_space<hbm>> -> memref<253952x128xf32, #tpu.memory_space<hbm>>
    tpu.wait_indirect_dma semaphore(%arg14 : memref<!tpu.dma_semaphore, #tpu.memory_space<semaphore_mem>>) src(%dma_wait3A_68 : memref<253952x128xf32, #tpu.memory_space<hbm>>) dst(%dma_wait3A_62 : memref<128x128xf32, #tpu.memory_space<vmem>>)
    %dma_wait3A_69 = arith.constant 0 : i32
    %dma_wait3A_70 = arith.constant 0 : i32
    %dma_wait3A_71 = arith.constant 0 : i32
    %dma_wait3A_72 = tpu.memref_slice %arg12[%dma_wait3A_70, %dma_wait3A_71] : memref<256x128xf32, #tpu.memory_space<vmem>> -> memref<128x128xf32, #tpu.memory_space<vmem>>
    %dma_wait3A_73 = arith.constant 0 : i32
    %dma_wait3A_74 = tpu.memref_slice %arg10[%dma_wait3A_69, %dma_wait3A_73] : memref<2x128xi32, #tpu.memory_space<vmem>> -> memref<1x128xi32, #tpu.memory_space<vmem>>
    %dma_wait3A_75 = tpu.memref_squeeze %dma_wait3A_74 : memref<1x128xi32, #tpu.memory_space<vmem>> -> memref<128xi32, #tpu.memory_space<vmem>>
    %dma_wait3A_76 = arith.constant 0 : i32
    %dma_wait3A_77 = arith.constant 0 : i32
    %dma_wait3A_78 = tpu.memref_slice %arg5[%dma_wait3A_76, %dma_wait3A_77] : memref<253952x128xf32, #tpu.memory_space<hbm>> -> memref<253952x128xf32, #tpu.memory_space<hbm>>
    tpu.wait_indirect_dma semaphore(%arg14 : memref<!tpu.dma_semaphore, #tpu.memory_space<semaphore_mem>>) src(%dma_wait3A_78 : memref<253952x128xf32, #tpu.memory_space<hbm>>) dst(%dma_wait3A_72 : memref<128x128xf32, #tpu.memory_space<vmem>>)
    %dma_wait3A_79 = arith.constant 1 : i32
    %dma_wait3A_80 = arith.constant 128 : i32
    %dma_wait3A_81 = arith.constant 0 : i32
    %dma_wait3A_82 = tpu.memref_slice %arg11[%dma_wait3A_80, %dma_wait3A_81] : memref<256x128xf32, #tpu.memory_space<vmem>> -> memref<128x128xf32, #tpu.memory_space<vmem>>
    %dma_wait3A_83 = arith.constant 0 : i32
    %dma_wait3A_84 = tpu.memref_slice %arg9[%dma_wait3A_79, %dma_wait3A_83] : memref<2x128xi32, #tpu.memory_space<vmem>> -> memref<1x128xi32, #tpu.memory_space<vmem>>
    %dma_wait3A_85 = tpu.memref_squeeze %dma_wait3A_84 : memref<1x128xi32, #tpu.memory_space<vmem>> -> memref<128xi32, #tpu.memory_space<vmem>>
    %dma_wait3A_86 = arith.constant 0 : i32
    %dma_wait3A_87 = arith.constant 0 : i32
    %dma_wait3A_88 = tpu.memref_slice %arg4[%dma_wait3A_86, %dma_wait3A_87] : memref<253952x128xf32, #tpu.memory_space<hbm>> -> memref<253952x128xf32, #tpu.memory_space<hbm>>
    tpu.wait_indirect_dma semaphore(%arg14 : memref<!tpu.dma_semaphore, #tpu.memory_space<semaphore_mem>>) src(%dma_wait3A_88 : memref<253952x128xf32, #tpu.memory_space<hbm>>) dst(%dma_wait3A_82 : memref<128x128xf32, #tpu.memory_space<vmem>>)
    %dma_wait3A_89 = arith.constant 1 : i32
    %dma_wait3A_90 = arith.constant 128 : i32
    %dma_wait3A_91 = arith.constant 0 : i32
    %dma_wait3A_92 = tpu.memref_slice %arg12[%dma_wait3A_90, %dma_wait3A_91] : memref<256x128xf32, #tpu.memory_space<vmem>> -> memref<128x128xf32, #tpu.memory_space<vmem>>
    %dma_wait3A_93 = arith.constant 0 : i32
    %dma_wait3A_94 = tpu.memref_slice %arg10[%dma_wait3A_89, %dma_wait3A_93] : memref<2x128xi32, #tpu.memory_space<vmem>> -> memref<1x128xi32, #tpu.memory_space<vmem>>
    %dma_wait3A_95 = tpu.memref_squeeze %dma_wait3A_94 : memref<1x128xi32, #tpu.memory_space<vmem>> -> memref<128xi32, #tpu.memory_space<vmem>>
    %dma_wait3A_96 = arith.constant 0 : i32
    %dma_wait3A_97 = arith.constant 0 : i32
    %dma_wait3A_98 = tpu.memref_slice %arg5[%dma_wait3A_96, %dma_wait3A_97] : memref<253952x128xf32, #tpu.memory_space<hbm>> -> memref<253952x128xf32, #tpu.memory_space<hbm>>
    tpu.wait_indirect_dma semaphore(%arg14 : memref<!tpu.dma_semaphore, #tpu.memory_space<semaphore_mem>>) src(%dma_wait3A_98 : memref<253952x128xf32, #tpu.memory_space<hbm>>) dst(%dma_wait3A_92 : memref<128x128xf32, #tpu.memory_space<vmem>>)
    %scan3A_99 = arith.constant 0 : i32
    %scan3A_100 = arith.constant 0 : i32
    %scan3A_101 = arith.constant 16 : i32
    %scan3A_102 = arith.addi %scan3A_100, %scan3A_101 : i32
    %scan3A_103 = arith.constant 1 : i32
    scf.for %scan3A_211 = %scan3A_100 to %scan3A_102 step %scan3A_103  : i32 {
      %mul3A_212 = arith.constant 16 : i32
      %mul3A_213 = arith.muli %scan3A_211, %mul3A_212 : i32
      %add3A_214 = vector.broadcast %mul3A_213 : i32 to vector<16xi32>
      %add3A_215 = arith.addi %add3A_214, %iota3A : vector<16xi32>
      %jit3A = arith.constant 8 : i32
      %div3A = arith.divsi %scan3A_211, %jit3A : i32
      %sign3A = arith.constant 0 : i32
      %sign3A_216 = arith.cmpi sgt, %scan3A_211, %sign3A : i32
      %sign3A_217 = arith.extui %sign3A_216 : i1 to i32
      %sign3A_218 = arith.constant 0 : i32
      %sign3A_219 = arith.cmpi slt, %scan3A_211, %sign3A_218 : i32
      %sign3A_220 = arith.extui %sign3A_219 : i1 to i32
      %sign3A_221 = arith.subi %sign3A_217, %sign3A_220 : i32
      %sign3A_222 = arith.constant 0 : i32
      %sign3A_223 = arith.cmpi sgt, %jit3A, %sign3A_222 : i32
      %sign3A_224 = arith.extui %sign3A_223 : i1 to i32
      %sign3A_225 = arith.constant 0 : i32
      %sign3A_226 = arith.cmpi slt, %jit3A, %sign3A_225 : i32
      %sign3A_227 = arith.extui %sign3A_226 : i1 to i32
      %sign3A_228 = arith.subi %sign3A_224, %sign3A_227 : i32
      %ne3A = arith.cmpi ne, %sign3A_221, %sign3A_228 : i32
      %rem3A = arith.remsi %scan3A_211, %jit3A : i32
      %ne3A_229 = arith.constant 0 : i32
      %ne3A_230 = arith.cmpi ne, %rem3A, %ne3A_229 : i32
      %and3A = arith.andi %ne3A, %ne3A_230 : i1
      %sub3A = arith.constant 1 : i32
      %sub3A_231 = arith.subi %div3A, %sub3A : i32
      %select_n3A = arith.select %and3A, %sub3A_231, %div3A : i32
      %jit3A_232 = arith.constant 8 : i32
      %eq3A = arith.constant 0 : i32
      %eq3A_233 = arith.cmpi eq, %jit3A_232, %eq3A : i32
      %jit3A_234 = arith.constant 1 : i32
      %select_n3A_235 = arith.select %eq3A_233, %jit3A_234, %jit3A_232 : i32
      %rem3A_236 = arith.remsi %scan3A_211, %select_n3A_235 : i32
      %ne3A_237 = arith.constant 0 : i32
      %ne3A_238 = arith.cmpi ne, %rem3A_236, %ne3A_237 : i32
      %lt3A = arith.constant 0 : i32
      %lt3A_239 = arith.cmpi slt, %rem3A_236, %lt3A : i32
      %lt3A_240 = arith.constant 0 : i32
      %lt3A_241 = arith.cmpi slt, %select_n3A_235, %lt3A_240 : i32
      %ne3A_242 = arith.xori %lt3A_239, %lt3A_241 : i1
      %and3A_243 = arith.andi %ne3A_242, %ne3A_238 : i1
      %add3A_244 = arith.addi %rem3A_236, %select_n3A_235 : i32
      %select_n3A_245 = arith.select %and3A_243, %add3A_244, %rem3A_236 : i32
      %mul3A_246 = arith.constant 16 : i32
      %mul3A_247 = arith.muli %select_n3A_245, %mul3A_246 : i32
      %get3A = arith.index_cast %select_n3A : i32 to index
      %get3A_248 = arith.index_cast %mul3A_247 : i32 to index
      %get3A_249 = tpu.vector_load %arg7[%get3A, %get3A_248] {strides = array<i32>} : memref<2x128xi32, #tpu.memory_space<vmem>>, vector<16xi32>,
      %shift_right_logical3A = arith.constant 7 : i32
      %shift_right_logical3A_250 = vector.broadcast %shift_right_logical3A : i32 to vector<16xi32>
      %shift_right_logical3A_251 = arith.shrui %get3A_249, %shift_right_logical3A_250 : vector<16xi32>
      %and3A_252 = arith.constant 3 : i32
      %and3A_253 = vector.broadcast %and3A_252 : i32 to vector<16xi32>
      %and3A_254 = arith.andi %shift_right_logical3A_251, %and3A_253 : vector<16xi32>
      %shift_left3A = arith.constant 5 : i32
      %shift_left3A_255 = vector.broadcast %shift_left3A : i32 to vector<16xi32>
      %shift_left3A_256 = arith.shli %and3A_254, %shift_left3A_255 : vector<16xi32>
      %get3A_257 = arith.index_cast %select_n3A : i32 to index
      %get3A_258 = arith.index_cast %mul3A_247 : i32 to index
      %get3A_259 = tpu.vector_load %arg8[%get3A_257, %get3A_258] {strides = array<i32>} : memref<2x128xi32, #tpu.memory_space<vmem>>, vector<16xi32>,
      %shift_right_logical3A_260 = arith.constant 7 : i32
      %shift_right_logical3A_261 = vector.broadcast %shift_right_logical3A_260 : i32 to vector<16xi32>
      %shift_right_logical3A_262 = arith.shrui %get3A_259, %shift_right_logical3A_261 : vector<16xi32>
      %and3A_263 = arith.constant 3 : i32
      %and3A_264 = vector.broadcast %and3A_263 : i32 to vector<16xi32>
      %and3A_265 = arith.andi %shift_right_logical3A_262, %and3A_264 : vector<16xi32>
      %shift_left3A_266 = arith.constant 5 : i32
      %shift_left3A_267 = vector.broadcast %shift_left3A_266 : i32 to vector<16xi32>
      %shift_left3A_268 = arith.shli %and3A_265, %shift_left3A_267 : vector<16xi32>
      %broadcast_in_dim3A = arith.constant 0.000000e+00 : f32
      %broadcast_in_dim3A_269 = vector.broadcast %broadcast_in_dim3A : f32 to vector<16xf32>
      %add3A_270 = arith.constant 0 : i32
      %add3A_271 = vector.broadcast %add3A_270 : i32 to vector<16xi32>
      %add3A_272 = arith.addi %shift_left3A_256, %add3A_271 : vector<16xi32>
      %gather3A = tpu.vector_load_idx %arg11[%add3A_215, %add3A_272] : memref<256x128xf32, #tpu.memory_space<vmem>>[vector<16xi32>, vector<16xi32>], vector<16xf32>,
      %add3A_273 = arith.constant 0 : i32
      %add3A_274 = vector.broadcast %add3A_273 : i32 to vector<16xi32>
      %add3A_275 = arith.addi %shift_left3A_268, %add3A_274 : vector<16xi32>
      %gather3A_276 = tpu.vector_load_idx %arg12[%add3A_215, %add3A_275] : memref<256x128xf32, #tpu.memory_space<vmem>>[vector<16xi32>, vector<16xi32>], vector<16xf32>,
      %mul3A_277 = arith.mulf %gather3A, %gather3A_276 : vector<16xf32>
      %add3A_278 = arith.addf %broadcast_in_dim3A_269, %mul3A_277 : vector<16xf32>
      %add3A_279 = arith.constant 1 : i32
      %add3A_280 = vector.broadcast %add3A_279 : i32 to vector<16xi32>
      %add3A_281 = arith.addi %shift_left3A_256, %add3A_280 : vector<16xi32>
      %gather3A_282 = tpu.vector_load_idx %arg11[%add3A_215, %add3A_281] : memref<256x128xf32, #tpu.memory_space<vmem>>[vector<16xi32>, vector<16xi32>], vector<16xf32>,
      %add3A_283 = arith.constant 1 : i32
      %add3A_284 = vector.broadcast %add3A_283 : i32 to vector<16xi32>
      %add3A_285 = arith.addi %shift_left3A_268, %add3A_284 : vector<16xi32>
      %gather3A_286 = tpu.vector_load_idx %arg12[%add3A_215, %add3A_285] : memref<256x128xf32, #tpu.memory_space<vmem>>[vector<16xi32>, vector<16xi32>], vector<16xf32>,
      %mul3A_287 = arith.mulf %gather3A_282, %gather3A_286 : vector<16xf32>
      %add3A_288 = arith.addf %add3A_278, %mul3A_287 : vector<16xf32>
      %add3A_289 = arith.constant 2 : i32
      %add3A_290 = vector.broadcast %add3A_289 : i32 to vector<16xi32>
      %add3A_291 = arith.addi %shift_left3A_256, %add3A_290 : vector<16xi32>
      %gather3A_292 = tpu.vector_load_idx %arg11[%add3A_215, %add3A_291] : memref<256x128xf32, #tpu.memory_space<vmem>>[vector<16xi32>, vector<16xi32>], vector<16xf32>,
      %add3A_293 = arith.constant 2 : i32
      %add3A_294 = vector.broadcast %add3A_293 : i32 to vector<16xi32>
      %add3A_295 = arith.addi %shift_left3A_268, %add3A_294 : vector<16xi32>
      %gather3A_296 = tpu.vector_load_idx %arg12[%add3A_215, %add3A_295] : memref<256x128xf32, #tpu.memory_space<vmem>>[vector<16xi32>, vector<16xi32>], vector<16xf32>,
      %mul3A_297 = arith.mulf %gather3A_292, %gather3A_296 : vector<16xf32>
      %add3A_298 = arith.addf %add3A_288, %mul3A_297 : vector<16xf32>
      %add3A_299 = arith.constant 3 : i32
      %add3A_300 = vector.broadcast %add3A_299 : i32 to vector<16xi32>
      %add3A_301 = arith.addi %shift_left3A_256, %add3A_300 : vector<16xi32>
      %gather3A_302 = tpu.vector_load_idx %arg11[%add3A_215, %add3A_301] : memref<256x128xf32, #tpu.memory_space<vmem>>[vector<16xi32>, vector<16xi32>], vector<16xf32>,
      %add3A_303 = arith.constant 3 : i32
      %add3A_304 = vector.broadcast %add3A_303 : i32 to vector<16xi32>
      %add3A_305 = arith.addi %shift_left3A_268, %add3A_304 : vector<16xi32>
      %gather3A_306 = tpu.vector_load_idx %arg12[%add3A_215, %add3A_305] : memref<256x128xf32, #tpu.memory_space<vmem>>[vector<16xi32>, vector<16xi32>], vector<16xf32>,
      %mul3A_307 = arith.mulf %gather3A_302, %gather3A_306 : vector<16xf32>
      %add3A_308 = arith.addf %add3A_298, %mul3A_307 : vector<16xf32>
      %add3A_309 = arith.constant 4 : i32
      %add3A_310 = vector.broadcast %add3A_309 : i32 to vector<16xi32>
      %add3A_311 = arith.addi %shift_left3A_256, %add3A_310 : vector<16xi32>
      %gather3A_312 = tpu.vector_load_idx %arg11[%add3A_215, %add3A_311] : memref<256x128xf32, #tpu.memory_space<vmem>>[vector<16xi32>, vector<16xi32>], vector<16xf32>,
      %add3A_313 = arith.constant 4 : i32
      %add3A_314 = vector.broadcast %add3A_313 : i32 to vector<16xi32>
      %add3A_315 = arith.addi %shift_left3A_268, %add3A_314 : vector<16xi32>
      %gather3A_316 = tpu.vector_load_idx %arg12[%add3A_215, %add3A_315] : memref<256x128xf32, #tpu.memory_space<vmem>>[vector<16xi32>, vector<16xi32>], vector<16xf32>,
      %mul3A_317 = arith.mulf %gather3A_312, %gather3A_316 : vector<16xf32>
      %add3A_318 = arith.addf %add3A_308, %mul3A_317 : vector<16xf32>
      %add3A_319 = arith.constant 5 : i32
      %add3A_320 = vector.broadcast %add3A_319 : i32 to vector<16xi32>
      %add3A_321 = arith.addi %shift_left3A_256, %add3A_320 : vector<16xi32>
      %gather3A_322 = tpu.vector_load_idx %arg11[%add3A_215, %add3A_321] : memref<256x128xf32, #tpu.memory_space<vmem>>[vector<16xi32>, vector<16xi32>], vector<16xf32>,
      %add3A_323 = arith.constant 5 : i32
      %add3A_324 = vector.broadcast %add3A_323 : i32 to vector<16xi32>
      %add3A_325 = arith.addi %shift_left3A_268, %add3A_324 : vector<16xi32>
      %gather3A_326 = tpu.vector_load_idx %arg12[%add3A_215, %add3A_325] : memref<256x128xf32, #tpu.memory_space<vmem>>[vector<16xi32>, vector<16xi32>], vector<16xf32>,
      %mul3A_327 = arith.mulf %gather3A_322, %gather3A_326 : vector<16xf32>
      %add3A_328 = arith.addf %add3A_318, %mul3A_327 : vector<16xf32>
      %add3A_329 = arith.constant 6 : i32
      %add3A_330 = vector.broadcast %add3A_329 : i32 to vector<16xi32>
      %add3A_331 = arith.addi %shift_left3A_256, %add3A_330 : vector<16xi32>
      %gather3A_332 = tpu.vector_load_idx %arg11[%add3A_215, %add3A_331] : memref<256x128xf32, #tpu.memory_space<vmem>>[vector<16xi32>, vector<16xi32>], vector<16xf32>,
      %add3A_333 = arith.constant 6 : i32
      %add3A_334 = vector.broadcast %add3A_333 : i32 to vector<16xi32>
      %add3A_335 = arith.addi %shift_left3A_268, %add3A_334 : vector<16xi32>
      %gather3A_336 = tpu.vector_load_idx %arg12[%add3A_215, %add3A_335] : memref<256x128xf32, #tpu.memory_space<vmem>>[vector<16xi32>, vector<16xi32>], vector<16xf32>,
      %mul3A_337 = arith.mulf %gather3A_332, %gather3A_336 : vector<16xf32>
      %add3A_338 = arith.addf %add3A_328, %mul3A_337 : vector<16xf32>
      %add3A_339 = arith.constant 7 : i32
      %add3A_340 = vector.broadcast %add3A_339 : i32 to vector<16xi32>
      %add3A_341 = arith.addi %shift_left3A_256, %add3A_340 : vector<16xi32>
      %gather3A_342 = tpu.vector_load_idx %arg11[%add3A_215, %add3A_341] : memref<256x128xf32, #tpu.memory_space<vmem>>[vector<16xi32>, vector<16xi32>], vector<16xf32>,
      %add3A_343 = arith.constant 7 : i32
      %add3A_344 = vector.broadcast %add3A_343 : i32 to vector<16xi32>
      %add3A_345 = arith.addi %shift_left3A_268, %add3A_344 : vector<16xi32>
      %gather3A_346 = tpu.vector_load_idx %arg12[%add3A_215, %add3A_345] : memref<256x128xf32, #tpu.memory_space<vmem>>[vector<16xi32>, vector<16xi32>], vector<16xf32>,
      %mul3A_347 = arith.mulf %gather3A_342, %gather3A_346 : vector<16xf32>
      %add3A_348 = arith.addf %add3A_338, %mul3A_347 : vector<16xf32>
      %add3A_349 = arith.constant 8 : i32
      %add3A_350 = vector.broadcast %add3A_349 : i32 to vector<16xi32>
      %add3A_351 = arith.addi %shift_left3A_256, %add3A_350 : vector<16xi32>
      %gather3A_352 = tpu.vector_load_idx %arg11[%add3A_215, %add3A_351] : memref<256x128xf32, #tpu.memory_space<vmem>>[vector<16xi32>, vector<16xi32>], vector<16xf32>,
      %add3A_353 = arith.constant 8 : i32
      %add3A_354 = vector.broadcast %add3A_353 : i32 to vector<16xi32>
      %add3A_355 = arith.addi %shift_left3A_268, %add3A_354 : vector<16xi32>
      %gather3A_356 = tpu.vector_load_idx %arg12[%add3A_215, %add3A_355] : memref<256x128xf32, #tpu.memory_space<vmem>>[vector<16xi32>, vector<16xi32>], vector<16xf32>,
      %mul3A_357 = arith.mulf %gather3A_352, %gather3A_356 : vector<16xf32>
      %add3A_358 = arith.addf %add3A_348, %mul3A_357 : vector<16xf32>
      %add3A_359 = arith.constant 9 : i32
      %add3A_360 = vector.broadcast %add3A_359 : i32 to vector<16xi32>
      %add3A_361 = arith.addi %shift_left3A_256, %add3A_360 : vector<16xi32>
      %gather3A_362 = tpu.vector_load_idx %arg11[%add3A_215, %add3A_361] : memref<256x128xf32, #tpu.memory_space<vmem>>[vector<16xi32>, vector<16xi32>], vector<16xf32>,
      %add3A_363 = arith.constant 9 : i32
      %add3A_364 = vector.broadcast %add3A_363 : i32 to vector<16xi32>
      %add3A_365 = arith.addi %shift_left3A_268, %add3A_364 : vector<16xi32>
      %gather3A_366 = tpu.vector_load_idx %arg12[%add3A_215, %add3A_365] : memref<256x128xf32, #tpu.memory_space<vmem>>[vector<16xi32>, vector<16xi32>], vector<16xf32>,
      %mul3A_367 = arith.mulf %gather3A_362, %gather3A_366 : vector<16xf32>
      %add3A_368 = arith.addf %add3A_358, %mul3A_367 : vector<16xf32>
      %add3A_369 = arith.constant 10 : i32
      %add3A_370 = vector.broadcast %add3A_369 : i32 to vector<16xi32>
      %add3A_371 = arith.addi %shift_left3A_256, %add3A_370 : vector<16xi32>
      %gather3A_372 = tpu.vector_load_idx %arg11[%add3A_215, %add3A_371] : memref<256x128xf32, #tpu.memory_space<vmem>>[vector<16xi32>, vector<16xi32>], vector<16xf32>,
      %add3A_373 = arith.constant 10 : i32
      %add3A_374 = vector.broadcast %add3A_373 : i32 to vector<16xi32>
      %add3A_375 = arith.addi %shift_left3A_268, %add3A_374 : vector<16xi32>
      %gather3A_376 = tpu.vector_load_idx %arg12[%add3A_215, %add3A_375] : memref<256x128xf32, #tpu.memory_space<vmem>>[vector<16xi32>, vector<16xi32>], vector<16xf32>,
      %mul3A_377 = arith.mulf %gather3A_372, %gather3A_376 : vector<16xf32>
      %add3A_378 = arith.addf %add3A_368, %mul3A_377 : vector<16xf32>
      %add3A_379 = arith.constant 11 : i32
      %add3A_380 = vector.broadcast %add3A_379 : i32 to vector<16xi32>
      %add3A_381 = arith.addi %shift_left3A_256, %add3A_380 : vector<16xi32>
      %gather3A_382 = tpu.vector_load_idx %arg11[%add3A_215, %add3A_381] : memref<256x128xf32, #tpu.memory_space<vmem>>[vector<16xi32>, vector<16xi32>], vector<16xf32>,
      %add3A_383 = arith.constant 11 : i32
      %add3A_384 = vector.broadcast %add3A_383 : i32 to vector<16xi32>
      %add3A_385 = arith.addi %shift_left3A_268, %add3A_384 : vector<16xi32>
      %gather3A_386 = tpu.vector_load_idx %arg12[%add3A_215, %add3A_385] : memref<256x128xf32, #tpu.memory_space<vmem>>[vector<16xi32>, vector<16xi32>], vector<16xf32>,
      %mul3A_387 = arith.mulf %gather3A_382, %gather3A_386 : vector<16xf32>
      %add3A_388 = arith.addf %add3A_378, %mul3A_387 : vector<16xf32>
      %add3A_389 = arith.constant 12 : i32
      %add3A_390 = vector.broadcast %add3A_389 : i32 to vector<16xi32>
      %add3A_391 = arith.addi %shift_left3A_256, %add3A_390 : vector<16xi32>
      %gather3A_392 = tpu.vector_load_idx %arg11[%add3A_215, %add3A_391] : memref<256x128xf32, #tpu.memory_space<vmem>>[vector<16xi32>, vector<16xi32>], vector<16xf32>,
      %add3A_393 = arith.constant 12 : i32
      %add3A_394 = vector.broadcast %add3A_393 : i32 to vector<16xi32>
      %add3A_395 = arith.addi %shift_left3A_268, %add3A_394 : vector<16xi32>
      %gather3A_396 = tpu.vector_load_idx %arg12[%add3A_215, %add3A_395] : memref<256x128xf32, #tpu.memory_space<vmem>>[vector<16xi32>, vector<16xi32>], vector<16xf32>,
      %mul3A_397 = arith.mulf %gather3A_392, %gather3A_396 : vector<16xf32>
      %add3A_398 = arith.addf %add3A_388, %mul3A_397 : vector<16xf32>
      %add3A_399 = arith.constant 13 : i32
      %add3A_400 = vector.broadcast %add3A_399 : i32 to vector<16xi32>
      %add3A_401 = arith.addi %shift_left3A_256, %add3A_400 : vector<16xi32>
      %gather3A_402 = tpu.vector_load_idx %arg11[%add3A_215, %add3A_401] : memref<256x128xf32, #tpu.memory_space<vmem>>[vector<16xi32>, vector<16xi32>], vector<16xf32>,
      %add3A_403 = arith.constant 13 : i32
      %add3A_404 = vector.broadcast %add3A_403 : i32 to vector<16xi32>
      %add3A_405 = arith.addi %shift_left3A_268, %add3A_404 : vector<16xi32>
      %gather3A_406 = tpu.vector_load_idx %arg12[%add3A_215, %add3A_405] : memref<256x128xf32, #tpu.memory_space<vmem>>[vector<16xi32>, vector<16xi32>], vector<16xf32>,
      %mul3A_407 = arith.mulf %gather3A_402, %gather3A_406 : vector<16xf32>
      %add3A_408 = arith.addf %add3A_398, %mul3A_407 : vector<16xf32>
      %add3A_409 = arith.constant 14 : i32
      %add3A_410 = vector.broadcast %add3A_409 : i32 to vector<16xi32>
      %add3A_411 = arith.addi %shift_left3A_256, %add3A_410 : vector<16xi32>
      %gather3A_412 = tpu.vector_load_idx %arg11[%add3A_215, %add3A_411] : memref<256x128xf32, #tpu.memory_space<vmem>>[vector<16xi32>, vector<16xi32>], vector<16xf32>,
      %add3A_413 = arith.constant 14 : i32
      %add3A_414 = vector.broadcast %add3A_413 : i32 to vector<16xi32>
      %add3A_415 = arith.addi %shift_left3A_268, %add3A_414 : vector<16xi32>
      %gather3A_416 = tpu.vector_load_idx %arg12[%add3A_215, %add3A_415] : memref<256x128xf32, #tpu.memory_space<vmem>>[vector<16xi32>, vector<16xi32>], vector<16xf32>,
      %mul3A_417 = arith.mulf %gather3A_412, %gather3A_416 : vector<16xf32>
      %add3A_418 = arith.addf %add3A_408, %mul3A_417 : vector<16xf32>
      %add3A_419 = arith.constant 15 : i32
      %add3A_420 = vector.broadcast %add3A_419 : i32 to vector<16xi32>
      %add3A_421 = arith.addi %shift_left3A_256, %add3A_420 : vector<16xi32>
      %gather3A_422 = tpu.vector_load_idx %arg11[%add3A_215, %add3A_421] : memref<256x128xf32, #tpu.memory_space<vmem>>[vector<16xi32>, vector<16xi32>], vector<16xf32>,
      %add3A_423 = arith.constant 15 : i32
      %add3A_424 = vector.broadcast %add3A_423 : i32 to vector<16xi32>
      %add3A_425 = arith.addi %shift_left3A_268, %add3A_424 : vector<16xi32>
      %gather3A_426 = tpu.vector_load_idx %arg12[%add3A_215, %add3A_425] : memref<256x128xf32, #tpu.memory_space<vmem>>[vector<16xi32>, vector<16xi32>], vector<16xf32>,
      %mul3A_427 = arith.mulf %gather3A_422, %gather3A_426 : vector<16xf32>
      %add3A_428 = arith.addf %add3A_418, %mul3A_427 : vector<16xf32>
      %add3A_429 = arith.constant 16 : i32
      %add3A_430 = vector.broadcast %add3A_429 : i32 to vector<16xi32>
      %add3A_431 = arith.addi %shift_left3A_256, %add3A_430 : vector<16xi32>
      %gather3A_432 = tpu.vector_load_idx %arg11[%add3A_215, %add3A_431] : memref<256x128xf32, #tpu.memory_space<vmem>>[vector<16xi32>, vector<16xi32>], vector<16xf32>,
      %add3A_433 = arith.constant 16 : i32
      %add3A_434 = vector.broadcast %add3A_433 : i32 to vector<16xi32>
      %add3A_435 = arith.addi %shift_left3A_268, %add3A_434 : vector<16xi32>
      %gather3A_436 = tpu.vector_load_idx %arg12[%add3A_215, %add3A_435] : memref<256x128xf32, #tpu.memory_space<vmem>>[vector<16xi32>, vector<16xi32>], vector<16xf32>,
      %mul3A_437 = arith.mulf %gather3A_432, %gather3A_436 : vector<16xf32>
      %add3A_438 = arith.addf %add3A_428, %mul3A_437 : vector<16xf32>
      %add3A_439 = arith.constant 17 : i32
      %add3A_440 = vector.broadcast %add3A_439 : i32 to vector<16xi32>
      %add3A_441 = arith.addi %shift_left3A_256, %add3A_440 : vector<16xi32>
      %gather3A_442 = tpu.vector_load_idx %arg11[%add3A_215, %add3A_441] : memref<256x128xf32, #tpu.memory_space<vmem>>[vector<16xi32>, vector<16xi32>], vector<16xf32>,
      %add3A_443 = arith.constant 17 : i32
      %add3A_444 = vector.broadcast %add3A_443 : i32 to vector<16xi32>
      %add3A_445 = arith.addi %shift_left3A_268, %add3A_444 : vector<16xi32>
      %gather3A_446 = tpu.vector_load_idx %arg12[%add3A_215, %add3A_445] : memref<256x128xf32, #tpu.memory_space<vmem>>[vector<16xi32>, vector<16xi32>], vector<16xf32>,
      %mul3A_447 = arith.mulf %gather3A_442, %gather3A_446 : vector<16xf32>
      %add3A_448 = arith.addf %add3A_438, %mul3A_447 : vector<16xf32>
      %add3A_449 = arith.constant 18 : i32
      %add3A_450 = vector.broadcast %add3A_449 : i32 to vector<16xi32>
      %add3A_451 = arith.addi %shift_left3A_256, %add3A_450 : vector<16xi32>
      %gather3A_452 = tpu.vector_load_idx %arg11[%add3A_215, %add3A_451] : memref<256x128xf32, #tpu.memory_space<vmem>>[vector<16xi32>, vector<16xi32>], vector<16xf32>,
      %add3A_453 = arith.constant 18 : i32
      %add3A_454 = vector.broadcast %add3A_453 : i32 to vector<16xi32>
      %add3A_455 = arith.addi %shift_left3A_268, %add3A_454 : vector<16xi32>
      %gather3A_456 = tpu.vector_load_idx %arg12[%add3A_215, %add3A_455] : memref<256x128xf32, #tpu.memory_space<vmem>>[vector<16xi32>, vector<16xi32>], vector<16xf32>,
      %mul3A_457 = arith.mulf %gather3A_452, %gather3A_456 : vector<16xf32>
      %add3A_458 = arith.addf %add3A_448, %mul3A_457 : vector<16xf32>
      %add3A_459 = arith.constant 19 : i32
      %add3A_460 = vector.broadcast %add3A_459 : i32 to vector<16xi32>
      %add3A_461 = arith.addi %shift_left3A_256, %add3A_460 : vector<16xi32>
      %gather3A_462 = tpu.vector_load_idx %arg11[%add3A_215, %add3A_461] : memref<256x128xf32, #tpu.memory_space<vmem>>[vector<16xi32>, vector<16xi32>], vector<16xf32>,
      %add3A_463 = arith.constant 19 : i32
      %add3A_464 = vector.broadcast %add3A_463 : i32 to vector<16xi32>
      %add3A_465 = arith.addi %shift_left3A_268, %add3A_464 : vector<16xi32>
      %gather3A_466 = tpu.vector_load_idx %arg12[%add3A_215, %add3A_465] : memref<256x128xf32, #tpu.memory_space<vmem>>[vector<16xi32>, vector<16xi32>], vector<16xf32>,
      %mul3A_467 = arith.mulf %gather3A_462, %gather3A_466 : vector<16xf32>
      %add3A_468 = arith.addf %add3A_458, %mul3A_467 : vector<16xf32>
      %add3A_469 = arith.constant 20 : i32
      %add3A_470 = vector.broadcast %add3A_469 : i32 to vector<16xi32>
      %add3A_471 = arith.addi %shift_left3A_256, %add3A_470 : vector<16xi32>
      %gather3A_472 = tpu.vector_load_idx %arg11[%add3A_215, %add3A_471] : memref<256x128xf32, #tpu.memory_space<vmem>>[vector<16xi32>, vector<16xi32>], vector<16xf32>,
      %add3A_473 = arith.constant 20 : i32
      %add3A_474 = vector.broadcast %add3A_473 : i32 to vector<16xi32>
      %add3A_475 = arith.addi %shift_left3A_268, %add3A_474 : vector<16xi32>
      %gather3A_476 = tpu.vector_load_idx %arg12[%add3A_215, %add3A_475] : memref<256x128xf32, #tpu.memory_space<vmem>>[vector<16xi32>, vector<16xi32>], vector<16xf32>,
      %mul3A_477 = arith.mulf %gather3A_472, %gather3A_476 : vector<16xf32>
      %add3A_478 = arith.addf %add3A_468, %mul3A_477 : vector<16xf32>
      %add3A_479 = arith.constant 21 : i32
      %add3A_480 = vector.broadcast %add3A_479 : i32 to vector<16xi32>
      %add3A_481 = arith.addi %shift_left3A_256, %add3A_480 : vector<16xi32>
      %gather3A_482 = tpu.vector_load_idx %arg11[%add3A_215, %add3A_481] : memref<256x128xf32, #tpu.memory_space<vmem>>[vector<16xi32>, vector<16xi32>], vector<16xf32>,
      %add3A_483 = arith.constant 21 : i32
      %add3A_484 = vector.broadcast %add3A_483 : i32 to vector<16xi32>
      %add3A_485 = arith.addi %shift_left3A_268, %add3A_484 : vector<16xi32>
      %gather3A_486 = tpu.vector_load_idx %arg12[%add3A_215, %add3A_485] : memref<256x128xf32, #tpu.memory_space<vmem>>[vector<16xi32>, vector<16xi32>], vector<16xf32>,
      %mul3A_487 = arith.mulf %gather3A_482, %gather3A_486 : vector<16xf32>
      %add3A_488 = arith.addf %add3A_478, %mul3A_487 : vector<16xf32>
      %add3A_489 = arith.constant 22 : i32
      %add3A_490 = vector.broadcast %add3A_489 : i32 to vector<16xi32>
      %add3A_491 = arith.addi %shift_left3A_256, %add3A_490 : vector<16xi32>
      %gather3A_492 = tpu.vector_load_idx %arg11[%add3A_215, %add3A_491] : memref<256x128xf32, #tpu.memory_space<vmem>>[vector<16xi32>, vector<16xi32>], vector<16xf32>,
      %add3A_493 = arith.constant 22 : i32
      %add3A_494 = vector.broadcast %add3A_493 : i32 to vector<16xi32>
      %add3A_495 = arith.addi %shift_left3A_268, %add3A_494 : vector<16xi32>
      %gather3A_496 = tpu.vector_load_idx %arg12[%add3A_215, %add3A_495] : memref<256x128xf32, #tpu.memory_space<vmem>>[vector<16xi32>, vector<16xi32>], vector<16xf32>,
      %mul3A_497 = arith.mulf %gather3A_492, %gather3A_496 : vector<16xf32>
      %add3A_498 = arith.addf %add3A_488, %mul3A_497 : vector<16xf32>
      %add3A_499 = arith.constant 23 : i32
      %add3A_500 = vector.broadcast %add3A_499 : i32 to vector<16xi32>
      %add3A_501 = arith.addi %shift_left3A_256, %add3A_500 : vector<16xi32>
      %gather3A_502 = tpu.vector_load_idx %arg11[%add3A_215, %add3A_501] : memref<256x128xf32, #tpu.memory_space<vmem>>[vector<16xi32>, vector<16xi32>], vector<16xf32>,
      %add3A_503 = arith.constant 23 : i32
      %add3A_504 = vector.broadcast %add3A_503 : i32 to vector<16xi32>
      %add3A_505 = arith.addi %shift_left3A_268, %add3A_504 : vector<16xi32>
      %gather3A_506 = tpu.vector_load_idx %arg12[%add3A_215, %add3A_505] : memref<256x128xf32, #tpu.memory_space<vmem>>[vector<16xi32>, vector<16xi32>], vector<16xf32>,
      %mul3A_507 = arith.mulf %gather3A_502, %gather3A_506 : vector<16xf32>
      %add3A_508 = arith.addf %add3A_498, %mul3A_507 : vector<16xf32>
      %add3A_509 = arith.constant 24 : i32
      %add3A_510 = vector.broadcast %add3A_509 : i32 to vector<16xi32>
      %add3A_511 = arith.addi %shift_left3A_256, %add3A_510 : vector<16xi32>
      %gather3A_512 = tpu.vector_load_idx %arg11[%add3A_215, %add3A_511] : memref<256x128xf32, #tpu.memory_space<vmem>>[vector<16xi32>, vector<16xi32>], vector<16xf32>,
      %add3A_513 = arith.constant 24 : i32
      %add3A_514 = vector.broadcast %add3A_513 : i32 to vector<16xi32>
      %add3A_515 = arith.addi %shift_left3A_268, %add3A_514 : vector<16xi32>
      %gather3A_516 = tpu.vector_load_idx %arg12[%add3A_215, %add3A_515] : memref<256x128xf32, #tpu.memory_space<vmem>>[vector<16xi32>, vector<16xi32>], vector<16xf32>,
      %mul3A_517 = arith.mulf %gather3A_512, %gather3A_516 : vector<16xf32>
      %add3A_518 = arith.addf %add3A_508, %mul3A_517 : vector<16xf32>
      %add3A_519 = arith.constant 25 : i32
      %add3A_520 = vector.broadcast %add3A_519 : i32 to vector<16xi32>
      %add3A_521 = arith.addi %shift_left3A_256, %add3A_520 : vector<16xi32>
      %gather3A_522 = tpu.vector_load_idx %arg11[%add3A_215, %add3A_521] : memref<256x128xf32, #tpu.memory_space<vmem>>[vector<16xi32>, vector<16xi32>], vector<16xf32>,
      %add3A_523 = arith.constant 25 : i32
      %add3A_524 = vector.broadcast %add3A_523 : i32 to vector<16xi32>
      %add3A_525 = arith.addi %shift_left3A_268, %add3A_524 : vector<16xi32>
      %gather3A_526 = tpu.vector_load_idx %arg12[%add3A_215, %add3A_525] : memref<256x128xf32, #tpu.memory_space<vmem>>[vector<16xi32>, vector<16xi32>], vector<16xf32>,
      %mul3A_527 = arith.mulf %gather3A_522, %gather3A_526 : vector<16xf32>
      %add3A_528 = arith.addf %add3A_518, %mul3A_527 : vector<16xf32>
      %add3A_529 = arith.constant 26 : i32
      %add3A_530 = vector.broadcast %add3A_529 : i32 to vector<16xi32>
      %add3A_531 = arith.addi %shift_left3A_256, %add3A_530 : vector<16xi32>
      %gather3A_532 = tpu.vector_load_idx %arg11[%add3A_215, %add3A_531] : memref<256x128xf32, #tpu.memory_space<vmem>>[vector<16xi32>, vector<16xi32>], vector<16xf32>,
      %add3A_533 = arith.constant 26 : i32
      %add3A_534 = vector.broadcast %add3A_533 : i32 to vector<16xi32>
      %add3A_535 = arith.addi %shift_left3A_268, %add3A_534 : vector<16xi32>
      %gather3A_536 = tpu.vector_load_idx %arg12[%add3A_215, %add3A_535] : memref<256x128xf32, #tpu.memory_space<vmem>>[vector<16xi32>, vector<16xi32>], vector<16xf32>,
      %mul3A_537 = arith.mulf %gather3A_532, %gather3A_536 : vector<16xf32>
      %add3A_538 = arith.addf %add3A_528, %mul3A_537 : vector<16xf32>
      %add3A_539 = arith.constant 27 : i32
      %add3A_540 = vector.broadcast %add3A_539 : i32 to vector<16xi32>
      %add3A_541 = arith.addi %shift_left3A_256, %add3A_540 : vector<16xi32>
      %gather3A_542 = tpu.vector_load_idx %arg11[%add3A_215, %add3A_541] : memref<256x128xf32, #tpu.memory_space<vmem>>[vector<16xi32>, vector<16xi32>], vector<16xf32>,
      %add3A_543 = arith.constant 27 : i32
      %add3A_544 = vector.broadcast %add3A_543 : i32 to vector<16xi32>
      %add3A_545 = arith.addi %shift_left3A_268, %add3A_544 : vector<16xi32>
      %gather3A_546 = tpu.vector_load_idx %arg12[%add3A_215, %add3A_545] : memref<256x128xf32, #tpu.memory_space<vmem>>[vector<16xi32>, vector<16xi32>], vector<16xf32>,
      %mul3A_547 = arith.mulf %gather3A_542, %gather3A_546 : vector<16xf32>
      %add3A_548 = arith.addf %add3A_538, %mul3A_547 : vector<16xf32>
      %add3A_549 = arith.constant 28 : i32
      %add3A_550 = vector.broadcast %add3A_549 : i32 to vector<16xi32>
      %add3A_551 = arith.addi %shift_left3A_256, %add3A_550 : vector<16xi32>
      %gather3A_552 = tpu.vector_load_idx %arg11[%add3A_215, %add3A_551] : memref<256x128xf32, #tpu.memory_space<vmem>>[vector<16xi32>, vector<16xi32>], vector<16xf32>,
      %add3A_553 = arith.constant 28 : i32
      %add3A_554 = vector.broadcast %add3A_553 : i32 to vector<16xi32>
      %add3A_555 = arith.addi %shift_left3A_268, %add3A_554 : vector<16xi32>
      %gather3A_556 = tpu.vector_load_idx %arg12[%add3A_215, %add3A_555] : memref<256x128xf32, #tpu.memory_space<vmem>>[vector<16xi32>, vector<16xi32>], vector<16xf32>,
      %mul3A_557 = arith.mulf %gather3A_552, %gather3A_556 : vector<16xf32>
      %add3A_558 = arith.addf %add3A_548, %mul3A_557 : vector<16xf32>
      %add3A_559 = arith.constant 29 : i32
      %add3A_560 = vector.broadcast %add3A_559 : i32 to vector<16xi32>
      %add3A_561 = arith.addi %shift_left3A_256, %add3A_560 : vector<16xi32>
      %gather3A_562 = tpu.vector_load_idx %arg11[%add3A_215, %add3A_561] : memref<256x128xf32, #tpu.memory_space<vmem>>[vector<16xi32>, vector<16xi32>], vector<16xf32>,
      %add3A_563 = arith.constant 29 : i32
      %add3A_564 = vector.broadcast %add3A_563 : i32 to vector<16xi32>
      %add3A_565 = arith.addi %shift_left3A_268, %add3A_564 : vector<16xi32>
      %gather3A_566 = tpu.vector_load_idx %arg12[%add3A_215, %add3A_565] : memref<256x128xf32, #tpu.memory_space<vmem>>[vector<16xi32>, vector<16xi32>], vector<16xf32>,
      %mul3A_567 = arith.mulf %gather3A_562, %gather3A_566 : vector<16xf32>
      %add3A_568 = arith.addf %add3A_558, %mul3A_567 : vector<16xf32>
      %add3A_569 = arith.constant 30 : i32
      %add3A_570 = vector.broadcast %add3A_569 : i32 to vector<16xi32>
      %add3A_571 = arith.addi %shift_left3A_256, %add3A_570 : vector<16xi32>
      %gather3A_572 = tpu.vector_load_idx %arg11[%add3A_215, %add3A_571] : memref<256x128xf32, #tpu.memory_space<vmem>>[vector<16xi32>, vector<16xi32>], vector<16xf32>,
      %add3A_573 = arith.constant 30 : i32
      %add3A_574 = vector.broadcast %add3A_573 : i32 to vector<16xi32>
      %add3A_575 = arith.addi %shift_left3A_268, %add3A_574 : vector<16xi32>
      %gather3A_576 = tpu.vector_load_idx %arg12[%add3A_215, %add3A_575] : memref<256x128xf32, #tpu.memory_space<vmem>>[vector<16xi32>, vector<16xi32>], vector<16xf32>,
      %mul3A_577 = arith.mulf %gather3A_572, %gather3A_576 : vector<16xf32>
      %add3A_578 = arith.addf %add3A_568, %mul3A_577 : vector<16xf32>
      %add3A_579 = arith.constant 31 : i32
      %add3A_580 = vector.broadcast %add3A_579 : i32 to vector<16xi32>
      %add3A_581 = arith.addi %shift_left3A_256, %add3A_580 : vector<16xi32>
      %gather3A_582 = tpu.vector_load_idx %arg11[%add3A_215, %add3A_581] : memref<256x128xf32, #tpu.memory_space<vmem>>[vector<16xi32>, vector<16xi32>], vector<16xf32>,
      %add3A_583 = arith.constant 31 : i32
      %add3A_584 = vector.broadcast %add3A_583 : i32 to vector<16xi32>
      %add3A_585 = arith.addi %shift_left3A_268, %add3A_584 : vector<16xi32>
      %gather3A_586 = tpu.vector_load_idx %arg12[%add3A_215, %add3A_585] : memref<256x128xf32, #tpu.memory_space<vmem>>[vector<16xi32>, vector<16xi32>], vector<16xf32>,
      %mul3A_587 = arith.mulf %gather3A_582, %gather3A_586 : vector<16xf32>
      %add3A_588 = arith.addf %add3A_578, %mul3A_587 : vector<16xf32>
      %mul3A_589 = arith.constant 16 : i32
      %mul3A_590 = arith.muli %scan3A_211, %mul3A_589 : i32
      %add3A_591 = arith.constant 0 : i32
      %add3A_592 = arith.addi %add3A_591, %mul3A_590 : i32
      %swap3A = arith.index_cast %add3A_592 : i32 to index
      %swap3A_593 = tpu.vector_load %arg13[%swap3A] {strides = array<i32>} : memref<512xf32, #tpu.memory_space<vmem>>, vector<16xf32>,
      tpu.vector_store %arg13[%swap3A], %add3A_588 {strides = array<i32>} : memref<512xf32, #tpu.memory_space<vmem>>, vector<16xf32>,
    }
    %scan3A_104 = arith.constant 16 : i32
    %add3A_105 = arith.constant 256 : i32
    %add3A_106 = arith.addi %mul3A_2, %add3A_105 : i32
    %add3A_107 = arith.constant 0 : i32
    %add3A_108 = arith.addi %add3A_106, %add3A_107 : i32
    %run_scoped3A_109 = arith.constant 0 : i32
    "tpu.region"() ({
      %run_scoped3A_211 = tpu.sem_alloc : memref<!tpu.dma_semaphore, #tpu.memory_space<semaphore_mem>>
      %dma_start3A_212 = arith.constant 0 : i32
      %dma_start3A_213 = tpu.memref_slice %arg7[%run_scoped3A_109, %dma_start3A_212] : memref<2x128xi32, #tpu.memory_space<vmem>> -> memref<1x128xi32, #tpu.memory_space<vmem>>
      %dma_start3A_214 = tpu.memref_squeeze %dma_start3A_213 : memref<1x128xi32, #tpu.memory_space<vmem>> -> memref<128xi32, #tpu.memory_space<vmem>>
      %dma_start3A_215 = tpu.memref_slice %arg2[%add3A_108] : memref<16384xi32, #tpu.memory_space<hbm>> -> memref<128xi32, #tpu.memory_space<hbm>>
      %dma_start3A_216 = arith.constant 0 : i32
      %dma_start3A_217 = tpu.memref_slice %arg7[%run_scoped3A_109, %dma_start3A_216] : memref<2x128xi32, #tpu.memory_space<vmem>> -> memref<1x128xi32, #tpu.memory_space<vmem>>
      %dma_start3A_218 = tpu.memref_squeeze %dma_start3A_217 : memref<1x128xi32, #tpu.memory_space<vmem>> -> memref<128xi32, #tpu.memory_space<vmem>>
      %dma_start3A_219 = tpu.memref_slice %arg2[%add3A_108] : memref<16384xi32, #tpu.memory_space<hbm>> -> memref<128xi32, #tpu.memory_space<hbm>>
      tpu.enqueue_dma source(%dma_start3A_219 : memref<128xi32, #tpu.memory_space<hbm>>) target(%dma_start3A_218 : memref<128xi32, #tpu.memory_space<vmem>>) target_semaphore(%run_scoped3A_211 : memref<!tpu.dma_semaphore, #tpu.memory_space<semaphore_mem>>)
      %dma_wait3A_220 = arith.constant 0 : i32
      %dma_wait3A_221 = tpu.memref_slice %arg7[%run_scoped3A_109, %dma_wait3A_220] : memref<2x128xi32, #tpu.memory_space<vmem>> -> memref<1x128xi32, #tpu.memory_space<vmem>>
      %dma_wait3A_222 = tpu.memref_squeeze %dma_wait3A_221 : memref<1x128xi32, #tpu.memory_space<vmem>> -> memref<128xi32, #tpu.memory_space<vmem>>
      %dma_wait3A_223 = tpu.memref_slice %arg2[%add3A_108] : memref<16384xi32, #tpu.memory_space<hbm>> -> memref<128xi32, #tpu.memory_space<hbm>>
      %dma_wait3A_224 = arith.constant 0 : i32
      %dma_wait3A_225 = tpu.memref_slice %arg7[%run_scoped3A_109, %dma_wait3A_224] : memref<2x128xi32, #tpu.memory_space<vmem>> -> memref<1x128xi32, #tpu.memory_space<vmem>>
      %dma_wait3A_226 = tpu.memref_squeeze %dma_wait3A_225 : memref<1x128xi32, #tpu.memory_space<vmem>> -> memref<128xi32, #tpu.memory_space<vmem>>
      %dma_wait3A_227 = tpu.memref_slice %arg2[%add3A_108] : memref<16384xi32, #tpu.memory_space<hbm>> -> memref<128xi32, #tpu.memory_space<hbm>>
      tpu.wait_dma2 semaphore(%run_scoped3A_211 : memref<!tpu.dma_semaphore, #tpu.memory_space<semaphore_mem>>) src(%dma_wait3A_227 : memref<128xi32, #tpu.memory_space<hbm>>) dst(%dma_wait3A_226 : memref<128xi32, #tpu.memory_space<vmem>>)
      tpu.yield
    }) : () -> ()
    %add3A_110 = arith.constant 0 : i32
    %add3A_111 = arith.addi %add3A_106, %add3A_110 : i32
    %run_scoped3A_112 = arith.constant 0 : i32
    "tpu.region"() ({
      %run_scoped3A_211 = tpu.sem_alloc : memref<!tpu.dma_semaphore, #tpu.memory_space<semaphore_mem>>
      %dma_start3A_212 = arith.constant 0 : i32
      %dma_start3A_213 = tpu.memref_slice %arg8[%run_scoped3A_112, %dma_start3A_212] : memref<2x128xi32, #tpu.memory_space<vmem>> -> memref<1x128xi32, #tpu.memory_space<vmem>>
      %dma_start3A_214 = tpu.memref_squeeze %dma_start3A_213 : memref<1x128xi32, #tpu.memory_space<vmem>> -> memref<128xi32, #tpu.memory_space<vmem>>
      %dma_start3A_215 = tpu.memref_slice %arg3[%add3A_111] : memref<16384xi32, #tpu.memory_space<hbm>> -> memref<128xi32, #tpu.memory_space<hbm>>
      %dma_start3A_216 = arith.constant 0 : i32
      %dma_start3A_217 = tpu.memref_slice %arg8[%run_scoped3A_112, %dma_start3A_216] : memref<2x128xi32, #tpu.memory_space<vmem>> -> memref<1x128xi32, #tpu.memory_space<vmem>>
      %dma_start3A_218 = tpu.memref_squeeze %dma_start3A_217 : memref<1x128xi32, #tpu.memory_space<vmem>> -> memref<128xi32, #tpu.memory_space<vmem>>
      %dma_start3A_219 = tpu.memref_slice %arg3[%add3A_111] : memref<16384xi32, #tpu.memory_space<hbm>> -> memref<128xi32, #tpu.memory_space<hbm>>
      tpu.enqueue_dma source(%dma_start3A_219 : memref<128xi32, #tpu.memory_space<hbm>>) target(%dma_start3A_218 : memref<128xi32, #tpu.memory_space<vmem>>) target_semaphore(%run_scoped3A_211 : memref<!tpu.dma_semaphore, #tpu.memory_space<semaphore_mem>>)
      %dma_wait3A_220 = arith.constant 0 : i32
      %dma_wait3A_221 = tpu.memref_slice %arg8[%run_scoped3A_112, %dma_wait3A_220] : memref<2x128xi32, #tpu.memory_space<vmem>> -> memref<1x128xi32, #tpu.memory_space<vmem>>
      %dma_wait3A_222 = tpu.memref_squeeze %dma_wait3A_221 : memref<1x128xi32, #tpu.memory_space<vmem>> -> memref<128xi32, #tpu.memory_space<vmem>>
      %dma_wait3A_223 = tpu.memref_slice %arg3[%add3A_111] : memref<16384xi32, #tpu.memory_space<hbm>> -> memref<128xi32, #tpu.memory_space<hbm>>
      %dma_wait3A_224 = arith.constant 0 : i32
      %dma_wait3A_225 = tpu.memref_slice %arg8[%run_scoped3A_112, %dma_wait3A_224] : memref<2x128xi32, #tpu.memory_space<vmem>> -> memref<1x128xi32, #tpu.memory_space<vmem>>
      %dma_wait3A_226 = tpu.memref_squeeze %dma_wait3A_225 : memref<1x128xi32, #tpu.memory_space<vmem>> -> memref<128xi32, #tpu.memory_space<vmem>>
      %dma_wait3A_227 = tpu.memref_slice %arg3[%add3A_111] : memref<16384xi32, #tpu.memory_space<hbm>> -> memref<128xi32, #tpu.memory_space<hbm>>
      tpu.wait_dma2 semaphore(%run_scoped3A_211 : memref<!tpu.dma_semaphore, #tpu.memory_space<semaphore_mem>>) src(%dma_wait3A_227 : memref<128xi32, #tpu.memory_space<hbm>>) dst(%dma_wait3A_226 : memref<128xi32, #tpu.memory_space<vmem>>)
      tpu.yield
    }) : () -> ()
    %add3A_113 = arith.constant 128 : i32
    %add3A_114 = arith.addi %add3A_106, %add3A_113 : i32
    %run_scoped3A_115 = arith.constant 1 : i32
    "tpu.region"() ({
      %run_scoped3A_211 = tpu.sem_alloc : memref<!tpu.dma_semaphore, #tpu.memory_space<semaphore_mem>>
      %dma_start3A_212 = arith.constant 0 : i32
      %dma_start3A_213 = tpu.memref_slice %arg7[%run_scoped3A_115, %dma_start3A_212] : memref<2x128xi32, #tpu.memory_space<vmem>> -> memref<1x128xi32, #tpu.memory_space<vmem>>
      %dma_start3A_214 = tpu.memref_squeeze %dma_start3A_213 : memref<1x128xi32, #tpu.memory_space<vmem>> -> memref<128xi32, #tpu.memory_space<vmem>>
      %dma_start3A_215 = tpu.memref_slice %arg2[%add3A_114] : memref<16384xi32, #tpu.memory_space<hbm>> -> memref<128xi32, #tpu.memory_space<hbm>>
      %dma_start3A_216 = arith.constant 0 : i32
      %dma_start3A_217 = tpu.memref_slice %arg7[%run_scoped3A_115, %dma_start3A_216] : memref<2x128xi32, #tpu.memory_space<vmem>> -> memref<1x128xi32, #tpu.memory_space<vmem>>
      %dma_start3A_218 = tpu.memref_squeeze %dma_start3A_217 : memref<1x128xi32, #tpu.memory_space<vmem>> -> memref<128xi32, #tpu.memory_space<vmem>>
      %dma_start3A_219 = tpu.memref_slice %arg2[%add3A_114] : memref<16384xi32, #tpu.memory_space<hbm>> -> memref<128xi32, #tpu.memory_space<hbm>>
      tpu.enqueue_dma source(%dma_start3A_219 : memref<128xi32, #tpu.memory_space<hbm>>) target(%dma_start3A_218 : memref<128xi32, #tpu.memory_space<vmem>>) target_semaphore(%run_scoped3A_211 : memref<!tpu.dma_semaphore, #tpu.memory_space<semaphore_mem>>)
      %dma_wait3A_220 = arith.constant 0 : i32
      %dma_wait3A_221 = tpu.memref_slice %arg7[%run_scoped3A_115, %dma_wait3A_220] : memref<2x128xi32, #tpu.memory_space<vmem>> -> memref<1x128xi32, #tpu.memory_space<vmem>>
      %dma_wait3A_222 = tpu.memref_squeeze %dma_wait3A_221 : memref<1x128xi32, #tpu.memory_space<vmem>> -> memref<128xi32, #tpu.memory_space<vmem>>
      %dma_wait3A_223 = tpu.memref_slice %arg2[%add3A_114] : memref<16384xi32, #tpu.memory_space<hbm>> -> memref<128xi32, #tpu.memory_space<hbm>>
      %dma_wait3A_224 = arith.constant 0 : i32
      %dma_wait3A_225 = tpu.memref_slice %arg7[%run_scoped3A_115, %dma_wait3A_224] : memref<2x128xi32, #tpu.memory_space<vmem>> -> memref<1x128xi32, #tpu.memory_space<vmem>>
      %dma_wait3A_226 = tpu.memref_squeeze %dma_wait3A_225 : memref<1x128xi32, #tpu.memory_space<vmem>> -> memref<128xi32, #tpu.memory_space<vmem>>
      %dma_wait3A_227 = tpu.memref_slice %arg2[%add3A_114] : memref<16384xi32, #tpu.memory_space<hbm>> -> memref<128xi32, #tpu.memory_space<hbm>>
      tpu.wait_dma2 semaphore(%run_scoped3A_211 : memref<!tpu.dma_semaphore, #tpu.memory_space<semaphore_mem>>) src(%dma_wait3A_227 : memref<128xi32, #tpu.memory_space<hbm>>) dst(%dma_wait3A_226 : memref<128xi32, #tpu.memory_space<vmem>>)
      tpu.yield
    }) : () -> ()
    %add3A_116 = arith.constant 128 : i32
    %add3A_117 = arith.addi %add3A_106, %add3A_116 : i32
    %run_scoped3A_118 = arith.constant 1 : i32
    "tpu.region"() ({
      %run_scoped3A_211 = tpu.sem_alloc : memref<!tpu.dma_semaphore, #tpu.memory_space<semaphore_mem>>
      %dma_start3A_212 = arith.constant 0 : i32
      %dma_start3A_213 = tpu.memref_slice %arg8[%run_scoped3A_118, %dma_start3A_212] : memref<2x128xi32, #tpu.memory_space<vmem>> -> memref<1x128xi32, #tpu.memory_space<vmem>>
      %dma_start3A_214 = tpu.memref_squeeze %dma_start3A_213 : memref<1x128xi32, #tpu.memory_space<vmem>> -> memref<128xi32, #tpu.memory_space<vmem>>
      %dma_start3A_215 = tpu.memref_slice %arg3[%add3A_117] : memref<16384xi32, #tpu.memory_space<hbm>> -> memref<128xi32, #tpu.memory_space<hbm>>
      %dma_start3A_216 = arith.constant 0 : i32
      %dma_start3A_217 = tpu.memref_slice %arg8[%run_scoped3A_118, %dma_start3A_216] : memref<2x128xi32, #tpu.memory_space<vmem>> -> memref<1x128xi32, #tpu.memory_space<vmem>>
      %dma_start3A_218 = tpu.memref_squeeze %dma_start3A_217 : memref<1x128xi32, #tpu.memory_space<vmem>> -> memref<128xi32, #tpu.memory_space<vmem>>
      %dma_start3A_219 = tpu.memref_slice %arg3[%add3A_117] : memref<16384xi32, #tpu.memory_space<hbm>> -> memref<128xi32, #tpu.memory_space<hbm>>
      tpu.enqueue_dma source(%dma_start3A_219 : memref<128xi32, #tpu.memory_space<hbm>>) target(%dma_start3A_218 : memref<128xi32, #tpu.memory_space<vmem>>) target_semaphore(%run_scoped3A_211 : memref<!tpu.dma_semaphore, #tpu.memory_space<semaphore_mem>>)
      %dma_wait3A_220 = arith.constant 0 : i32
      %dma_wait3A_221 = tpu.memref_slice %arg8[%run_scoped3A_118, %dma_wait3A_220] : memref<2x128xi32, #tpu.memory_space<vmem>> -> memref<1x128xi32, #tpu.memory_space<vmem>>
      %dma_wait3A_222 = tpu.memref_squeeze %dma_wait3A_221 : memref<1x128xi32, #tpu.memory_space<vmem>> -> memref<128xi32, #tpu.memory_space<vmem>>
      %dma_wait3A_223 = tpu.memref_slice %arg3[%add3A_117] : memref<16384xi32, #tpu.memory_space<hbm>> -> memref<128xi32, #tpu.memory_space<hbm>>
      %dma_wait3A_224 = arith.constant 0 : i32
      %dma_wait3A_225 = tpu.memref_slice %arg8[%run_scoped3A_118, %dma_wait3A_224] : memref<2x128xi32, #tpu.memory_space<vmem>> -> memref<1x128xi32, #tpu.memory_space<vmem>>
      %dma_wait3A_226 = tpu.memref_squeeze %dma_wait3A_225 : memref<1x128xi32, #tpu.memory_space<vmem>> -> memref<128xi32, #tpu.memory_space<vmem>>
      %dma_wait3A_227 = tpu.memref_slice %arg3[%add3A_117] : memref<16384xi32, #tpu.memory_space<hbm>> -> memref<128xi32, #tpu.memory_space<hbm>>
      tpu.wait_dma2 semaphore(%run_scoped3A_211 : memref<!tpu.dma_semaphore, #tpu.memory_space<semaphore_mem>>) src(%dma_wait3A_227 : memref<128xi32, #tpu.memory_space<hbm>>) dst(%dma_wait3A_226 : memref<128xi32, #tpu.memory_space<vmem>>)
      tpu.yield
    }) : () -> ()
    %scan3A_119 = arith.constant 0 : i32
    %scan3A_120 = arith.constant 0 : i32
    %scan3A_121 = arith.constant 16 : i32
    %scan3A_122 = arith.addi %scan3A_120, %scan3A_121 : i32
    %scan3A_123 = arith.constant 1 : i32
    scf.for %scan3A_211 = %scan3A_120 to %scan3A_122 step %scan3A_123  : i32 {
      %jit3A = arith.constant 8 : i32
      %div3A = arith.divsi %scan3A_211, %jit3A : i32
      %sign3A = arith.constant 0 : i32
      %sign3A_212 = arith.cmpi sgt, %scan3A_211, %sign3A : i32
      %sign3A_213 = arith.extui %sign3A_212 : i1 to i32
      %sign3A_214 = arith.constant 0 : i32
      %sign3A_215 = arith.cmpi slt, %scan3A_211, %sign3A_214 : i32
      %sign3A_216 = arith.extui %sign3A_215 : i1 to i32
      %sign3A_217 = arith.subi %sign3A_213, %sign3A_216 : i32
      %sign3A_218 = arith.constant 0 : i32
      %sign3A_219 = arith.cmpi sgt, %jit3A, %sign3A_218 : i32
      %sign3A_220 = arith.extui %sign3A_219 : i1 to i32
      %sign3A_221 = arith.constant 0 : i32
      %sign3A_222 = arith.cmpi slt, %jit3A, %sign3A_221 : i32
      %sign3A_223 = arith.extui %sign3A_222 : i1 to i32
      %sign3A_224 = arith.subi %sign3A_220, %sign3A_223 : i32
      %ne3A = arith.cmpi ne, %sign3A_217, %sign3A_224 : i32
      %rem3A = arith.remsi %scan3A_211, %jit3A : i32
      %ne3A_225 = arith.constant 0 : i32
      %ne3A_226 = arith.cmpi ne, %rem3A, %ne3A_225 : i32
      %and3A = arith.andi %ne3A, %ne3A_226 : i1
      %sub3A = arith.constant 1 : i32
      %sub3A_227 = arith.subi %div3A, %sub3A : i32
      %select_n3A = arith.select %and3A, %sub3A_227, %div3A : i32
      %jit3A_228 = arith.constant 8 : i32
      %eq3A = arith.constant 0 : i32
      %eq3A_229 = arith.cmpi eq, %jit3A_228, %eq3A : i32
      %jit3A_230 = arith.constant 1 : i32
      %select_n3A_231 = arith.select %eq3A_229, %jit3A_230, %jit3A_228 : i32
      %rem3A_232 = arith.remsi %scan3A_211, %select_n3A_231 : i32
      %ne3A_233 = arith.constant 0 : i32
      %ne3A_234 = arith.cmpi ne, %rem3A_232, %ne3A_233 : i32
      %lt3A = arith.constant 0 : i32
      %lt3A_235 = arith.cmpi slt, %rem3A_232, %lt3A : i32
      %lt3A_236 = arith.constant 0 : i32
      %lt3A_237 = arith.cmpi slt, %select_n3A_231, %lt3A_236 : i32
      %ne3A_238 = arith.xori %lt3A_235, %lt3A_237 : i1
      %and3A_239 = arith.andi %ne3A_238, %ne3A_234 : i1
      %add3A_240 = arith.addi %rem3A_232, %select_n3A_231 : i32
      %select_n3A_241 = arith.select %and3A_239, %add3A_240, %rem3A_232 : i32
      %mul3A_242 = arith.constant 16 : i32
      %mul3A_243 = arith.muli %select_n3A_241, %mul3A_242 : i32
      %get3A = arith.index_cast %select_n3A : i32 to index
      %get3A_244 = arith.index_cast %mul3A_243 : i32 to index
      %get3A_245 = tpu.vector_load %arg7[%get3A, %get3A_244] {strides = array<i32>} : memref<2x128xi32, #tpu.memory_space<vmem>>, vector<16xi32>,
      %shift_right_logical3A = arith.constant 9 : i32
      %shift_right_logical3A_246 = vector.broadcast %shift_right_logical3A : i32 to vector<16xi32>
      %shift_right_logical3A_247 = arith.shrui %get3A_245, %shift_right_logical3A_246 : vector<16xi32>
      %shift_left3A = arith.constant 7 : i32
      %shift_left3A_248 = vector.broadcast %shift_left3A : i32 to vector<16xi32>
      %shift_left3A_249 = arith.shli %shift_right_logical3A_247, %shift_left3A_248 : vector<16xi32>
      %and3A_250 = arith.constant 127 : i32
      %and3A_251 = vector.broadcast %and3A_250 : i32 to vector<16xi32>
      %and3A_252 = arith.andi %get3A_245, %and3A_251 : vector<16xi32>
      %add3A_253 = arith.addi %shift_left3A_249, %and3A_252 : vector<16xi32>
      %swap3A = arith.index_cast %select_n3A : i32 to index
      %swap3A_254 = arith.index_cast %mul3A_243 : i32 to index
      %swap3A_255 = tpu.vector_load %arg9[%swap3A, %swap3A_254] {strides = array<i32>} : memref<2x128xi32, #tpu.memory_space<vmem>>, vector<16xi32>,
      tpu.vector_store %arg9[%swap3A, %swap3A_254], %add3A_253 {strides = array<i32>} : memref<2x128xi32, #tpu.memory_space<vmem>>, vector<16xi32>,
      %get3A_256 = arith.index_cast %select_n3A : i32 to index
      %get3A_257 = arith.index_cast %mul3A_243 : i32 to index
      %get3A_258 = tpu.vector_load %arg8[%get3A_256, %get3A_257] {strides = array<i32>} : memref<2x128xi32, #tpu.memory_space<vmem>>, vector<16xi32>,
      %shift_right_logical3A_259 = arith.constant 9 : i32
      %shift_right_logical3A_260 = vector.broadcast %shift_right_logical3A_259 : i32 to vector<16xi32>
      %shift_right_logical3A_261 = arith.shrui %get3A_258, %shift_right_logical3A_260 : vector<16xi32>
      %shift_left3A_262 = arith.constant 7 : i32
      %shift_left3A_263 = vector.broadcast %shift_left3A_262 : i32 to vector<16xi32>
      %shift_left3A_264 = arith.shli %shift_right_logical3A_261, %shift_left3A_263 : vector<16xi32>
      %and3A_265 = arith.constant 127 : i32
      %and3A_266 = vector.broadcast %and3A_265 : i32 to vector<16xi32>
      %and3A_267 = arith.andi %get3A_258, %and3A_266 : vector<16xi32>
      %add3A_268 = arith.addi %shift_left3A_264, %and3A_267 : vector<16xi32>
      %swap3A_269 = arith.index_cast %select_n3A : i32 to index
      %swap3A_270 = arith.index_cast %mul3A_243 : i32 to index
      %swap3A_271 = tpu.vector_load %arg10[%swap3A_269, %swap3A_270] {strides = array<i32>} : memref<2x128xi32, #tpu.memory_space<vmem>>, vector<16xi32>,
      tpu.vector_store %arg10[%swap3A_269, %swap3A_270], %add3A_268 {strides = array<i32>} : memref<2x128xi32, #tpu.memory_space<vmem>>, vector<16xi32>,
    }
    %scan3A_124 = arith.constant 16 : i32
    %dma_start3A_125 = arith.constant 0 : i32
    %dma_start3A_126 = arith.constant 0 : i32
    %dma_start3A_127 = arith.constant 0 : i32
    %dma_start3A_128 = tpu.memref_slice %arg11[%dma_start3A_126, %dma_start3A_127] : memref<256x128xf32, #tpu.memory_space<vmem>> -> memref<128x128xf32, #tpu.memory_space<vmem>>
    %dma_start3A_129 = arith.constant 0 : i32
    %dma_start3A_130 = tpu.memref_slice %arg9[%dma_start3A_125, %dma_start3A_129] : memref<2x128xi32, #tpu.memory_space<vmem>> -> memref<1x128xi32, #tpu.memory_space<vmem>>
    %dma_start3A_131 = tpu.memref_squeeze %dma_start3A_130 : memref<1x128xi32, #tpu.memory_space<vmem>> -> memref<128xi32, #tpu.memory_space<vmem>>
    %dma_start3A_132 = arith.constant 0 : i32
    %dma_start3A_133 = arith.constant 0 : i32
    %dma_start3A_134 = tpu.memref_slice %arg4[%dma_start3A_132, %dma_start3A_133] : memref<253952x128xf32, #tpu.memory_space<hbm>> -> memref<253952x128xf32, #tpu.memory_space<hbm>>
    tpu.enqueue_indirect_dma source(%dma_start3A_134 : memref<253952x128xf32, #tpu.memory_space<hbm>>) target(%dma_start3A_128 : memref<128x128xf32, #tpu.memory_space<vmem>>) offsets(%dma_start3A_131 : memref<128xi32, #tpu.memory_space<vmem>>) semaphore(%arg14 : memref<!tpu.dma_semaphore, #tpu.memory_space<semaphore_mem>>)
    %dma_start3A_135 = arith.constant 0 : i32
    %dma_start3A_136 = arith.constant 0 : i32
    %dma_start3A_137 = arith.constant 0 : i32
    %dma_start3A_138 = tpu.memref_slice %arg12[%dma_start3A_136, %dma_start3A_137] : memref<256x128xf32, #tpu.memory_space<vmem>> -> memref<128x128xf32, #tpu.memory_space<vmem>>
    %dma_start3A_139 = arith.constant 0 : i32
    %dma_start3A_140 = tpu.memref_slice %arg10[%dma_start3A_135, %dma_start3A_139] : memref<2x128xi32, #tpu.memory_space<vmem>> -> memref<1x128xi32, #tpu.memory_space<vmem>>
    %dma_start3A_141 = tpu.memref_squeeze %dma_start3A_140 : memref<1x128xi32, #tpu.memory_space<vmem>> -> memref<128xi32, #tpu.memory_space<vmem>>
    %dma_start3A_142 = arith.constant 0 : i32
    %dma_start3A_143 = arith.constant 0 : i32
    %dma_start3A_144 = tpu.memref_slice %arg5[%dma_start3A_142, %dma_start3A_143] : memref<253952x128xf32, #tpu.memory_space<hbm>> -> memref<253952x128xf32, #tpu.memory_space<hbm>>
    tpu.enqueue_indirect_dma source(%dma_start3A_144 : memref<253952x128xf32, #tpu.memory_space<hbm>>) target(%dma_start3A_138 : memref<128x128xf32, #tpu.memory_space<vmem>>) offsets(%dma_start3A_141 : memref<128xi32, #tpu.memory_space<vmem>>) semaphore(%arg14 : memref<!tpu.dma_semaphore, #tpu.memory_space<semaphore_mem>>)
    %dma_start3A_145 = arith.constant 1 : i32
    %dma_start3A_146 = arith.constant 128 : i32
    %dma_start3A_147 = arith.constant 0 : i32
    %dma_start3A_148 = tpu.memref_slice %arg11[%dma_start3A_146, %dma_start3A_147] : memref<256x128xf32, #tpu.memory_space<vmem>> -> memref<128x128xf32, #tpu.memory_space<vmem>>
    %dma_start3A_149 = arith.constant 0 : i32
    %dma_start3A_150 = tpu.memref_slice %arg9[%dma_start3A_145, %dma_start3A_149] : memref<2x128xi32, #tpu.memory_space<vmem>> -> memref<1x128xi32, #tpu.memory_space<vmem>>
    %dma_start3A_151 = tpu.memref_squeeze %dma_start3A_150 : memref<1x128xi32, #tpu.memory_space<vmem>> -> memref<128xi32, #tpu.memory_space<vmem>>
    %dma_start3A_152 = arith.constant 0 : i32
    %dma_start3A_153 = arith.constant 0 : i32
    %dma_start3A_154 = tpu.memref_slice %arg4[%dma_start3A_152, %dma_start3A_153] : memref<253952x128xf32, #tpu.memory_space<hbm>> -> memref<253952x128xf32, #tpu.memory_space<hbm>>
    tpu.enqueue_indirect_dma source(%dma_start3A_154 : memref<253952x128xf32, #tpu.memory_space<hbm>>) target(%dma_start3A_148 : memref<128x128xf32, #tpu.memory_space<vmem>>) offsets(%dma_start3A_151 : memref<128xi32, #tpu.memory_space<vmem>>) semaphore(%arg14 : memref<!tpu.dma_semaphore, #tpu.memory_space<semaphore_mem>>)
    %dma_start3A_155 = arith.constant 1 : i32
    %dma_start3A_156 = arith.constant 128 : i32
    %dma_start3A_157 = arith.constant 0 : i32
    %dma_start3A_158 = tpu.memref_slice %arg12[%dma_start3A_156, %dma_start3A_157] : memref<256x128xf32, #tpu.memory_space<vmem>> -> memref<128x128xf32, #tpu.memory_space<vmem>>
    %dma_start3A_159 = arith.constant 0 : i32
    %dma_start3A_160 = tpu.memref_slice %arg10[%dma_start3A_155, %dma_start3A_159] : memref<2x128xi32, #tpu.memory_space<vmem>> -> memref<1x128xi32, #tpu.memory_space<vmem>>
    %dma_start3A_161 = tpu.memref_squeeze %dma_start3A_160 : memref<1x128xi32, #tpu.memory_space<vmem>> -> memref<128xi32, #tpu.memory_space<vmem>>
    %dma_start3A_162 = arith.constant 0 : i32
    %dma_start3A_163 = arith.constant 0 : i32
    %dma_start3A_164 = tpu.memref_slice %arg5[%dma_start3A_162, %dma_start3A_163] : memref<253952x128xf32, #tpu.memory_space<hbm>> -> memref<253952x128xf32, #tpu.memory_space<hbm>>
    tpu.enqueue_indirect_dma source(%dma_start3A_164 : memref<253952x128xf32, #tpu.memory_space<hbm>>) target(%dma_start3A_158 : memref<128x128xf32, #tpu.memory_space<vmem>>) offsets(%dma_start3A_161 : memref<128xi32, #tpu.memory_space<vmem>>) semaphore(%arg14 : memref<!tpu.dma_semaphore, #tpu.memory_space<semaphore_mem>>)
    %dma_wait3A_165 = arith.constant 0 : i32
    %dma_wait3A_166 = arith.constant 0 : i32
    %dma_wait3A_167 = arith.constant 0 : i32
    %dma_wait3A_168 = tpu.memref_slice %arg11[%dma_wait3A_166, %dma_wait3A_167] : memref<256x128xf32, #tpu.memory_space<vmem>> -> memref<128x128xf32, #tpu.memory_space<vmem>>
    %dma_wait3A_169 = arith.constant 0 : i32
    %dma_wait3A_170 = tpu.memref_slice %arg9[%dma_wait3A_165, %dma_wait3A_169] : memref<2x128xi32, #tpu.memory_space<vmem>> -> memref<1x128xi32, #tpu.memory_space<vmem>>
    %dma_wait3A_171 = tpu.memref_squeeze %dma_wait3A_170 : memref<1x128xi32, #tpu.memory_space<vmem>> -> memref<128xi32, #tpu.memory_space<vmem>>
    %dma_wait3A_172 = arith.constant 0 : i32
    %dma_wait3A_173 = arith.constant 0 : i32
    %dma_wait3A_174 = tpu.memref_slice %arg4[%dma_wait3A_172, %dma_wait3A_173] : memref<253952x128xf32, #tpu.memory_space<hbm>> -> memref<253952x128xf32, #tpu.memory_space<hbm>>
    tpu.wait_indirect_dma semaphore(%arg14 : memref<!tpu.dma_semaphore, #tpu.memory_space<semaphore_mem>>) src(%dma_wait3A_174 : memref<253952x128xf32, #tpu.memory_space<hbm>>) dst(%dma_wait3A_168 : memref<128x128xf32, #tpu.memory_space<vmem>>)
    %dma_wait3A_175 = arith.constant 0 : i32
    %dma_wait3A_176 = arith.constant 0 : i32
    %dma_wait3A_177 = arith.constant 0 : i32
    %dma_wait3A_178 = tpu.memref_slice %arg12[%dma_wait3A_176, %dma_wait3A_177] : memref<256x128xf32, #tpu.memory_space<vmem>> -> memref<128x128xf32, #tpu.memory_space<vmem>>
    %dma_wait3A_179 = arith.constant 0 : i32
    %dma_wait3A_180 = tpu.memref_slice %arg10[%dma_wait3A_175, %dma_wait3A_179] : memref<2x128xi32, #tpu.memory_space<vmem>> -> memref<1x128xi32, #tpu.memory_space<vmem>>
    %dma_wait3A_181 = tpu.memref_squeeze %dma_wait3A_180 : memref<1x128xi32, #tpu.memory_space<vmem>> -> memref<128xi32, #tpu.memory_space<vmem>>
    %dma_wait3A_182 = arith.constant 0 : i32
    %dma_wait3A_183 = arith.constant 0 : i32
    %dma_wait3A_184 = tpu.memref_slice %arg5[%dma_wait3A_182, %dma_wait3A_183] : memref<253952x128xf32, #tpu.memory_space<hbm>> -> memref<253952x128xf32, #tpu.memory_space<hbm>>
    tpu.wait_indirect_dma semaphore(%arg14 : memref<!tpu.dma_semaphore, #tpu.memory_space<semaphore_mem>>) src(%dma_wait3A_184 : memref<253952x128xf32, #tpu.memory_space<hbm>>) dst(%dma_wait3A_178 : memref<128x128xf32, #tpu.memory_space<vmem>>)
    %dma_wait3A_185 = arith.constant 1 : i32
    %dma_wait3A_186 = arith.constant 128 : i32
    %dma_wait3A_187 = arith.constant 0 : i32
    %dma_wait3A_188 = tpu.memref_slice %arg11[%dma_wait3A_186, %dma_wait3A_187] : memref<256x128xf32, #tpu.memory_space<vmem>> -> memref<128x128xf32, #tpu.memory_space<vmem>>
    %dma_wait3A_189 = arith.constant 0 : i32
    %dma_wait3A_190 = tpu.memref_slice %arg9[%dma_wait3A_185, %dma_wait3A_189] : memref<2x128xi32, #tpu.memory_space<vmem>> -> memref<1x128xi32, #tpu.memory_space<vmem>>
    %dma_wait3A_191 = tpu.memref_squeeze %dma_wait3A_190 : memref<1x128xi32, #tpu.memory_space<vmem>> -> memref<128xi32, #tpu.memory_space<vmem>>
    %dma_wait3A_192 = arith.constant 0 : i32
    %dma_wait3A_193 = arith.constant 0 : i32
    %dma_wait3A_194 = tpu.memref_slice %arg4[%dma_wait3A_192, %dma_wait3A_193] : memref<253952x128xf32, #tpu.memory_space<hbm>> -> memref<253952x128xf32, #tpu.memory_space<hbm>>
    tpu.wait_indirect_dma semaphore(%arg14 : memref<!tpu.dma_semaphore, #tpu.memory_space<semaphore_mem>>) src(%dma_wait3A_194 : memref<253952x128xf32, #tpu.memory_space<hbm>>) dst(%dma_wait3A_188 : memref<128x128xf32, #tpu.memory_space<vmem>>)
    %dma_wait3A_195 = arith.constant 1 : i32
    %dma_wait3A_196 = arith.constant 128 : i32
    %dma_wait3A_197 = arith.constant 0 : i32
    %dma_wait3A_198 = tpu.memref_slice %arg12[%dma_wait3A_196, %dma_wait3A_197] : memref<256x128xf32, #tpu.memory_space<vmem>> -> memref<128x128xf32, #tpu.memory_space<vmem>>
    %dma_wait3A_199 = arith.constant 0 : i32
    %dma_wait3A_200 = tpu.memref_slice %arg10[%dma_wait3A_195, %dma_wait3A_199] : memref<2x128xi32, #tpu.memory_space<vmem>> -> memref<1x128xi32, #tpu.memory_space<vmem>>
    %dma_wait3A_201 = tpu.memref_squeeze %dma_wait3A_200 : memref<1x128xi32, #tpu.memory_space<vmem>> -> memref<128xi32, #tpu.memory_space<vmem>>
    %dma_wait3A_202 = arith.constant 0 : i32
    %dma_wait3A_203 = arith.constant 0 : i32
    %dma_wait3A_204 = tpu.memref_slice %arg5[%dma_wait3A_202, %dma_wait3A_203] : memref<253952x128xf32, #tpu.memory_space<hbm>> -> memref<253952x128xf32, #tpu.memory_space<hbm>>
    tpu.wait_indirect_dma semaphore(%arg14 : memref<!tpu.dma_semaphore, #tpu.memory_space<semaphore_mem>>) src(%dma_wait3A_204 : memref<253952x128xf32, #tpu.memory_space<hbm>>) dst(%dma_wait3A_198 : memref<128x128xf32, #tpu.memory_space<vmem>>)
    %scan3A_205 = arith.constant 0 : i32
    %scan3A_206 = arith.constant 0 : i32
    %scan3A_207 = arith.constant 16 : i32
    %scan3A_208 = arith.addi %scan3A_206, %scan3A_207 : i32
    %scan3A_209 = arith.constant 1 : i32
    scf.for %scan3A_211 = %scan3A_206 to %scan3A_208 step %scan3A_209  : i32 {
      %mul3A_212 = arith.constant 16 : i32
      %mul3A_213 = arith.muli %scan3A_211, %mul3A_212 : i32
      %add3A_214 = vector.broadcast %mul3A_213 : i32 to vector<16xi32>
      %add3A_215 = arith.addi %add3A_214, %iota3A : vector<16xi32>
      %jit3A = arith.constant 8 : i32
      %div3A = arith.divsi %scan3A_211, %jit3A : i32
      %sign3A = arith.constant 0 : i32
      %sign3A_216 = arith.cmpi sgt, %scan3A_211, %sign3A : i32
      %sign3A_217 = arith.extui %sign3A_216 : i1 to i32
      %sign3A_218 = arith.constant 0 : i32
      %sign3A_219 = arith.cmpi slt, %scan3A_211, %sign3A_218 : i32
      %sign3A_220 = arith.extui %sign3A_219 : i1 to i32
      %sign3A_221 = arith.subi %sign3A_217, %sign3A_220 : i32
      %sign3A_222 = arith.constant 0 : i32
      %sign3A_223 = arith.cmpi sgt, %jit3A, %sign3A_222 : i32
      %sign3A_224 = arith.extui %sign3A_223 : i1 to i32
      %sign3A_225 = arith.constant 0 : i32
      %sign3A_226 = arith.cmpi slt, %jit3A, %sign3A_225 : i32
      %sign3A_227 = arith.extui %sign3A_226 : i1 to i32
      %sign3A_228 = arith.subi %sign3A_224, %sign3A_227 : i32
      %ne3A = arith.cmpi ne, %sign3A_221, %sign3A_228 : i32
      %rem3A = arith.remsi %scan3A_211, %jit3A : i32
      %ne3A_229 = arith.constant 0 : i32
      %ne3A_230 = arith.cmpi ne, %rem3A, %ne3A_229 : i32
      %and3A = arith.andi %ne3A, %ne3A_230 : i1
      %sub3A = arith.constant 1 : i32
      %sub3A_231 = arith.subi %div3A, %sub3A : i32
      %select_n3A = arith.select %and3A, %sub3A_231, %div3A : i32
      %jit3A_232 = arith.constant 8 : i32
      %eq3A = arith.constant 0 : i32
      %eq3A_233 = arith.cmpi eq, %jit3A_232, %eq3A : i32
      %jit3A_234 = arith.constant 1 : i32
      %select_n3A_235 = arith.select %eq3A_233, %jit3A_234, %jit3A_232 : i32
      %rem3A_236 = arith.remsi %scan3A_211, %select_n3A_235 : i32
      %ne3A_237 = arith.constant 0 : i32
      %ne3A_238 = arith.cmpi ne, %rem3A_236, %ne3A_237 : i32
      %lt3A = arith.constant 0 : i32
      %lt3A_239 = arith.cmpi slt, %rem3A_236, %lt3A : i32
      %lt3A_240 = arith.constant 0 : i32
      %lt3A_241 = arith.cmpi slt, %select_n3A_235, %lt3A_240 : i32
      %ne3A_242 = arith.xori %lt3A_239, %lt3A_241 : i1
      %and3A_243 = arith.andi %ne3A_242, %ne3A_238 : i1
      %add3A_244 = arith.addi %rem3A_236, %select_n3A_235 : i32
      %select_n3A_245 = arith.select %and3A_243, %add3A_244, %rem3A_236 : i32
      %mul3A_246 = arith.constant 16 : i32
      %mul3A_247 = arith.muli %select_n3A_245, %mul3A_246 : i32
      %get3A = arith.index_cast %select_n3A : i32 to index
      %get3A_248 = arith.index_cast %mul3A_247 : i32 to index
      %get3A_249 = tpu.vector_load %arg7[%get3A, %get3A_248] {strides = array<i32>} : memref<2x128xi32, #tpu.memory_space<vmem>>, vector<16xi32>,
      %shift_right_logical3A = arith.constant 7 : i32
      %shift_right_logical3A_250 = vector.broadcast %shift_right_logical3A : i32 to vector<16xi32>
      %shift_right_logical3A_251 = arith.shrui %get3A_249, %shift_right_logical3A_250 : vector<16xi32>
      %and3A_252 = arith.constant 3 : i32
      %and3A_253 = vector.broadcast %and3A_252 : i32 to vector<16xi32>
      %and3A_254 = arith.andi %shift_right_logical3A_251, %and3A_253 : vector<16xi32>
      %shift_left3A = arith.constant 5 : i32
      %shift_left3A_255 = vector.broadcast %shift_left3A : i32 to vector<16xi32>
      %shift_left3A_256 = arith.shli %and3A_254, %shift_left3A_255 : vector<16xi32>
      %get3A_257 = arith.index_cast %select_n3A : i32 to index
      %get3A_258 = arith.index_cast %mul3A_247 : i32 to index
      %get3A_259 = tpu.vector_load %arg8[%get3A_257, %get3A_258] {strides = array<i32>} : memref<2x128xi32, #tpu.memory_space<vmem>>, vector<16xi32>,
      %shift_right_logical3A_260 = arith.constant 7 : i32
      %shift_right_logical3A_261 = vector.broadcast %shift_right_logical3A_260 : i32 to vector<16xi32>
      %shift_right_logical3A_262 = arith.shrui %get3A_259, %shift_right_logical3A_261 : vector<16xi32>
      %and3A_263 = arith.constant 3 : i32
      %and3A_264 = vector.broadcast %and3A_263 : i32 to vector<16xi32>
      %and3A_265 = arith.andi %shift_right_logical3A_262, %and3A_264 : vector<16xi32>
      %shift_left3A_266 = arith.constant 5 : i32
      %shift_left3A_267 = vector.broadcast %shift_left3A_266 : i32 to vector<16xi32>
      %shift_left3A_268 = arith.shli %and3A_265, %shift_left3A_267 : vector<16xi32>
      %broadcast_in_dim3A = arith.constant 0.000000e+00 : f32
      %broadcast_in_dim3A_269 = vector.broadcast %broadcast_in_dim3A : f32 to vector<16xf32>
      %add3A_270 = arith.constant 0 : i32
      %add3A_271 = vector.broadcast %add3A_270 : i32 to vector<16xi32>
      %add3A_272 = arith.addi %shift_left3A_256, %add3A_271 : vector<16xi32>
      %gather3A = tpu.vector_load_idx %arg11[%add3A_215, %add3A_272] : memref<256x128xf32, #tpu.memory_space<vmem>>[vector<16xi32>, vector<16xi32>], vector<16xf32>,
      %add3A_273 = arith.constant 0 : i32
      %add3A_274 = vector.broadcast %add3A_273 : i32 to vector<16xi32>
      %add3A_275 = arith.addi %shift_left3A_268, %add3A_274 : vector<16xi32>
      %gather3A_276 = tpu.vector_load_idx %arg12[%add3A_215, %add3A_275] : memref<256x128xf32, #tpu.memory_space<vmem>>[vector<16xi32>, vector<16xi32>], vector<16xf32>,
      %mul3A_277 = arith.mulf %gather3A, %gather3A_276 : vector<16xf32>
      %add3A_278 = arith.addf %broadcast_in_dim3A_269, %mul3A_277 : vector<16xf32>
      %add3A_279 = arith.constant 1 : i32
      %add3A_280 = vector.broadcast %add3A_279 : i32 to vector<16xi32>
      %add3A_281 = arith.addi %shift_left3A_256, %add3A_280 : vector<16xi32>
      %gather3A_282 = tpu.vector_load_idx %arg11[%add3A_215, %add3A_281] : memref<256x128xf32, #tpu.memory_space<vmem>>[vector<16xi32>, vector<16xi32>], vector<16xf32>,
      %add3A_283 = arith.constant 1 : i32
      %add3A_284 = vector.broadcast %add3A_283 : i32 to vector<16xi32>
      %add3A_285 = arith.addi %shift_left3A_268, %add3A_284 : vector<16xi32>
      %gather3A_286 = tpu.vector_load_idx %arg12[%add3A_215, %add3A_285] : memref<256x128xf32, #tpu.memory_space<vmem>>[vector<16xi32>, vector<16xi32>], vector<16xf32>,
      %mul3A_287 = arith.mulf %gather3A_282, %gather3A_286 : vector<16xf32>
      %add3A_288 = arith.addf %add3A_278, %mul3A_287 : vector<16xf32>
      %add3A_289 = arith.constant 2 : i32
      %add3A_290 = vector.broadcast %add3A_289 : i32 to vector<16xi32>
      %add3A_291 = arith.addi %shift_left3A_256, %add3A_290 : vector<16xi32>
      %gather3A_292 = tpu.vector_load_idx %arg11[%add3A_215, %add3A_291] : memref<256x128xf32, #tpu.memory_space<vmem>>[vector<16xi32>, vector<16xi32>], vector<16xf32>,
      %add3A_293 = arith.constant 2 : i32
      %add3A_294 = vector.broadcast %add3A_293 : i32 to vector<16xi32>
      %add3A_295 = arith.addi %shift_left3A_268, %add3A_294 : vector<16xi32>
      %gather3A_296 = tpu.vector_load_idx %arg12[%add3A_215, %add3A_295] : memref<256x128xf32, #tpu.memory_space<vmem>>[vector<16xi32>, vector<16xi32>], vector<16xf32>,
      %mul3A_297 = arith.mulf %gather3A_292, %gather3A_296 : vector<16xf32>
      %add3A_298 = arith.addf %add3A_288, %mul3A_297 : vector<16xf32>
      %add3A_299 = arith.constant 3 : i32
      %add3A_300 = vector.broadcast %add3A_299 : i32 to vector<16xi32>
      %add3A_301 = arith.addi %shift_left3A_256, %add3A_300 : vector<16xi32>
      %gather3A_302 = tpu.vector_load_idx %arg11[%add3A_215, %add3A_301] : memref<256x128xf32, #tpu.memory_space<vmem>>[vector<16xi32>, vector<16xi32>], vector<16xf32>,
      %add3A_303 = arith.constant 3 : i32
      %add3A_304 = vector.broadcast %add3A_303 : i32 to vector<16xi32>
      %add3A_305 = arith.addi %shift_left3A_268, %add3A_304 : vector<16xi32>
      %gather3A_306 = tpu.vector_load_idx %arg12[%add3A_215, %add3A_305] : memref<256x128xf32, #tpu.memory_space<vmem>>[vector<16xi32>, vector<16xi32>], vector<16xf32>,
      %mul3A_307 = arith.mulf %gather3A_302, %gather3A_306 : vector<16xf32>
      %add3A_308 = arith.addf %add3A_298, %mul3A_307 : vector<16xf32>
      %add3A_309 = arith.constant 4 : i32
      %add3A_310 = vector.broadcast %add3A_309 : i32 to vector<16xi32>
      %add3A_311 = arith.addi %shift_left3A_256, %add3A_310 : vector<16xi32>
      %gather3A_312 = tpu.vector_load_idx %arg11[%add3A_215, %add3A_311] : memref<256x128xf32, #tpu.memory_space<vmem>>[vector<16xi32>, vector<16xi32>], vector<16xf32>,
      %add3A_313 = arith.constant 4 : i32
      %add3A_314 = vector.broadcast %add3A_313 : i32 to vector<16xi32>
      %add3A_315 = arith.addi %shift_left3A_268, %add3A_314 : vector<16xi32>
      %gather3A_316 = tpu.vector_load_idx %arg12[%add3A_215, %add3A_315] : memref<256x128xf32, #tpu.memory_space<vmem>>[vector<16xi32>, vector<16xi32>], vector<16xf32>,
      %mul3A_317 = arith.mulf %gather3A_312, %gather3A_316 : vector<16xf32>
      %add3A_318 = arith.addf %add3A_308, %mul3A_317 : vector<16xf32>
      %add3A_319 = arith.constant 5 : i32
      %add3A_320 = vector.broadcast %add3A_319 : i32 to vector<16xi32>
      %add3A_321 = arith.addi %shift_left3A_256, %add3A_320 : vector<16xi32>
      %gather3A_322 = tpu.vector_load_idx %arg11[%add3A_215, %add3A_321] : memref<256x128xf32, #tpu.memory_space<vmem>>[vector<16xi32>, vector<16xi32>], vector<16xf32>,
      %add3A_323 = arith.constant 5 : i32
      %add3A_324 = vector.broadcast %add3A_323 : i32 to vector<16xi32>
      %add3A_325 = arith.addi %shift_left3A_268, %add3A_324 : vector<16xi32>
      %gather3A_326 = tpu.vector_load_idx %arg12[%add3A_215, %add3A_325] : memref<256x128xf32, #tpu.memory_space<vmem>>[vector<16xi32>, vector<16xi32>], vector<16xf32>,
      %mul3A_327 = arith.mulf %gather3A_322, %gather3A_326 : vector<16xf32>
      %add3A_328 = arith.addf %add3A_318, %mul3A_327 : vector<16xf32>
      %add3A_329 = arith.constant 6 : i32
      %add3A_330 = vector.broadcast %add3A_329 : i32 to vector<16xi32>
      %add3A_331 = arith.addi %shift_left3A_256, %add3A_330 : vector<16xi32>
      %gather3A_332 = tpu.vector_load_idx %arg11[%add3A_215, %add3A_331] : memref<256x128xf32, #tpu.memory_space<vmem>>[vector<16xi32>, vector<16xi32>], vector<16xf32>,
      %add3A_333 = arith.constant 6 : i32
      %add3A_334 = vector.broadcast %add3A_333 : i32 to vector<16xi32>
      %add3A_335 = arith.addi %shift_left3A_268, %add3A_334 : vector<16xi32>
      %gather3A_336 = tpu.vector_load_idx %arg12[%add3A_215, %add3A_335] : memref<256x128xf32, #tpu.memory_space<vmem>>[vector<16xi32>, vector<16xi32>], vector<16xf32>,
      %mul3A_337 = arith.mulf %gather3A_332, %gather3A_336 : vector<16xf32>
      %add3A_338 = arith.addf %add3A_328, %mul3A_337 : vector<16xf32>
      %add3A_339 = arith.constant 7 : i32
      %add3A_340 = vector.broadcast %add3A_339 : i32 to vector<16xi32>
      %add3A_341 = arith.addi %shift_left3A_256, %add3A_340 : vector<16xi32>
      %gather3A_342 = tpu.vector_load_idx %arg11[%add3A_215, %add3A_341] : memref<256x128xf32, #tpu.memory_space<vmem>>[vector<16xi32>, vector<16xi32>], vector<16xf32>,
      %add3A_343 = arith.constant 7 : i32
      %add3A_344 = vector.broadcast %add3A_343 : i32 to vector<16xi32>
      %add3A_345 = arith.addi %shift_left3A_268, %add3A_344 : vector<16xi32>
      %gather3A_346 = tpu.vector_load_idx %arg12[%add3A_215, %add3A_345] : memref<256x128xf32, #tpu.memory_space<vmem>>[vector<16xi32>, vector<16xi32>], vector<16xf32>,
      %mul3A_347 = arith.mulf %gather3A_342, %gather3A_346 : vector<16xf32>
      %add3A_348 = arith.addf %add3A_338, %mul3A_347 : vector<16xf32>
      %add3A_349 = arith.constant 8 : i32
      %add3A_350 = vector.broadcast %add3A_349 : i32 to vector<16xi32>
      %add3A_351 = arith.addi %shift_left3A_256, %add3A_350 : vector<16xi32>
      %gather3A_352 = tpu.vector_load_idx %arg11[%add3A_215, %add3A_351] : memref<256x128xf32, #tpu.memory_space<vmem>>[vector<16xi32>, vector<16xi32>], vector<16xf32>,
      %add3A_353 = arith.constant 8 : i32
      %add3A_354 = vector.broadcast %add3A_353 : i32 to vector<16xi32>
      %add3A_355 = arith.addi %shift_left3A_268, %add3A_354 : vector<16xi32>
      %gather3A_356 = tpu.vector_load_idx %arg12[%add3A_215, %add3A_355] : memref<256x128xf32, #tpu.memory_space<vmem>>[vector<16xi32>, vector<16xi32>], vector<16xf32>,
      %mul3A_357 = arith.mulf %gather3A_352, %gather3A_356 : vector<16xf32>
      %add3A_358 = arith.addf %add3A_348, %mul3A_357 : vector<16xf32>
      %add3A_359 = arith.constant 9 : i32
      %add3A_360 = vector.broadcast %add3A_359 : i32 to vector<16xi32>
      %add3A_361 = arith.addi %shift_left3A_256, %add3A_360 : vector<16xi32>
      %gather3A_362 = tpu.vector_load_idx %arg11[%add3A_215, %add3A_361] : memref<256x128xf32, #tpu.memory_space<vmem>>[vector<16xi32>, vector<16xi32>], vector<16xf32>,
      %add3A_363 = arith.constant 9 : i32
      %add3A_364 = vector.broadcast %add3A_363 : i32 to vector<16xi32>
      %add3A_365 = arith.addi %shift_left3A_268, %add3A_364 : vector<16xi32>
      %gather3A_366 = tpu.vector_load_idx %arg12[%add3A_215, %add3A_365] : memref<256x128xf32, #tpu.memory_space<vmem>>[vector<16xi32>, vector<16xi32>], vector<16xf32>,
      %mul3A_367 = arith.mulf %gather3A_362, %gather3A_366 : vector<16xf32>
      %add3A_368 = arith.addf %add3A_358, %mul3A_367 : vector<16xf32>
      %add3A_369 = arith.constant 10 : i32
      %add3A_370 = vector.broadcast %add3A_369 : i32 to vector<16xi32>
      %add3A_371 = arith.addi %shift_left3A_256, %add3A_370 : vector<16xi32>
      %gather3A_372 = tpu.vector_load_idx %arg11[%add3A_215, %add3A_371] : memref<256x128xf32, #tpu.memory_space<vmem>>[vector<16xi32>, vector<16xi32>], vector<16xf32>,
      %add3A_373 = arith.constant 10 : i32
      %add3A_374 = vector.broadcast %add3A_373 : i32 to vector<16xi32>
      %add3A_375 = arith.addi %shift_left3A_268, %add3A_374 : vector<16xi32>
      %gather3A_376 = tpu.vector_load_idx %arg12[%add3A_215, %add3A_375] : memref<256x128xf32, #tpu.memory_space<vmem>>[vector<16xi32>, vector<16xi32>], vector<16xf32>,
      %mul3A_377 = arith.mulf %gather3A_372, %gather3A_376 : vector<16xf32>
      %add3A_378 = arith.addf %add3A_368, %mul3A_377 : vector<16xf32>
      %add3A_379 = arith.constant 11 : i32
      %add3A_380 = vector.broadcast %add3A_379 : i32 to vector<16xi32>
      %add3A_381 = arith.addi %shift_left3A_256, %add3A_380 : vector<16xi32>
      %gather3A_382 = tpu.vector_load_idx %arg11[%add3A_215, %add3A_381] : memref<256x128xf32, #tpu.memory_space<vmem>>[vector<16xi32>, vector<16xi32>], vector<16xf32>,
      %add3A_383 = arith.constant 11 : i32
      %add3A_384 = vector.broadcast %add3A_383 : i32 to vector<16xi32>
      %add3A_385 = arith.addi %shift_left3A_268, %add3A_384 : vector<16xi32>
      %gather3A_386 = tpu.vector_load_idx %arg12[%add3A_215, %add3A_385] : memref<256x128xf32, #tpu.memory_space<vmem>>[vector<16xi32>, vector<16xi32>], vector<16xf32>,
      %mul3A_387 = arith.mulf %gather3A_382, %gather3A_386 : vector<16xf32>
      %add3A_388 = arith.addf %add3A_378, %mul3A_387 : vector<16xf32>
      %add3A_389 = arith.constant 12 : i32
      %add3A_390 = vector.broadcast %add3A_389 : i32 to vector<16xi32>
      %add3A_391 = arith.addi %shift_left3A_256, %add3A_390 : vector<16xi32>
      %gather3A_392 = tpu.vector_load_idx %arg11[%add3A_215, %add3A_391] : memref<256x128xf32, #tpu.memory_space<vmem>>[vector<16xi32>, vector<16xi32>], vector<16xf32>,
      %add3A_393 = arith.constant 12 : i32
      %add3A_394 = vector.broadcast %add3A_393 : i32 to vector<16xi32>
      %add3A_395 = arith.addi %shift_left3A_268, %add3A_394 : vector<16xi32>
      %gather3A_396 = tpu.vector_load_idx %arg12[%add3A_215, %add3A_395] : memref<256x128xf32, #tpu.memory_space<vmem>>[vector<16xi32>, vector<16xi32>], vector<16xf32>,
      %mul3A_397 = arith.mulf %gather3A_392, %gather3A_396 : vector<16xf32>
      %add3A_398 = arith.addf %add3A_388, %mul3A_397 : vector<16xf32>
      %add3A_399 = arith.constant 13 : i32
      %add3A_400 = vector.broadcast %add3A_399 : i32 to vector<16xi32>
      %add3A_401 = arith.addi %shift_left3A_256, %add3A_400 : vector<16xi32>
      %gather3A_402 = tpu.vector_load_idx %arg11[%add3A_215, %add3A_401] : memref<256x128xf32, #tpu.memory_space<vmem>>[vector<16xi32>, vector<16xi32>], vector<16xf32>,
      %add3A_403 = arith.constant 13 : i32
      %add3A_404 = vector.broadcast %add3A_403 : i32 to vector<16xi32>
      %add3A_405 = arith.addi %shift_left3A_268, %add3A_404 : vector<16xi32>
      %gather3A_406 = tpu.vector_load_idx %arg12[%add3A_215, %add3A_405] : memref<256x128xf32, #tpu.memory_space<vmem>>[vector<16xi32>, vector<16xi32>], vector<16xf32>,
      %mul3A_407 = arith.mulf %gather3A_402, %gather3A_406 : vector<16xf32>
      %add3A_408 = arith.addf %add3A_398, %mul3A_407 : vector<16xf32>
      %add3A_409 = arith.constant 14 : i32
      %add3A_410 = vector.broadcast %add3A_409 : i32 to vector<16xi32>
      %add3A_411 = arith.addi %shift_left3A_256, %add3A_410 : vector<16xi32>
      %gather3A_412 = tpu.vector_load_idx %arg11[%add3A_215, %add3A_411] : memref<256x128xf32, #tpu.memory_space<vmem>>[vector<16xi32>, vector<16xi32>], vector<16xf32>,
      %add3A_413 = arith.constant 14 : i32
      %add3A_414 = vector.broadcast %add3A_413 : i32 to vector<16xi32>
      %add3A_415 = arith.addi %shift_left3A_268, %add3A_414 : vector<16xi32>
      %gather3A_416 = tpu.vector_load_idx %arg12[%add3A_215, %add3A_415] : memref<256x128xf32, #tpu.memory_space<vmem>>[vector<16xi32>, vector<16xi32>], vector<16xf32>,
      %mul3A_417 = arith.mulf %gather3A_412, %gather3A_416 : vector<16xf32>
      %add3A_418 = arith.addf %add3A_408, %mul3A_417 : vector<16xf32>
      %add3A_419 = arith.constant 15 : i32
      %add3A_420 = vector.broadcast %add3A_419 : i32 to vector<16xi32>
      %add3A_421 = arith.addi %shift_left3A_256, %add3A_420 : vector<16xi32>
      %gather3A_422 = tpu.vector_load_idx %arg11[%add3A_215, %add3A_421] : memref<256x128xf32, #tpu.memory_space<vmem>>[vector<16xi32>, vector<16xi32>], vector<16xf32>,
      %add3A_423 = arith.constant 15 : i32
      %add3A_424 = vector.broadcast %add3A_423 : i32 to vector<16xi32>
      %add3A_425 = arith.addi %shift_left3A_268, %add3A_424 : vector<16xi32>
      %gather3A_426 = tpu.vector_load_idx %arg12[%add3A_215, %add3A_425] : memref<256x128xf32, #tpu.memory_space<vmem>>[vector<16xi32>, vector<16xi32>], vector<16xf32>,
      %mul3A_427 = arith.mulf %gather3A_422, %gather3A_426 : vector<16xf32>
      %add3A_428 = arith.addf %add3A_418, %mul3A_427 : vector<16xf32>
      %add3A_429 = arith.constant 16 : i32
      %add3A_430 = vector.broadcast %add3A_429 : i32 to vector<16xi32>
      %add3A_431 = arith.addi %shift_left3A_256, %add3A_430 : vector<16xi32>
      %gather3A_432 = tpu.vector_load_idx %arg11[%add3A_215, %add3A_431] : memref<256x128xf32, #tpu.memory_space<vmem>>[vector<16xi32>, vector<16xi32>], vector<16xf32>,
      %add3A_433 = arith.constant 16 : i32
      %add3A_434 = vector.broadcast %add3A_433 : i32 to vector<16xi32>
      %add3A_435 = arith.addi %shift_left3A_268, %add3A_434 : vector<16xi32>
      %gather3A_436 = tpu.vector_load_idx %arg12[%add3A_215, %add3A_435] : memref<256x128xf32, #tpu.memory_space<vmem>>[vector<16xi32>, vector<16xi32>], vector<16xf32>,
      %mul3A_437 = arith.mulf %gather3A_432, %gather3A_436 : vector<16xf32>
      %add3A_438 = arith.addf %add3A_428, %mul3A_437 : vector<16xf32>
      %add3A_439 = arith.constant 17 : i32
      %add3A_440 = vector.broadcast %add3A_439 : i32 to vector<16xi32>
      %add3A_441 = arith.addi %shift_left3A_256, %add3A_440 : vector<16xi32>
      %gather3A_442 = tpu.vector_load_idx %arg11[%add3A_215, %add3A_441] : memref<256x128xf32, #tpu.memory_space<vmem>>[vector<16xi32>, vector<16xi32>], vector<16xf32>,
      %add3A_443 = arith.constant 17 : i32
      %add3A_444 = vector.broadcast %add3A_443 : i32 to vector<16xi32>
      %add3A_445 = arith.addi %shift_left3A_268, %add3A_444 : vector<16xi32>
      %gather3A_446 = tpu.vector_load_idx %arg12[%add3A_215, %add3A_445] : memref<256x128xf32, #tpu.memory_space<vmem>>[vector<16xi32>, vector<16xi32>], vector<16xf32>,
      %mul3A_447 = arith.mulf %gather3A_442, %gather3A_446 : vector<16xf32>
      %add3A_448 = arith.addf %add3A_438, %mul3A_447 : vector<16xf32>
      %add3A_449 = arith.constant 18 : i32
      %add3A_450 = vector.broadcast %add3A_449 : i32 to vector<16xi32>
      %add3A_451 = arith.addi %shift_left3A_256, %add3A_450 : vector<16xi32>
      %gather3A_452 = tpu.vector_load_idx %arg11[%add3A_215, %add3A_451] : memref<256x128xf32, #tpu.memory_space<vmem>>[vector<16xi32>, vector<16xi32>], vector<16xf32>,
      %add3A_453 = arith.constant 18 : i32
      %add3A_454 = vector.broadcast %add3A_453 : i32 to vector<16xi32>
      %add3A_455 = arith.addi %shift_left3A_268, %add3A_454 : vector<16xi32>
      %gather3A_456 = tpu.vector_load_idx %arg12[%add3A_215, %add3A_455] : memref<256x128xf32, #tpu.memory_space<vmem>>[vector<16xi32>, vector<16xi32>], vector<16xf32>,
      %mul3A_457 = arith.mulf %gather3A_452, %gather3A_456 : vector<16xf32>
      %add3A_458 = arith.addf %add3A_448, %mul3A_457 : vector<16xf32>
      %add3A_459 = arith.constant 19 : i32
      %add3A_460 = vector.broadcast %add3A_459 : i32 to vector<16xi32>
      %add3A_461 = arith.addi %shift_left3A_256, %add3A_460 : vector<16xi32>
      %gather3A_462 = tpu.vector_load_idx %arg11[%add3A_215, %add3A_461] : memref<256x128xf32, #tpu.memory_space<vmem>>[vector<16xi32>, vector<16xi32>], vector<16xf32>,
      %add3A_463 = arith.constant 19 : i32
      %add3A_464 = vector.broadcast %add3A_463 : i32 to vector<16xi32>
      %add3A_465 = arith.addi %shift_left3A_268, %add3A_464 : vector<16xi32>
      %gather3A_466 = tpu.vector_load_idx %arg12[%add3A_215, %add3A_465] : memref<256x128xf32, #tpu.memory_space<vmem>>[vector<16xi32>, vector<16xi32>], vector<16xf32>,
      %mul3A_467 = arith.mulf %gather3A_462, %gather3A_466 : vector<16xf32>
      %add3A_468 = arith.addf %add3A_458, %mul3A_467 : vector<16xf32>
      %add3A_469 = arith.constant 20 : i32
      %add3A_470 = vector.broadcast %add3A_469 : i32 to vector<16xi32>
      %add3A_471 = arith.addi %shift_left3A_256, %add3A_470 : vector<16xi32>
      %gather3A_472 = tpu.vector_load_idx %arg11[%add3A_215, %add3A_471] : memref<256x128xf32, #tpu.memory_space<vmem>>[vector<16xi32>, vector<16xi32>], vector<16xf32>,
      %add3A_473 = arith.constant 20 : i32
      %add3A_474 = vector.broadcast %add3A_473 : i32 to vector<16xi32>
      %add3A_475 = arith.addi %shift_left3A_268, %add3A_474 : vector<16xi32>
      %gather3A_476 = tpu.vector_load_idx %arg12[%add3A_215, %add3A_475] : memref<256x128xf32, #tpu.memory_space<vmem>>[vector<16xi32>, vector<16xi32>], vector<16xf32>,
      %mul3A_477 = arith.mulf %gather3A_472, %gather3A_476 : vector<16xf32>
      %add3A_478 = arith.addf %add3A_468, %mul3A_477 : vector<16xf32>
      %add3A_479 = arith.constant 21 : i32
      %add3A_480 = vector.broadcast %add3A_479 : i32 to vector<16xi32>
      %add3A_481 = arith.addi %shift_left3A_256, %add3A_480 : vector<16xi32>
      %gather3A_482 = tpu.vector_load_idx %arg11[%add3A_215, %add3A_481] : memref<256x128xf32, #tpu.memory_space<vmem>>[vector<16xi32>, vector<16xi32>], vector<16xf32>,
      %add3A_483 = arith.constant 21 : i32
      %add3A_484 = vector.broadcast %add3A_483 : i32 to vector<16xi32>
      %add3A_485 = arith.addi %shift_left3A_268, %add3A_484 : vector<16xi32>
      %gather3A_486 = tpu.vector_load_idx %arg12[%add3A_215, %add3A_485] : memref<256x128xf32, #tpu.memory_space<vmem>>[vector<16xi32>, vector<16xi32>], vector<16xf32>,
      %mul3A_487 = arith.mulf %gather3A_482, %gather3A_486 : vector<16xf32>
      %add3A_488 = arith.addf %add3A_478, %mul3A_487 : vector<16xf32>
      %add3A_489 = arith.constant 22 : i32
      %add3A_490 = vector.broadcast %add3A_489 : i32 to vector<16xi32>
      %add3A_491 = arith.addi %shift_left3A_256, %add3A_490 : vector<16xi32>
      %gather3A_492 = tpu.vector_load_idx %arg11[%add3A_215, %add3A_491] : memref<256x128xf32, #tpu.memory_space<vmem>>[vector<16xi32>, vector<16xi32>], vector<16xf32>,
      %add3A_493 = arith.constant 22 : i32
      %add3A_494 = vector.broadcast %add3A_493 : i32 to vector<16xi32>
      %add3A_495 = arith.addi %shift_left3A_268, %add3A_494 : vector<16xi32>
      %gather3A_496 = tpu.vector_load_idx %arg12[%add3A_215, %add3A_495] : memref<256x128xf32, #tpu.memory_space<vmem>>[vector<16xi32>, vector<16xi32>], vector<16xf32>,
      %mul3A_497 = arith.mulf %gather3A_492, %gather3A_496 : vector<16xf32>
      %add3A_498 = arith.addf %add3A_488, %mul3A_497 : vector<16xf32>
      %add3A_499 = arith.constant 23 : i32
      %add3A_500 = vector.broadcast %add3A_499 : i32 to vector<16xi32>
      %add3A_501 = arith.addi %shift_left3A_256, %add3A_500 : vector<16xi32>
      %gather3A_502 = tpu.vector_load_idx %arg11[%add3A_215, %add3A_501] : memref<256x128xf32, #tpu.memory_space<vmem>>[vector<16xi32>, vector<16xi32>], vector<16xf32>,
      %add3A_503 = arith.constant 23 : i32
      %add3A_504 = vector.broadcast %add3A_503 : i32 to vector<16xi32>
      %add3A_505 = arith.addi %shift_left3A_268, %add3A_504 : vector<16xi32>
      %gather3A_506 = tpu.vector_load_idx %arg12[%add3A_215, %add3A_505] : memref<256x128xf32, #tpu.memory_space<vmem>>[vector<16xi32>, vector<16xi32>], vector<16xf32>,
      %mul3A_507 = arith.mulf %gather3A_502, %gather3A_506 : vector<16xf32>
      %add3A_508 = arith.addf %add3A_498, %mul3A_507 : vector<16xf32>
      %add3A_509 = arith.constant 24 : i32
      %add3A_510 = vector.broadcast %add3A_509 : i32 to vector<16xi32>
      %add3A_511 = arith.addi %shift_left3A_256, %add3A_510 : vector<16xi32>
      %gather3A_512 = tpu.vector_load_idx %arg11[%add3A_215, %add3A_511] : memref<256x128xf32, #tpu.memory_space<vmem>>[vector<16xi32>, vector<16xi32>], vector<16xf32>,
      %add3A_513 = arith.constant 24 : i32
      %add3A_514 = vector.broadcast %add3A_513 : i32 to vector<16xi32>
      %add3A_515 = arith.addi %shift_left3A_268, %add3A_514 : vector<16xi32>
      %gather3A_516 = tpu.vector_load_idx %arg12[%add3A_215, %add3A_515] : memref<256x128xf32, #tpu.memory_space<vmem>>[vector<16xi32>, vector<16xi32>], vector<16xf32>,
      %mul3A_517 = arith.mulf %gather3A_512, %gather3A_516 : vector<16xf32>
      %add3A_518 = arith.addf %add3A_508, %mul3A_517 : vector<16xf32>
      %add3A_519 = arith.constant 25 : i32
      %add3A_520 = vector.broadcast %add3A_519 : i32 to vector<16xi32>
      %add3A_521 = arith.addi %shift_left3A_256, %add3A_520 : vector<16xi32>
      %gather3A_522 = tpu.vector_load_idx %arg11[%add3A_215, %add3A_521] : memref<256x128xf32, #tpu.memory_space<vmem>>[vector<16xi32>, vector<16xi32>], vector<16xf32>,
      %add3A_523 = arith.constant 25 : i32
      %add3A_524 = vector.broadcast %add3A_523 : i32 to vector<16xi32>
      %add3A_525 = arith.addi %shift_left3A_268, %add3A_524 : vector<16xi32>
      %gather3A_526 = tpu.vector_load_idx %arg12[%add3A_215, %add3A_525] : memref<256x128xf32, #tpu.memory_space<vmem>>[vector<16xi32>, vector<16xi32>], vector<16xf32>,
      %mul3A_527 = arith.mulf %gather3A_522, %gather3A_526 : vector<16xf32>
      %add3A_528 = arith.addf %add3A_518, %mul3A_527 : vector<16xf32>
      %add3A_529 = arith.constant 26 : i32
      %add3A_530 = vector.broadcast %add3A_529 : i32 to vector<16xi32>
      %add3A_531 = arith.addi %shift_left3A_256, %add3A_530 : vector<16xi32>
      %gather3A_532 = tpu.vector_load_idx %arg11[%add3A_215, %add3A_531] : memref<256x128xf32, #tpu.memory_space<vmem>>[vector<16xi32>, vector<16xi32>], vector<16xf32>,
      %add3A_533 = arith.constant 26 : i32
      %add3A_534 = vector.broadcast %add3A_533 : i32 to vector<16xi32>
      %add3A_535 = arith.addi %shift_left3A_268, %add3A_534 : vector<16xi32>
      %gather3A_536 = tpu.vector_load_idx %arg12[%add3A_215, %add3A_535] : memref<256x128xf32, #tpu.memory_space<vmem>>[vector<16xi32>, vector<16xi32>], vector<16xf32>,
      %mul3A_537 = arith.mulf %gather3A_532, %gather3A_536 : vector<16xf32>
      %add3A_538 = arith.addf %add3A_528, %mul3A_537 : vector<16xf32>
      %add3A_539 = arith.constant 27 : i32
      %add3A_540 = vector.broadcast %add3A_539 : i32 to vector<16xi32>
      %add3A_541 = arith.addi %shift_left3A_256, %add3A_540 : vector<16xi32>
      %gather3A_542 = tpu.vector_load_idx %arg11[%add3A_215, %add3A_541] : memref<256x128xf32, #tpu.memory_space<vmem>>[vector<16xi32>, vector<16xi32>], vector<16xf32>,
      %add3A_543 = arith.constant 27 : i32
      %add3A_544 = vector.broadcast %add3A_543 : i32 to vector<16xi32>
      %add3A_545 = arith.addi %shift_left3A_268, %add3A_544 : vector<16xi32>
      %gather3A_546 = tpu.vector_load_idx %arg12[%add3A_215, %add3A_545] : memref<256x128xf32, #tpu.memory_space<vmem>>[vector<16xi32>, vector<16xi32>], vector<16xf32>,
      %mul3A_547 = arith.mulf %gather3A_542, %gather3A_546 : vector<16xf32>
      %add3A_548 = arith.addf %add3A_538, %mul3A_547 : vector<16xf32>
      %add3A_549 = arith.constant 28 : i32
      %add3A_550 = vector.broadcast %add3A_549 : i32 to vector<16xi32>
      %add3A_551 = arith.addi %shift_left3A_256, %add3A_550 : vector<16xi32>
      %gather3A_552 = tpu.vector_load_idx %arg11[%add3A_215, %add3A_551] : memref<256x128xf32, #tpu.memory_space<vmem>>[vector<16xi32>, vector<16xi32>], vector<16xf32>,
      %add3A_553 = arith.constant 28 : i32
      %add3A_554 = vector.broadcast %add3A_553 : i32 to vector<16xi32>
      %add3A_555 = arith.addi %shift_left3A_268, %add3A_554 : vector<16xi32>
      %gather3A_556 = tpu.vector_load_idx %arg12[%add3A_215, %add3A_555] : memref<256x128xf32, #tpu.memory_space<vmem>>[vector<16xi32>, vector<16xi32>], vector<16xf32>,
      %mul3A_557 = arith.mulf %gather3A_552, %gather3A_556 : vector<16xf32>
      %add3A_558 = arith.addf %add3A_548, %mul3A_557 : vector<16xf32>
      %add3A_559 = arith.constant 29 : i32
      %add3A_560 = vector.broadcast %add3A_559 : i32 to vector<16xi32>
      %add3A_561 = arith.addi %shift_left3A_256, %add3A_560 : vector<16xi32>
      %gather3A_562 = tpu.vector_load_idx %arg11[%add3A_215, %add3A_561] : memref<256x128xf32, #tpu.memory_space<vmem>>[vector<16xi32>, vector<16xi32>], vector<16xf32>,
      %add3A_563 = arith.constant 29 : i32
      %add3A_564 = vector.broadcast %add3A_563 : i32 to vector<16xi32>
      %add3A_565 = arith.addi %shift_left3A_268, %add3A_564 : vector<16xi32>
      %gather3A_566 = tpu.vector_load_idx %arg12[%add3A_215, %add3A_565] : memref<256x128xf32, #tpu.memory_space<vmem>>[vector<16xi32>, vector<16xi32>], vector<16xf32>,
      %mul3A_567 = arith.mulf %gather3A_562, %gather3A_566 : vector<16xf32>
      %add3A_568 = arith.addf %add3A_558, %mul3A_567 : vector<16xf32>
      %add3A_569 = arith.constant 30 : i32
      %add3A_570 = vector.broadcast %add3A_569 : i32 to vector<16xi32>
      %add3A_571 = arith.addi %shift_left3A_256, %add3A_570 : vector<16xi32>
      %gather3A_572 = tpu.vector_load_idx %arg11[%add3A_215, %add3A_571] : memref<256x128xf32, #tpu.memory_space<vmem>>[vector<16xi32>, vector<16xi32>], vector<16xf32>,
      %add3A_573 = arith.constant 30 : i32
      %add3A_574 = vector.broadcast %add3A_573 : i32 to vector<16xi32>
      %add3A_575 = arith.addi %shift_left3A_268, %add3A_574 : vector<16xi32>
      %gather3A_576 = tpu.vector_load_idx %arg12[%add3A_215, %add3A_575] : memref<256x128xf32, #tpu.memory_space<vmem>>[vector<16xi32>, vector<16xi32>], vector<16xf32>,
      %mul3A_577 = arith.mulf %gather3A_572, %gather3A_576 : vector<16xf32>
      %add3A_578 = arith.addf %add3A_568, %mul3A_577 : vector<16xf32>
      %add3A_579 = arith.constant 31 : i32
      %add3A_580 = vector.broadcast %add3A_579 : i32 to vector<16xi32>
      %add3A_581 = arith.addi %shift_left3A_256, %add3A_580 : vector<16xi32>
      %gather3A_582 = tpu.vector_load_idx %arg11[%add3A_215, %add3A_581] : memref<256x128xf32, #tpu.memory_space<vmem>>[vector<16xi32>, vector<16xi32>], vector<16xf32>,
      %add3A_583 = arith.constant 31 : i32
      %add3A_584 = vector.broadcast %add3A_583 : i32 to vector<16xi32>
      %add3A_585 = arith.addi %shift_left3A_268, %add3A_584 : vector<16xi32>
      %gather3A_586 = tpu.vector_load_idx %arg12[%add3A_215, %add3A_585] : memref<256x128xf32, #tpu.memory_space<vmem>>[vector<16xi32>, vector<16xi32>], vector<16xf32>,
      %mul3A_587 = arith.mulf %gather3A_582, %gather3A_586 : vector<16xf32>
      %add3A_588 = arith.addf %add3A_578, %mul3A_587 : vector<16xf32>
      %mul3A_589 = arith.constant 16 : i32
      %mul3A_590 = arith.muli %scan3A_211, %mul3A_589 : i32
      %add3A_591 = arith.constant 256 : i32
      %add3A_592 = arith.addi %add3A_591, %mul3A_590 : i32
      %swap3A = arith.index_cast %add3A_592 : i32 to index
      %swap3A_593 = tpu.vector_load %arg13[%swap3A] {strides = array<i32>} : memref<512xf32, #tpu.memory_space<vmem>>, vector<16xf32>,
      tpu.vector_store %arg13[%swap3A], %add3A_588 {strides = array<i32>} : memref<512xf32, #tpu.memory_space<vmem>>, vector<16xf32>,
    }
    %scan3A_210 = arith.constant 16 : i32
    "tpu.region"() ({
      %run_scoped3A_211 = tpu.sem_alloc : memref<!tpu.dma_semaphore, #tpu.memory_space<semaphore_mem>>
      %dma_start3A_212 = tpu.memref_slice %arg6[%mul3A_2] : memref<16384xf32, #tpu.memory_space<hbm>> -> memref<512xf32, #tpu.memory_space<hbm>>
      %dma_start3A_213 = tpu.memref_slice %arg6[%mul3A_2] : memref<16384xf32, #tpu.memory_space<hbm>> -> memref<512xf32, #tpu.memory_space<hbm>>
      tpu.enqueue_dma source(%arg13 : memref<512xf32, #tpu.memory_space<vmem>>) target(%dma_start3A_213 : memref<512xf32, #tpu.memory_space<hbm>>) target_semaphore(%run_scoped3A_211 : memref<!tpu.dma_semaphore, #tpu.memory_space<semaphore_mem>>)
      %dma_wait3A_214 = tpu.memref_slice %arg6[%mul3A_2] : memref<16384xf32, #tpu.memory_space<hbm>> -> memref<512xf32, #tpu.memory_space<hbm>>
      %dma_wait3A_215 = tpu.memref_slice %arg6[%mul3A_2] : memref<16384xf32, #tpu.memory_space<hbm>> -> memref<512xf32, #tpu.memory_space<hbm>>
      tpu.wait_dma2 semaphore(%run_scoped3A_211 : memref<!tpu.dma_semaphore, #tpu.memory_space<semaphore_mem>>) src(%arg13 : memref<512xf32, #tpu.memory_space<vmem>>) dst(%dma_wait3A_215 : memref<512xf32, #tpu.memory_space<hbm>>)
      tpu.yield
    }) : () -> ()
    return
  }
}

module attributes {stable_mosaic.version = 14 : i64} {
  func.func @_pack_body(%arg0: i32, %arg1: memref<32x32768xf32, #tpu.memory_space<vmem>>, %arg2: memref<8192x128xf32, #tpu.memory_space<vmem>>) attributes {dimension_semantics = [#tpu.dimension_semantics<arbitrary>], iteration_bounds = array<i64: 31>, scalar_prefetch = 0 : i64, scratch_operands = 0 : i64, tpu.core_type = #tpu.core_type<tc>, window_params = [{transform_indices = @transform_0, window_bounds = array<i64: 32, 32768>}, {transform_indices = @transform_1, window_bounds = array<i64: 8192, 128>}]} {
    %iota3A = tpu.iota {dimensions = array<i32: 0>} : vector<32x32xi32>
    %iota3A_0 = tpu.iota {dimensions = array<i32: 1>} : vector<32x32xi32>
    %add3A = arith.constant 0 : i32
    %add3A_1 = vector.broadcast %add3A : i32 to vector<32x32xi32>
    %add3A_2 = arith.addi %iota3A, %add3A_1 : vector<32x32xi32>
    %eq3A = arith.cmpi eq, %add3A_2, %iota3A_0 : vector<32x32xi32>
    %convert_element_type3A = arith.extui %eq3A : vector<32x32xi1> to vector<32x32xi32>
    %convert_element_type3A_3 = arith.sitofp %convert_element_type3A : vector<32x32xi32> to vector<32x32xf32>
    %jit3A = arith.constant 0 : i32
    %convert_element_type3A_4 = arith.sitofp %jit3A : i32 to f32
    %pad3A = vector.broadcast %convert_element_type3A_4 : f32 to vector<32x96xf32>
    %pad3A_5 = tpu.concatenate %convert_element_type3A_3, %pad3A in 1 : vector<32x32xf32>, vector<32x96xf32> -> vector<32x128xf32>
    %iota3A_6 = tpu.iota {dimensions = array<i32: 0>} : vector<32x32xi32>
    %iota3A_7 = tpu.iota {dimensions = array<i32: 1>} : vector<32x32xi32>
    %add3A_8 = arith.constant 0 : i32
    %add3A_9 = vector.broadcast %add3A_8 : i32 to vector<32x32xi32>
    %add3A_10 = arith.addi %iota3A_6, %add3A_9 : vector<32x32xi32>
    %eq3A_11 = arith.cmpi eq, %add3A_10, %iota3A_7 : vector<32x32xi32>
    %convert_element_type3A_12 = arith.extui %eq3A_11 : vector<32x32xi1> to vector<32x32xi32>
    %convert_element_type3A_13 = arith.sitofp %convert_element_type3A_12 : vector<32x32xi32> to vector<32x32xf32>
    %jit3A_14 = arith.constant 0 : i32
    %convert_element_type3A_15 = arith.sitofp %jit3A_14 : i32 to f32
    %pad3A_16 = vector.broadcast %convert_element_type3A_15 : f32 to vector<32x32xf32>
    %pad3A_17 = tpu.concatenate %pad3A_16, %convert_element_type3A_13 in 1 : vector<32x32xf32>, vector<32x32xf32> -> vector<32x64xf32>
    %pad3A_18 = vector.broadcast %convert_element_type3A_15 : f32 to vector<32x64xf32>
    %pad3A_19 = tpu.concatenate %pad3A_17, %pad3A_18 in 1 : vector<32x64xf32>, vector<32x64xf32> -> vector<32x128xf32>
    %iota3A_20 = tpu.iota {dimensions = array<i32: 0>} : vector<32x32xi32>
    %iota3A_21 = tpu.iota {dimensions = array<i32: 1>} : vector<32x32xi32>
    %add3A_22 = arith.constant 0 : i32
    %add3A_23 = vector.broadcast %add3A_22 : i32 to vector<32x32xi32>
    %add3A_24 = arith.addi %iota3A_20, %add3A_23 : vector<32x32xi32>
    %eq3A_25 = arith.cmpi eq, %add3A_24, %iota3A_21 : vector<32x32xi32>
    %convert_element_type3A_26 = arith.extui %eq3A_25 : vector<32x32xi1> to vector<32x32xi32>
    %convert_element_type3A_27 = arith.sitofp %convert_element_type3A_26 : vector<32x32xi32> to vector<32x32xf32>
    %jit3A_28 = arith.constant 0 : i32
    %convert_element_type3A_29 = arith.sitofp %jit3A_28 : i32 to f32
    %pad3A_30 = vector.broadcast %convert_element_type3A_29 : f32 to vector<32x64xf32>
    %pad3A_31 = tpu.concatenate %pad3A_30, %convert_element_type3A_27 in 1 : vector<32x64xf32>, vector<32x32xf32> -> vector<32x96xf32>
    %pad3A_32 = vector.broadcast %convert_element_type3A_29 : f32 to vector<32x32xf32>
    %pad3A_33 = tpu.concatenate %pad3A_31, %pad3A_32 in 1 : vector<32x96xf32>, vector<32x32xf32> -> vector<32x128xf32>
    %iota3A_34 = tpu.iota {dimensions = array<i32: 0>} : vector<32x32xi32>
    %iota3A_35 = tpu.iota {dimensions = array<i32: 1>} : vector<32x32xi32>
    %add3A_36 = arith.constant 0 : i32
    %add3A_37 = vector.broadcast %add3A_36 : i32 to vector<32x32xi32>
    %add3A_38 = arith.addi %iota3A_34, %add3A_37 : vector<32x32xi32>
    %eq3A_39 = arith.cmpi eq, %add3A_38, %iota3A_35 : vector<32x32xi32>
    %convert_element_type3A_40 = arith.extui %eq3A_39 : vector<32x32xi1> to vector<32x32xi32>
    %convert_element_type3A_41 = arith.sitofp %convert_element_type3A_40 : vector<32x32xi32> to vector<32x32xf32>
    %jit3A_42 = arith.constant 0 : i32
    %convert_element_type3A_43 = arith.sitofp %jit3A_42 : i32 to f32
    %pad3A_44 = vector.broadcast %convert_element_type3A_43 : f32 to vector<32x96xf32>
    %pad3A_45 = tpu.concatenate %pad3A_44, %convert_element_type3A_41 in 1 : vector<32x96xf32>, vector<32x32xf32> -> vector<32x128xf32>
    %broadcast_in_dim3A = arith.constant 0.000000e+00 : f32
    %broadcast_in_dim3A_46 = vector.broadcast %broadcast_in_dim3A : f32 to vector<128x128xf32>
    %get3A = arith.constant 0 : index
    %get3A_47 = arith.constant 0 : index
    %get3A_48 = vector.load %arg1[%get3A, %get3A_47] : memref<32x32768xf32, #tpu.memory_space<vmem>>, vector<32x128xf32>
    %dot_general3A = arith.constant dense<0.000000e+00> : vector<128x128xf32>
    %dot_general3A_49 = tpu.matmul %get3A_48, %pad3A_5, %dot_general3A {dimension_numbers = #tpu.dot_dimension_numbers<[0], [0], [1], [1], [0, 1, 1, 1], [], []>, transpose_lhs_hint = false} : vector<32x128xf32>, vector<32x128xf32>, vector<128x128xf32> -> vector<128x128xf32>
    %add3A_50 = arith.addf %broadcast_in_dim3A_46, %dot_general3A_49 : vector<128x128xf32>
    %get3A_51 = arith.constant 0 : index
    %get3A_52 = arith.constant 128 : index
    %get3A_53 = vector.load %arg1[%get3A_51, %get3A_52] : memref<32x32768xf32, #tpu.memory_space<vmem>>, vector<32x128xf32>
    %dot_general3A_54 = arith.constant dense<0.000000e+00> : vector<128x128xf32>
    %dot_general3A_55 = tpu.matmul %get3A_53, %pad3A_19, %dot_general3A_54 {dimension_numbers = #tpu.dot_dimension_numbers<[0], [0], [1], [1], [0, 1, 1, 1], [], []>, transpose_lhs_hint = false} : vector<32x128xf32>, vector<32x128xf32>, vector<128x128xf32> -> vector<128x128xf32>
    %add3A_56 = arith.addf %add3A_50, %dot_general3A_55 : vector<128x128xf32>
    %get3A_57 = arith.constant 0 : index
    %get3A_58 = arith.constant 256 : index
    %get3A_59 = vector.load %arg1[%get3A_57, %get3A_58] : memref<32x32768xf32, #tpu.memory_space<vmem>>, vector<32x128xf32>
    %dot_general3A_60 = arith.constant dense<0.000000e+00> : vector<128x128xf32>
    %dot_general3A_61 = tpu.matmul %get3A_59, %pad3A_33, %dot_general3A_60 {dimension_numbers = #tpu.dot_dimension_numbers<[0], [0], [1], [1], [0, 1, 1, 1], [], []>, transpose_lhs_hint = false} : vector<32x128xf32>, vector<32x128xf32>, vector<128x128xf32> -> vector<128x128xf32>
    %add3A_62 = arith.addf %add3A_56, %dot_general3A_61 : vector<128x128xf32>
    %get3A_63 = arith.constant 0 : index
    %get3A_64 = arith.constant 384 : index
    %get3A_65 = vector.load %arg1[%get3A_63, %get3A_64] : memref<32x32768xf32, #tpu.memory_space<vmem>>, vector<32x128xf32>
    %dot_general3A_66 = arith.constant dense<0.000000e+00> : vector<128x128xf32>
    %dot_general3A_67 = tpu.matmul %get3A_65, %pad3A_45, %dot_general3A_66 {dimension_numbers = #tpu.dot_dimension_numbers<[0], [0], [1], [1], [0, 1, 1, 1], [], []>, transpose_lhs_hint = false} : vector<32x128xf32>, vector<32x128xf32>, vector<128x128xf32> -> vector<128x128xf32>
    %add3A_68 = arith.addf %add3A_62, %dot_general3A_67 : vector<128x128xf32>
    %swap3A = arith.constant 0 : index
    %swap3A_69 = arith.constant 0 : index
    %swap3A_70 = vector.load %arg2[%swap3A, %swap3A_69] : memref<8192x128xf32, #tpu.memory_space<vmem>>, vector<128x128xf32>
    tpu.vector_store %arg2[%swap3A, %swap3A_69], %add3A_68 {strides = array<i32>} : memref<8192x128xf32, #tpu.memory_space<vmem>>, vector<128x128xf32>,
    %broadcast_in_dim3A_71 = arith.constant 0.000000e+00 : f32
    %broadcast_in_dim3A_72 = vector.broadcast %broadcast_in_dim3A_71 : f32 to vector<128x128xf32>
    %get3A_73 = arith.constant 0 : index
    %get3A_74 = arith.constant 512 : index
    %get3A_75 = vector.load %arg1[%get3A_73, %get3A_74] : memref<32x32768xf32, #tpu.memory_space<vmem>>, vector<32x128xf32>
    %dot_general3A_76 = arith.constant dense<0.000000e+00> : vector<128x128xf32>
    %dot_general3A_77 = tpu.matmul %get3A_75, %pad3A_5, %dot_general3A_76 {dimension_numbers = #tpu.dot_dimension_numbers<[0], [0], [1], [1], [0, 1, 1, 1], [], []>, transpose_lhs_hint = false} : vector<32x128xf32>, vector<32x128xf32>, vector<128x128xf32> -> vector<128x128xf32>
    %add3A_78 = arith.addf %broadcast_in_dim3A_72, %dot_general3A_77 : vector<128x128xf32>
    %get3A_79 = arith.constant 0 : index
    %get3A_80 = arith.constant 640 : index
    %get3A_81 = vector.load %arg1[%get3A_79, %get3A_80] : memref<32x32768xf32, #tpu.memory_space<vmem>>, vector<32x128xf32>
    %dot_general3A_82 = arith.constant dense<0.000000e+00> : vector<128x128xf32>
    %dot_general3A_83 = tpu.matmul %get3A_81, %pad3A_19, %dot_general3A_82 {dimension_numbers = #tpu.dot_dimension_numbers<[0], [0], [1], [1], [0, 1, 1, 1], [], []>, transpose_lhs_hint = false} : vector<32x128xf32>, vector<32x128xf32>, vector<128x128xf32> -> vector<128x128xf32>
    %add3A_84 = arith.addf %add3A_78, %dot_general3A_83 : vector<128x128xf32>
    %get3A_85 = arith.constant 0 : index
    %get3A_86 = arith.constant 768 : index
    %get3A_87 = vector.load %arg1[%get3A_85, %get3A_86] : memref<32x32768xf32, #tpu.memory_space<vmem>>, vector<32x128xf32>
    %dot_general3A_88 = arith.constant dense<0.000000e+00> : vector<128x128xf32>
    %dot_general3A_89 = tpu.matmul %get3A_87, %pad3A_33, %dot_general3A_88 {dimension_numbers = #tpu.dot_dimension_numbers<[0], [0], [1], [1], [0, 1, 1, 1], [], []>, transpose_lhs_hint = false} : vector<32x128xf32>, vector<32x128xf32>, vector<128x128xf32> -> vector<128x128xf32>
    %add3A_90 = arith.addf %add3A_84, %dot_general3A_89 : vector<128x128xf32>
    %get3A_91 = arith.constant 0 : index
    %get3A_92 = arith.constant 896 : index
    %get3A_93 = vector.load %arg1[%get3A_91, %get3A_92] : memref<32x32768xf32, #tpu.memory_space<vmem>>, vector<32x128xf32>
    %dot_general3A_94 = arith.constant dense<0.000000e+00> : vector<128x128xf32>
    %dot_general3A_95 = tpu.matmul %get3A_93, %pad3A_45, %dot_general3A_94 {dimension_numbers = #tpu.dot_dimension_numbers<[0], [0], [1], [1], [0, 1, 1, 1], [], []>, transpose_lhs_hint = false} : vector<32x128xf32>, vector<32x128xf32>, vector<128x128xf32> -> vector<128x128xf32>
    %add3A_96 = arith.addf %add3A_90, %dot_general3A_95 : vector<128x128xf32>
    %swap3A_97 = arith.constant 128 : index
    %swap3A_98 = arith.constant 0 : index
    %swap3A_99 = vector.load %arg2[%swap3A_97, %swap3A_98] : memref<8192x128xf32, #tpu.memory_space<vmem>>, vector<128x128xf32>
    tpu.vector_store %arg2[%swap3A_97, %swap3A_98], %add3A_96 {strides = array<i32>} : memref<8192x128xf32, #tpu.memory_space<vmem>>, vector<128x128xf32>,
    %broadcast_in_dim3A_100 = arith.constant 0.000000e+00 : f32
    %broadcast_in_dim3A_101 = vector.broadcast %broadcast_in_dim3A_100 : f32 to vector<128x128xf32>
    %get3A_102 = arith.constant 0 : index
    %get3A_103 = arith.constant 1024 : index
    %get3A_104 = vector.load %arg1[%get3A_102, %get3A_103] : memref<32x32768xf32, #tpu.memory_space<vmem>>, vector<32x128xf32>
    %dot_general3A_105 = arith.constant dense<0.000000e+00> : vector<128x128xf32>
    %dot_general3A_106 = tpu.matmul %get3A_104, %pad3A_5, %dot_general3A_105 {dimension_numbers = #tpu.dot_dimension_numbers<[0], [0], [1], [1], [0, 1, 1, 1], [], []>, transpose_lhs_hint = false} : vector<32x128xf32>, vector<32x128xf32>, vector<128x128xf32> -> vector<128x128xf32>
    %add3A_107 = arith.addf %broadcast_in_dim3A_101, %dot_general3A_106 : vector<128x128xf32>
    %get3A_108 = arith.constant 0 : index
    %get3A_109 = arith.constant 1152 : index
    %get3A_110 = vector.load %arg1[%get3A_108, %get3A_109] : memref<32x32768xf32, #tpu.memory_space<vmem>>, vector<32x128xf32>
    %dot_general3A_111 = arith.constant dense<0.000000e+00> : vector<128x128xf32>
    %dot_general3A_112 = tpu.matmul %get3A_110, %pad3A_19, %dot_general3A_111 {dimension_numbers = #tpu.dot_dimension_numbers<[0], [0], [1], [1], [0, 1, 1, 1], [], []>, transpose_lhs_hint = false} : vector<32x128xf32>, vector<32x128xf32>, vector<128x128xf32> -> vector<128x128xf32>
    %add3A_113 = arith.addf %add3A_107, %dot_general3A_112 : vector<128x128xf32>
    %get3A_114 = arith.constant 0 : index
    %get3A_115 = arith.constant 1280 : index
    %get3A_116 = vector.load %arg1[%get3A_114, %get3A_115] : memref<32x32768xf32, #tpu.memory_space<vmem>>, vector<32x128xf32>
    %dot_general3A_117 = arith.constant dense<0.000000e+00> : vector<128x128xf32>
    %dot_general3A_118 = tpu.matmul %get3A_116, %pad3A_33, %dot_general3A_117 {dimension_numbers = #tpu.dot_dimension_numbers<[0], [0], [1], [1], [0, 1, 1, 1], [], []>, transpose_lhs_hint = false} : vector<32x128xf32>, vector<32x128xf32>, vector<128x128xf32> -> vector<128x128xf32>
    %add3A_119 = arith.addf %add3A_113, %dot_general3A_118 : vector<128x128xf32>
    %get3A_120 = arith.constant 0 : index
    %get3A_121 = arith.constant 1408 : index
    %get3A_122 = vector.load %arg1[%get3A_120, %get3A_121] : memref<32x32768xf32, #tpu.memory_space<vmem>>, vector<32x128xf32>
    %dot_general3A_123 = arith.constant dense<0.000000e+00> : vector<128x128xf32>
    %dot_general3A_124 = tpu.matmul %get3A_122, %pad3A_45, %dot_general3A_123 {dimension_numbers = #tpu.dot_dimension_numbers<[0], [0], [1], [1], [0, 1, 1, 1], [], []>, transpose_lhs_hint = false} : vector<32x128xf32>, vector<32x128xf32>, vector<128x128xf32> -> vector<128x128xf32>
    %add3A_125 = arith.addf %add3A_119, %dot_general3A_124 : vector<128x128xf32>
    %swap3A_126 = arith.constant 256 : index
    %swap3A_127 = arith.constant 0 : index
    %swap3A_128 = vector.load %arg2[%swap3A_126, %swap3A_127] : memref<8192x128xf32, #tpu.memory_space<vmem>>, vector<128x128xf32>
    tpu.vector_store %arg2[%swap3A_126, %swap3A_127], %add3A_125 {strides = array<i32>} : memref<8192x128xf32, #tpu.memory_space<vmem>>, vector<128x128xf32>,
    %broadcast_in_dim3A_129 = arith.constant 0.000000e+00 : f32
    %broadcast_in_dim3A_130 = vector.broadcast %broadcast_in_dim3A_129 : f32 to vector<128x128xf32>
    %get3A_131 = arith.constant 0 : index
    %get3A_132 = arith.constant 1536 : index
    %get3A_133 = vector.load %arg1[%get3A_131, %get3A_132] : memref<32x32768xf32, #tpu.memory_space<vmem>>, vector<32x128xf32>
    %dot_general3A_134 = arith.constant dense<0.000000e+00> : vector<128x128xf32>
    %dot_general3A_135 = tpu.matmul %get3A_133, %pad3A_5, %dot_general3A_134 {dimension_numbers = #tpu.dot_dimension_numbers<[0], [0], [1], [1], [0, 1, 1, 1], [], []>, transpose_lhs_hint = false} : vector<32x128xf32>, vector<32x128xf32>, vector<128x128xf32> -> vector<128x128xf32>
    %add3A_136 = arith.addf %broadcast_in_dim3A_130, %dot_general3A_135 : vector<128x128xf32>
    %get3A_137 = arith.constant 0 : index
    %get3A_138 = arith.constant 1664 : index
    %get3A_139 = vector.load %arg1[%get3A_137, %get3A_138] : memref<32x32768xf32, #tpu.memory_space<vmem>>, vector<32x128xf32>
    %dot_general3A_140 = arith.constant dense<0.000000e+00> : vector<128x128xf32>
    %dot_general3A_141 = tpu.matmul %get3A_139, %pad3A_19, %dot_general3A_140 {dimension_numbers = #tpu.dot_dimension_numbers<[0], [0], [1], [1], [0, 1, 1, 1], [], []>, transpose_lhs_hint = false} : vector<32x128xf32>, vector<32x128xf32>, vector<128x128xf32> -> vector<128x128xf32>
    %add3A_142 = arith.addf %add3A_136, %dot_general3A_141 : vector<128x128xf32>
    %get3A_143 = arith.constant 0 : index
    %get3A_144 = arith.constant 1792 : index
    %get3A_145 = vector.load %arg1[%get3A_143, %get3A_144] : memref<32x32768xf32, #tpu.memory_space<vmem>>, vector<32x128xf32>
    %dot_general3A_146 = arith.constant dense<0.000000e+00> : vector<128x128xf32>
    %dot_general3A_147 = tpu.matmul %get3A_145, %pad3A_33, %dot_general3A_146 {dimension_numbers = #tpu.dot_dimension_numbers<[0], [0], [1], [1], [0, 1, 1, 1], [], []>, transpose_lhs_hint = false} : vector<32x128xf32>, vector<32x128xf32>, vector<128x128xf32> -> vector<128x128xf32>
    %add3A_148 = arith.addf %add3A_142, %dot_general3A_147 : vector<128x128xf32>
    %get3A_149 = arith.constant 0 : index
    %get3A_150 = arith.constant 1920 : index
    %get3A_151 = vector.load %arg1[%get3A_149, %get3A_150] : memref<32x32768xf32, #tpu.memory_space<vmem>>, vector<32x128xf32>
    %dot_general3A_152 = arith.constant dense<0.000000e+00> : vector<128x128xf32>
    %dot_general3A_153 = tpu.matmul %get3A_151, %pad3A_45, %dot_general3A_152 {dimension_numbers = #tpu.dot_dimension_numbers<[0], [0], [1], [1], [0, 1, 1, 1], [], []>, transpose_lhs_hint = false} : vector<32x128xf32>, vector<32x128xf32>, vector<128x128xf32> -> vector<128x128xf32>
    %add3A_154 = arith.addf %add3A_148, %dot_general3A_153 : vector<128x128xf32>
    %swap3A_155 = arith.constant 384 : index
    %swap3A_156 = arith.constant 0 : index
    %swap3A_157 = vector.load %arg2[%swap3A_155, %swap3A_156] : memref<8192x128xf32, #tpu.memory_space<vmem>>, vector<128x128xf32>
    tpu.vector_store %arg2[%swap3A_155, %swap3A_156], %add3A_154 {strides = array<i32>} : memref<8192x128xf32, #tpu.memory_space<vmem>>, vector<128x128xf32>,
    %broadcast_in_dim3A_158 = arith.constant 0.000000e+00 : f32
    %broadcast_in_dim3A_159 = vector.broadcast %broadcast_in_dim3A_158 : f32 to vector<128x128xf32>
    %get3A_160 = arith.constant 0 : index
    %get3A_161 = arith.constant 2048 : index
    %get3A_162 = vector.load %arg1[%get3A_160, %get3A_161] : memref<32x32768xf32, #tpu.memory_space<vmem>>, vector<32x128xf32>
    %dot_general3A_163 = arith.constant dense<0.000000e+00> : vector<128x128xf32>
    %dot_general3A_164 = tpu.matmul %get3A_162, %pad3A_5, %dot_general3A_163 {dimension_numbers = #tpu.dot_dimension_numbers<[0], [0], [1], [1], [0, 1, 1, 1], [], []>, transpose_lhs_hint = false} : vector<32x128xf32>, vector<32x128xf32>, vector<128x128xf32> -> vector<128x128xf32>
    %add3A_165 = arith.addf %broadcast_in_dim3A_159, %dot_general3A_164 : vector<128x128xf32>
    %get3A_166 = arith.constant 0 : index
    %get3A_167 = arith.constant 2176 : index
    %get3A_168 = vector.load %arg1[%get3A_166, %get3A_167] : memref<32x32768xf32, #tpu.memory_space<vmem>>, vector<32x128xf32>
    %dot_general3A_169 = arith.constant dense<0.000000e+00> : vector<128x128xf32>
    %dot_general3A_170 = tpu.matmul %get3A_168, %pad3A_19, %dot_general3A_169 {dimension_numbers = #tpu.dot_dimension_numbers<[0], [0], [1], [1], [0, 1, 1, 1], [], []>, transpose_lhs_hint = false} : vector<32x128xf32>, vector<32x128xf32>, vector<128x128xf32> -> vector<128x128xf32>
    %add3A_171 = arith.addf %add3A_165, %dot_general3A_170 : vector<128x128xf32>
    %get3A_172 = arith.constant 0 : index
    %get3A_173 = arith.constant 2304 : index
    %get3A_174 = vector.load %arg1[%get3A_172, %get3A_173] : memref<32x32768xf32, #tpu.memory_space<vmem>>, vector<32x128xf32>
    %dot_general3A_175 = arith.constant dense<0.000000e+00> : vector<128x128xf32>
    %dot_general3A_176 = tpu.matmul %get3A_174, %pad3A_33, %dot_general3A_175 {dimension_numbers = #tpu.dot_dimension_numbers<[0], [0], [1], [1], [0, 1, 1, 1], [], []>, transpose_lhs_hint = false} : vector<32x128xf32>, vector<32x128xf32>, vector<128x128xf32> -> vector<128x128xf32>
    %add3A_177 = arith.addf %add3A_171, %dot_general3A_176 : vector<128x128xf32>
    %get3A_178 = arith.constant 0 : index
    %get3A_179 = arith.constant 2432 : index
    %get3A_180 = vector.load %arg1[%get3A_178, %get3A_179] : memref<32x32768xf32, #tpu.memory_space<vmem>>, vector<32x128xf32>
    %dot_general3A_181 = arith.constant dense<0.000000e+00> : vector<128x128xf32>
    %dot_general3A_182 = tpu.matmul %get3A_180, %pad3A_45, %dot_general3A_181 {dimension_numbers = #tpu.dot_dimension_numbers<[0], [0], [1], [1], [0, 1, 1, 1], [], []>, transpose_lhs_hint = false} : vector<32x128xf32>, vector<32x128xf32>, vector<128x128xf32> -> vector<128x128xf32>
    %add3A_183 = arith.addf %add3A_177, %dot_general3A_182 : vector<128x128xf32>
    %swap3A_184 = arith.constant 512 : index
    %swap3A_185 = arith.constant 0 : index
    %swap3A_186 = vector.load %arg2[%swap3A_184, %swap3A_185] : memref<8192x128xf32, #tpu.memory_space<vmem>>, vector<128x128xf32>
    tpu.vector_store %arg2[%swap3A_184, %swap3A_185], %add3A_183 {strides = array<i32>} : memref<8192x128xf32, #tpu.memory_space<vmem>>, vector<128x128xf32>,
    %broadcast_in_dim3A_187 = arith.constant 0.000000e+00 : f32
    %broadcast_in_dim3A_188 = vector.broadcast %broadcast_in_dim3A_187 : f32 to vector<128x128xf32>
    %get3A_189 = arith.constant 0 : index
    %get3A_190 = arith.constant 2560 : index
    %get3A_191 = vector.load %arg1[%get3A_189, %get3A_190] : memref<32x32768xf32, #tpu.memory_space<vmem>>, vector<32x128xf32>
    %dot_general3A_192 = arith.constant dense<0.000000e+00> : vector<128x128xf32>
    %dot_general3A_193 = tpu.matmul %get3A_191, %pad3A_5, %dot_general3A_192 {dimension_numbers = #tpu.dot_dimension_numbers<[0], [0], [1], [1], [0, 1, 1, 1], [], []>, transpose_lhs_hint = false} : vector<32x128xf32>, vector<32x128xf32>, vector<128x128xf32> -> vector<128x128xf32>
    %add3A_194 = arith.addf %broadcast_in_dim3A_188, %dot_general3A_193 : vector<128x128xf32>
    %get3A_195 = arith.constant 0 : index
    %get3A_196 = arith.constant 2688 : index
    %get3A_197 = vector.load %arg1[%get3A_195, %get3A_196] : memref<32x32768xf32, #tpu.memory_space<vmem>>, vector<32x128xf32>
    %dot_general3A_198 = arith.constant dense<0.000000e+00> : vector<128x128xf32>
    %dot_general3A_199 = tpu.matmul %get3A_197, %pad3A_19, %dot_general3A_198 {dimension_numbers = #tpu.dot_dimension_numbers<[0], [0], [1], [1], [0, 1, 1, 1], [], []>, transpose_lhs_hint = false} : vector<32x128xf32>, vector<32x128xf32>, vector<128x128xf32> -> vector<128x128xf32>
    %add3A_200 = arith.addf %add3A_194, %dot_general3A_199 : vector<128x128xf32>
    %get3A_201 = arith.constant 0 : index
    %get3A_202 = arith.constant 2816 : index
    %get3A_203 = vector.load %arg1[%get3A_201, %get3A_202] : memref<32x32768xf32, #tpu.memory_space<vmem>>, vector<32x128xf32>
    %dot_general3A_204 = arith.constant dense<0.000000e+00> : vector<128x128xf32>
    %dot_general3A_205 = tpu.matmul %get3A_203, %pad3A_33, %dot_general3A_204 {dimension_numbers = #tpu.dot_dimension_numbers<[0], [0], [1], [1], [0, 1, 1, 1], [], []>, transpose_lhs_hint = false} : vector<32x128xf32>, vector<32x128xf32>, vector<128x128xf32> -> vector<128x128xf32>
    %add3A_206 = arith.addf %add3A_200, %dot_general3A_205 : vector<128x128xf32>
    %get3A_207 = arith.constant 0 : index
    %get3A_208 = arith.constant 2944 : index
    %get3A_209 = vector.load %arg1[%get3A_207, %get3A_208] : memref<32x32768xf32, #tpu.memory_space<vmem>>, vector<32x128xf32>
    %dot_general3A_210 = arith.constant dense<0.000000e+00> : vector<128x128xf32>
    %dot_general3A_211 = tpu.matmul %get3A_209, %pad3A_45, %dot_general3A_210 {dimension_numbers = #tpu.dot_dimension_numbers<[0], [0], [1], [1], [0, 1, 1, 1], [], []>, transpose_lhs_hint = false} : vector<32x128xf32>, vector<32x128xf32>, vector<128x128xf32> -> vector<128x128xf32>
    %add3A_212 = arith.addf %add3A_206, %dot_general3A_211 : vector<128x128xf32>
    %swap3A_213 = arith.constant 640 : index
    %swap3A_214 = arith.constant 0 : index
    %swap3A_215 = vector.load %arg2[%swap3A_213, %swap3A_214] : memref<8192x128xf32, #tpu.memory_space<vmem>>, vector<128x128xf32>
    tpu.vector_store %arg2[%swap3A_213, %swap3A_214], %add3A_212 {strides = array<i32>} : memref<8192x128xf32, #tpu.memory_space<vmem>>, vector<128x128xf32>,
    %broadcast_in_dim3A_216 = arith.constant 0.000000e+00 : f32
    %broadcast_in_dim3A_217 = vector.broadcast %broadcast_in_dim3A_216 : f32 to vector<128x128xf32>
    %get3A_218 = arith.constant 0 : index
    %get3A_219 = arith.constant 3072 : index
    %get3A_220 = vector.load %arg1[%get3A_218, %get3A_219] : memref<32x32768xf32, #tpu.memory_space<vmem>>, vector<32x128xf32>
    %dot_general3A_221 = arith.constant dense<0.000000e+00> : vector<128x128xf32>
    %dot_general3A_222 = tpu.matmul %get3A_220, %pad3A_5, %dot_general3A_221 {dimension_numbers = #tpu.dot_dimension_numbers<[0], [0], [1], [1], [0, 1, 1, 1], [], []>, transpose_lhs_hint = false} : vector<32x128xf32>, vector<32x128xf32>, vector<128x128xf32> -> vector<128x128xf32>
    %add3A_223 = arith.addf %broadcast_in_dim3A_217, %dot_general3A_222 : vector<128x128xf32>
    %get3A_224 = arith.constant 0 : index
    %get3A_225 = arith.constant 3200 : index
    %get3A_226 = vector.load %arg1[%get3A_224, %get3A_225] : memref<32x32768xf32, #tpu.memory_space<vmem>>, vector<32x128xf32>
    %dot_general3A_227 = arith.constant dense<0.000000e+00> : vector<128x128xf32>
    %dot_general3A_228 = tpu.matmul %get3A_226, %pad3A_19, %dot_general3A_227 {dimension_numbers = #tpu.dot_dimension_numbers<[0], [0], [1], [1], [0, 1, 1, 1], [], []>, transpose_lhs_hint = false} : vector<32x128xf32>, vector<32x128xf32>, vector<128x128xf32> -> vector<128x128xf32>
    %add3A_229 = arith.addf %add3A_223, %dot_general3A_228 : vector<128x128xf32>
    %get3A_230 = arith.constant 0 : index
    %get3A_231 = arith.constant 3328 : index
    %get3A_232 = vector.load %arg1[%get3A_230, %get3A_231] : memref<32x32768xf32, #tpu.memory_space<vmem>>, vector<32x128xf32>
    %dot_general3A_233 = arith.constant dense<0.000000e+00> : vector<128x128xf32>
    %dot_general3A_234 = tpu.matmul %get3A_232, %pad3A_33, %dot_general3A_233 {dimension_numbers = #tpu.dot_dimension_numbers<[0], [0], [1], [1], [0, 1, 1, 1], [], []>, transpose_lhs_hint = false} : vector<32x128xf32>, vector<32x128xf32>, vector<128x128xf32> -> vector<128x128xf32>
    %add3A_235 = arith.addf %add3A_229, %dot_general3A_234 : vector<128x128xf32>
    %get3A_236 = arith.constant 0 : index
    %get3A_237 = arith.constant 3456 : index
    %get3A_238 = vector.load %arg1[%get3A_236, %get3A_237] : memref<32x32768xf32, #tpu.memory_space<vmem>>, vector<32x128xf32>
    %dot_general3A_239 = arith.constant dense<0.000000e+00> : vector<128x128xf32>
    %dot_general3A_240 = tpu.matmul %get3A_238, %pad3A_45, %dot_general3A_239 {dimension_numbers = #tpu.dot_dimension_numbers<[0], [0], [1], [1], [0, 1, 1, 1], [], []>, transpose_lhs_hint = false} : vector<32x128xf32>, vector<32x128xf32>, vector<128x128xf32> -> vector<128x128xf32>
    %add3A_241 = arith.addf %add3A_235, %dot_general3A_240 : vector<128x128xf32>
    %swap3A_242 = arith.constant 768 : index
    %swap3A_243 = arith.constant 0 : index
    %swap3A_244 = vector.load %arg2[%swap3A_242, %swap3A_243] : memref<8192x128xf32, #tpu.memory_space<vmem>>, vector<128x128xf32>
    tpu.vector_store %arg2[%swap3A_242, %swap3A_243], %add3A_241 {strides = array<i32>} : memref<8192x128xf32, #tpu.memory_space<vmem>>, vector<128x128xf32>,
    %broadcast_in_dim3A_245 = arith.constant 0.000000e+00 : f32
    %broadcast_in_dim3A_246 = vector.broadcast %broadcast_in_dim3A_245 : f32 to vector<128x128xf32>
    %get3A_247 = arith.constant 0 : index
    %get3A_248 = arith.constant 3584 : index
    %get3A_249 = vector.load %arg1[%get3A_247, %get3A_248] : memref<32x32768xf32, #tpu.memory_space<vmem>>, vector<32x128xf32>
    %dot_general3A_250 = arith.constant dense<0.000000e+00> : vector<128x128xf32>
    %dot_general3A_251 = tpu.matmul %get3A_249, %pad3A_5, %dot_general3A_250 {dimension_numbers = #tpu.dot_dimension_numbers<[0], [0], [1], [1], [0, 1, 1, 1], [], []>, transpose_lhs_hint = false} : vector<32x128xf32>, vector<32x128xf32>, vector<128x128xf32> -> vector<128x128xf32>
    %add3A_252 = arith.addf %broadcast_in_dim3A_246, %dot_general3A_251 : vector<128x128xf32>
    %get3A_253 = arith.constant 0 : index
    %get3A_254 = arith.constant 3712 : index
    %get3A_255 = vector.load %arg1[%get3A_253, %get3A_254] : memref<32x32768xf32, #tpu.memory_space<vmem>>, vector<32x128xf32>
    %dot_general3A_256 = arith.constant dense<0.000000e+00> : vector<128x128xf32>
    %dot_general3A_257 = tpu.matmul %get3A_255, %pad3A_19, %dot_general3A_256 {dimension_numbers = #tpu.dot_dimension_numbers<[0], [0], [1], [1], [0, 1, 1, 1], [], []>, transpose_lhs_hint = false} : vector<32x128xf32>, vector<32x128xf32>, vector<128x128xf32> -> vector<128x128xf32>
    %add3A_258 = arith.addf %add3A_252, %dot_general3A_257 : vector<128x128xf32>
    %get3A_259 = arith.constant 0 : index
    %get3A_260 = arith.constant 3840 : index
    %get3A_261 = vector.load %arg1[%get3A_259, %get3A_260] : memref<32x32768xf32, #tpu.memory_space<vmem>>, vector<32x128xf32>
    %dot_general3A_262 = arith.constant dense<0.000000e+00> : vector<128x128xf32>
    %dot_general3A_263 = tpu.matmul %get3A_261, %pad3A_33, %dot_general3A_262 {dimension_numbers = #tpu.dot_dimension_numbers<[0], [0], [1], [1], [0, 1, 1, 1], [], []>, transpose_lhs_hint = false} : vector<32x128xf32>, vector<32x128xf32>, vector<128x128xf32> -> vector<128x128xf32>
    %add3A_264 = arith.addf %add3A_258, %dot_general3A_263 : vector<128x128xf32>
    %get3A_265 = arith.constant 0 : index
    %get3A_266 = arith.constant 3968 : index
    %get3A_267 = vector.load %arg1[%get3A_265, %get3A_266] : memref<32x32768xf32, #tpu.memory_space<vmem>>, vector<32x128xf32>
    %dot_general3A_268 = arith.constant dense<0.000000e+00> : vector<128x128xf32>
    %dot_general3A_269 = tpu.matmul %get3A_267, %pad3A_45, %dot_general3A_268 {dimension_numbers = #tpu.dot_dimension_numbers<[0], [0], [1], [1], [0, 1, 1, 1], [], []>, transpose_lhs_hint = false} : vector<32x128xf32>, vector<32x128xf32>, vector<128x128xf32> -> vector<128x128xf32>
    %add3A_270 = arith.addf %add3A_264, %dot_general3A_269 : vector<128x128xf32>
    %swap3A_271 = arith.constant 896 : index
    %swap3A_272 = arith.constant 0 : index
    %swap3A_273 = vector.load %arg2[%swap3A_271, %swap3A_272] : memref<8192x128xf32, #tpu.memory_space<vmem>>, vector<128x128xf32>
    tpu.vector_store %arg2[%swap3A_271, %swap3A_272], %add3A_270 {strides = array<i32>} : memref<8192x128xf32, #tpu.memory_space<vmem>>, vector<128x128xf32>,
    %broadcast_in_dim3A_274 = arith.constant 0.000000e+00 : f32
    %broadcast_in_dim3A_275 = vector.broadcast %broadcast_in_dim3A_274 : f32 to vector<128x128xf32>
    %get3A_276 = arith.constant 0 : index
    %get3A_277 = arith.constant 4096 : index
    %get3A_278 = vector.load %arg1[%get3A_276, %get3A_277] : memref<32x32768xf32, #tpu.memory_space<vmem>>, vector<32x128xf32>
    %dot_general3A_279 = arith.constant dense<0.000000e+00> : vector<128x128xf32>
    %dot_general3A_280 = tpu.matmul %get3A_278, %pad3A_5, %dot_general3A_279 {dimension_numbers = #tpu.dot_dimension_numbers<[0], [0], [1], [1], [0, 1, 1, 1], [], []>, transpose_lhs_hint = false} : vector<32x128xf32>, vector<32x128xf32>, vector<128x128xf32> -> vector<128x128xf32>
    %add3A_281 = arith.addf %broadcast_in_dim3A_275, %dot_general3A_280 : vector<128x128xf32>
    %get3A_282 = arith.constant 0 : index
    %get3A_283 = arith.constant 4224 : index
    %get3A_284 = vector.load %arg1[%get3A_282, %get3A_283] : memref<32x32768xf32, #tpu.memory_space<vmem>>, vector<32x128xf32>
    %dot_general3A_285 = arith.constant dense<0.000000e+00> : vector<128x128xf32>
    %dot_general3A_286 = tpu.matmul %get3A_284, %pad3A_19, %dot_general3A_285 {dimension_numbers = #tpu.dot_dimension_numbers<[0], [0], [1], [1], [0, 1, 1, 1], [], []>, transpose_lhs_hint = false} : vector<32x128xf32>, vector<32x128xf32>, vector<128x128xf32> -> vector<128x128xf32>
    %add3A_287 = arith.addf %add3A_281, %dot_general3A_286 : vector<128x128xf32>
    %get3A_288 = arith.constant 0 : index
    %get3A_289 = arith.constant 4352 : index
    %get3A_290 = vector.load %arg1[%get3A_288, %get3A_289] : memref<32x32768xf32, #tpu.memory_space<vmem>>, vector<32x128xf32>
    %dot_general3A_291 = arith.constant dense<0.000000e+00> : vector<128x128xf32>
    %dot_general3A_292 = tpu.matmul %get3A_290, %pad3A_33, %dot_general3A_291 {dimension_numbers = #tpu.dot_dimension_numbers<[0], [0], [1], [1], [0, 1, 1, 1], [], []>, transpose_lhs_hint = false} : vector<32x128xf32>, vector<32x128xf32>, vector<128x128xf32> -> vector<128x128xf32>
    %add3A_293 = arith.addf %add3A_287, %dot_general3A_292 : vector<128x128xf32>
    %get3A_294 = arith.constant 0 : index
    %get3A_295 = arith.constant 4480 : index
    %get3A_296 = vector.load %arg1[%get3A_294, %get3A_295] : memref<32x32768xf32, #tpu.memory_space<vmem>>, vector<32x128xf32>
    %dot_general3A_297 = arith.constant dense<0.000000e+00> : vector<128x128xf32>
    %dot_general3A_298 = tpu.matmul %get3A_296, %pad3A_45, %dot_general3A_297 {dimension_numbers = #tpu.dot_dimension_numbers<[0], [0], [1], [1], [0, 1, 1, 1], [], []>, transpose_lhs_hint = false} : vector<32x128xf32>, vector<32x128xf32>, vector<128x128xf32> -> vector<128x128xf32>
    %add3A_299 = arith.addf %add3A_293, %dot_general3A_298 : vector<128x128xf32>
    %swap3A_300 = arith.constant 1024 : index
    %swap3A_301 = arith.constant 0 : index
    %swap3A_302 = vector.load %arg2[%swap3A_300, %swap3A_301] : memref<8192x128xf32, #tpu.memory_space<vmem>>, vector<128x128xf32>
    tpu.vector_store %arg2[%swap3A_300, %swap3A_301], %add3A_299 {strides = array<i32>} : memref<8192x128xf32, #tpu.memory_space<vmem>>, vector<128x128xf32>,
    %broadcast_in_dim3A_303 = arith.constant 0.000000e+00 : f32
    %broadcast_in_dim3A_304 = vector.broadcast %broadcast_in_dim3A_303 : f32 to vector<128x128xf32>
    %get3A_305 = arith.constant 0 : index
    %get3A_306 = arith.constant 4608 : index
    %get3A_307 = vector.load %arg1[%get3A_305, %get3A_306] : memref<32x32768xf32, #tpu.memory_space<vmem>>, vector<32x128xf32>
    %dot_general3A_308 = arith.constant dense<0.000000e+00> : vector<128x128xf32>
    %dot_general3A_309 = tpu.matmul %get3A_307, %pad3A_5, %dot_general3A_308 {dimension_numbers = #tpu.dot_dimension_numbers<[0], [0], [1], [1], [0, 1, 1, 1], [], []>, transpose_lhs_hint = false} : vector<32x128xf32>, vector<32x128xf32>, vector<128x128xf32> -> vector<128x128xf32>
    %add3A_310 = arith.addf %broadcast_in_dim3A_304, %dot_general3A_309 : vector<128x128xf32>
    %get3A_311 = arith.constant 0 : index
    %get3A_312 = arith.constant 4736 : index
    %get3A_313 = vector.load %arg1[%get3A_311, %get3A_312] : memref<32x32768xf32, #tpu.memory_space<vmem>>, vector<32x128xf32>
    %dot_general3A_314 = arith.constant dense<0.000000e+00> : vector<128x128xf32>
    %dot_general3A_315 = tpu.matmul %get3A_313, %pad3A_19, %dot_general3A_314 {dimension_numbers = #tpu.dot_dimension_numbers<[0], [0], [1], [1], [0, 1, 1, 1], [], []>, transpose_lhs_hint = false} : vector<32x128xf32>, vector<32x128xf32>, vector<128x128xf32> -> vector<128x128xf32>
    %add3A_316 = arith.addf %add3A_310, %dot_general3A_315 : vector<128x128xf32>
    %get3A_317 = arith.constant 0 : index
    %get3A_318 = arith.constant 4864 : index
    %get3A_319 = vector.load %arg1[%get3A_317, %get3A_318] : memref<32x32768xf32, #tpu.memory_space<vmem>>, vector<32x128xf32>
    %dot_general3A_320 = arith.constant dense<0.000000e+00> : vector<128x128xf32>
    %dot_general3A_321 = tpu.matmul %get3A_319, %pad3A_33, %dot_general3A_320 {dimension_numbers = #tpu.dot_dimension_numbers<[0], [0], [1], [1], [0, 1, 1, 1], [], []>, transpose_lhs_hint = false} : vector<32x128xf32>, vector<32x128xf32>, vector<128x128xf32> -> vector<128x128xf32>
    %add3A_322 = arith.addf %add3A_316, %dot_general3A_321 : vector<128x128xf32>
    %get3A_323 = arith.constant 0 : index
    %get3A_324 = arith.constant 4992 : index
    %get3A_325 = vector.load %arg1[%get3A_323, %get3A_324] : memref<32x32768xf32, #tpu.memory_space<vmem>>, vector<32x128xf32>
    %dot_general3A_326 = arith.constant dense<0.000000e+00> : vector<128x128xf32>
    %dot_general3A_327 = tpu.matmul %get3A_325, %pad3A_45, %dot_general3A_326 {dimension_numbers = #tpu.dot_dimension_numbers<[0], [0], [1], [1], [0, 1, 1, 1], [], []>, transpose_lhs_hint = false} : vector<32x128xf32>, vector<32x128xf32>, vector<128x128xf32> -> vector<128x128xf32>
    %add3A_328 = arith.addf %add3A_322, %dot_general3A_327 : vector<128x128xf32>
    %swap3A_329 = arith.constant 1152 : index
    %swap3A_330 = arith.constant 0 : index
    %swap3A_331 = vector.load %arg2[%swap3A_329, %swap3A_330] : memref<8192x128xf32, #tpu.memory_space<vmem>>, vector<128x128xf32>
    tpu.vector_store %arg2[%swap3A_329, %swap3A_330], %add3A_328 {strides = array<i32>} : memref<8192x128xf32, #tpu.memory_space<vmem>>, vector<128x128xf32>,
    %broadcast_in_dim3A_332 = arith.constant 0.000000e+00 : f32
    %broadcast_in_dim3A_333 = vector.broadcast %broadcast_in_dim3A_332 : f32 to vector<128x128xf32>
    %get3A_334 = arith.constant 0 : index
    %get3A_335 = arith.constant 5120 : index
    %get3A_336 = vector.load %arg1[%get3A_334, %get3A_335] : memref<32x32768xf32, #tpu.memory_space<vmem>>, vector<32x128xf32>
    %dot_general3A_337 = arith.constant dense<0.000000e+00> : vector<128x128xf32>
    %dot_general3A_338 = tpu.matmul %get3A_336, %pad3A_5, %dot_general3A_337 {dimension_numbers = #tpu.dot_dimension_numbers<[0], [0], [1], [1], [0, 1, 1, 1], [], []>, transpose_lhs_hint = false} : vector<32x128xf32>, vector<32x128xf32>, vector<128x128xf32> -> vector<128x128xf32>
    %add3A_339 = arith.addf %broadcast_in_dim3A_333, %dot_general3A_338 : vector<128x128xf32>
    %get3A_340 = arith.constant 0 : index
    %get3A_341 = arith.constant 5248 : index
    %get3A_342 = vector.load %arg1[%get3A_340, %get3A_341] : memref<32x32768xf32, #tpu.memory_space<vmem>>, vector<32x128xf32>
    %dot_general3A_343 = arith.constant dense<0.000000e+00> : vector<128x128xf32>
    %dot_general3A_344 = tpu.matmul %get3A_342, %pad3A_19, %dot_general3A_343 {dimension_numbers = #tpu.dot_dimension_numbers<[0], [0], [1], [1], [0, 1, 1, 1], [], []>, transpose_lhs_hint = false} : vector<32x128xf32>, vector<32x128xf32>, vector<128x128xf32> -> vector<128x128xf32>
    %add3A_345 = arith.addf %add3A_339, %dot_general3A_344 : vector<128x128xf32>
    %get3A_346 = arith.constant 0 : index
    %get3A_347 = arith.constant 5376 : index
    %get3A_348 = vector.load %arg1[%get3A_346, %get3A_347] : memref<32x32768xf32, #tpu.memory_space<vmem>>, vector<32x128xf32>
    %dot_general3A_349 = arith.constant dense<0.000000e+00> : vector<128x128xf32>
    %dot_general3A_350 = tpu.matmul %get3A_348, %pad3A_33, %dot_general3A_349 {dimension_numbers = #tpu.dot_dimension_numbers<[0], [0], [1], [1], [0, 1, 1, 1], [], []>, transpose_lhs_hint = false} : vector<32x128xf32>, vector<32x128xf32>, vector<128x128xf32> -> vector<128x128xf32>
    %add3A_351 = arith.addf %add3A_345, %dot_general3A_350 : vector<128x128xf32>
    %get3A_352 = arith.constant 0 : index
    %get3A_353 = arith.constant 5504 : index
    %get3A_354 = vector.load %arg1[%get3A_352, %get3A_353] : memref<32x32768xf32, #tpu.memory_space<vmem>>, vector<32x128xf32>
    %dot_general3A_355 = arith.constant dense<0.000000e+00> : vector<128x128xf32>
    %dot_general3A_356 = tpu.matmul %get3A_354, %pad3A_45, %dot_general3A_355 {dimension_numbers = #tpu.dot_dimension_numbers<[0], [0], [1], [1], [0, 1, 1, 1], [], []>, transpose_lhs_hint = false} : vector<32x128xf32>, vector<32x128xf32>, vector<128x128xf32> -> vector<128x128xf32>
    %add3A_357 = arith.addf %add3A_351, %dot_general3A_356 : vector<128x128xf32>
    %swap3A_358 = arith.constant 1280 : index
    %swap3A_359 = arith.constant 0 : index
    %swap3A_360 = vector.load %arg2[%swap3A_358, %swap3A_359] : memref<8192x128xf32, #tpu.memory_space<vmem>>, vector<128x128xf32>
    tpu.vector_store %arg2[%swap3A_358, %swap3A_359], %add3A_357 {strides = array<i32>} : memref<8192x128xf32, #tpu.memory_space<vmem>>, vector<128x128xf32>,
    %broadcast_in_dim3A_361 = arith.constant 0.000000e+00 : f32
    %broadcast_in_dim3A_362 = vector.broadcast %broadcast_in_dim3A_361 : f32 to vector<128x128xf32>
    %get3A_363 = arith.constant 0 : index
    %get3A_364 = arith.constant 5632 : index
    %get3A_365 = vector.load %arg1[%get3A_363, %get3A_364] : memref<32x32768xf32, #tpu.memory_space<vmem>>, vector<32x128xf32>
    %dot_general3A_366 = arith.constant dense<0.000000e+00> : vector<128x128xf32>
    %dot_general3A_367 = tpu.matmul %get3A_365, %pad3A_5, %dot_general3A_366 {dimension_numbers = #tpu.dot_dimension_numbers<[0], [0], [1], [1], [0, 1, 1, 1], [], []>, transpose_lhs_hint = false} : vector<32x128xf32>, vector<32x128xf32>, vector<128x128xf32> -> vector<128x128xf32>
    %add3A_368 = arith.addf %broadcast_in_dim3A_362, %dot_general3A_367 : vector<128x128xf32>
    %get3A_369 = arith.constant 0 : index
    %get3A_370 = arith.constant 5760 : index
    %get3A_371 = vector.load %arg1[%get3A_369, %get3A_370] : memref<32x32768xf32, #tpu.memory_space<vmem>>, vector<32x128xf32>
    %dot_general3A_372 = arith.constant dense<0.000000e+00> : vector<128x128xf32>
    %dot_general3A_373 = tpu.matmul %get3A_371, %pad3A_19, %dot_general3A_372 {dimension_numbers = #tpu.dot_dimension_numbers<[0], [0], [1], [1], [0, 1, 1, 1], [], []>, transpose_lhs_hint = false} : vector<32x128xf32>, vector<32x128xf32>, vector<128x128xf32> -> vector<128x128xf32>
    %add3A_374 = arith.addf %add3A_368, %dot_general3A_373 : vector<128x128xf32>
    %get3A_375 = arith.constant 0 : index
    %get3A_376 = arith.constant 5888 : index
    %get3A_377 = vector.load %arg1[%get3A_375, %get3A_376] : memref<32x32768xf32, #tpu.memory_space<vmem>>, vector<32x128xf32>
    %dot_general3A_378 = arith.constant dense<0.000000e+00> : vector<128x128xf32>
    %dot_general3A_379 = tpu.matmul %get3A_377, %pad3A_33, %dot_general3A_378 {dimension_numbers = #tpu.dot_dimension_numbers<[0], [0], [1], [1], [0, 1, 1, 1], [], []>, transpose_lhs_hint = false} : vector<32x128xf32>, vector<32x128xf32>, vector<128x128xf32> -> vector<128x128xf32>
    %add3A_380 = arith.addf %add3A_374, %dot_general3A_379 : vector<128x128xf32>
    %get3A_381 = arith.constant 0 : index
    %get3A_382 = arith.constant 6016 : index
    %get3A_383 = vector.load %arg1[%get3A_381, %get3A_382] : memref<32x32768xf32, #tpu.memory_space<vmem>>, vector<32x128xf32>
    %dot_general3A_384 = arith.constant dense<0.000000e+00> : vector<128x128xf32>
    %dot_general3A_385 = tpu.matmul %get3A_383, %pad3A_45, %dot_general3A_384 {dimension_numbers = #tpu.dot_dimension_numbers<[0], [0], [1], [1], [0, 1, 1, 1], [], []>, transpose_lhs_hint = false} : vector<32x128xf32>, vector<32x128xf32>, vector<128x128xf32> -> vector<128x128xf32>
    %add3A_386 = arith.addf %add3A_380, %dot_general3A_385 : vector<128x128xf32>
    %swap3A_387 = arith.constant 1408 : index
    %swap3A_388 = arith.constant 0 : index
    %swap3A_389 = vector.load %arg2[%swap3A_387, %swap3A_388] : memref<8192x128xf32, #tpu.memory_space<vmem>>, vector<128x128xf32>
    tpu.vector_store %arg2[%swap3A_387, %swap3A_388], %add3A_386 {strides = array<i32>} : memref<8192x128xf32, #tpu.memory_space<vmem>>, vector<128x128xf32>,
    %broadcast_in_dim3A_390 = arith.constant 0.000000e+00 : f32
    %broadcast_in_dim3A_391 = vector.broadcast %broadcast_in_dim3A_390 : f32 to vector<128x128xf32>
    %get3A_392 = arith.constant 0 : index
    %get3A_393 = arith.constant 6144 : index
    %get3A_394 = vector.load %arg1[%get3A_392, %get3A_393] : memref<32x32768xf32, #tpu.memory_space<vmem>>, vector<32x128xf32>
    %dot_general3A_395 = arith.constant dense<0.000000e+00> : vector<128x128xf32>
    %dot_general3A_396 = tpu.matmul %get3A_394, %pad3A_5, %dot_general3A_395 {dimension_numbers = #tpu.dot_dimension_numbers<[0], [0], [1], [1], [0, 1, 1, 1], [], []>, transpose_lhs_hint = false} : vector<32x128xf32>, vector<32x128xf32>, vector<128x128xf32> -> vector<128x128xf32>
    %add3A_397 = arith.addf %broadcast_in_dim3A_391, %dot_general3A_396 : vector<128x128xf32>
    %get3A_398 = arith.constant 0 : index
    %get3A_399 = arith.constant 6272 : index
    %get3A_400 = vector.load %arg1[%get3A_398, %get3A_399] : memref<32x32768xf32, #tpu.memory_space<vmem>>, vector<32x128xf32>
    %dot_general3A_401 = arith.constant dense<0.000000e+00> : vector<128x128xf32>
    %dot_general3A_402 = tpu.matmul %get3A_400, %pad3A_19, %dot_general3A_401 {dimension_numbers = #tpu.dot_dimension_numbers<[0], [0], [1], [1], [0, 1, 1, 1], [], []>, transpose_lhs_hint = false} : vector<32x128xf32>, vector<32x128xf32>, vector<128x128xf32> -> vector<128x128xf32>
    %add3A_403 = arith.addf %add3A_397, %dot_general3A_402 : vector<128x128xf32>
    %get3A_404 = arith.constant 0 : index
    %get3A_405 = arith.constant 6400 : index
    %get3A_406 = vector.load %arg1[%get3A_404, %get3A_405] : memref<32x32768xf32, #tpu.memory_space<vmem>>, vector<32x128xf32>
    %dot_general3A_407 = arith.constant dense<0.000000e+00> : vector<128x128xf32>
    %dot_general3A_408 = tpu.matmul %get3A_406, %pad3A_33, %dot_general3A_407 {dimension_numbers = #tpu.dot_dimension_numbers<[0], [0], [1], [1], [0, 1, 1, 1], [], []>, transpose_lhs_hint = false} : vector<32x128xf32>, vector<32x128xf32>, vector<128x128xf32> -> vector<128x128xf32>
    %add3A_409 = arith.addf %add3A_403, %dot_general3A_408 : vector<128x128xf32>
    %get3A_410 = arith.constant 0 : index
    %get3A_411 = arith.constant 6528 : index
    %get3A_412 = vector.load %arg1[%get3A_410, %get3A_411] : memref<32x32768xf32, #tpu.memory_space<vmem>>, vector<32x128xf32>
    %dot_general3A_413 = arith.constant dense<0.000000e+00> : vector<128x128xf32>
    %dot_general3A_414 = tpu.matmul %get3A_412, %pad3A_45, %dot_general3A_413 {dimension_numbers = #tpu.dot_dimension_numbers<[0], [0], [1], [1], [0, 1, 1, 1], [], []>, transpose_lhs_hint = false} : vector<32x128xf32>, vector<32x128xf32>, vector<128x128xf32> -> vector<128x128xf32>
    %add3A_415 = arith.addf %add3A_409, %dot_general3A_414 : vector<128x128xf32>
    %swap3A_416 = arith.constant 1536 : index
    %swap3A_417 = arith.constant 0 : index
    %swap3A_418 = vector.load %arg2[%swap3A_416, %swap3A_417] : memref<8192x128xf32, #tpu.memory_space<vmem>>, vector<128x128xf32>
    tpu.vector_store %arg2[%swap3A_416, %swap3A_417], %add3A_415 {strides = array<i32>} : memref<8192x128xf32, #tpu.memory_space<vmem>>, vector<128x128xf32>,
    %broadcast_in_dim3A_419 = arith.constant 0.000000e+00 : f32
    %broadcast_in_dim3A_420 = vector.broadcast %broadcast_in_dim3A_419 : f32 to vector<128x128xf32>
    %get3A_421 = arith.constant 0 : index
    %get3A_422 = arith.constant 6656 : index
    %get3A_423 = vector.load %arg1[%get3A_421, %get3A_422] : memref<32x32768xf32, #tpu.memory_space<vmem>>, vector<32x128xf32>
    %dot_general3A_424 = arith.constant dense<0.000000e+00> : vector<128x128xf32>
    %dot_general3A_425 = tpu.matmul %get3A_423, %pad3A_5, %dot_general3A_424 {dimension_numbers = #tpu.dot_dimension_numbers<[0], [0], [1], [1], [0, 1, 1, 1], [], []>, transpose_lhs_hint = false} : vector<32x128xf32>, vector<32x128xf32>, vector<128x128xf32> -> vector<128x128xf32>
    %add3A_426 = arith.addf %broadcast_in_dim3A_420, %dot_general3A_425 : vector<128x128xf32>
    %get3A_427 = arith.constant 0 : index
    %get3A_428 = arith.constant 6784 : index
    %get3A_429 = vector.load %arg1[%get3A_427, %get3A_428] : memref<32x32768xf32, #tpu.memory_space<vmem>>, vector<32x128xf32>
    %dot_general3A_430 = arith.constant dense<0.000000e+00> : vector<128x128xf32>
    %dot_general3A_431 = tpu.matmul %get3A_429, %pad3A_19, %dot_general3A_430 {dimension_numbers = #tpu.dot_dimension_numbers<[0], [0], [1], [1], [0, 1, 1, 1], [], []>, transpose_lhs_hint = false} : vector<32x128xf32>, vector<32x128xf32>, vector<128x128xf32> -> vector<128x128xf32>
    %add3A_432 = arith.addf %add3A_426, %dot_general3A_431 : vector<128x128xf32>
    %get3A_433 = arith.constant 0 : index
    %get3A_434 = arith.constant 6912 : index
    %get3A_435 = vector.load %arg1[%get3A_433, %get3A_434] : memref<32x32768xf32, #tpu.memory_space<vmem>>, vector<32x128xf32>
    %dot_general3A_436 = arith.constant dense<0.000000e+00> : vector<128x128xf32>
    %dot_general3A_437 = tpu.matmul %get3A_435, %pad3A_33, %dot_general3A_436 {dimension_numbers = #tpu.dot_dimension_numbers<[0], [0], [1], [1], [0, 1, 1, 1], [], []>, transpose_lhs_hint = false} : vector<32x128xf32>, vector<32x128xf32>, vector<128x128xf32> -> vector<128x128xf32>
    %add3A_438 = arith.addf %add3A_432, %dot_general3A_437 : vector<128x128xf32>
    %get3A_439 = arith.constant 0 : index
    %get3A_440 = arith.constant 7040 : index
    %get3A_441 = vector.load %arg1[%get3A_439, %get3A_440] : memref<32x32768xf32, #tpu.memory_space<vmem>>, vector<32x128xf32>
    %dot_general3A_442 = arith.constant dense<0.000000e+00> : vector<128x128xf32>
    %dot_general3A_443 = tpu.matmul %get3A_441, %pad3A_45, %dot_general3A_442 {dimension_numbers = #tpu.dot_dimension_numbers<[0], [0], [1], [1], [0, 1, 1, 1], [], []>, transpose_lhs_hint = false} : vector<32x128xf32>, vector<32x128xf32>, vector<128x128xf32> -> vector<128x128xf32>
    %add3A_444 = arith.addf %add3A_438, %dot_general3A_443 : vector<128x128xf32>
    %swap3A_445 = arith.constant 1664 : index
    %swap3A_446 = arith.constant 0 : index
    %swap3A_447 = vector.load %arg2[%swap3A_445, %swap3A_446] : memref<8192x128xf32, #tpu.memory_space<vmem>>, vector<128x128xf32>
    tpu.vector_store %arg2[%swap3A_445, %swap3A_446], %add3A_444 {strides = array<i32>} : memref<8192x128xf32, #tpu.memory_space<vmem>>, vector<128x128xf32>,
    %broadcast_in_dim3A_448 = arith.constant 0.000000e+00 : f32
    %broadcast_in_dim3A_449 = vector.broadcast %broadcast_in_dim3A_448 : f32 to vector<128x128xf32>
    %get3A_450 = arith.constant 0 : index
    %get3A_451 = arith.constant 7168 : index
    %get3A_452 = vector.load %arg1[%get3A_450, %get3A_451] : memref<32x32768xf32, #tpu.memory_space<vmem>>, vector<32x128xf32>
    %dot_general3A_453 = arith.constant dense<0.000000e+00> : vector<128x128xf32>
    %dot_general3A_454 = tpu.matmul %get3A_452, %pad3A_5, %dot_general3A_453 {dimension_numbers = #tpu.dot_dimension_numbers<[0], [0], [1], [1], [0, 1, 1, 1], [], []>, transpose_lhs_hint = false} : vector<32x128xf32>, vector<32x128xf32>, vector<128x128xf32> -> vector<128x128xf32>
    %add3A_455 = arith.addf %broadcast_in_dim3A_449, %dot_general3A_454 : vector<128x128xf32>
    %get3A_456 = arith.constant 0 : index
    %get3A_457 = arith.constant 7296 : index
    %get3A_458 = vector.load %arg1[%get3A_456, %get3A_457] : memref<32x32768xf32, #tpu.memory_space<vmem>>, vector<32x128xf32>
    %dot_general3A_459 = arith.constant dense<0.000000e+00> : vector<128x128xf32>
    %dot_general3A_460 = tpu.matmul %get3A_458, %pad3A_19, %dot_general3A_459 {dimension_numbers = #tpu.dot_dimension_numbers<[0], [0], [1], [1], [0, 1, 1, 1], [], []>, transpose_lhs_hint = false} : vector<32x128xf32>, vector<32x128xf32>, vector<128x128xf32> -> vector<128x128xf32>
    %add3A_461 = arith.addf %add3A_455, %dot_general3A_460 : vector<128x128xf32>
    %get3A_462 = arith.constant 0 : index
    %get3A_463 = arith.constant 7424 : index
    %get3A_464 = vector.load %arg1[%get3A_462, %get3A_463] : memref<32x32768xf32, #tpu.memory_space<vmem>>, vector<32x128xf32>
    %dot_general3A_465 = arith.constant dense<0.000000e+00> : vector<128x128xf32>
    %dot_general3A_466 = tpu.matmul %get3A_464, %pad3A_33, %dot_general3A_465 {dimension_numbers = #tpu.dot_dimension_numbers<[0], [0], [1], [1], [0, 1, 1, 1], [], []>, transpose_lhs_hint = false} : vector<32x128xf32>, vector<32x128xf32>, vector<128x128xf32> -> vector<128x128xf32>
    %add3A_467 = arith.addf %add3A_461, %dot_general3A_466 : vector<128x128xf32>
    %get3A_468 = arith.constant 0 : index
    %get3A_469 = arith.constant 7552 : index
    %get3A_470 = vector.load %arg1[%get3A_468, %get3A_469] : memref<32x32768xf32, #tpu.memory_space<vmem>>, vector<32x128xf32>
    %dot_general3A_471 = arith.constant dense<0.000000e+00> : vector<128x128xf32>
    %dot_general3A_472 = tpu.matmul %get3A_470, %pad3A_45, %dot_general3A_471 {dimension_numbers = #tpu.dot_dimension_numbers<[0], [0], [1], [1], [0, 1, 1, 1], [], []>, transpose_lhs_hint = false} : vector<32x128xf32>, vector<32x128xf32>, vector<128x128xf32> -> vector<128x128xf32>
    %add3A_473 = arith.addf %add3A_467, %dot_general3A_472 : vector<128x128xf32>
    %swap3A_474 = arith.constant 1792 : index
    %swap3A_475 = arith.constant 0 : index
    %swap3A_476 = vector.load %arg2[%swap3A_474, %swap3A_475] : memref<8192x128xf32, #tpu.memory_space<vmem>>, vector<128x128xf32>
    tpu.vector_store %arg2[%swap3A_474, %swap3A_475], %add3A_473 {strides = array<i32>} : memref<8192x128xf32, #tpu.memory_space<vmem>>, vector<128x128xf32>,
    %broadcast_in_dim3A_477 = arith.constant 0.000000e+00 : f32
    %broadcast_in_dim3A_478 = vector.broadcast %broadcast_in_dim3A_477 : f32 to vector<128x128xf32>
    %get3A_479 = arith.constant 0 : index
    %get3A_480 = arith.constant 7680 : index
    %get3A_481 = vector.load %arg1[%get3A_479, %get3A_480] : memref<32x32768xf32, #tpu.memory_space<vmem>>, vector<32x128xf32>
    %dot_general3A_482 = arith.constant dense<0.000000e+00> : vector<128x128xf32>
    %dot_general3A_483 = tpu.matmul %get3A_481, %pad3A_5, %dot_general3A_482 {dimension_numbers = #tpu.dot_dimension_numbers<[0], [0], [1], [1], [0, 1, 1, 1], [], []>, transpose_lhs_hint = false} : vector<32x128xf32>, vector<32x128xf32>, vector<128x128xf32> -> vector<128x128xf32>
    %add3A_484 = arith.addf %broadcast_in_dim3A_478, %dot_general3A_483 : vector<128x128xf32>
    %get3A_485 = arith.constant 0 : index
    %get3A_486 = arith.constant 7808 : index
    %get3A_487 = vector.load %arg1[%get3A_485, %get3A_486] : memref<32x32768xf32, #tpu.memory_space<vmem>>, vector<32x128xf32>
    %dot_general3A_488 = arith.constant dense<0.000000e+00> : vector<128x128xf32>
    %dot_general3A_489 = tpu.matmul %get3A_487, %pad3A_19, %dot_general3A_488 {dimension_numbers = #tpu.dot_dimension_numbers<[0], [0], [1], [1], [0, 1, 1, 1], [], []>, transpose_lhs_hint = false} : vector<32x128xf32>, vector<32x128xf32>, vector<128x128xf32> -> vector<128x128xf32>
    %add3A_490 = arith.addf %add3A_484, %dot_general3A_489 : vector<128x128xf32>
    %get3A_491 = arith.constant 0 : index
    %get3A_492 = arith.constant 7936 : index
    %get3A_493 = vector.load %arg1[%get3A_491, %get3A_492] : memref<32x32768xf32, #tpu.memory_space<vmem>>, vector<32x128xf32>
    %dot_general3A_494 = arith.constant dense<0.000000e+00> : vector<128x128xf32>
    %dot_general3A_495 = tpu.matmul %get3A_493, %pad3A_33, %dot_general3A_494 {dimension_numbers = #tpu.dot_dimension_numbers<[0], [0], [1], [1], [0, 1, 1, 1], [], []>, transpose_lhs_hint = false} : vector<32x128xf32>, vector<32x128xf32>, vector<128x128xf32> -> vector<128x128xf32>
    %add3A_496 = arith.addf %add3A_490, %dot_general3A_495 : vector<128x128xf32>
    %get3A_497 = arith.constant 0 : index
    %get3A_498 = arith.constant 8064 : index
    %get3A_499 = vector.load %arg1[%get3A_497, %get3A_498] : memref<32x32768xf32, #tpu.memory_space<vmem>>, vector<32x128xf32>
    %dot_general3A_500 = arith.constant dense<0.000000e+00> : vector<128x128xf32>
    %dot_general3A_501 = tpu.matmul %get3A_499, %pad3A_45, %dot_general3A_500 {dimension_numbers = #tpu.dot_dimension_numbers<[0], [0], [1], [1], [0, 1, 1, 1], [], []>, transpose_lhs_hint = false} : vector<32x128xf32>, vector<32x128xf32>, vector<128x128xf32> -> vector<128x128xf32>
    %add3A_502 = arith.addf %add3A_496, %dot_general3A_501 : vector<128x128xf32>
    %swap3A_503 = arith.constant 1920 : index
    %swap3A_504 = arith.constant 0 : index
    %swap3A_505 = vector.load %arg2[%swap3A_503, %swap3A_504] : memref<8192x128xf32, #tpu.memory_space<vmem>>, vector<128x128xf32>
    tpu.vector_store %arg2[%swap3A_503, %swap3A_504], %add3A_502 {strides = array<i32>} : memref<8192x128xf32, #tpu.memory_space<vmem>>, vector<128x128xf32>,
    %broadcast_in_dim3A_506 = arith.constant 0.000000e+00 : f32
    %broadcast_in_dim3A_507 = vector.broadcast %broadcast_in_dim3A_506 : f32 to vector<128x128xf32>
    %get3A_508 = arith.constant 0 : index
    %get3A_509 = arith.constant 8192 : index
    %get3A_510 = vector.load %arg1[%get3A_508, %get3A_509] : memref<32x32768xf32, #tpu.memory_space<vmem>>, vector<32x128xf32>
    %dot_general3A_511 = arith.constant dense<0.000000e+00> : vector<128x128xf32>
    %dot_general3A_512 = tpu.matmul %get3A_510, %pad3A_5, %dot_general3A_511 {dimension_numbers = #tpu.dot_dimension_numbers<[0], [0], [1], [1], [0, 1, 1, 1], [], []>, transpose_lhs_hint = false} : vector<32x128xf32>, vector<32x128xf32>, vector<128x128xf32> -> vector<128x128xf32>
    %add3A_513 = arith.addf %broadcast_in_dim3A_507, %dot_general3A_512 : vector<128x128xf32>
    %get3A_514 = arith.constant 0 : index
    %get3A_515 = arith.constant 8320 : index
    %get3A_516 = vector.load %arg1[%get3A_514, %get3A_515] : memref<32x32768xf32, #tpu.memory_space<vmem>>, vector<32x128xf32>
    %dot_general3A_517 = arith.constant dense<0.000000e+00> : vector<128x128xf32>
    %dot_general3A_518 = tpu.matmul %get3A_516, %pad3A_19, %dot_general3A_517 {dimension_numbers = #tpu.dot_dimension_numbers<[0], [0], [1], [1], [0, 1, 1, 1], [], []>, transpose_lhs_hint = false} : vector<32x128xf32>, vector<32x128xf32>, vector<128x128xf32> -> vector<128x128xf32>
    %add3A_519 = arith.addf %add3A_513, %dot_general3A_518 : vector<128x128xf32>
    %get3A_520 = arith.constant 0 : index
    %get3A_521 = arith.constant 8448 : index
    %get3A_522 = vector.load %arg1[%get3A_520, %get3A_521] : memref<32x32768xf32, #tpu.memory_space<vmem>>, vector<32x128xf32>
    %dot_general3A_523 = arith.constant dense<0.000000e+00> : vector<128x128xf32>
    %dot_general3A_524 = tpu.matmul %get3A_522, %pad3A_33, %dot_general3A_523 {dimension_numbers = #tpu.dot_dimension_numbers<[0], [0], [1], [1], [0, 1, 1, 1], [], []>, transpose_lhs_hint = false} : vector<32x128xf32>, vector<32x128xf32>, vector<128x128xf32> -> vector<128x128xf32>
    %add3A_525 = arith.addf %add3A_519, %dot_general3A_524 : vector<128x128xf32>
    %get3A_526 = arith.constant 0 : index
    %get3A_527 = arith.constant 8576 : index
    %get3A_528 = vector.load %arg1[%get3A_526, %get3A_527] : memref<32x32768xf32, #tpu.memory_space<vmem>>, vector<32x128xf32>
    %dot_general3A_529 = arith.constant dense<0.000000e+00> : vector<128x128xf32>
    %dot_general3A_530 = tpu.matmul %get3A_528, %pad3A_45, %dot_general3A_529 {dimension_numbers = #tpu.dot_dimension_numbers<[0], [0], [1], [1], [0, 1, 1, 1], [], []>, transpose_lhs_hint = false} : vector<32x128xf32>, vector<32x128xf32>, vector<128x128xf32> -> vector<128x128xf32>
    %add3A_531 = arith.addf %add3A_525, %dot_general3A_530 : vector<128x128xf32>
    %swap3A_532 = arith.constant 2048 : index
    %swap3A_533 = arith.constant 0 : index
    %swap3A_534 = vector.load %arg2[%swap3A_532, %swap3A_533] : memref<8192x128xf32, #tpu.memory_space<vmem>>, vector<128x128xf32>
    tpu.vector_store %arg2[%swap3A_532, %swap3A_533], %add3A_531 {strides = array<i32>} : memref<8192x128xf32, #tpu.memory_space<vmem>>, vector<128x128xf32>,
    %broadcast_in_dim3A_535 = arith.constant 0.000000e+00 : f32
    %broadcast_in_dim3A_536 = vector.broadcast %broadcast_in_dim3A_535 : f32 to vector<128x128xf32>
    %get3A_537 = arith.constant 0 : index
    %get3A_538 = arith.constant 8704 : index
    %get3A_539 = vector.load %arg1[%get3A_537, %get3A_538] : memref<32x32768xf32, #tpu.memory_space<vmem>>, vector<32x128xf32>
    %dot_general3A_540 = arith.constant dense<0.000000e+00> : vector<128x128xf32>
    %dot_general3A_541 = tpu.matmul %get3A_539, %pad3A_5, %dot_general3A_540 {dimension_numbers = #tpu.dot_dimension_numbers<[0], [0], [1], [1], [0, 1, 1, 1], [], []>, transpose_lhs_hint = false} : vector<32x128xf32>, vector<32x128xf32>, vector<128x128xf32> -> vector<128x128xf32>
    %add3A_542 = arith.addf %broadcast_in_dim3A_536, %dot_general3A_541 : vector<128x128xf32>
    %get3A_543 = arith.constant 0 : index
    %get3A_544 = arith.constant 8832 : index
    %get3A_545 = vector.load %arg1[%get3A_543, %get3A_544] : memref<32x32768xf32, #tpu.memory_space<vmem>>, vector<32x128xf32>
    %dot_general3A_546 = arith.constant dense<0.000000e+00> : vector<128x128xf32>
    %dot_general3A_547 = tpu.matmul %get3A_545, %pad3A_19, %dot_general3A_546 {dimension_numbers = #tpu.dot_dimension_numbers<[0], [0], [1], [1], [0, 1, 1, 1], [], []>, transpose_lhs_hint = false} : vector<32x128xf32>, vector<32x128xf32>, vector<128x128xf32> -> vector<128x128xf32>
    %add3A_548 = arith.addf %add3A_542, %dot_general3A_547 : vector<128x128xf32>
    %get3A_549 = arith.constant 0 : index
    %get3A_550 = arith.constant 8960 : index
    %get3A_551 = vector.load %arg1[%get3A_549, %get3A_550] : memref<32x32768xf32, #tpu.memory_space<vmem>>, vector<32x128xf32>
    %dot_general3A_552 = arith.constant dense<0.000000e+00> : vector<128x128xf32>
    %dot_general3A_553 = tpu.matmul %get3A_551, %pad3A_33, %dot_general3A_552 {dimension_numbers = #tpu.dot_dimension_numbers<[0], [0], [1], [1], [0, 1, 1, 1], [], []>, transpose_lhs_hint = false} : vector<32x128xf32>, vector<32x128xf32>, vector<128x128xf32> -> vector<128x128xf32>
    %add3A_554 = arith.addf %add3A_548, %dot_general3A_553 : vector<128x128xf32>
    %get3A_555 = arith.constant 0 : index
    %get3A_556 = arith.constant 9088 : index
    %get3A_557 = vector.load %arg1[%get3A_555, %get3A_556] : memref<32x32768xf32, #tpu.memory_space<vmem>>, vector<32x128xf32>
    %dot_general3A_558 = arith.constant dense<0.000000e+00> : vector<128x128xf32>
    %dot_general3A_559 = tpu.matmul %get3A_557, %pad3A_45, %dot_general3A_558 {dimension_numbers = #tpu.dot_dimension_numbers<[0], [0], [1], [1], [0, 1, 1, 1], [], []>, transpose_lhs_hint = false} : vector<32x128xf32>, vector<32x128xf32>, vector<128x128xf32> -> vector<128x128xf32>
    %add3A_560 = arith.addf %add3A_554, %dot_general3A_559 : vector<128x128xf32>
    %swap3A_561 = arith.constant 2176 : index
    %swap3A_562 = arith.constant 0 : index
    %swap3A_563 = vector.load %arg2[%swap3A_561, %swap3A_562] : memref<8192x128xf32, #tpu.memory_space<vmem>>, vector<128x128xf32>
    tpu.vector_store %arg2[%swap3A_561, %swap3A_562], %add3A_560 {strides = array<i32>} : memref<8192x128xf32, #tpu.memory_space<vmem>>, vector<128x128xf32>,
    %broadcast_in_dim3A_564 = arith.constant 0.000000e+00 : f32
    %broadcast_in_dim3A_565 = vector.broadcast %broadcast_in_dim3A_564 : f32 to vector<128x128xf32>
    %get3A_566 = arith.constant 0 : index
    %get3A_567 = arith.constant 9216 : index
    %get3A_568 = vector.load %arg1[%get3A_566, %get3A_567] : memref<32x32768xf32, #tpu.memory_space<vmem>>, vector<32x128xf32>
    %dot_general3A_569 = arith.constant dense<0.000000e+00> : vector<128x128xf32>
    %dot_general3A_570 = tpu.matmul %get3A_568, %pad3A_5, %dot_general3A_569 {dimension_numbers = #tpu.dot_dimension_numbers<[0], [0], [1], [1], [0, 1, 1, 1], [], []>, transpose_lhs_hint = false} : vector<32x128xf32>, vector<32x128xf32>, vector<128x128xf32> -> vector<128x128xf32>
    %add3A_571 = arith.addf %broadcast_in_dim3A_565, %dot_general3A_570 : vector<128x128xf32>
    %get3A_572 = arith.constant 0 : index
    %get3A_573 = arith.constant 9344 : index
    %get3A_574 = vector.load %arg1[%get3A_572, %get3A_573] : memref<32x32768xf32, #tpu.memory_space<vmem>>, vector<32x128xf32>
    %dot_general3A_575 = arith.constant dense<0.000000e+00> : vector<128x128xf32>
    %dot_general3A_576 = tpu.matmul %get3A_574, %pad3A_19, %dot_general3A_575 {dimension_numbers = #tpu.dot_dimension_numbers<[0], [0], [1], [1], [0, 1, 1, 1], [], []>, transpose_lhs_hint = false} : vector<32x128xf32>, vector<32x128xf32>, vector<128x128xf32> -> vector<128x128xf32>
    %add3A_577 = arith.addf %add3A_571, %dot_general3A_576 : vector<128x128xf32>
    %get3A_578 = arith.constant 0 : index
    %get3A_579 = arith.constant 9472 : index
    %get3A_580 = vector.load %arg1[%get3A_578, %get3A_579] : memref<32x32768xf32, #tpu.memory_space<vmem>>, vector<32x128xf32>
    %dot_general3A_581 = arith.constant dense<0.000000e+00> : vector<128x128xf32>
    %dot_general3A_582 = tpu.matmul %get3A_580, %pad3A_33, %dot_general3A_581 {dimension_numbers = #tpu.dot_dimension_numbers<[0], [0], [1], [1], [0, 1, 1, 1], [], []>, transpose_lhs_hint = false} : vector<32x128xf32>, vector<32x128xf32>, vector<128x128xf32> -> vector<128x128xf32>
    %add3A_583 = arith.addf %add3A_577, %dot_general3A_582 : vector<128x128xf32>
    %get3A_584 = arith.constant 0 : index
    %get3A_585 = arith.constant 9600 : index
    %get3A_586 = vector.load %arg1[%get3A_584, %get3A_585] : memref<32x32768xf32, #tpu.memory_space<vmem>>, vector<32x128xf32>
    %dot_general3A_587 = arith.constant dense<0.000000e+00> : vector<128x128xf32>
    %dot_general3A_588 = tpu.matmul %get3A_586, %pad3A_45, %dot_general3A_587 {dimension_numbers = #tpu.dot_dimension_numbers<[0], [0], [1], [1], [0, 1, 1, 1], [], []>, transpose_lhs_hint = false} : vector<32x128xf32>, vector<32x128xf32>, vector<128x128xf32> -> vector<128x128xf32>
    %add3A_589 = arith.addf %add3A_583, %dot_general3A_588 : vector<128x128xf32>
    %swap3A_590 = arith.constant 2304 : index
    %swap3A_591 = arith.constant 0 : index
    %swap3A_592 = vector.load %arg2[%swap3A_590, %swap3A_591] : memref<8192x128xf32, #tpu.memory_space<vmem>>, vector<128x128xf32>
    tpu.vector_store %arg2[%swap3A_590, %swap3A_591], %add3A_589 {strides = array<i32>} : memref<8192x128xf32, #tpu.memory_space<vmem>>, vector<128x128xf32>,
    %broadcast_in_dim3A_593 = arith.constant 0.000000e+00 : f32
    %broadcast_in_dim3A_594 = vector.broadcast %broadcast_in_dim3A_593 : f32 to vector<128x128xf32>
    %get3A_595 = arith.constant 0 : index
    %get3A_596 = arith.constant 9728 : index
    %get3A_597 = vector.load %arg1[%get3A_595, %get3A_596] : memref<32x32768xf32, #tpu.memory_space<vmem>>, vector<32x128xf32>
    %dot_general3A_598 = arith.constant dense<0.000000e+00> : vector<128x128xf32>
    %dot_general3A_599 = tpu.matmul %get3A_597, %pad3A_5, %dot_general3A_598 {dimension_numbers = #tpu.dot_dimension_numbers<[0], [0], [1], [1], [0, 1, 1, 1], [], []>, transpose_lhs_hint = false} : vector<32x128xf32>, vector<32x128xf32>, vector<128x128xf32> -> vector<128x128xf32>
    %add3A_600 = arith.addf %broadcast_in_dim3A_594, %dot_general3A_599 : vector<128x128xf32>
    %get3A_601 = arith.constant 0 : index
    %get3A_602 = arith.constant 9856 : index
    %get3A_603 = vector.load %arg1[%get3A_601, %get3A_602] : memref<32x32768xf32, #tpu.memory_space<vmem>>, vector<32x128xf32>
    %dot_general3A_604 = arith.constant dense<0.000000e+00> : vector<128x128xf32>
    %dot_general3A_605 = tpu.matmul %get3A_603, %pad3A_19, %dot_general3A_604 {dimension_numbers = #tpu.dot_dimension_numbers<[0], [0], [1], [1], [0, 1, 1, 1], [], []>, transpose_lhs_hint = false} : vector<32x128xf32>, vector<32x128xf32>, vector<128x128xf32> -> vector<128x128xf32>
    %add3A_606 = arith.addf %add3A_600, %dot_general3A_605 : vector<128x128xf32>
    %get3A_607 = arith.constant 0 : index
    %get3A_608 = arith.constant 9984 : index
    %get3A_609 = vector.load %arg1[%get3A_607, %get3A_608] : memref<32x32768xf32, #tpu.memory_space<vmem>>, vector<32x128xf32>
    %dot_general3A_610 = arith.constant dense<0.000000e+00> : vector<128x128xf32>
    %dot_general3A_611 = tpu.matmul %get3A_609, %pad3A_33, %dot_general3A_610 {dimension_numbers = #tpu.dot_dimension_numbers<[0], [0], [1], [1], [0, 1, 1, 1], [], []>, transpose_lhs_hint = false} : vector<32x128xf32>, vector<32x128xf32>, vector<128x128xf32> -> vector<128x128xf32>
    %add3A_612 = arith.addf %add3A_606, %dot_general3A_611 : vector<128x128xf32>
    %get3A_613 = arith.constant 0 : index
    %get3A_614 = arith.constant 10112 : index
    %get3A_615 = vector.load %arg1[%get3A_613, %get3A_614] : memref<32x32768xf32, #tpu.memory_space<vmem>>, vector<32x128xf32>
    %dot_general3A_616 = arith.constant dense<0.000000e+00> : vector<128x128xf32>
    %dot_general3A_617 = tpu.matmul %get3A_615, %pad3A_45, %dot_general3A_616 {dimension_numbers = #tpu.dot_dimension_numbers<[0], [0], [1], [1], [0, 1, 1, 1], [], []>, transpose_lhs_hint = false} : vector<32x128xf32>, vector<32x128xf32>, vector<128x128xf32> -> vector<128x128xf32>
    %add3A_618 = arith.addf %add3A_612, %dot_general3A_617 : vector<128x128xf32>
    %swap3A_619 = arith.constant 2432 : index
    %swap3A_620 = arith.constant 0 : index
    %swap3A_621 = vector.load %arg2[%swap3A_619, %swap3A_620] : memref<8192x128xf32, #tpu.memory_space<vmem>>, vector<128x128xf32>
    tpu.vector_store %arg2[%swap3A_619, %swap3A_620], %add3A_618 {strides = array<i32>} : memref<8192x128xf32, #tpu.memory_space<vmem>>, vector<128x128xf32>,
    %broadcast_in_dim3A_622 = arith.constant 0.000000e+00 : f32
    %broadcast_in_dim3A_623 = vector.broadcast %broadcast_in_dim3A_622 : f32 to vector<128x128xf32>
    %get3A_624 = arith.constant 0 : index
    %get3A_625 = arith.constant 10240 : index
    %get3A_626 = vector.load %arg1[%get3A_624, %get3A_625] : memref<32x32768xf32, #tpu.memory_space<vmem>>, vector<32x128xf32>
    %dot_general3A_627 = arith.constant dense<0.000000e+00> : vector<128x128xf32>
    %dot_general3A_628 = tpu.matmul %get3A_626, %pad3A_5, %dot_general3A_627 {dimension_numbers = #tpu.dot_dimension_numbers<[0], [0], [1], [1], [0, 1, 1, 1], [], []>, transpose_lhs_hint = false} : vector<32x128xf32>, vector<32x128xf32>, vector<128x128xf32> -> vector<128x128xf32>
    %add3A_629 = arith.addf %broadcast_in_dim3A_623, %dot_general3A_628 : vector<128x128xf32>
    %get3A_630 = arith.constant 0 : index
    %get3A_631 = arith.constant 10368 : index
    %get3A_632 = vector.load %arg1[%get3A_630, %get3A_631] : memref<32x32768xf32, #tpu.memory_space<vmem>>, vector<32x128xf32>
    %dot_general3A_633 = arith.constant dense<0.000000e+00> : vector<128x128xf32>
    %dot_general3A_634 = tpu.matmul %get3A_632, %pad3A_19, %dot_general3A_633 {dimension_numbers = #tpu.dot_dimension_numbers<[0], [0], [1], [1], [0, 1, 1, 1], [], []>, transpose_lhs_hint = false} : vector<32x128xf32>, vector<32x128xf32>, vector<128x128xf32> -> vector<128x128xf32>
    %add3A_635 = arith.addf %add3A_629, %dot_general3A_634 : vector<128x128xf32>
    %get3A_636 = arith.constant 0 : index
    %get3A_637 = arith.constant 10496 : index
    %get3A_638 = vector.load %arg1[%get3A_636, %get3A_637] : memref<32x32768xf32, #tpu.memory_space<vmem>>, vector<32x128xf32>
    %dot_general3A_639 = arith.constant dense<0.000000e+00> : vector<128x128xf32>
    %dot_general3A_640 = tpu.matmul %get3A_638, %pad3A_33, %dot_general3A_639 {dimension_numbers = #tpu.dot_dimension_numbers<[0], [0], [1], [1], [0, 1, 1, 1], [], []>, transpose_lhs_hint = false} : vector<32x128xf32>, vector<32x128xf32>, vector<128x128xf32> -> vector<128x128xf32>
    %add3A_641 = arith.addf %add3A_635, %dot_general3A_640 : vector<128x128xf32>
    %get3A_642 = arith.constant 0 : index
    %get3A_643 = arith.constant 10624 : index
    %get3A_644 = vector.load %arg1[%get3A_642, %get3A_643] : memref<32x32768xf32, #tpu.memory_space<vmem>>, vector<32x128xf32>
    %dot_general3A_645 = arith.constant dense<0.000000e+00> : vector<128x128xf32>
    %dot_general3A_646 = tpu.matmul %get3A_644, %pad3A_45, %dot_general3A_645 {dimension_numbers = #tpu.dot_dimension_numbers<[0], [0], [1], [1], [0, 1, 1, 1], [], []>, transpose_lhs_hint = false} : vector<32x128xf32>, vector<32x128xf32>, vector<128x128xf32> -> vector<128x128xf32>
    %add3A_647 = arith.addf %add3A_641, %dot_general3A_646 : vector<128x128xf32>
    %swap3A_648 = arith.constant 2560 : index
    %swap3A_649 = arith.constant 0 : index
    %swap3A_650 = vector.load %arg2[%swap3A_648, %swap3A_649] : memref<8192x128xf32, #tpu.memory_space<vmem>>, vector<128x128xf32>
    tpu.vector_store %arg2[%swap3A_648, %swap3A_649], %add3A_647 {strides = array<i32>} : memref<8192x128xf32, #tpu.memory_space<vmem>>, vector<128x128xf32>,
    %broadcast_in_dim3A_651 = arith.constant 0.000000e+00 : f32
    %broadcast_in_dim3A_652 = vector.broadcast %broadcast_in_dim3A_651 : f32 to vector<128x128xf32>
    %get3A_653 = arith.constant 0 : index
    %get3A_654 = arith.constant 10752 : index
    %get3A_655 = vector.load %arg1[%get3A_653, %get3A_654] : memref<32x32768xf32, #tpu.memory_space<vmem>>, vector<32x128xf32>
    %dot_general3A_656 = arith.constant dense<0.000000e+00> : vector<128x128xf32>
    %dot_general3A_657 = tpu.matmul %get3A_655, %pad3A_5, %dot_general3A_656 {dimension_numbers = #tpu.dot_dimension_numbers<[0], [0], [1], [1], [0, 1, 1, 1], [], []>, transpose_lhs_hint = false} : vector<32x128xf32>, vector<32x128xf32>, vector<128x128xf32> -> vector<128x128xf32>
    %add3A_658 = arith.addf %broadcast_in_dim3A_652, %dot_general3A_657 : vector<128x128xf32>
    %get3A_659 = arith.constant 0 : index
    %get3A_660 = arith.constant 10880 : index
    %get3A_661 = vector.load %arg1[%get3A_659, %get3A_660] : memref<32x32768xf32, #tpu.memory_space<vmem>>, vector<32x128xf32>
    %dot_general3A_662 = arith.constant dense<0.000000e+00> : vector<128x128xf32>
    %dot_general3A_663 = tpu.matmul %get3A_661, %pad3A_19, %dot_general3A_662 {dimension_numbers = #tpu.dot_dimension_numbers<[0], [0], [1], [1], [0, 1, 1, 1], [], []>, transpose_lhs_hint = false} : vector<32x128xf32>, vector<32x128xf32>, vector<128x128xf32> -> vector<128x128xf32>
    %add3A_664 = arith.addf %add3A_658, %dot_general3A_663 : vector<128x128xf32>
    %get3A_665 = arith.constant 0 : index
    %get3A_666 = arith.constant 11008 : index
    %get3A_667 = vector.load %arg1[%get3A_665, %get3A_666] : memref<32x32768xf32, #tpu.memory_space<vmem>>, vector<32x128xf32>
    %dot_general3A_668 = arith.constant dense<0.000000e+00> : vector<128x128xf32>
    %dot_general3A_669 = tpu.matmul %get3A_667, %pad3A_33, %dot_general3A_668 {dimension_numbers = #tpu.dot_dimension_numbers<[0], [0], [1], [1], [0, 1, 1, 1], [], []>, transpose_lhs_hint = false} : vector<32x128xf32>, vector<32x128xf32>, vector<128x128xf32> -> vector<128x128xf32>
    %add3A_670 = arith.addf %add3A_664, %dot_general3A_669 : vector<128x128xf32>
    %get3A_671 = arith.constant 0 : index
    %get3A_672 = arith.constant 11136 : index
    %get3A_673 = vector.load %arg1[%get3A_671, %get3A_672] : memref<32x32768xf32, #tpu.memory_space<vmem>>, vector<32x128xf32>
    %dot_general3A_674 = arith.constant dense<0.000000e+00> : vector<128x128xf32>
    %dot_general3A_675 = tpu.matmul %get3A_673, %pad3A_45, %dot_general3A_674 {dimension_numbers = #tpu.dot_dimension_numbers<[0], [0], [1], [1], [0, 1, 1, 1], [], []>, transpose_lhs_hint = false} : vector<32x128xf32>, vector<32x128xf32>, vector<128x128xf32> -> vector<128x128xf32>
    %add3A_676 = arith.addf %add3A_670, %dot_general3A_675 : vector<128x128xf32>
    %swap3A_677 = arith.constant 2688 : index
    %swap3A_678 = arith.constant 0 : index
    %swap3A_679 = vector.load %arg2[%swap3A_677, %swap3A_678] : memref<8192x128xf32, #tpu.memory_space<vmem>>, vector<128x128xf32>
    tpu.vector_store %arg2[%swap3A_677, %swap3A_678], %add3A_676 {strides = array<i32>} : memref<8192x128xf32, #tpu.memory_space<vmem>>, vector<128x128xf32>,
    %broadcast_in_dim3A_680 = arith.constant 0.000000e+00 : f32
    %broadcast_in_dim3A_681 = vector.broadcast %broadcast_in_dim3A_680 : f32 to vector<128x128xf32>
    %get3A_682 = arith.constant 0 : index
    %get3A_683 = arith.constant 11264 : index
    %get3A_684 = vector.load %arg1[%get3A_682, %get3A_683] : memref<32x32768xf32, #tpu.memory_space<vmem>>, vector<32x128xf32>
    %dot_general3A_685 = arith.constant dense<0.000000e+00> : vector<128x128xf32>
    %dot_general3A_686 = tpu.matmul %get3A_684, %pad3A_5, %dot_general3A_685 {dimension_numbers = #tpu.dot_dimension_numbers<[0], [0], [1], [1], [0, 1, 1, 1], [], []>, transpose_lhs_hint = false} : vector<32x128xf32>, vector<32x128xf32>, vector<128x128xf32> -> vector<128x128xf32>
    %add3A_687 = arith.addf %broadcast_in_dim3A_681, %dot_general3A_686 : vector<128x128xf32>
    %get3A_688 = arith.constant 0 : index
    %get3A_689 = arith.constant 11392 : index
    %get3A_690 = vector.load %arg1[%get3A_688, %get3A_689] : memref<32x32768xf32, #tpu.memory_space<vmem>>, vector<32x128xf32>
    %dot_general3A_691 = arith.constant dense<0.000000e+00> : vector<128x128xf32>
    %dot_general3A_692 = tpu.matmul %get3A_690, %pad3A_19, %dot_general3A_691 {dimension_numbers = #tpu.dot_dimension_numbers<[0], [0], [1], [1], [0, 1, 1, 1], [], []>, transpose_lhs_hint = false} : vector<32x128xf32>, vector<32x128xf32>, vector<128x128xf32> -> vector<128x128xf32>
    %add3A_693 = arith.addf %add3A_687, %dot_general3A_692 : vector<128x128xf32>
    %get3A_694 = arith.constant 0 : index
    %get3A_695 = arith.constant 11520 : index
    %get3A_696 = vector.load %arg1[%get3A_694, %get3A_695] : memref<32x32768xf32, #tpu.memory_space<vmem>>, vector<32x128xf32>
    %dot_general3A_697 = arith.constant dense<0.000000e+00> : vector<128x128xf32>
    %dot_general3A_698 = tpu.matmul %get3A_696, %pad3A_33, %dot_general3A_697 {dimension_numbers = #tpu.dot_dimension_numbers<[0], [0], [1], [1], [0, 1, 1, 1], [], []>, transpose_lhs_hint = false} : vector<32x128xf32>, vector<32x128xf32>, vector<128x128xf32> -> vector<128x128xf32>
    %add3A_699 = arith.addf %add3A_693, %dot_general3A_698 : vector<128x128xf32>
    %get3A_700 = arith.constant 0 : index
    %get3A_701 = arith.constant 11648 : index
    %get3A_702 = vector.load %arg1[%get3A_700, %get3A_701] : memref<32x32768xf32, #tpu.memory_space<vmem>>, vector<32x128xf32>
    %dot_general3A_703 = arith.constant dense<0.000000e+00> : vector<128x128xf32>
    %dot_general3A_704 = tpu.matmul %get3A_702, %pad3A_45, %dot_general3A_703 {dimension_numbers = #tpu.dot_dimension_numbers<[0], [0], [1], [1], [0, 1, 1, 1], [], []>, transpose_lhs_hint = false} : vector<32x128xf32>, vector<32x128xf32>, vector<128x128xf32> -> vector<128x128xf32>
    %add3A_705 = arith.addf %add3A_699, %dot_general3A_704 : vector<128x128xf32>
    %swap3A_706 = arith.constant 2816 : index
    %swap3A_707 = arith.constant 0 : index
    %swap3A_708 = vector.load %arg2[%swap3A_706, %swap3A_707] : memref<8192x128xf32, #tpu.memory_space<vmem>>, vector<128x128xf32>
    tpu.vector_store %arg2[%swap3A_706, %swap3A_707], %add3A_705 {strides = array<i32>} : memref<8192x128xf32, #tpu.memory_space<vmem>>, vector<128x128xf32>,
    %broadcast_in_dim3A_709 = arith.constant 0.000000e+00 : f32
    %broadcast_in_dim3A_710 = vector.broadcast %broadcast_in_dim3A_709 : f32 to vector<128x128xf32>
    %get3A_711 = arith.constant 0 : index
    %get3A_712 = arith.constant 11776 : index
    %get3A_713 = vector.load %arg1[%get3A_711, %get3A_712] : memref<32x32768xf32, #tpu.memory_space<vmem>>, vector<32x128xf32>
    %dot_general3A_714 = arith.constant dense<0.000000e+00> : vector<128x128xf32>
    %dot_general3A_715 = tpu.matmul %get3A_713, %pad3A_5, %dot_general3A_714 {dimension_numbers = #tpu.dot_dimension_numbers<[0], [0], [1], [1], [0, 1, 1, 1], [], []>, transpose_lhs_hint = false} : vector<32x128xf32>, vector<32x128xf32>, vector<128x128xf32> -> vector<128x128xf32>
    %add3A_716 = arith.addf %broadcast_in_dim3A_710, %dot_general3A_715 : vector<128x128xf32>
    %get3A_717 = arith.constant 0 : index
    %get3A_718 = arith.constant 11904 : index
    %get3A_719 = vector.load %arg1[%get3A_717, %get3A_718] : memref<32x32768xf32, #tpu.memory_space<vmem>>, vector<32x128xf32>
    %dot_general3A_720 = arith.constant dense<0.000000e+00> : vector<128x128xf32>
    %dot_general3A_721 = tpu.matmul %get3A_719, %pad3A_19, %dot_general3A_720 {dimension_numbers = #tpu.dot_dimension_numbers<[0], [0], [1], [1], [0, 1, 1, 1], [], []>, transpose_lhs_hint = false} : vector<32x128xf32>, vector<32x128xf32>, vector<128x128xf32> -> vector<128x128xf32>
    %add3A_722 = arith.addf %add3A_716, %dot_general3A_721 : vector<128x128xf32>
    %get3A_723 = arith.constant 0 : index
    %get3A_724 = arith.constant 12032 : index
    %get3A_725 = vector.load %arg1[%get3A_723, %get3A_724] : memref<32x32768xf32, #tpu.memory_space<vmem>>, vector<32x128xf32>
    %dot_general3A_726 = arith.constant dense<0.000000e+00> : vector<128x128xf32>
    %dot_general3A_727 = tpu.matmul %get3A_725, %pad3A_33, %dot_general3A_726 {dimension_numbers = #tpu.dot_dimension_numbers<[0], [0], [1], [1], [0, 1, 1, 1], [], []>, transpose_lhs_hint = false} : vector<32x128xf32>, vector<32x128xf32>, vector<128x128xf32> -> vector<128x128xf32>
    %add3A_728 = arith.addf %add3A_722, %dot_general3A_727 : vector<128x128xf32>
    %get3A_729 = arith.constant 0 : index
    %get3A_730 = arith.constant 12160 : index
    %get3A_731 = vector.load %arg1[%get3A_729, %get3A_730] : memref<32x32768xf32, #tpu.memory_space<vmem>>, vector<32x128xf32>
    %dot_general3A_732 = arith.constant dense<0.000000e+00> : vector<128x128xf32>
    %dot_general3A_733 = tpu.matmul %get3A_731, %pad3A_45, %dot_general3A_732 {dimension_numbers = #tpu.dot_dimension_numbers<[0], [0], [1], [1], [0, 1, 1, 1], [], []>, transpose_lhs_hint = false} : vector<32x128xf32>, vector<32x128xf32>, vector<128x128xf32> -> vector<128x128xf32>
    %add3A_734 = arith.addf %add3A_728, %dot_general3A_733 : vector<128x128xf32>
    %swap3A_735 = arith.constant 2944 : index
    %swap3A_736 = arith.constant 0 : index
    %swap3A_737 = vector.load %arg2[%swap3A_735, %swap3A_736] : memref<8192x128xf32, #tpu.memory_space<vmem>>, vector<128x128xf32>
    tpu.vector_store %arg2[%swap3A_735, %swap3A_736], %add3A_734 {strides = array<i32>} : memref<8192x128xf32, #tpu.memory_space<vmem>>, vector<128x128xf32>,
    %broadcast_in_dim3A_738 = arith.constant 0.000000e+00 : f32
    %broadcast_in_dim3A_739 = vector.broadcast %broadcast_in_dim3A_738 : f32 to vector<128x128xf32>
    %get3A_740 = arith.constant 0 : index
    %get3A_741 = arith.constant 12288 : index
    %get3A_742 = vector.load %arg1[%get3A_740, %get3A_741] : memref<32x32768xf32, #tpu.memory_space<vmem>>, vector<32x128xf32>
    %dot_general3A_743 = arith.constant dense<0.000000e+00> : vector<128x128xf32>
    %dot_general3A_744 = tpu.matmul %get3A_742, %pad3A_5, %dot_general3A_743 {dimension_numbers = #tpu.dot_dimension_numbers<[0], [0], [1], [1], [0, 1, 1, 1], [], []>, transpose_lhs_hint = false} : vector<32x128xf32>, vector<32x128xf32>, vector<128x128xf32> -> vector<128x128xf32>
    %add3A_745 = arith.addf %broadcast_in_dim3A_739, %dot_general3A_744 : vector<128x128xf32>
    %get3A_746 = arith.constant 0 : index
    %get3A_747 = arith.constant 12416 : index
    %get3A_748 = vector.load %arg1[%get3A_746, %get3A_747] : memref<32x32768xf32, #tpu.memory_space<vmem>>, vector<32x128xf32>
    %dot_general3A_749 = arith.constant dense<0.000000e+00> : vector<128x128xf32>
    %dot_general3A_750 = tpu.matmul %get3A_748, %pad3A_19, %dot_general3A_749 {dimension_numbers = #tpu.dot_dimension_numbers<[0], [0], [1], [1], [0, 1, 1, 1], [], []>, transpose_lhs_hint = false} : vector<32x128xf32>, vector<32x128xf32>, vector<128x128xf32> -> vector<128x128xf32>
    %add3A_751 = arith.addf %add3A_745, %dot_general3A_750 : vector<128x128xf32>
    %get3A_752 = arith.constant 0 : index
    %get3A_753 = arith.constant 12544 : index
    %get3A_754 = vector.load %arg1[%get3A_752, %get3A_753] : memref<32x32768xf32, #tpu.memory_space<vmem>>, vector<32x128xf32>
    %dot_general3A_755 = arith.constant dense<0.000000e+00> : vector<128x128xf32>
    %dot_general3A_756 = tpu.matmul %get3A_754, %pad3A_33, %dot_general3A_755 {dimension_numbers = #tpu.dot_dimension_numbers<[0], [0], [1], [1], [0, 1, 1, 1], [], []>, transpose_lhs_hint = false} : vector<32x128xf32>, vector<32x128xf32>, vector<128x128xf32> -> vector<128x128xf32>
    %add3A_757 = arith.addf %add3A_751, %dot_general3A_756 : vector<128x128xf32>
    %get3A_758 = arith.constant 0 : index
    %get3A_759 = arith.constant 12672 : index
    %get3A_760 = vector.load %arg1[%get3A_758, %get3A_759] : memref<32x32768xf32, #tpu.memory_space<vmem>>, vector<32x128xf32>
    %dot_general3A_761 = arith.constant dense<0.000000e+00> : vector<128x128xf32>
    %dot_general3A_762 = tpu.matmul %get3A_760, %pad3A_45, %dot_general3A_761 {dimension_numbers = #tpu.dot_dimension_numbers<[0], [0], [1], [1], [0, 1, 1, 1], [], []>, transpose_lhs_hint = false} : vector<32x128xf32>, vector<32x128xf32>, vector<128x128xf32> -> vector<128x128xf32>
    %add3A_763 = arith.addf %add3A_757, %dot_general3A_762 : vector<128x128xf32>
    %swap3A_764 = arith.constant 3072 : index
    %swap3A_765 = arith.constant 0 : index
    %swap3A_766 = vector.load %arg2[%swap3A_764, %swap3A_765] : memref<8192x128xf32, #tpu.memory_space<vmem>>, vector<128x128xf32>
    tpu.vector_store %arg2[%swap3A_764, %swap3A_765], %add3A_763 {strides = array<i32>} : memref<8192x128xf32, #tpu.memory_space<vmem>>, vector<128x128xf32>,
    %broadcast_in_dim3A_767 = arith.constant 0.000000e+00 : f32
    %broadcast_in_dim3A_768 = vector.broadcast %broadcast_in_dim3A_767 : f32 to vector<128x128xf32>
    %get3A_769 = arith.constant 0 : index
    %get3A_770 = arith.constant 12800 : index
    %get3A_771 = vector.load %arg1[%get3A_769, %get3A_770] : memref<32x32768xf32, #tpu.memory_space<vmem>>, vector<32x128xf32>
    %dot_general3A_772 = arith.constant dense<0.000000e+00> : vector<128x128xf32>
    %dot_general3A_773 = tpu.matmul %get3A_771, %pad3A_5, %dot_general3A_772 {dimension_numbers = #tpu.dot_dimension_numbers<[0], [0], [1], [1], [0, 1, 1, 1], [], []>, transpose_lhs_hint = false} : vector<32x128xf32>, vector<32x128xf32>, vector<128x128xf32> -> vector<128x128xf32>
    %add3A_774 = arith.addf %broadcast_in_dim3A_768, %dot_general3A_773 : vector<128x128xf32>
    %get3A_775 = arith.constant 0 : index
    %get3A_776 = arith.constant 12928 : index
    %get3A_777 = vector.load %arg1[%get3A_775, %get3A_776] : memref<32x32768xf32, #tpu.memory_space<vmem>>, vector<32x128xf32>
    %dot_general3A_778 = arith.constant dense<0.000000e+00> : vector<128x128xf32>
    %dot_general3A_779 = tpu.matmul %get3A_777, %pad3A_19, %dot_general3A_778 {dimension_numbers = #tpu.dot_dimension_numbers<[0], [0], [1], [1], [0, 1, 1, 1], [], []>, transpose_lhs_hint = false} : vector<32x128xf32>, vector<32x128xf32>, vector<128x128xf32> -> vector<128x128xf32>
    %add3A_780 = arith.addf %add3A_774, %dot_general3A_779 : vector<128x128xf32>
    %get3A_781 = arith.constant 0 : index
    %get3A_782 = arith.constant 13056 : index
    %get3A_783 = vector.load %arg1[%get3A_781, %get3A_782] : memref<32x32768xf32, #tpu.memory_space<vmem>>, vector<32x128xf32>
    %dot_general3A_784 = arith.constant dense<0.000000e+00> : vector<128x128xf32>
    %dot_general3A_785 = tpu.matmul %get3A_783, %pad3A_33, %dot_general3A_784 {dimension_numbers = #tpu.dot_dimension_numbers<[0], [0], [1], [1], [0, 1, 1, 1], [], []>, transpose_lhs_hint = false} : vector<32x128xf32>, vector<32x128xf32>, vector<128x128xf32> -> vector<128x128xf32>
    %add3A_786 = arith.addf %add3A_780, %dot_general3A_785 : vector<128x128xf32>
    %get3A_787 = arith.constant 0 : index
    %get3A_788 = arith.constant 13184 : index
    %get3A_789 = vector.load %arg1[%get3A_787, %get3A_788] : memref<32x32768xf32, #tpu.memory_space<vmem>>, vector<32x128xf32>
    %dot_general3A_790 = arith.constant dense<0.000000e+00> : vector<128x128xf32>
    %dot_general3A_791 = tpu.matmul %get3A_789, %pad3A_45, %dot_general3A_790 {dimension_numbers = #tpu.dot_dimension_numbers<[0], [0], [1], [1], [0, 1, 1, 1], [], []>, transpose_lhs_hint = false} : vector<32x128xf32>, vector<32x128xf32>, vector<128x128xf32> -> vector<128x128xf32>
    %add3A_792 = arith.addf %add3A_786, %dot_general3A_791 : vector<128x128xf32>
    %swap3A_793 = arith.constant 3200 : index
    %swap3A_794 = arith.constant 0 : index
    %swap3A_795 = vector.load %arg2[%swap3A_793, %swap3A_794] : memref<8192x128xf32, #tpu.memory_space<vmem>>, vector<128x128xf32>
    tpu.vector_store %arg2[%swap3A_793, %swap3A_794], %add3A_792 {strides = array<i32>} : memref<8192x128xf32, #tpu.memory_space<vmem>>, vector<128x128xf32>,
    %broadcast_in_dim3A_796 = arith.constant 0.000000e+00 : f32
    %broadcast_in_dim3A_797 = vector.broadcast %broadcast_in_dim3A_796 : f32 to vector<128x128xf32>
    %get3A_798 = arith.constant 0 : index
    %get3A_799 = arith.constant 13312 : index
    %get3A_800 = vector.load %arg1[%get3A_798, %get3A_799] : memref<32x32768xf32, #tpu.memory_space<vmem>>, vector<32x128xf32>
    %dot_general3A_801 = arith.constant dense<0.000000e+00> : vector<128x128xf32>
    %dot_general3A_802 = tpu.matmul %get3A_800, %pad3A_5, %dot_general3A_801 {dimension_numbers = #tpu.dot_dimension_numbers<[0], [0], [1], [1], [0, 1, 1, 1], [], []>, transpose_lhs_hint = false} : vector<32x128xf32>, vector<32x128xf32>, vector<128x128xf32> -> vector<128x128xf32>
    %add3A_803 = arith.addf %broadcast_in_dim3A_797, %dot_general3A_802 : vector<128x128xf32>
    %get3A_804 = arith.constant 0 : index
    %get3A_805 = arith.constant 13440 : index
    %get3A_806 = vector.load %arg1[%get3A_804, %get3A_805] : memref<32x32768xf32, #tpu.memory_space<vmem>>, vector<32x128xf32>
    %dot_general3A_807 = arith.constant dense<0.000000e+00> : vector<128x128xf32>
    %dot_general3A_808 = tpu.matmul %get3A_806, %pad3A_19, %dot_general3A_807 {dimension_numbers = #tpu.dot_dimension_numbers<[0], [0], [1], [1], [0, 1, 1, 1], [], []>, transpose_lhs_hint = false} : vector<32x128xf32>, vector<32x128xf32>, vector<128x128xf32> -> vector<128x128xf32>
    %add3A_809 = arith.addf %add3A_803, %dot_general3A_808 : vector<128x128xf32>
    %get3A_810 = arith.constant 0 : index
    %get3A_811 = arith.constant 13568 : index
    %get3A_812 = vector.load %arg1[%get3A_810, %get3A_811] : memref<32x32768xf32, #tpu.memory_space<vmem>>, vector<32x128xf32>
    %dot_general3A_813 = arith.constant dense<0.000000e+00> : vector<128x128xf32>
    %dot_general3A_814 = tpu.matmul %get3A_812, %pad3A_33, %dot_general3A_813 {dimension_numbers = #tpu.dot_dimension_numbers<[0], [0], [1], [1], [0, 1, 1, 1], [], []>, transpose_lhs_hint = false} : vector<32x128xf32>, vector<32x128xf32>, vector<128x128xf32> -> vector<128x128xf32>
    %add3A_815 = arith.addf %add3A_809, %dot_general3A_814 : vector<128x128xf32>
    %get3A_816 = arith.constant 0 : index
    %get3A_817 = arith.constant 13696 : index
    %get3A_818 = vector.load %arg1[%get3A_816, %get3A_817] : memref<32x32768xf32, #tpu.memory_space<vmem>>, vector<32x128xf32>
    %dot_general3A_819 = arith.constant dense<0.000000e+00> : vector<128x128xf32>
    %dot_general3A_820 = tpu.matmul %get3A_818, %pad3A_45, %dot_general3A_819 {dimension_numbers = #tpu.dot_dimension_numbers<[0], [0], [1], [1], [0, 1, 1, 1], [], []>, transpose_lhs_hint = false} : vector<32x128xf32>, vector<32x128xf32>, vector<128x128xf32> -> vector<128x128xf32>
    %add3A_821 = arith.addf %add3A_815, %dot_general3A_820 : vector<128x128xf32>
    %swap3A_822 = arith.constant 3328 : index
    %swap3A_823 = arith.constant 0 : index
    %swap3A_824 = vector.load %arg2[%swap3A_822, %swap3A_823] : memref<8192x128xf32, #tpu.memory_space<vmem>>, vector<128x128xf32>
    tpu.vector_store %arg2[%swap3A_822, %swap3A_823], %add3A_821 {strides = array<i32>} : memref<8192x128xf32, #tpu.memory_space<vmem>>, vector<128x128xf32>,
    %broadcast_in_dim3A_825 = arith.constant 0.000000e+00 : f32
    %broadcast_in_dim3A_826 = vector.broadcast %broadcast_in_dim3A_825 : f32 to vector<128x128xf32>
    %get3A_827 = arith.constant 0 : index
    %get3A_828 = arith.constant 13824 : index
    %get3A_829 = vector.load %arg1[%get3A_827, %get3A_828] : memref<32x32768xf32, #tpu.memory_space<vmem>>, vector<32x128xf32>
    %dot_general3A_830 = arith.constant dense<0.000000e+00> : vector<128x128xf32>
    %dot_general3A_831 = tpu.matmul %get3A_829, %pad3A_5, %dot_general3A_830 {dimension_numbers = #tpu.dot_dimension_numbers<[0], [0], [1], [1], [0, 1, 1, 1], [], []>, transpose_lhs_hint = false} : vector<32x128xf32>, vector<32x128xf32>, vector<128x128xf32> -> vector<128x128xf32>
    %add3A_832 = arith.addf %broadcast_in_dim3A_826, %dot_general3A_831 : vector<128x128xf32>
    %get3A_833 = arith.constant 0 : index
    %get3A_834 = arith.constant 13952 : index
    %get3A_835 = vector.load %arg1[%get3A_833, %get3A_834] : memref<32x32768xf32, #tpu.memory_space<vmem>>, vector<32x128xf32>
    %dot_general3A_836 = arith.constant dense<0.000000e+00> : vector<128x128xf32>
    %dot_general3A_837 = tpu.matmul %get3A_835, %pad3A_19, %dot_general3A_836 {dimension_numbers = #tpu.dot_dimension_numbers<[0], [0], [1], [1], [0, 1, 1, 1], [], []>, transpose_lhs_hint = false} : vector<32x128xf32>, vector<32x128xf32>, vector<128x128xf32> -> vector<128x128xf32>
    %add3A_838 = arith.addf %add3A_832, %dot_general3A_837 : vector<128x128xf32>
    %get3A_839 = arith.constant 0 : index
    %get3A_840 = arith.constant 14080 : index
    %get3A_841 = vector.load %arg1[%get3A_839, %get3A_840] : memref<32x32768xf32, #tpu.memory_space<vmem>>, vector<32x128xf32>
    %dot_general3A_842 = arith.constant dense<0.000000e+00> : vector<128x128xf32>
    %dot_general3A_843 = tpu.matmul %get3A_841, %pad3A_33, %dot_general3A_842 {dimension_numbers = #tpu.dot_dimension_numbers<[0], [0], [1], [1], [0, 1, 1, 1], [], []>, transpose_lhs_hint = false} : vector<32x128xf32>, vector<32x128xf32>, vector<128x128xf32> -> vector<128x128xf32>
    %add3A_844 = arith.addf %add3A_838, %dot_general3A_843 : vector<128x128xf32>
    %get3A_845 = arith.constant 0 : index
    %get3A_846 = arith.constant 14208 : index
    %get3A_847 = vector.load %arg1[%get3A_845, %get3A_846] : memref<32x32768xf32, #tpu.memory_space<vmem>>, vector<32x128xf32>
    %dot_general3A_848 = arith.constant dense<0.000000e+00> : vector<128x128xf32>
    %dot_general3A_849 = tpu.matmul %get3A_847, %pad3A_45, %dot_general3A_848 {dimension_numbers = #tpu.dot_dimension_numbers<[0], [0], [1], [1], [0, 1, 1, 1], [], []>, transpose_lhs_hint = false} : vector<32x128xf32>, vector<32x128xf32>, vector<128x128xf32> -> vector<128x128xf32>
    %add3A_850 = arith.addf %add3A_844, %dot_general3A_849 : vector<128x128xf32>
    %swap3A_851 = arith.constant 3456 : index
    %swap3A_852 = arith.constant 0 : index
    %swap3A_853 = vector.load %arg2[%swap3A_851, %swap3A_852] : memref<8192x128xf32, #tpu.memory_space<vmem>>, vector<128x128xf32>
    tpu.vector_store %arg2[%swap3A_851, %swap3A_852], %add3A_850 {strides = array<i32>} : memref<8192x128xf32, #tpu.memory_space<vmem>>, vector<128x128xf32>,
    %broadcast_in_dim3A_854 = arith.constant 0.000000e+00 : f32
    %broadcast_in_dim3A_855 = vector.broadcast %broadcast_in_dim3A_854 : f32 to vector<128x128xf32>
    %get3A_856 = arith.constant 0 : index
    %get3A_857 = arith.constant 14336 : index
    %get3A_858 = vector.load %arg1[%get3A_856, %get3A_857] : memref<32x32768xf32, #tpu.memory_space<vmem>>, vector<32x128xf32>
    %dot_general3A_859 = arith.constant dense<0.000000e+00> : vector<128x128xf32>
    %dot_general3A_860 = tpu.matmul %get3A_858, %pad3A_5, %dot_general3A_859 {dimension_numbers = #tpu.dot_dimension_numbers<[0], [0], [1], [1], [0, 1, 1, 1], [], []>, transpose_lhs_hint = false} : vector<32x128xf32>, vector<32x128xf32>, vector<128x128xf32> -> vector<128x128xf32>
    %add3A_861 = arith.addf %broadcast_in_dim3A_855, %dot_general3A_860 : vector<128x128xf32>
    %get3A_862 = arith.constant 0 : index
    %get3A_863 = arith.constant 14464 : index
    %get3A_864 = vector.load %arg1[%get3A_862, %get3A_863] : memref<32x32768xf32, #tpu.memory_space<vmem>>, vector<32x128xf32>
    %dot_general3A_865 = arith.constant dense<0.000000e+00> : vector<128x128xf32>
    %dot_general3A_866 = tpu.matmul %get3A_864, %pad3A_19, %dot_general3A_865 {dimension_numbers = #tpu.dot_dimension_numbers<[0], [0], [1], [1], [0, 1, 1, 1], [], []>, transpose_lhs_hint = false} : vector<32x128xf32>, vector<32x128xf32>, vector<128x128xf32> -> vector<128x128xf32>
    %add3A_867 = arith.addf %add3A_861, %dot_general3A_866 : vector<128x128xf32>
    %get3A_868 = arith.constant 0 : index
    %get3A_869 = arith.constant 14592 : index
    %get3A_870 = vector.load %arg1[%get3A_868, %get3A_869] : memref<32x32768xf32, #tpu.memory_space<vmem>>, vector<32x128xf32>
    %dot_general3A_871 = arith.constant dense<0.000000e+00> : vector<128x128xf32>
    %dot_general3A_872 = tpu.matmul %get3A_870, %pad3A_33, %dot_general3A_871 {dimension_numbers = #tpu.dot_dimension_numbers<[0], [0], [1], [1], [0, 1, 1, 1], [], []>, transpose_lhs_hint = false} : vector<32x128xf32>, vector<32x128xf32>, vector<128x128xf32> -> vector<128x128xf32>
    %add3A_873 = arith.addf %add3A_867, %dot_general3A_872 : vector<128x128xf32>
    %get3A_874 = arith.constant 0 : index
    %get3A_875 = arith.constant 14720 : index
    %get3A_876 = vector.load %arg1[%get3A_874, %get3A_875] : memref<32x32768xf32, #tpu.memory_space<vmem>>, vector<32x128xf32>
    %dot_general3A_877 = arith.constant dense<0.000000e+00> : vector<128x128xf32>
    %dot_general3A_878 = tpu.matmul %get3A_876, %pad3A_45, %dot_general3A_877 {dimension_numbers = #tpu.dot_dimension_numbers<[0], [0], [1], [1], [0, 1, 1, 1], [], []>, transpose_lhs_hint = false} : vector<32x128xf32>, vector<32x128xf32>, vector<128x128xf32> -> vector<128x128xf32>
    %add3A_879 = arith.addf %add3A_873, %dot_general3A_878 : vector<128x128xf32>
    %swap3A_880 = arith.constant 3584 : index
    %swap3A_881 = arith.constant 0 : index
    %swap3A_882 = vector.load %arg2[%swap3A_880, %swap3A_881] : memref<8192x128xf32, #tpu.memory_space<vmem>>, vector<128x128xf32>
    tpu.vector_store %arg2[%swap3A_880, %swap3A_881], %add3A_879 {strides = array<i32>} : memref<8192x128xf32, #tpu.memory_space<vmem>>, vector<128x128xf32>,
    %broadcast_in_dim3A_883 = arith.constant 0.000000e+00 : f32
    %broadcast_in_dim3A_884 = vector.broadcast %broadcast_in_dim3A_883 : f32 to vector<128x128xf32>
    %get3A_885 = arith.constant 0 : index
    %get3A_886 = arith.constant 14848 : index
    %get3A_887 = vector.load %arg1[%get3A_885, %get3A_886] : memref<32x32768xf32, #tpu.memory_space<vmem>>, vector<32x128xf32>
    %dot_general3A_888 = arith.constant dense<0.000000e+00> : vector<128x128xf32>
    %dot_general3A_889 = tpu.matmul %get3A_887, %pad3A_5, %dot_general3A_888 {dimension_numbers = #tpu.dot_dimension_numbers<[0], [0], [1], [1], [0, 1, 1, 1], [], []>, transpose_lhs_hint = false} : vector<32x128xf32>, vector<32x128xf32>, vector<128x128xf32> -> vector<128x128xf32>
    %add3A_890 = arith.addf %broadcast_in_dim3A_884, %dot_general3A_889 : vector<128x128xf32>
    %get3A_891 = arith.constant 0 : index
    %get3A_892 = arith.constant 14976 : index
    %get3A_893 = vector.load %arg1[%get3A_891, %get3A_892] : memref<32x32768xf32, #tpu.memory_space<vmem>>, vector<32x128xf32>
    %dot_general3A_894 = arith.constant dense<0.000000e+00> : vector<128x128xf32>
    %dot_general3A_895 = tpu.matmul %get3A_893, %pad3A_19, %dot_general3A_894 {dimension_numbers = #tpu.dot_dimension_numbers<[0], [0], [1], [1], [0, 1, 1, 1], [], []>, transpose_lhs_hint = false} : vector<32x128xf32>, vector<32x128xf32>, vector<128x128xf32> -> vector<128x128xf32>
    %add3A_896 = arith.addf %add3A_890, %dot_general3A_895 : vector<128x128xf32>
    %get3A_897 = arith.constant 0 : index
    %get3A_898 = arith.constant 15104 : index
    %get3A_899 = vector.load %arg1[%get3A_897, %get3A_898] : memref<32x32768xf32, #tpu.memory_space<vmem>>, vector<32x128xf32>
    %dot_general3A_900 = arith.constant dense<0.000000e+00> : vector<128x128xf32>
    %dot_general3A_901 = tpu.matmul %get3A_899, %pad3A_33, %dot_general3A_900 {dimension_numbers = #tpu.dot_dimension_numbers<[0], [0], [1], [1], [0, 1, 1, 1], [], []>, transpose_lhs_hint = false} : vector<32x128xf32>, vector<32x128xf32>, vector<128x128xf32> -> vector<128x128xf32>
    %add3A_902 = arith.addf %add3A_896, %dot_general3A_901 : vector<128x128xf32>
    %get3A_903 = arith.constant 0 : index
    %get3A_904 = arith.constant 15232 : index
    %get3A_905 = vector.load %arg1[%get3A_903, %get3A_904] : memref<32x32768xf32, #tpu.memory_space<vmem>>, vector<32x128xf32>
    %dot_general3A_906 = arith.constant dense<0.000000e+00> : vector<128x128xf32>
    %dot_general3A_907 = tpu.matmul %get3A_905, %pad3A_45, %dot_general3A_906 {dimension_numbers = #tpu.dot_dimension_numbers<[0], [0], [1], [1], [0, 1, 1, 1], [], []>, transpose_lhs_hint = false} : vector<32x128xf32>, vector<32x128xf32>, vector<128x128xf32> -> vector<128x128xf32>
    %add3A_908 = arith.addf %add3A_902, %dot_general3A_907 : vector<128x128xf32>
    %swap3A_909 = arith.constant 3712 : index
    %swap3A_910 = arith.constant 0 : index
    %swap3A_911 = vector.load %arg2[%swap3A_909, %swap3A_910] : memref<8192x128xf32, #tpu.memory_space<vmem>>, vector<128x128xf32>
    tpu.vector_store %arg2[%swap3A_909, %swap3A_910], %add3A_908 {strides = array<i32>} : memref<8192x128xf32, #tpu.memory_space<vmem>>, vector<128x128xf32>,
    %broadcast_in_dim3A_912 = arith.constant 0.000000e+00 : f32
    %broadcast_in_dim3A_913 = vector.broadcast %broadcast_in_dim3A_912 : f32 to vector<128x128xf32>
    %get3A_914 = arith.constant 0 : index
    %get3A_915 = arith.constant 15360 : index
    %get3A_916 = vector.load %arg1[%get3A_914, %get3A_915] : memref<32x32768xf32, #tpu.memory_space<vmem>>, vector<32x128xf32>
    %dot_general3A_917 = arith.constant dense<0.000000e+00> : vector<128x128xf32>
    %dot_general3A_918 = tpu.matmul %get3A_916, %pad3A_5, %dot_general3A_917 {dimension_numbers = #tpu.dot_dimension_numbers<[0], [0], [1], [1], [0, 1, 1, 1], [], []>, transpose_lhs_hint = false} : vector<32x128xf32>, vector<32x128xf32>, vector<128x128xf32> -> vector<128x128xf32>
    %add3A_919 = arith.addf %broadcast_in_dim3A_913, %dot_general3A_918 : vector<128x128xf32>
    %get3A_920 = arith.constant 0 : index
    %get3A_921 = arith.constant 15488 : index
    %get3A_922 = vector.load %arg1[%get3A_920, %get3A_921] : memref<32x32768xf32, #tpu.memory_space<vmem>>, vector<32x128xf32>
    %dot_general3A_923 = arith.constant dense<0.000000e+00> : vector<128x128xf32>
    %dot_general3A_924 = tpu.matmul %get3A_922, %pad3A_19, %dot_general3A_923 {dimension_numbers = #tpu.dot_dimension_numbers<[0], [0], [1], [1], [0, 1, 1, 1], [], []>, transpose_lhs_hint = false} : vector<32x128xf32>, vector<32x128xf32>, vector<128x128xf32> -> vector<128x128xf32>
    %add3A_925 = arith.addf %add3A_919, %dot_general3A_924 : vector<128x128xf32>
    %get3A_926 = arith.constant 0 : index
    %get3A_927 = arith.constant 15616 : index
    %get3A_928 = vector.load %arg1[%get3A_926, %get3A_927] : memref<32x32768xf32, #tpu.memory_space<vmem>>, vector<32x128xf32>
    %dot_general3A_929 = arith.constant dense<0.000000e+00> : vector<128x128xf32>
    %dot_general3A_930 = tpu.matmul %get3A_928, %pad3A_33, %dot_general3A_929 {dimension_numbers = #tpu.dot_dimension_numbers<[0], [0], [1], [1], [0, 1, 1, 1], [], []>, transpose_lhs_hint = false} : vector<32x128xf32>, vector<32x128xf32>, vector<128x128xf32> -> vector<128x128xf32>
    %add3A_931 = arith.addf %add3A_925, %dot_general3A_930 : vector<128x128xf32>
    %get3A_932 = arith.constant 0 : index
    %get3A_933 = arith.constant 15744 : index
    %get3A_934 = vector.load %arg1[%get3A_932, %get3A_933] : memref<32x32768xf32, #tpu.memory_space<vmem>>, vector<32x128xf32>
    %dot_general3A_935 = arith.constant dense<0.000000e+00> : vector<128x128xf32>
    %dot_general3A_936 = tpu.matmul %get3A_934, %pad3A_45, %dot_general3A_935 {dimension_numbers = #tpu.dot_dimension_numbers<[0], [0], [1], [1], [0, 1, 1, 1], [], []>, transpose_lhs_hint = false} : vector<32x128xf32>, vector<32x128xf32>, vector<128x128xf32> -> vector<128x128xf32>
    %add3A_937 = arith.addf %add3A_931, %dot_general3A_936 : vector<128x128xf32>
    %swap3A_938 = arith.constant 3840 : index
    %swap3A_939 = arith.constant 0 : index
    %swap3A_940 = vector.load %arg2[%swap3A_938, %swap3A_939] : memref<8192x128xf32, #tpu.memory_space<vmem>>, vector<128x128xf32>
    tpu.vector_store %arg2[%swap3A_938, %swap3A_939], %add3A_937 {strides = array<i32>} : memref<8192x128xf32, #tpu.memory_space<vmem>>, vector<128x128xf32>,
    %broadcast_in_dim3A_941 = arith.constant 0.000000e+00 : f32
    %broadcast_in_dim3A_942 = vector.broadcast %broadcast_in_dim3A_941 : f32 to vector<128x128xf32>
    %get3A_943 = arith.constant 0 : index
    %get3A_944 = arith.constant 15872 : index
    %get3A_945 = vector.load %arg1[%get3A_943, %get3A_944] : memref<32x32768xf32, #tpu.memory_space<vmem>>, vector<32x128xf32>
    %dot_general3A_946 = arith.constant dense<0.000000e+00> : vector<128x128xf32>
    %dot_general3A_947 = tpu.matmul %get3A_945, %pad3A_5, %dot_general3A_946 {dimension_numbers = #tpu.dot_dimension_numbers<[0], [0], [1], [1], [0, 1, 1, 1], [], []>, transpose_lhs_hint = false} : vector<32x128xf32>, vector<32x128xf32>, vector<128x128xf32> -> vector<128x128xf32>
    %add3A_948 = arith.addf %broadcast_in_dim3A_942, %dot_general3A_947 : vector<128x128xf32>
    %get3A_949 = arith.constant 0 : index
    %get3A_950 = arith.constant 16000 : index
    %get3A_951 = vector.load %arg1[%get3A_949, %get3A_950] : memref<32x32768xf32, #tpu.memory_space<vmem>>, vector<32x128xf32>
    %dot_general3A_952 = arith.constant dense<0.000000e+00> : vector<128x128xf32>
    %dot_general3A_953 = tpu.matmul %get3A_951, %pad3A_19, %dot_general3A_952 {dimension_numbers = #tpu.dot_dimension_numbers<[0], [0], [1], [1], [0, 1, 1, 1], [], []>, transpose_lhs_hint = false} : vector<32x128xf32>, vector<32x128xf32>, vector<128x128xf32> -> vector<128x128xf32>
    %add3A_954 = arith.addf %add3A_948, %dot_general3A_953 : vector<128x128xf32>
    %get3A_955 = arith.constant 0 : index
    %get3A_956 = arith.constant 16128 : index
    %get3A_957 = vector.load %arg1[%get3A_955, %get3A_956] : memref<32x32768xf32, #tpu.memory_space<vmem>>, vector<32x128xf32>
    %dot_general3A_958 = arith.constant dense<0.000000e+00> : vector<128x128xf32>
    %dot_general3A_959 = tpu.matmul %get3A_957, %pad3A_33, %dot_general3A_958 {dimension_numbers = #tpu.dot_dimension_numbers<[0], [0], [1], [1], [0, 1, 1, 1], [], []>, transpose_lhs_hint = false} : vector<32x128xf32>, vector<32x128xf32>, vector<128x128xf32> -> vector<128x128xf32>
    %add3A_960 = arith.addf %add3A_954, %dot_general3A_959 : vector<128x128xf32>
    %get3A_961 = arith.constant 0 : index
    %get3A_962 = arith.constant 16256 : index
    %get3A_963 = vector.load %arg1[%get3A_961, %get3A_962] : memref<32x32768xf32, #tpu.memory_space<vmem>>, vector<32x128xf32>
    %dot_general3A_964 = arith.constant dense<0.000000e+00> : vector<128x128xf32>
    %dot_general3A_965 = tpu.matmul %get3A_963, %pad3A_45, %dot_general3A_964 {dimension_numbers = #tpu.dot_dimension_numbers<[0], [0], [1], [1], [0, 1, 1, 1], [], []>, transpose_lhs_hint = false} : vector<32x128xf32>, vector<32x128xf32>, vector<128x128xf32> -> vector<128x128xf32>
    %add3A_966 = arith.addf %add3A_960, %dot_general3A_965 : vector<128x128xf32>
    %swap3A_967 = arith.constant 3968 : index
    %swap3A_968 = arith.constant 0 : index
    %swap3A_969 = vector.load %arg2[%swap3A_967, %swap3A_968] : memref<8192x128xf32, #tpu.memory_space<vmem>>, vector<128x128xf32>
    tpu.vector_store %arg2[%swap3A_967, %swap3A_968], %add3A_966 {strides = array<i32>} : memref<8192x128xf32, #tpu.memory_space<vmem>>, vector<128x128xf32>,
    %broadcast_in_dim3A_970 = arith.constant 0.000000e+00 : f32
    %broadcast_in_dim3A_971 = vector.broadcast %broadcast_in_dim3A_970 : f32 to vector<128x128xf32>
    %get3A_972 = arith.constant 0 : index
    %get3A_973 = arith.constant 16384 : index
    %get3A_974 = vector.load %arg1[%get3A_972, %get3A_973] : memref<32x32768xf32, #tpu.memory_space<vmem>>, vector<32x128xf32>
    %dot_general3A_975 = arith.constant dense<0.000000e+00> : vector<128x128xf32>
    %dot_general3A_976 = tpu.matmul %get3A_974, %pad3A_5, %dot_general3A_975 {dimension_numbers = #tpu.dot_dimension_numbers<[0], [0], [1], [1], [0, 1, 1, 1], [], []>, transpose_lhs_hint = false} : vector<32x128xf32>, vector<32x128xf32>, vector<128x128xf32> -> vector<128x128xf32>
    %add3A_977 = arith.addf %broadcast_in_dim3A_971, %dot_general3A_976 : vector<128x128xf32>
    %get3A_978 = arith.constant 0 : index
    %get3A_979 = arith.constant 16512 : index
    %get3A_980 = vector.load %arg1[%get3A_978, %get3A_979] : memref<32x32768xf32, #tpu.memory_space<vmem>>, vector<32x128xf32>
    %dot_general3A_981 = arith.constant dense<0.000000e+00> : vector<128x128xf32>
    %dot_general3A_982 = tpu.matmul %get3A_980, %pad3A_19, %dot_general3A_981 {dimension_numbers = #tpu.dot_dimension_numbers<[0], [0], [1], [1], [0, 1, 1, 1], [], []>, transpose_lhs_hint = false} : vector<32x128xf32>, vector<32x128xf32>, vector<128x128xf32> -> vector<128x128xf32>
    %add3A_983 = arith.addf %add3A_977, %dot_general3A_982 : vector<128x128xf32>
    %get3A_984 = arith.constant 0 : index
    %get3A_985 = arith.constant 16640 : index
    %get3A_986 = vector.load %arg1[%get3A_984, %get3A_985] : memref<32x32768xf32, #tpu.memory_space<vmem>>, vector<32x128xf32>
    %dot_general3A_987 = arith.constant dense<0.000000e+00> : vector<128x128xf32>
    %dot_general3A_988 = tpu.matmul %get3A_986, %pad3A_33, %dot_general3A_987 {dimension_numbers = #tpu.dot_dimension_numbers<[0], [0], [1], [1], [0, 1, 1, 1], [], []>, transpose_lhs_hint = false} : vector<32x128xf32>, vector<32x128xf32>, vector<128x128xf32> -> vector<128x128xf32>
    %add3A_989 = arith.addf %add3A_983, %dot_general3A_988 : vector<128x128xf32>
    %get3A_990 = arith.constant 0 : index
    %get3A_991 = arith.constant 16768 : index
    %get3A_992 = vector.load %arg1[%get3A_990, %get3A_991] : memref<32x32768xf32, #tpu.memory_space<vmem>>, vector<32x128xf32>
    %dot_general3A_993 = arith.constant dense<0.000000e+00> : vector<128x128xf32>
    %dot_general3A_994 = tpu.matmul %get3A_992, %pad3A_45, %dot_general3A_993 {dimension_numbers = #tpu.dot_dimension_numbers<[0], [0], [1], [1], [0, 1, 1, 1], [], []>, transpose_lhs_hint = false} : vector<32x128xf32>, vector<32x128xf32>, vector<128x128xf32> -> vector<128x128xf32>
    %add3A_995 = arith.addf %add3A_989, %dot_general3A_994 : vector<128x128xf32>
    %swap3A_996 = arith.constant 4096 : index
    %swap3A_997 = arith.constant 0 : index
    %swap3A_998 = vector.load %arg2[%swap3A_996, %swap3A_997] : memref<8192x128xf32, #tpu.memory_space<vmem>>, vector<128x128xf32>
    tpu.vector_store %arg2[%swap3A_996, %swap3A_997], %add3A_995 {strides = array<i32>} : memref<8192x128xf32, #tpu.memory_space<vmem>>, vector<128x128xf32>,
    %broadcast_in_dim3A_999 = arith.constant 0.000000e+00 : f32
    %broadcast_in_dim3A_1000 = vector.broadcast %broadcast_in_dim3A_999 : f32 to vector<128x128xf32>
    %get3A_1001 = arith.constant 0 : index
    %get3A_1002 = arith.constant 16896 : index
    %get3A_1003 = vector.load %arg1[%get3A_1001, %get3A_1002] : memref<32x32768xf32, #tpu.memory_space<vmem>>, vector<32x128xf32>
    %dot_general3A_1004 = arith.constant dense<0.000000e+00> : vector<128x128xf32>
    %dot_general3A_1005 = tpu.matmul %get3A_1003, %pad3A_5, %dot_general3A_1004 {dimension_numbers = #tpu.dot_dimension_numbers<[0], [0], [1], [1], [0, 1, 1, 1], [], []>, transpose_lhs_hint = false} : vector<32x128xf32>, vector<32x128xf32>, vector<128x128xf32> -> vector<128x128xf32>
    %add3A_1006 = arith.addf %broadcast_in_dim3A_1000, %dot_general3A_1005 : vector<128x128xf32>
    %get3A_1007 = arith.constant 0 : index
    %get3A_1008 = arith.constant 17024 : index
    %get3A_1009 = vector.load %arg1[%get3A_1007, %get3A_1008] : memref<32x32768xf32, #tpu.memory_space<vmem>>, vector<32x128xf32>
    %dot_general3A_1010 = arith.constant dense<0.000000e+00> : vector<128x128xf32>
    %dot_general3A_1011 = tpu.matmul %get3A_1009, %pad3A_19, %dot_general3A_1010 {dimension_numbers = #tpu.dot_dimension_numbers<[0], [0], [1], [1], [0, 1, 1, 1], [], []>, transpose_lhs_hint = false} : vector<32x128xf32>, vector<32x128xf32>, vector<128x128xf32> -> vector<128x128xf32>
    %add3A_1012 = arith.addf %add3A_1006, %dot_general3A_1011 : vector<128x128xf32>
    %get3A_1013 = arith.constant 0 : index
    %get3A_1014 = arith.constant 17152 : index
    %get3A_1015 = vector.load %arg1[%get3A_1013, %get3A_1014] : memref<32x32768xf32, #tpu.memory_space<vmem>>, vector<32x128xf32>
    %dot_general3A_1016 = arith.constant dense<0.000000e+00> : vector<128x128xf32>
    %dot_general3A_1017 = tpu.matmul %get3A_1015, %pad3A_33, %dot_general3A_1016 {dimension_numbers = #tpu.dot_dimension_numbers<[0], [0], [1], [1], [0, 1, 1, 1], [], []>, transpose_lhs_hint = false} : vector<32x128xf32>, vector<32x128xf32>, vector<128x128xf32> -> vector<128x128xf32>
    %add3A_1018 = arith.addf %add3A_1012, %dot_general3A_1017 : vector<128x128xf32>
    %get3A_1019 = arith.constant 0 : index
    %get3A_1020 = arith.constant 17280 : index
    %get3A_1021 = vector.load %arg1[%get3A_1019, %get3A_1020] : memref<32x32768xf32, #tpu.memory_space<vmem>>, vector<32x128xf32>
    %dot_general3A_1022 = arith.constant dense<0.000000e+00> : vector<128x128xf32>
    %dot_general3A_1023 = tpu.matmul %get3A_1021, %pad3A_45, %dot_general3A_1022 {dimension_numbers = #tpu.dot_dimension_numbers<[0], [0], [1], [1], [0, 1, 1, 1], [], []>, transpose_lhs_hint = false} : vector<32x128xf32>, vector<32x128xf32>, vector<128x128xf32> -> vector<128x128xf32>
    %add3A_1024 = arith.addf %add3A_1018, %dot_general3A_1023 : vector<128x128xf32>
    %swap3A_1025 = arith.constant 4224 : index
    %swap3A_1026 = arith.constant 0 : index
    %swap3A_1027 = vector.load %arg2[%swap3A_1025, %swap3A_1026] : memref<8192x128xf32, #tpu.memory_space<vmem>>, vector<128x128xf32>
    tpu.vector_store %arg2[%swap3A_1025, %swap3A_1026], %add3A_1024 {strides = array<i32>} : memref<8192x128xf32, #tpu.memory_space<vmem>>, vector<128x128xf32>,
    %broadcast_in_dim3A_1028 = arith.constant 0.000000e+00 : f32
    %broadcast_in_dim3A_1029 = vector.broadcast %broadcast_in_dim3A_1028 : f32 to vector<128x128xf32>
    %get3A_1030 = arith.constant 0 : index
    %get3A_1031 = arith.constant 17408 : index
    %get3A_1032 = vector.load %arg1[%get3A_1030, %get3A_1031] : memref<32x32768xf32, #tpu.memory_space<vmem>>, vector<32x128xf32>
    %dot_general3A_1033 = arith.constant dense<0.000000e+00> : vector<128x128xf32>
    %dot_general3A_1034 = tpu.matmul %get3A_1032, %pad3A_5, %dot_general3A_1033 {dimension_numbers = #tpu.dot_dimension_numbers<[0], [0], [1], [1], [0, 1, 1, 1], [], []>, transpose_lhs_hint = false} : vector<32x128xf32>, vector<32x128xf32>, vector<128x128xf32> -> vector<128x128xf32>
    %add3A_1035 = arith.addf %broadcast_in_dim3A_1029, %dot_general3A_1034 : vector<128x128xf32>
    %get3A_1036 = arith.constant 0 : index
    %get3A_1037 = arith.constant 17536 : index
    %get3A_1038 = vector.load %arg1[%get3A_1036, %get3A_1037] : memref<32x32768xf32, #tpu.memory_space<vmem>>, vector<32x128xf32>
    %dot_general3A_1039 = arith.constant dense<0.000000e+00> : vector<128x128xf32>
    %dot_general3A_1040 = tpu.matmul %get3A_1038, %pad3A_19, %dot_general3A_1039 {dimension_numbers = #tpu.dot_dimension_numbers<[0], [0], [1], [1], [0, 1, 1, 1], [], []>, transpose_lhs_hint = false} : vector<32x128xf32>, vector<32x128xf32>, vector<128x128xf32> -> vector<128x128xf32>
    %add3A_1041 = arith.addf %add3A_1035, %dot_general3A_1040 : vector<128x128xf32>
    %get3A_1042 = arith.constant 0 : index
    %get3A_1043 = arith.constant 17664 : index
    %get3A_1044 = vector.load %arg1[%get3A_1042, %get3A_1043] : memref<32x32768xf32, #tpu.memory_space<vmem>>, vector<32x128xf32>
    %dot_general3A_1045 = arith.constant dense<0.000000e+00> : vector<128x128xf32>
    %dot_general3A_1046 = tpu.matmul %get3A_1044, %pad3A_33, %dot_general3A_1045 {dimension_numbers = #tpu.dot_dimension_numbers<[0], [0], [1], [1], [0, 1, 1, 1], [], []>, transpose_lhs_hint = false} : vector<32x128xf32>, vector<32x128xf32>, vector<128x128xf32> -> vector<128x128xf32>
    %add3A_1047 = arith.addf %add3A_1041, %dot_general3A_1046 : vector<128x128xf32>
    %get3A_1048 = arith.constant 0 : index
    %get3A_1049 = arith.constant 17792 : index
    %get3A_1050 = vector.load %arg1[%get3A_1048, %get3A_1049] : memref<32x32768xf32, #tpu.memory_space<vmem>>, vector<32x128xf32>
    %dot_general3A_1051 = arith.constant dense<0.000000e+00> : vector<128x128xf32>
    %dot_general3A_1052 = tpu.matmul %get3A_1050, %pad3A_45, %dot_general3A_1051 {dimension_numbers = #tpu.dot_dimension_numbers<[0], [0], [1], [1], [0, 1, 1, 1], [], []>, transpose_lhs_hint = false} : vector<32x128xf32>, vector<32x128xf32>, vector<128x128xf32> -> vector<128x128xf32>
    %add3A_1053 = arith.addf %add3A_1047, %dot_general3A_1052 : vector<128x128xf32>
    %swap3A_1054 = arith.constant 4352 : index
    %swap3A_1055 = arith.constant 0 : index
    %swap3A_1056 = vector.load %arg2[%swap3A_1054, %swap3A_1055] : memref<8192x128xf32, #tpu.memory_space<vmem>>, vector<128x128xf32>
    tpu.vector_store %arg2[%swap3A_1054, %swap3A_1055], %add3A_1053 {strides = array<i32>} : memref<8192x128xf32, #tpu.memory_space<vmem>>, vector<128x128xf32>,
    %broadcast_in_dim3A_1057 = arith.constant 0.000000e+00 : f32
    %broadcast_in_dim3A_1058 = vector.broadcast %broadcast_in_dim3A_1057 : f32 to vector<128x128xf32>
    %get3A_1059 = arith.constant 0 : index
    %get3A_1060 = arith.constant 17920 : index
    %get3A_1061 = vector.load %arg1[%get3A_1059, %get3A_1060] : memref<32x32768xf32, #tpu.memory_space<vmem>>, vector<32x128xf32>
    %dot_general3A_1062 = arith.constant dense<0.000000e+00> : vector<128x128xf32>
    %dot_general3A_1063 = tpu.matmul %get3A_1061, %pad3A_5, %dot_general3A_1062 {dimension_numbers = #tpu.dot_dimension_numbers<[0], [0], [1], [1], [0, 1, 1, 1], [], []>, transpose_lhs_hint = false} : vector<32x128xf32>, vector<32x128xf32>, vector<128x128xf32> -> vector<128x128xf32>
    %add3A_1064 = arith.addf %broadcast_in_dim3A_1058, %dot_general3A_1063 : vector<128x128xf32>
    %get3A_1065 = arith.constant 0 : index
    %get3A_1066 = arith.constant 18048 : index
    %get3A_1067 = vector.load %arg1[%get3A_1065, %get3A_1066] : memref<32x32768xf32, #tpu.memory_space<vmem>>, vector<32x128xf32>
    %dot_general3A_1068 = arith.constant dense<0.000000e+00> : vector<128x128xf32>
    %dot_general3A_1069 = tpu.matmul %get3A_1067, %pad3A_19, %dot_general3A_1068 {dimension_numbers = #tpu.dot_dimension_numbers<[0], [0], [1], [1], [0, 1, 1, 1], [], []>, transpose_lhs_hint = false} : vector<32x128xf32>, vector<32x128xf32>, vector<128x128xf32> -> vector<128x128xf32>
    %add3A_1070 = arith.addf %add3A_1064, %dot_general3A_1069 : vector<128x128xf32>
    %get3A_1071 = arith.constant 0 : index
    %get3A_1072 = arith.constant 18176 : index
    %get3A_1073 = vector.load %arg1[%get3A_1071, %get3A_1072] : memref<32x32768xf32, #tpu.memory_space<vmem>>, vector<32x128xf32>
    %dot_general3A_1074 = arith.constant dense<0.000000e+00> : vector<128x128xf32>
    %dot_general3A_1075 = tpu.matmul %get3A_1073, %pad3A_33, %dot_general3A_1074 {dimension_numbers = #tpu.dot_dimension_numbers<[0], [0], [1], [1], [0, 1, 1, 1], [], []>, transpose_lhs_hint = false} : vector<32x128xf32>, vector<32x128xf32>, vector<128x128xf32> -> vector<128x128xf32>
    %add3A_1076 = arith.addf %add3A_1070, %dot_general3A_1075 : vector<128x128xf32>
    %get3A_1077 = arith.constant 0 : index
    %get3A_1078 = arith.constant 18304 : index
    %get3A_1079 = vector.load %arg1[%get3A_1077, %get3A_1078] : memref<32x32768xf32, #tpu.memory_space<vmem>>, vector<32x128xf32>
    %dot_general3A_1080 = arith.constant dense<0.000000e+00> : vector<128x128xf32>
    %dot_general3A_1081 = tpu.matmul %get3A_1079, %pad3A_45, %dot_general3A_1080 {dimension_numbers = #tpu.dot_dimension_numbers<[0], [0], [1], [1], [0, 1, 1, 1], [], []>, transpose_lhs_hint = false} : vector<32x128xf32>, vector<32x128xf32>, vector<128x128xf32> -> vector<128x128xf32>
    %add3A_1082 = arith.addf %add3A_1076, %dot_general3A_1081 : vector<128x128xf32>
    %swap3A_1083 = arith.constant 4480 : index
    %swap3A_1084 = arith.constant 0 : index
    %swap3A_1085 = vector.load %arg2[%swap3A_1083, %swap3A_1084] : memref<8192x128xf32, #tpu.memory_space<vmem>>, vector<128x128xf32>
    tpu.vector_store %arg2[%swap3A_1083, %swap3A_1084], %add3A_1082 {strides = array<i32>} : memref<8192x128xf32, #tpu.memory_space<vmem>>, vector<128x128xf32>,
    %broadcast_in_dim3A_1086 = arith.constant 0.000000e+00 : f32
    %broadcast_in_dim3A_1087 = vector.broadcast %broadcast_in_dim3A_1086 : f32 to vector<128x128xf32>
    %get3A_1088 = arith.constant 0 : index
    %get3A_1089 = arith.constant 18432 : index
    %get3A_1090 = vector.load %arg1[%get3A_1088, %get3A_1089] : memref<32x32768xf32, #tpu.memory_space<vmem>>, vector<32x128xf32>
    %dot_general3A_1091 = arith.constant dense<0.000000e+00> : vector<128x128xf32>
    %dot_general3A_1092 = tpu.matmul %get3A_1090, %pad3A_5, %dot_general3A_1091 {dimension_numbers = #tpu.dot_dimension_numbers<[0], [0], [1], [1], [0, 1, 1, 1], [], []>, transpose_lhs_hint = false} : vector<32x128xf32>, vector<32x128xf32>, vector<128x128xf32> -> vector<128x128xf32>
    %add3A_1093 = arith.addf %broadcast_in_dim3A_1087, %dot_general3A_1092 : vector<128x128xf32>
    %get3A_1094 = arith.constant 0 : index
    %get3A_1095 = arith.constant 18560 : index
    %get3A_1096 = vector.load %arg1[%get3A_1094, %get3A_1095] : memref<32x32768xf32, #tpu.memory_space<vmem>>, vector<32x128xf32>
    %dot_general3A_1097 = arith.constant dense<0.000000e+00> : vector<128x128xf32>
    %dot_general3A_1098 = tpu.matmul %get3A_1096, %pad3A_19, %dot_general3A_1097 {dimension_numbers = #tpu.dot_dimension_numbers<[0], [0], [1], [1], [0, 1, 1, 1], [], []>, transpose_lhs_hint = false} : vector<32x128xf32>, vector<32x128xf32>, vector<128x128xf32> -> vector<128x128xf32>
    %add3A_1099 = arith.addf %add3A_1093, %dot_general3A_1098 : vector<128x128xf32>
    %get3A_1100 = arith.constant 0 : index
    %get3A_1101 = arith.constant 18688 : index
    %get3A_1102 = vector.load %arg1[%get3A_1100, %get3A_1101] : memref<32x32768xf32, #tpu.memory_space<vmem>>, vector<32x128xf32>
    %dot_general3A_1103 = arith.constant dense<0.000000e+00> : vector<128x128xf32>
    %dot_general3A_1104 = tpu.matmul %get3A_1102, %pad3A_33, %dot_general3A_1103 {dimension_numbers = #tpu.dot_dimension_numbers<[0], [0], [1], [1], [0, 1, 1, 1], [], []>, transpose_lhs_hint = false} : vector<32x128xf32>, vector<32x128xf32>, vector<128x128xf32> -> vector<128x128xf32>
    %add3A_1105 = arith.addf %add3A_1099, %dot_general3A_1104 : vector<128x128xf32>
    %get3A_1106 = arith.constant 0 : index
    %get3A_1107 = arith.constant 18816 : index
    %get3A_1108 = vector.load %arg1[%get3A_1106, %get3A_1107] : memref<32x32768xf32, #tpu.memory_space<vmem>>, vector<32x128xf32>
    %dot_general3A_1109 = arith.constant dense<0.000000e+00> : vector<128x128xf32>
    %dot_general3A_1110 = tpu.matmul %get3A_1108, %pad3A_45, %dot_general3A_1109 {dimension_numbers = #tpu.dot_dimension_numbers<[0], [0], [1], [1], [0, 1, 1, 1], [], []>, transpose_lhs_hint = false} : vector<32x128xf32>, vector<32x128xf32>, vector<128x128xf32> -> vector<128x128xf32>
    %add3A_1111 = arith.addf %add3A_1105, %dot_general3A_1110 : vector<128x128xf32>
    %swap3A_1112 = arith.constant 4608 : index
    %swap3A_1113 = arith.constant 0 : index
    %swap3A_1114 = vector.load %arg2[%swap3A_1112, %swap3A_1113] : memref<8192x128xf32, #tpu.memory_space<vmem>>, vector<128x128xf32>
    tpu.vector_store %arg2[%swap3A_1112, %swap3A_1113], %add3A_1111 {strides = array<i32>} : memref<8192x128xf32, #tpu.memory_space<vmem>>, vector<128x128xf32>,
    %broadcast_in_dim3A_1115 = arith.constant 0.000000e+00 : f32
    %broadcast_in_dim3A_1116 = vector.broadcast %broadcast_in_dim3A_1115 : f32 to vector<128x128xf32>
    %get3A_1117 = arith.constant 0 : index
    %get3A_1118 = arith.constant 18944 : index
    %get3A_1119 = vector.load %arg1[%get3A_1117, %get3A_1118] : memref<32x32768xf32, #tpu.memory_space<vmem>>, vector<32x128xf32>
    %dot_general3A_1120 = arith.constant dense<0.000000e+00> : vector<128x128xf32>
    %dot_general3A_1121 = tpu.matmul %get3A_1119, %pad3A_5, %dot_general3A_1120 {dimension_numbers = #tpu.dot_dimension_numbers<[0], [0], [1], [1], [0, 1, 1, 1], [], []>, transpose_lhs_hint = false} : vector<32x128xf32>, vector<32x128xf32>, vector<128x128xf32> -> vector<128x128xf32>
    %add3A_1122 = arith.addf %broadcast_in_dim3A_1116, %dot_general3A_1121 : vector<128x128xf32>
    %get3A_1123 = arith.constant 0 : index
    %get3A_1124 = arith.constant 19072 : index
    %get3A_1125 = vector.load %arg1[%get3A_1123, %get3A_1124] : memref<32x32768xf32, #tpu.memory_space<vmem>>, vector<32x128xf32>
    %dot_general3A_1126 = arith.constant dense<0.000000e+00> : vector<128x128xf32>
    %dot_general3A_1127 = tpu.matmul %get3A_1125, %pad3A_19, %dot_general3A_1126 {dimension_numbers = #tpu.dot_dimension_numbers<[0], [0], [1], [1], [0, 1, 1, 1], [], []>, transpose_lhs_hint = false} : vector<32x128xf32>, vector<32x128xf32>, vector<128x128xf32> -> vector<128x128xf32>
    %add3A_1128 = arith.addf %add3A_1122, %dot_general3A_1127 : vector<128x128xf32>
    %get3A_1129 = arith.constant 0 : index
    %get3A_1130 = arith.constant 19200 : index
    %get3A_1131 = vector.load %arg1[%get3A_1129, %get3A_1130] : memref<32x32768xf32, #tpu.memory_space<vmem>>, vector<32x128xf32>
    %dot_general3A_1132 = arith.constant dense<0.000000e+00> : vector<128x128xf32>
    %dot_general3A_1133 = tpu.matmul %get3A_1131, %pad3A_33, %dot_general3A_1132 {dimension_numbers = #tpu.dot_dimension_numbers<[0], [0], [1], [1], [0, 1, 1, 1], [], []>, transpose_lhs_hint = false} : vector<32x128xf32>, vector<32x128xf32>, vector<128x128xf32> -> vector<128x128xf32>
    %add3A_1134 = arith.addf %add3A_1128, %dot_general3A_1133 : vector<128x128xf32>
    %get3A_1135 = arith.constant 0 : index
    %get3A_1136 = arith.constant 19328 : index
    %get3A_1137 = vector.load %arg1[%get3A_1135, %get3A_1136] : memref<32x32768xf32, #tpu.memory_space<vmem>>, vector<32x128xf32>
    %dot_general3A_1138 = arith.constant dense<0.000000e+00> : vector<128x128xf32>
    %dot_general3A_1139 = tpu.matmul %get3A_1137, %pad3A_45, %dot_general3A_1138 {dimension_numbers = #tpu.dot_dimension_numbers<[0], [0], [1], [1], [0, 1, 1, 1], [], []>, transpose_lhs_hint = false} : vector<32x128xf32>, vector<32x128xf32>, vector<128x128xf32> -> vector<128x128xf32>
    %add3A_1140 = arith.addf %add3A_1134, %dot_general3A_1139 : vector<128x128xf32>
    %swap3A_1141 = arith.constant 4736 : index
    %swap3A_1142 = arith.constant 0 : index
    %swap3A_1143 = vector.load %arg2[%swap3A_1141, %swap3A_1142] : memref<8192x128xf32, #tpu.memory_space<vmem>>, vector<128x128xf32>
    tpu.vector_store %arg2[%swap3A_1141, %swap3A_1142], %add3A_1140 {strides = array<i32>} : memref<8192x128xf32, #tpu.memory_space<vmem>>, vector<128x128xf32>,
    %broadcast_in_dim3A_1144 = arith.constant 0.000000e+00 : f32
    %broadcast_in_dim3A_1145 = vector.broadcast %broadcast_in_dim3A_1144 : f32 to vector<128x128xf32>
    %get3A_1146 = arith.constant 0 : index
    %get3A_1147 = arith.constant 19456 : index
    %get3A_1148 = vector.load %arg1[%get3A_1146, %get3A_1147] : memref<32x32768xf32, #tpu.memory_space<vmem>>, vector<32x128xf32>
    %dot_general3A_1149 = arith.constant dense<0.000000e+00> : vector<128x128xf32>
    %dot_general3A_1150 = tpu.matmul %get3A_1148, %pad3A_5, %dot_general3A_1149 {dimension_numbers = #tpu.dot_dimension_numbers<[0], [0], [1], [1], [0, 1, 1, 1], [], []>, transpose_lhs_hint = false} : vector<32x128xf32>, vector<32x128xf32>, vector<128x128xf32> -> vector<128x128xf32>
    %add3A_1151 = arith.addf %broadcast_in_dim3A_1145, %dot_general3A_1150 : vector<128x128xf32>
    %get3A_1152 = arith.constant 0 : index
    %get3A_1153 = arith.constant 19584 : index
    %get3A_1154 = vector.load %arg1[%get3A_1152, %get3A_1153] : memref<32x32768xf32, #tpu.memory_space<vmem>>, vector<32x128xf32>
    %dot_general3A_1155 = arith.constant dense<0.000000e+00> : vector<128x128xf32>
    %dot_general3A_1156 = tpu.matmul %get3A_1154, %pad3A_19, %dot_general3A_1155 {dimension_numbers = #tpu.dot_dimension_numbers<[0], [0], [1], [1], [0, 1, 1, 1], [], []>, transpose_lhs_hint = false} : vector<32x128xf32>, vector<32x128xf32>, vector<128x128xf32> -> vector<128x128xf32>
    %add3A_1157 = arith.addf %add3A_1151, %dot_general3A_1156 : vector<128x128xf32>
    %get3A_1158 = arith.constant 0 : index
    %get3A_1159 = arith.constant 19712 : index
    %get3A_1160 = vector.load %arg1[%get3A_1158, %get3A_1159] : memref<32x32768xf32, #tpu.memory_space<vmem>>, vector<32x128xf32>
    %dot_general3A_1161 = arith.constant dense<0.000000e+00> : vector<128x128xf32>
    %dot_general3A_1162 = tpu.matmul %get3A_1160, %pad3A_33, %dot_general3A_1161 {dimension_numbers = #tpu.dot_dimension_numbers<[0], [0], [1], [1], [0, 1, 1, 1], [], []>, transpose_lhs_hint = false} : vector<32x128xf32>, vector<32x128xf32>, vector<128x128xf32> -> vector<128x128xf32>
    %add3A_1163 = arith.addf %add3A_1157, %dot_general3A_1162 : vector<128x128xf32>
    %get3A_1164 = arith.constant 0 : index
    %get3A_1165 = arith.constant 19840 : index
    %get3A_1166 = vector.load %arg1[%get3A_1164, %get3A_1165] : memref<32x32768xf32, #tpu.memory_space<vmem>>, vector<32x128xf32>
    %dot_general3A_1167 = arith.constant dense<0.000000e+00> : vector<128x128xf32>
    %dot_general3A_1168 = tpu.matmul %get3A_1166, %pad3A_45, %dot_general3A_1167 {dimension_numbers = #tpu.dot_dimension_numbers<[0], [0], [1], [1], [0, 1, 1, 1], [], []>, transpose_lhs_hint = false} : vector<32x128xf32>, vector<32x128xf32>, vector<128x128xf32> -> vector<128x128xf32>
    %add3A_1169 = arith.addf %add3A_1163, %dot_general3A_1168 : vector<128x128xf32>
    %swap3A_1170 = arith.constant 4864 : index
    %swap3A_1171 = arith.constant 0 : index
    %swap3A_1172 = vector.load %arg2[%swap3A_1170, %swap3A_1171] : memref<8192x128xf32, #tpu.memory_space<vmem>>, vector<128x128xf32>
    tpu.vector_store %arg2[%swap3A_1170, %swap3A_1171], %add3A_1169 {strides = array<i32>} : memref<8192x128xf32, #tpu.memory_space<vmem>>, vector<128x128xf32>,
    %broadcast_in_dim3A_1173 = arith.constant 0.000000e+00 : f32
    %broadcast_in_dim3A_1174 = vector.broadcast %broadcast_in_dim3A_1173 : f32 to vector<128x128xf32>
    %get3A_1175 = arith.constant 0 : index
    %get3A_1176 = arith.constant 19968 : index
    %get3A_1177 = vector.load %arg1[%get3A_1175, %get3A_1176] : memref<32x32768xf32, #tpu.memory_space<vmem>>, vector<32x128xf32>
    %dot_general3A_1178 = arith.constant dense<0.000000e+00> : vector<128x128xf32>
    %dot_general3A_1179 = tpu.matmul %get3A_1177, %pad3A_5, %dot_general3A_1178 {dimension_numbers = #tpu.dot_dimension_numbers<[0], [0], [1], [1], [0, 1, 1, 1], [], []>, transpose_lhs_hint = false} : vector<32x128xf32>, vector<32x128xf32>, vector<128x128xf32> -> vector<128x128xf32>
    %add3A_1180 = arith.addf %broadcast_in_dim3A_1174, %dot_general3A_1179 : vector<128x128xf32>
    %get3A_1181 = arith.constant 0 : index
    %get3A_1182 = arith.constant 20096 : index
    %get3A_1183 = vector.load %arg1[%get3A_1181, %get3A_1182] : memref<32x32768xf32, #tpu.memory_space<vmem>>, vector<32x128xf32>
    %dot_general3A_1184 = arith.constant dense<0.000000e+00> : vector<128x128xf32>
    %dot_general3A_1185 = tpu.matmul %get3A_1183, %pad3A_19, %dot_general3A_1184 {dimension_numbers = #tpu.dot_dimension_numbers<[0], [0], [1], [1], [0, 1, 1, 1], [], []>, transpose_lhs_hint = false} : vector<32x128xf32>, vector<32x128xf32>, vector<128x128xf32> -> vector<128x128xf32>
    %add3A_1186 = arith.addf %add3A_1180, %dot_general3A_1185 : vector<128x128xf32>
    %get3A_1187 = arith.constant 0 : index
    %get3A_1188 = arith.constant 20224 : index
    %get3A_1189 = vector.load %arg1[%get3A_1187, %get3A_1188] : memref<32x32768xf32, #tpu.memory_space<vmem>>, vector<32x128xf32>
    %dot_general3A_1190 = arith.constant dense<0.000000e+00> : vector<128x128xf32>
    %dot_general3A_1191 = tpu.matmul %get3A_1189, %pad3A_33, %dot_general3A_1190 {dimension_numbers = #tpu.dot_dimension_numbers<[0], [0], [1], [1], [0, 1, 1, 1], [], []>, transpose_lhs_hint = false} : vector<32x128xf32>, vector<32x128xf32>, vector<128x128xf32> -> vector<128x128xf32>
    %add3A_1192 = arith.addf %add3A_1186, %dot_general3A_1191 : vector<128x128xf32>
    %get3A_1193 = arith.constant 0 : index
    %get3A_1194 = arith.constant 20352 : index
    %get3A_1195 = vector.load %arg1[%get3A_1193, %get3A_1194] : memref<32x32768xf32, #tpu.memory_space<vmem>>, vector<32x128xf32>
    %dot_general3A_1196 = arith.constant dense<0.000000e+00> : vector<128x128xf32>
    %dot_general3A_1197 = tpu.matmul %get3A_1195, %pad3A_45, %dot_general3A_1196 {dimension_numbers = #tpu.dot_dimension_numbers<[0], [0], [1], [1], [0, 1, 1, 1], [], []>, transpose_lhs_hint = false} : vector<32x128xf32>, vector<32x128xf32>, vector<128x128xf32> -> vector<128x128xf32>
    %add3A_1198 = arith.addf %add3A_1192, %dot_general3A_1197 : vector<128x128xf32>
    %swap3A_1199 = arith.constant 4992 : index
    %swap3A_1200 = arith.constant 0 : index
    %swap3A_1201 = vector.load %arg2[%swap3A_1199, %swap3A_1200] : memref<8192x128xf32, #tpu.memory_space<vmem>>, vector<128x128xf32>
    tpu.vector_store %arg2[%swap3A_1199, %swap3A_1200], %add3A_1198 {strides = array<i32>} : memref<8192x128xf32, #tpu.memory_space<vmem>>, vector<128x128xf32>,
    %broadcast_in_dim3A_1202 = arith.constant 0.000000e+00 : f32
    %broadcast_in_dim3A_1203 = vector.broadcast %broadcast_in_dim3A_1202 : f32 to vector<128x128xf32>
    %get3A_1204 = arith.constant 0 : index
    %get3A_1205 = arith.constant 20480 : index
    %get3A_1206 = vector.load %arg1[%get3A_1204, %get3A_1205] : memref<32x32768xf32, #tpu.memory_space<vmem>>, vector<32x128xf32>
    %dot_general3A_1207 = arith.constant dense<0.000000e+00> : vector<128x128xf32>
    %dot_general3A_1208 = tpu.matmul %get3A_1206, %pad3A_5, %dot_general3A_1207 {dimension_numbers = #tpu.dot_dimension_numbers<[0], [0], [1], [1], [0, 1, 1, 1], [], []>, transpose_lhs_hint = false} : vector<32x128xf32>, vector<32x128xf32>, vector<128x128xf32> -> vector<128x128xf32>
    %add3A_1209 = arith.addf %broadcast_in_dim3A_1203, %dot_general3A_1208 : vector<128x128xf32>
    %get3A_1210 = arith.constant 0 : index
    %get3A_1211 = arith.constant 20608 : index
    %get3A_1212 = vector.load %arg1[%get3A_1210, %get3A_1211] : memref<32x32768xf32, #tpu.memory_space<vmem>>, vector<32x128xf32>
    %dot_general3A_1213 = arith.constant dense<0.000000e+00> : vector<128x128xf32>
    %dot_general3A_1214 = tpu.matmul %get3A_1212, %pad3A_19, %dot_general3A_1213 {dimension_numbers = #tpu.dot_dimension_numbers<[0], [0], [1], [1], [0, 1, 1, 1], [], []>, transpose_lhs_hint = false} : vector<32x128xf32>, vector<32x128xf32>, vector<128x128xf32> -> vector<128x128xf32>
    %add3A_1215 = arith.addf %add3A_1209, %dot_general3A_1214 : vector<128x128xf32>
    %get3A_1216 = arith.constant 0 : index
    %get3A_1217 = arith.constant 20736 : index
    %get3A_1218 = vector.load %arg1[%get3A_1216, %get3A_1217] : memref<32x32768xf32, #tpu.memory_space<vmem>>, vector<32x128xf32>
    %dot_general3A_1219 = arith.constant dense<0.000000e+00> : vector<128x128xf32>
    %dot_general3A_1220 = tpu.matmul %get3A_1218, %pad3A_33, %dot_general3A_1219 {dimension_numbers = #tpu.dot_dimension_numbers<[0], [0], [1], [1], [0, 1, 1, 1], [], []>, transpose_lhs_hint = false} : vector<32x128xf32>, vector<32x128xf32>, vector<128x128xf32> -> vector<128x128xf32>
    %add3A_1221 = arith.addf %add3A_1215, %dot_general3A_1220 : vector<128x128xf32>
    %get3A_1222 = arith.constant 0 : index
    %get3A_1223 = arith.constant 20864 : index
    %get3A_1224 = vector.load %arg1[%get3A_1222, %get3A_1223] : memref<32x32768xf32, #tpu.memory_space<vmem>>, vector<32x128xf32>
    %dot_general3A_1225 = arith.constant dense<0.000000e+00> : vector<128x128xf32>
    %dot_general3A_1226 = tpu.matmul %get3A_1224, %pad3A_45, %dot_general3A_1225 {dimension_numbers = #tpu.dot_dimension_numbers<[0], [0], [1], [1], [0, 1, 1, 1], [], []>, transpose_lhs_hint = false} : vector<32x128xf32>, vector<32x128xf32>, vector<128x128xf32> -> vector<128x128xf32>
    %add3A_1227 = arith.addf %add3A_1221, %dot_general3A_1226 : vector<128x128xf32>
    %swap3A_1228 = arith.constant 5120 : index
    %swap3A_1229 = arith.constant 0 : index
    %swap3A_1230 = vector.load %arg2[%swap3A_1228, %swap3A_1229] : memref<8192x128xf32, #tpu.memory_space<vmem>>, vector<128x128xf32>
    tpu.vector_store %arg2[%swap3A_1228, %swap3A_1229], %add3A_1227 {strides = array<i32>} : memref<8192x128xf32, #tpu.memory_space<vmem>>, vector<128x128xf32>,
    %broadcast_in_dim3A_1231 = arith.constant 0.000000e+00 : f32
    %broadcast_in_dim3A_1232 = vector.broadcast %broadcast_in_dim3A_1231 : f32 to vector<128x128xf32>
    %get3A_1233 = arith.constant 0 : index
    %get3A_1234 = arith.constant 20992 : index
    %get3A_1235 = vector.load %arg1[%get3A_1233, %get3A_1234] : memref<32x32768xf32, #tpu.memory_space<vmem>>, vector<32x128xf32>
    %dot_general3A_1236 = arith.constant dense<0.000000e+00> : vector<128x128xf32>
    %dot_general3A_1237 = tpu.matmul %get3A_1235, %pad3A_5, %dot_general3A_1236 {dimension_numbers = #tpu.dot_dimension_numbers<[0], [0], [1], [1], [0, 1, 1, 1], [], []>, transpose_lhs_hint = false} : vector<32x128xf32>, vector<32x128xf32>, vector<128x128xf32> -> vector<128x128xf32>
    %add3A_1238 = arith.addf %broadcast_in_dim3A_1232, %dot_general3A_1237 : vector<128x128xf32>
    %get3A_1239 = arith.constant 0 : index
    %get3A_1240 = arith.constant 21120 : index
    %get3A_1241 = vector.load %arg1[%get3A_1239, %get3A_1240] : memref<32x32768xf32, #tpu.memory_space<vmem>>, vector<32x128xf32>
    %dot_general3A_1242 = arith.constant dense<0.000000e+00> : vector<128x128xf32>
    %dot_general3A_1243 = tpu.matmul %get3A_1241, %pad3A_19, %dot_general3A_1242 {dimension_numbers = #tpu.dot_dimension_numbers<[0], [0], [1], [1], [0, 1, 1, 1], [], []>, transpose_lhs_hint = false} : vector<32x128xf32>, vector<32x128xf32>, vector<128x128xf32> -> vector<128x128xf32>
    %add3A_1244 = arith.addf %add3A_1238, %dot_general3A_1243 : vector<128x128xf32>
    %get3A_1245 = arith.constant 0 : index
    %get3A_1246 = arith.constant 21248 : index
    %get3A_1247 = vector.load %arg1[%get3A_1245, %get3A_1246] : memref<32x32768xf32, #tpu.memory_space<vmem>>, vector<32x128xf32>
    %dot_general3A_1248 = arith.constant dense<0.000000e+00> : vector<128x128xf32>
    %dot_general3A_1249 = tpu.matmul %get3A_1247, %pad3A_33, %dot_general3A_1248 {dimension_numbers = #tpu.dot_dimension_numbers<[0], [0], [1], [1], [0, 1, 1, 1], [], []>, transpose_lhs_hint = false} : vector<32x128xf32>, vector<32x128xf32>, vector<128x128xf32> -> vector<128x128xf32>
    %add3A_1250 = arith.addf %add3A_1244, %dot_general3A_1249 : vector<128x128xf32>
    %get3A_1251 = arith.constant 0 : index
    %get3A_1252 = arith.constant 21376 : index
    %get3A_1253 = vector.load %arg1[%get3A_1251, %get3A_1252] : memref<32x32768xf32, #tpu.memory_space<vmem>>, vector<32x128xf32>
    %dot_general3A_1254 = arith.constant dense<0.000000e+00> : vector<128x128xf32>
    %dot_general3A_1255 = tpu.matmul %get3A_1253, %pad3A_45, %dot_general3A_1254 {dimension_numbers = #tpu.dot_dimension_numbers<[0], [0], [1], [1], [0, 1, 1, 1], [], []>, transpose_lhs_hint = false} : vector<32x128xf32>, vector<32x128xf32>, vector<128x128xf32> -> vector<128x128xf32>
    %add3A_1256 = arith.addf %add3A_1250, %dot_general3A_1255 : vector<128x128xf32>
    %swap3A_1257 = arith.constant 5248 : index
    %swap3A_1258 = arith.constant 0 : index
    %swap3A_1259 = vector.load %arg2[%swap3A_1257, %swap3A_1258] : memref<8192x128xf32, #tpu.memory_space<vmem>>, vector<128x128xf32>
    tpu.vector_store %arg2[%swap3A_1257, %swap3A_1258], %add3A_1256 {strides = array<i32>} : memref<8192x128xf32, #tpu.memory_space<vmem>>, vector<128x128xf32>,
    %broadcast_in_dim3A_1260 = arith.constant 0.000000e+00 : f32
    %broadcast_in_dim3A_1261 = vector.broadcast %broadcast_in_dim3A_1260 : f32 to vector<128x128xf32>
    %get3A_1262 = arith.constant 0 : index
    %get3A_1263 = arith.constant 21504 : index
    %get3A_1264 = vector.load %arg1[%get3A_1262, %get3A_1263] : memref<32x32768xf32, #tpu.memory_space<vmem>>, vector<32x128xf32>
    %dot_general3A_1265 = arith.constant dense<0.000000e+00> : vector<128x128xf32>
    %dot_general3A_1266 = tpu.matmul %get3A_1264, %pad3A_5, %dot_general3A_1265 {dimension_numbers = #tpu.dot_dimension_numbers<[0], [0], [1], [1], [0, 1, 1, 1], [], []>, transpose_lhs_hint = false} : vector<32x128xf32>, vector<32x128xf32>, vector<128x128xf32> -> vector<128x128xf32>
    %add3A_1267 = arith.addf %broadcast_in_dim3A_1261, %dot_general3A_1266 : vector<128x128xf32>
    %get3A_1268 = arith.constant 0 : index
    %get3A_1269 = arith.constant 21632 : index
    %get3A_1270 = vector.load %arg1[%get3A_1268, %get3A_1269] : memref<32x32768xf32, #tpu.memory_space<vmem>>, vector<32x128xf32>
    %dot_general3A_1271 = arith.constant dense<0.000000e+00> : vector<128x128xf32>
    %dot_general3A_1272 = tpu.matmul %get3A_1270, %pad3A_19, %dot_general3A_1271 {dimension_numbers = #tpu.dot_dimension_numbers<[0], [0], [1], [1], [0, 1, 1, 1], [], []>, transpose_lhs_hint = false} : vector<32x128xf32>, vector<32x128xf32>, vector<128x128xf32> -> vector<128x128xf32>
    %add3A_1273 = arith.addf %add3A_1267, %dot_general3A_1272 : vector<128x128xf32>
    %get3A_1274 = arith.constant 0 : index
    %get3A_1275 = arith.constant 21760 : index
    %get3A_1276 = vector.load %arg1[%get3A_1274, %get3A_1275] : memref<32x32768xf32, #tpu.memory_space<vmem>>, vector<32x128xf32>
    %dot_general3A_1277 = arith.constant dense<0.000000e+00> : vector<128x128xf32>
    %dot_general3A_1278 = tpu.matmul %get3A_1276, %pad3A_33, %dot_general3A_1277 {dimension_numbers = #tpu.dot_dimension_numbers<[0], [0], [1], [1], [0, 1, 1, 1], [], []>, transpose_lhs_hint = false} : vector<32x128xf32>, vector<32x128xf32>, vector<128x128xf32> -> vector<128x128xf32>
    %add3A_1279 = arith.addf %add3A_1273, %dot_general3A_1278 : vector<128x128xf32>
    %get3A_1280 = arith.constant 0 : index
    %get3A_1281 = arith.constant 21888 : index
    %get3A_1282 = vector.load %arg1[%get3A_1280, %get3A_1281] : memref<32x32768xf32, #tpu.memory_space<vmem>>, vector<32x128xf32>
    %dot_general3A_1283 = arith.constant dense<0.000000e+00> : vector<128x128xf32>
    %dot_general3A_1284 = tpu.matmul %get3A_1282, %pad3A_45, %dot_general3A_1283 {dimension_numbers = #tpu.dot_dimension_numbers<[0], [0], [1], [1], [0, 1, 1, 1], [], []>, transpose_lhs_hint = false} : vector<32x128xf32>, vector<32x128xf32>, vector<128x128xf32> -> vector<128x128xf32>
    %add3A_1285 = arith.addf %add3A_1279, %dot_general3A_1284 : vector<128x128xf32>
    %swap3A_1286 = arith.constant 5376 : index
    %swap3A_1287 = arith.constant 0 : index
    %swap3A_1288 = vector.load %arg2[%swap3A_1286, %swap3A_1287] : memref<8192x128xf32, #tpu.memory_space<vmem>>, vector<128x128xf32>
    tpu.vector_store %arg2[%swap3A_1286, %swap3A_1287], %add3A_1285 {strides = array<i32>} : memref<8192x128xf32, #tpu.memory_space<vmem>>, vector<128x128xf32>,
    %broadcast_in_dim3A_1289 = arith.constant 0.000000e+00 : f32
    %broadcast_in_dim3A_1290 = vector.broadcast %broadcast_in_dim3A_1289 : f32 to vector<128x128xf32>
    %get3A_1291 = arith.constant 0 : index
    %get3A_1292 = arith.constant 22016 : index
    %get3A_1293 = vector.load %arg1[%get3A_1291, %get3A_1292] : memref<32x32768xf32, #tpu.memory_space<vmem>>, vector<32x128xf32>
    %dot_general3A_1294 = arith.constant dense<0.000000e+00> : vector<128x128xf32>
    %dot_general3A_1295 = tpu.matmul %get3A_1293, %pad3A_5, %dot_general3A_1294 {dimension_numbers = #tpu.dot_dimension_numbers<[0], [0], [1], [1], [0, 1, 1, 1], [], []>, transpose_lhs_hint = false} : vector<32x128xf32>, vector<32x128xf32>, vector<128x128xf32> -> vector<128x128xf32>
    %add3A_1296 = arith.addf %broadcast_in_dim3A_1290, %dot_general3A_1295 : vector<128x128xf32>
    %get3A_1297 = arith.constant 0 : index
    %get3A_1298 = arith.constant 22144 : index
    %get3A_1299 = vector.load %arg1[%get3A_1297, %get3A_1298] : memref<32x32768xf32, #tpu.memory_space<vmem>>, vector<32x128xf32>
    %dot_general3A_1300 = arith.constant dense<0.000000e+00> : vector<128x128xf32>
    %dot_general3A_1301 = tpu.matmul %get3A_1299, %pad3A_19, %dot_general3A_1300 {dimension_numbers = #tpu.dot_dimension_numbers<[0], [0], [1], [1], [0, 1, 1, 1], [], []>, transpose_lhs_hint = false} : vector<32x128xf32>, vector<32x128xf32>, vector<128x128xf32> -> vector<128x128xf32>
    %add3A_1302 = arith.addf %add3A_1296, %dot_general3A_1301 : vector<128x128xf32>
    %get3A_1303 = arith.constant 0 : index
    %get3A_1304 = arith.constant 22272 : index
    %get3A_1305 = vector.load %arg1[%get3A_1303, %get3A_1304] : memref<32x32768xf32, #tpu.memory_space<vmem>>, vector<32x128xf32>
    %dot_general3A_1306 = arith.constant dense<0.000000e+00> : vector<128x128xf32>
    %dot_general3A_1307 = tpu.matmul %get3A_1305, %pad3A_33, %dot_general3A_1306 {dimension_numbers = #tpu.dot_dimension_numbers<[0], [0], [1], [1], [0, 1, 1, 1], [], []>, transpose_lhs_hint = false} : vector<32x128xf32>, vector<32x128xf32>, vector<128x128xf32> -> vector<128x128xf32>
    %add3A_1308 = arith.addf %add3A_1302, %dot_general3A_1307 : vector<128x128xf32>
    %get3A_1309 = arith.constant 0 : index
    %get3A_1310 = arith.constant 22400 : index
    %get3A_1311 = vector.load %arg1[%get3A_1309, %get3A_1310] : memref<32x32768xf32, #tpu.memory_space<vmem>>, vector<32x128xf32>
    %dot_general3A_1312 = arith.constant dense<0.000000e+00> : vector<128x128xf32>
    %dot_general3A_1313 = tpu.matmul %get3A_1311, %pad3A_45, %dot_general3A_1312 {dimension_numbers = #tpu.dot_dimension_numbers<[0], [0], [1], [1], [0, 1, 1, 1], [], []>, transpose_lhs_hint = false} : vector<32x128xf32>, vector<32x128xf32>, vector<128x128xf32> -> vector<128x128xf32>
    %add3A_1314 = arith.addf %add3A_1308, %dot_general3A_1313 : vector<128x128xf32>
    %swap3A_1315 = arith.constant 5504 : index
    %swap3A_1316 = arith.constant 0 : index
    %swap3A_1317 = vector.load %arg2[%swap3A_1315, %swap3A_1316] : memref<8192x128xf32, #tpu.memory_space<vmem>>, vector<128x128xf32>
    tpu.vector_store %arg2[%swap3A_1315, %swap3A_1316], %add3A_1314 {strides = array<i32>} : memref<8192x128xf32, #tpu.memory_space<vmem>>, vector<128x128xf32>,
    %broadcast_in_dim3A_1318 = arith.constant 0.000000e+00 : f32
    %broadcast_in_dim3A_1319 = vector.broadcast %broadcast_in_dim3A_1318 : f32 to vector<128x128xf32>
    %get3A_1320 = arith.constant 0 : index
    %get3A_1321 = arith.constant 22528 : index
    %get3A_1322 = vector.load %arg1[%get3A_1320, %get3A_1321] : memref<32x32768xf32, #tpu.memory_space<vmem>>, vector<32x128xf32>
    %dot_general3A_1323 = arith.constant dense<0.000000e+00> : vector<128x128xf32>
    %dot_general3A_1324 = tpu.matmul %get3A_1322, %pad3A_5, %dot_general3A_1323 {dimension_numbers = #tpu.dot_dimension_numbers<[0], [0], [1], [1], [0, 1, 1, 1], [], []>, transpose_lhs_hint = false} : vector<32x128xf32>, vector<32x128xf32>, vector<128x128xf32> -> vector<128x128xf32>
    %add3A_1325 = arith.addf %broadcast_in_dim3A_1319, %dot_general3A_1324 : vector<128x128xf32>
    %get3A_1326 = arith.constant 0 : index
    %get3A_1327 = arith.constant 22656 : index
    %get3A_1328 = vector.load %arg1[%get3A_1326, %get3A_1327] : memref<32x32768xf32, #tpu.memory_space<vmem>>, vector<32x128xf32>
    %dot_general3A_1329 = arith.constant dense<0.000000e+00> : vector<128x128xf32>
    %dot_general3A_1330 = tpu.matmul %get3A_1328, %pad3A_19, %dot_general3A_1329 {dimension_numbers = #tpu.dot_dimension_numbers<[0], [0], [1], [1], [0, 1, 1, 1], [], []>, transpose_lhs_hint = false} : vector<32x128xf32>, vector<32x128xf32>, vector<128x128xf32> -> vector<128x128xf32>
    %add3A_1331 = arith.addf %add3A_1325, %dot_general3A_1330 : vector<128x128xf32>
    %get3A_1332 = arith.constant 0 : index
    %get3A_1333 = arith.constant 22784 : index
    %get3A_1334 = vector.load %arg1[%get3A_1332, %get3A_1333] : memref<32x32768xf32, #tpu.memory_space<vmem>>, vector<32x128xf32>
    %dot_general3A_1335 = arith.constant dense<0.000000e+00> : vector<128x128xf32>
    %dot_general3A_1336 = tpu.matmul %get3A_1334, %pad3A_33, %dot_general3A_1335 {dimension_numbers = #tpu.dot_dimension_numbers<[0], [0], [1], [1], [0, 1, 1, 1], [], []>, transpose_lhs_hint = false} : vector<32x128xf32>, vector<32x128xf32>, vector<128x128xf32> -> vector<128x128xf32>
    %add3A_1337 = arith.addf %add3A_1331, %dot_general3A_1336 : vector<128x128xf32>
    %get3A_1338 = arith.constant 0 : index
    %get3A_1339 = arith.constant 22912 : index
    %get3A_1340 = vector.load %arg1[%get3A_1338, %get3A_1339] : memref<32x32768xf32, #tpu.memory_space<vmem>>, vector<32x128xf32>
    %dot_general3A_1341 = arith.constant dense<0.000000e+00> : vector<128x128xf32>
    %dot_general3A_1342 = tpu.matmul %get3A_1340, %pad3A_45, %dot_general3A_1341 {dimension_numbers = #tpu.dot_dimension_numbers<[0], [0], [1], [1], [0, 1, 1, 1], [], []>, transpose_lhs_hint = false} : vector<32x128xf32>, vector<32x128xf32>, vector<128x128xf32> -> vector<128x128xf32>
    %add3A_1343 = arith.addf %add3A_1337, %dot_general3A_1342 : vector<128x128xf32>
    %swap3A_1344 = arith.constant 5632 : index
    %swap3A_1345 = arith.constant 0 : index
    %swap3A_1346 = vector.load %arg2[%swap3A_1344, %swap3A_1345] : memref<8192x128xf32, #tpu.memory_space<vmem>>, vector<128x128xf32>
    tpu.vector_store %arg2[%swap3A_1344, %swap3A_1345], %add3A_1343 {strides = array<i32>} : memref<8192x128xf32, #tpu.memory_space<vmem>>, vector<128x128xf32>,
    %broadcast_in_dim3A_1347 = arith.constant 0.000000e+00 : f32
    %broadcast_in_dim3A_1348 = vector.broadcast %broadcast_in_dim3A_1347 : f32 to vector<128x128xf32>
    %get3A_1349 = arith.constant 0 : index
    %get3A_1350 = arith.constant 23040 : index
    %get3A_1351 = vector.load %arg1[%get3A_1349, %get3A_1350] : memref<32x32768xf32, #tpu.memory_space<vmem>>, vector<32x128xf32>
    %dot_general3A_1352 = arith.constant dense<0.000000e+00> : vector<128x128xf32>
    %dot_general3A_1353 = tpu.matmul %get3A_1351, %pad3A_5, %dot_general3A_1352 {dimension_numbers = #tpu.dot_dimension_numbers<[0], [0], [1], [1], [0, 1, 1, 1], [], []>, transpose_lhs_hint = false} : vector<32x128xf32>, vector<32x128xf32>, vector<128x128xf32> -> vector<128x128xf32>
    %add3A_1354 = arith.addf %broadcast_in_dim3A_1348, %dot_general3A_1353 : vector<128x128xf32>
    %get3A_1355 = arith.constant 0 : index
    %get3A_1356 = arith.constant 23168 : index
    %get3A_1357 = vector.load %arg1[%get3A_1355, %get3A_1356] : memref<32x32768xf32, #tpu.memory_space<vmem>>, vector<32x128xf32>
    %dot_general3A_1358 = arith.constant dense<0.000000e+00> : vector<128x128xf32>
    %dot_general3A_1359 = tpu.matmul %get3A_1357, %pad3A_19, %dot_general3A_1358 {dimension_numbers = #tpu.dot_dimension_numbers<[0], [0], [1], [1], [0, 1, 1, 1], [], []>, transpose_lhs_hint = false} : vector<32x128xf32>, vector<32x128xf32>, vector<128x128xf32> -> vector<128x128xf32>
    %add3A_1360 = arith.addf %add3A_1354, %dot_general3A_1359 : vector<128x128xf32>
    %get3A_1361 = arith.constant 0 : index
    %get3A_1362 = arith.constant 23296 : index
    %get3A_1363 = vector.load %arg1[%get3A_1361, %get3A_1362] : memref<32x32768xf32, #tpu.memory_space<vmem>>, vector<32x128xf32>
    %dot_general3A_1364 = arith.constant dense<0.000000e+00> : vector<128x128xf32>
    %dot_general3A_1365 = tpu.matmul %get3A_1363, %pad3A_33, %dot_general3A_1364 {dimension_numbers = #tpu.dot_dimension_numbers<[0], [0], [1], [1], [0, 1, 1, 1], [], []>, transpose_lhs_hint = false} : vector<32x128xf32>, vector<32x128xf32>, vector<128x128xf32> -> vector<128x128xf32>
    %add3A_1366 = arith.addf %add3A_1360, %dot_general3A_1365 : vector<128x128xf32>
    %get3A_1367 = arith.constant 0 : index
    %get3A_1368 = arith.constant 23424 : index
    %get3A_1369 = vector.load %arg1[%get3A_1367, %get3A_1368] : memref<32x32768xf32, #tpu.memory_space<vmem>>, vector<32x128xf32>
    %dot_general3A_1370 = arith.constant dense<0.000000e+00> : vector<128x128xf32>
    %dot_general3A_1371 = tpu.matmul %get3A_1369, %pad3A_45, %dot_general3A_1370 {dimension_numbers = #tpu.dot_dimension_numbers<[0], [0], [1], [1], [0, 1, 1, 1], [], []>, transpose_lhs_hint = false} : vector<32x128xf32>, vector<32x128xf32>, vector<128x128xf32> -> vector<128x128xf32>
    %add3A_1372 = arith.addf %add3A_1366, %dot_general3A_1371 : vector<128x128xf32>
    %swap3A_1373 = arith.constant 5760 : index
    %swap3A_1374 = arith.constant 0 : index
    %swap3A_1375 = vector.load %arg2[%swap3A_1373, %swap3A_1374] : memref<8192x128xf32, #tpu.memory_space<vmem>>, vector<128x128xf32>
    tpu.vector_store %arg2[%swap3A_1373, %swap3A_1374], %add3A_1372 {strides = array<i32>} : memref<8192x128xf32, #tpu.memory_space<vmem>>, vector<128x128xf32>,
    %broadcast_in_dim3A_1376 = arith.constant 0.000000e+00 : f32
    %broadcast_in_dim3A_1377 = vector.broadcast %broadcast_in_dim3A_1376 : f32 to vector<128x128xf32>
    %get3A_1378 = arith.constant 0 : index
    %get3A_1379 = arith.constant 23552 : index
    %get3A_1380 = vector.load %arg1[%get3A_1378, %get3A_1379] : memref<32x32768xf32, #tpu.memory_space<vmem>>, vector<32x128xf32>
    %dot_general3A_1381 = arith.constant dense<0.000000e+00> : vector<128x128xf32>
    %dot_general3A_1382 = tpu.matmul %get3A_1380, %pad3A_5, %dot_general3A_1381 {dimension_numbers = #tpu.dot_dimension_numbers<[0], [0], [1], [1], [0, 1, 1, 1], [], []>, transpose_lhs_hint = false} : vector<32x128xf32>, vector<32x128xf32>, vector<128x128xf32> -> vector<128x128xf32>
    %add3A_1383 = arith.addf %broadcast_in_dim3A_1377, %dot_general3A_1382 : vector<128x128xf32>
    %get3A_1384 = arith.constant 0 : index
    %get3A_1385 = arith.constant 23680 : index
    %get3A_1386 = vector.load %arg1[%get3A_1384, %get3A_1385] : memref<32x32768xf32, #tpu.memory_space<vmem>>, vector<32x128xf32>
    %dot_general3A_1387 = arith.constant dense<0.000000e+00> : vector<128x128xf32>
    %dot_general3A_1388 = tpu.matmul %get3A_1386, %pad3A_19, %dot_general3A_1387 {dimension_numbers = #tpu.dot_dimension_numbers<[0], [0], [1], [1], [0, 1, 1, 1], [], []>, transpose_lhs_hint = false} : vector<32x128xf32>, vector<32x128xf32>, vector<128x128xf32> -> vector<128x128xf32>
    %add3A_1389 = arith.addf %add3A_1383, %dot_general3A_1388 : vector<128x128xf32>
    %get3A_1390 = arith.constant 0 : index
    %get3A_1391 = arith.constant 23808 : index
    %get3A_1392 = vector.load %arg1[%get3A_1390, %get3A_1391] : memref<32x32768xf32, #tpu.memory_space<vmem>>, vector<32x128xf32>
    %dot_general3A_1393 = arith.constant dense<0.000000e+00> : vector<128x128xf32>
    %dot_general3A_1394 = tpu.matmul %get3A_1392, %pad3A_33, %dot_general3A_1393 {dimension_numbers = #tpu.dot_dimension_numbers<[0], [0], [1], [1], [0, 1, 1, 1], [], []>, transpose_lhs_hint = false} : vector<32x128xf32>, vector<32x128xf32>, vector<128x128xf32> -> vector<128x128xf32>
    %add3A_1395 = arith.addf %add3A_1389, %dot_general3A_1394 : vector<128x128xf32>
    %get3A_1396 = arith.constant 0 : index
    %get3A_1397 = arith.constant 23936 : index
    %get3A_1398 = vector.load %arg1[%get3A_1396, %get3A_1397] : memref<32x32768xf32, #tpu.memory_space<vmem>>, vector<32x128xf32>
    %dot_general3A_1399 = arith.constant dense<0.000000e+00> : vector<128x128xf32>
    %dot_general3A_1400 = tpu.matmul %get3A_1398, %pad3A_45, %dot_general3A_1399 {dimension_numbers = #tpu.dot_dimension_numbers<[0], [0], [1], [1], [0, 1, 1, 1], [], []>, transpose_lhs_hint = false} : vector<32x128xf32>, vector<32x128xf32>, vector<128x128xf32> -> vector<128x128xf32>
    %add3A_1401 = arith.addf %add3A_1395, %dot_general3A_1400 : vector<128x128xf32>
    %swap3A_1402 = arith.constant 5888 : index
    %swap3A_1403 = arith.constant 0 : index
    %swap3A_1404 = vector.load %arg2[%swap3A_1402, %swap3A_1403] : memref<8192x128xf32, #tpu.memory_space<vmem>>, vector<128x128xf32>
    tpu.vector_store %arg2[%swap3A_1402, %swap3A_1403], %add3A_1401 {strides = array<i32>} : memref<8192x128xf32, #tpu.memory_space<vmem>>, vector<128x128xf32>,
    %broadcast_in_dim3A_1405 = arith.constant 0.000000e+00 : f32
    %broadcast_in_dim3A_1406 = vector.broadcast %broadcast_in_dim3A_1405 : f32 to vector<128x128xf32>
    %get3A_1407 = arith.constant 0 : index
    %get3A_1408 = arith.constant 24064 : index
    %get3A_1409 = vector.load %arg1[%get3A_1407, %get3A_1408] : memref<32x32768xf32, #tpu.memory_space<vmem>>, vector<32x128xf32>
    %dot_general3A_1410 = arith.constant dense<0.000000e+00> : vector<128x128xf32>
    %dot_general3A_1411 = tpu.matmul %get3A_1409, %pad3A_5, %dot_general3A_1410 {dimension_numbers = #tpu.dot_dimension_numbers<[0], [0], [1], [1], [0, 1, 1, 1], [], []>, transpose_lhs_hint = false} : vector<32x128xf32>, vector<32x128xf32>, vector<128x128xf32> -> vector<128x128xf32>
    %add3A_1412 = arith.addf %broadcast_in_dim3A_1406, %dot_general3A_1411 : vector<128x128xf32>
    %get3A_1413 = arith.constant 0 : index
    %get3A_1414 = arith.constant 24192 : index
    %get3A_1415 = vector.load %arg1[%get3A_1413, %get3A_1414] : memref<32x32768xf32, #tpu.memory_space<vmem>>, vector<32x128xf32>
    %dot_general3A_1416 = arith.constant dense<0.000000e+00> : vector<128x128xf32>
    %dot_general3A_1417 = tpu.matmul %get3A_1415, %pad3A_19, %dot_general3A_1416 {dimension_numbers = #tpu.dot_dimension_numbers<[0], [0], [1], [1], [0, 1, 1, 1], [], []>, transpose_lhs_hint = false} : vector<32x128xf32>, vector<32x128xf32>, vector<128x128xf32> -> vector<128x128xf32>
    %add3A_1418 = arith.addf %add3A_1412, %dot_general3A_1417 : vector<128x128xf32>
    %get3A_1419 = arith.constant 0 : index
    %get3A_1420 = arith.constant 24320 : index
    %get3A_1421 = vector.load %arg1[%get3A_1419, %get3A_1420] : memref<32x32768xf32, #tpu.memory_space<vmem>>, vector<32x128xf32>
    %dot_general3A_1422 = arith.constant dense<0.000000e+00> : vector<128x128xf32>
    %dot_general3A_1423 = tpu.matmul %get3A_1421, %pad3A_33, %dot_general3A_1422 {dimension_numbers = #tpu.dot_dimension_numbers<[0], [0], [1], [1], [0, 1, 1, 1], [], []>, transpose_lhs_hint = false} : vector<32x128xf32>, vector<32x128xf32>, vector<128x128xf32> -> vector<128x128xf32>
    %add3A_1424 = arith.addf %add3A_1418, %dot_general3A_1423 : vector<128x128xf32>
    %get3A_1425 = arith.constant 0 : index
    %get3A_1426 = arith.constant 24448 : index
    %get3A_1427 = vector.load %arg1[%get3A_1425, %get3A_1426] : memref<32x32768xf32, #tpu.memory_space<vmem>>, vector<32x128xf32>
    %dot_general3A_1428 = arith.constant dense<0.000000e+00> : vector<128x128xf32>
    %dot_general3A_1429 = tpu.matmul %get3A_1427, %pad3A_45, %dot_general3A_1428 {dimension_numbers = #tpu.dot_dimension_numbers<[0], [0], [1], [1], [0, 1, 1, 1], [], []>, transpose_lhs_hint = false} : vector<32x128xf32>, vector<32x128xf32>, vector<128x128xf32> -> vector<128x128xf32>
    %add3A_1430 = arith.addf %add3A_1424, %dot_general3A_1429 : vector<128x128xf32>
    %swap3A_1431 = arith.constant 6016 : index
    %swap3A_1432 = arith.constant 0 : index
    %swap3A_1433 = vector.load %arg2[%swap3A_1431, %swap3A_1432] : memref<8192x128xf32, #tpu.memory_space<vmem>>, vector<128x128xf32>
    tpu.vector_store %arg2[%swap3A_1431, %swap3A_1432], %add3A_1430 {strides = array<i32>} : memref<8192x128xf32, #tpu.memory_space<vmem>>, vector<128x128xf32>,
    %broadcast_in_dim3A_1434 = arith.constant 0.000000e+00 : f32
    %broadcast_in_dim3A_1435 = vector.broadcast %broadcast_in_dim3A_1434 : f32 to vector<128x128xf32>
    %get3A_1436 = arith.constant 0 : index
    %get3A_1437 = arith.constant 24576 : index
    %get3A_1438 = vector.load %arg1[%get3A_1436, %get3A_1437] : memref<32x32768xf32, #tpu.memory_space<vmem>>, vector<32x128xf32>
    %dot_general3A_1439 = arith.constant dense<0.000000e+00> : vector<128x128xf32>
    %dot_general3A_1440 = tpu.matmul %get3A_1438, %pad3A_5, %dot_general3A_1439 {dimension_numbers = #tpu.dot_dimension_numbers<[0], [0], [1], [1], [0, 1, 1, 1], [], []>, transpose_lhs_hint = false} : vector<32x128xf32>, vector<32x128xf32>, vector<128x128xf32> -> vector<128x128xf32>
    %add3A_1441 = arith.addf %broadcast_in_dim3A_1435, %dot_general3A_1440 : vector<128x128xf32>
    %get3A_1442 = arith.constant 0 : index
    %get3A_1443 = arith.constant 24704 : index
    %get3A_1444 = vector.load %arg1[%get3A_1442, %get3A_1443] : memref<32x32768xf32, #tpu.memory_space<vmem>>, vector<32x128xf32>
    %dot_general3A_1445 = arith.constant dense<0.000000e+00> : vector<128x128xf32>
    %dot_general3A_1446 = tpu.matmul %get3A_1444, %pad3A_19, %dot_general3A_1445 {dimension_numbers = #tpu.dot_dimension_numbers<[0], [0], [1], [1], [0, 1, 1, 1], [], []>, transpose_lhs_hint = false} : vector<32x128xf32>, vector<32x128xf32>, vector<128x128xf32> -> vector<128x128xf32>
    %add3A_1447 = arith.addf %add3A_1441, %dot_general3A_1446 : vector<128x128xf32>
    %get3A_1448 = arith.constant 0 : index
    %get3A_1449 = arith.constant 24832 : index
    %get3A_1450 = vector.load %arg1[%get3A_1448, %get3A_1449] : memref<32x32768xf32, #tpu.memory_space<vmem>>, vector<32x128xf32>
    %dot_general3A_1451 = arith.constant dense<0.000000e+00> : vector<128x128xf32>
    %dot_general3A_1452 = tpu.matmul %get3A_1450, %pad3A_33, %dot_general3A_1451 {dimension_numbers = #tpu.dot_dimension_numbers<[0], [0], [1], [1], [0, 1, 1, 1], [], []>, transpose_lhs_hint = false} : vector<32x128xf32>, vector<32x128xf32>, vector<128x128xf32> -> vector<128x128xf32>
    %add3A_1453 = arith.addf %add3A_1447, %dot_general3A_1452 : vector<128x128xf32>
    %get3A_1454 = arith.constant 0 : index
    %get3A_1455 = arith.constant 24960 : index
    %get3A_1456 = vector.load %arg1[%get3A_1454, %get3A_1455] : memref<32x32768xf32, #tpu.memory_space<vmem>>, vector<32x128xf32>
    %dot_general3A_1457 = arith.constant dense<0.000000e+00> : vector<128x128xf32>
    %dot_general3A_1458 = tpu.matmul %get3A_1456, %pad3A_45, %dot_general3A_1457 {dimension_numbers = #tpu.dot_dimension_numbers<[0], [0], [1], [1], [0, 1, 1, 1], [], []>, transpose_lhs_hint = false} : vector<32x128xf32>, vector<32x128xf32>, vector<128x128xf32> -> vector<128x128xf32>
    %add3A_1459 = arith.addf %add3A_1453, %dot_general3A_1458 : vector<128x128xf32>
    %swap3A_1460 = arith.constant 6144 : index
    %swap3A_1461 = arith.constant 0 : index
    %swap3A_1462 = vector.load %arg2[%swap3A_1460, %swap3A_1461] : memref<8192x128xf32, #tpu.memory_space<vmem>>, vector<128x128xf32>
    tpu.vector_store %arg2[%swap3A_1460, %swap3A_1461], %add3A_1459 {strides = array<i32>} : memref<8192x128xf32, #tpu.memory_space<vmem>>, vector<128x128xf32>,
    %broadcast_in_dim3A_1463 = arith.constant 0.000000e+00 : f32
    %broadcast_in_dim3A_1464 = vector.broadcast %broadcast_in_dim3A_1463 : f32 to vector<128x128xf32>
    %get3A_1465 = arith.constant 0 : index
    %get3A_1466 = arith.constant 25088 : index
    %get3A_1467 = vector.load %arg1[%get3A_1465, %get3A_1466] : memref<32x32768xf32, #tpu.memory_space<vmem>>, vector<32x128xf32>
    %dot_general3A_1468 = arith.constant dense<0.000000e+00> : vector<128x128xf32>
    %dot_general3A_1469 = tpu.matmul %get3A_1467, %pad3A_5, %dot_general3A_1468 {dimension_numbers = #tpu.dot_dimension_numbers<[0], [0], [1], [1], [0, 1, 1, 1], [], []>, transpose_lhs_hint = false} : vector<32x128xf32>, vector<32x128xf32>, vector<128x128xf32> -> vector<128x128xf32>
    %add3A_1470 = arith.addf %broadcast_in_dim3A_1464, %dot_general3A_1469 : vector<128x128xf32>
    %get3A_1471 = arith.constant 0 : index
    %get3A_1472 = arith.constant 25216 : index
    %get3A_1473 = vector.load %arg1[%get3A_1471, %get3A_1472] : memref<32x32768xf32, #tpu.memory_space<vmem>>, vector<32x128xf32>
    %dot_general3A_1474 = arith.constant dense<0.000000e+00> : vector<128x128xf32>
    %dot_general3A_1475 = tpu.matmul %get3A_1473, %pad3A_19, %dot_general3A_1474 {dimension_numbers = #tpu.dot_dimension_numbers<[0], [0], [1], [1], [0, 1, 1, 1], [], []>, transpose_lhs_hint = false} : vector<32x128xf32>, vector<32x128xf32>, vector<128x128xf32> -> vector<128x128xf32>
    %add3A_1476 = arith.addf %add3A_1470, %dot_general3A_1475 : vector<128x128xf32>
    %get3A_1477 = arith.constant 0 : index
    %get3A_1478 = arith.constant 25344 : index
    %get3A_1479 = vector.load %arg1[%get3A_1477, %get3A_1478] : memref<32x32768xf32, #tpu.memory_space<vmem>>, vector<32x128xf32>
    %dot_general3A_1480 = arith.constant dense<0.000000e+00> : vector<128x128xf32>
    %dot_general3A_1481 = tpu.matmul %get3A_1479, %pad3A_33, %dot_general3A_1480 {dimension_numbers = #tpu.dot_dimension_numbers<[0], [0], [1], [1], [0, 1, 1, 1], [], []>, transpose_lhs_hint = false} : vector<32x128xf32>, vector<32x128xf32>, vector<128x128xf32> -> vector<128x128xf32>
    %add3A_1482 = arith.addf %add3A_1476, %dot_general3A_1481 : vector<128x128xf32>
    %get3A_1483 = arith.constant 0 : index
    %get3A_1484 = arith.constant 25472 : index
    %get3A_1485 = vector.load %arg1[%get3A_1483, %get3A_1484] : memref<32x32768xf32, #tpu.memory_space<vmem>>, vector<32x128xf32>
    %dot_general3A_1486 = arith.constant dense<0.000000e+00> : vector<128x128xf32>
    %dot_general3A_1487 = tpu.matmul %get3A_1485, %pad3A_45, %dot_general3A_1486 {dimension_numbers = #tpu.dot_dimension_numbers<[0], [0], [1], [1], [0, 1, 1, 1], [], []>, transpose_lhs_hint = false} : vector<32x128xf32>, vector<32x128xf32>, vector<128x128xf32> -> vector<128x128xf32>
    %add3A_1488 = arith.addf %add3A_1482, %dot_general3A_1487 : vector<128x128xf32>
    %swap3A_1489 = arith.constant 6272 : index
    %swap3A_1490 = arith.constant 0 : index
    %swap3A_1491 = vector.load %arg2[%swap3A_1489, %swap3A_1490] : memref<8192x128xf32, #tpu.memory_space<vmem>>, vector<128x128xf32>
    tpu.vector_store %arg2[%swap3A_1489, %swap3A_1490], %add3A_1488 {strides = array<i32>} : memref<8192x128xf32, #tpu.memory_space<vmem>>, vector<128x128xf32>,
    %broadcast_in_dim3A_1492 = arith.constant 0.000000e+00 : f32
    %broadcast_in_dim3A_1493 = vector.broadcast %broadcast_in_dim3A_1492 : f32 to vector<128x128xf32>
    %get3A_1494 = arith.constant 0 : index
    %get3A_1495 = arith.constant 25600 : index
    %get3A_1496 = vector.load %arg1[%get3A_1494, %get3A_1495] : memref<32x32768xf32, #tpu.memory_space<vmem>>, vector<32x128xf32>
    %dot_general3A_1497 = arith.constant dense<0.000000e+00> : vector<128x128xf32>
    %dot_general3A_1498 = tpu.matmul %get3A_1496, %pad3A_5, %dot_general3A_1497 {dimension_numbers = #tpu.dot_dimension_numbers<[0], [0], [1], [1], [0, 1, 1, 1], [], []>, transpose_lhs_hint = false} : vector<32x128xf32>, vector<32x128xf32>, vector<128x128xf32> -> vector<128x128xf32>
    %add3A_1499 = arith.addf %broadcast_in_dim3A_1493, %dot_general3A_1498 : vector<128x128xf32>
    %get3A_1500 = arith.constant 0 : index
    %get3A_1501 = arith.constant 25728 : index
    %get3A_1502 = vector.load %arg1[%get3A_1500, %get3A_1501] : memref<32x32768xf32, #tpu.memory_space<vmem>>, vector<32x128xf32>
    %dot_general3A_1503 = arith.constant dense<0.000000e+00> : vector<128x128xf32>
    %dot_general3A_1504 = tpu.matmul %get3A_1502, %pad3A_19, %dot_general3A_1503 {dimension_numbers = #tpu.dot_dimension_numbers<[0], [0], [1], [1], [0, 1, 1, 1], [], []>, transpose_lhs_hint = false} : vector<32x128xf32>, vector<32x128xf32>, vector<128x128xf32> -> vector<128x128xf32>
    %add3A_1505 = arith.addf %add3A_1499, %dot_general3A_1504 : vector<128x128xf32>
    %get3A_1506 = arith.constant 0 : index
    %get3A_1507 = arith.constant 25856 : index
    %get3A_1508 = vector.load %arg1[%get3A_1506, %get3A_1507] : memref<32x32768xf32, #tpu.memory_space<vmem>>, vector<32x128xf32>
    %dot_general3A_1509 = arith.constant dense<0.000000e+00> : vector<128x128xf32>
    %dot_general3A_1510 = tpu.matmul %get3A_1508, %pad3A_33, %dot_general3A_1509 {dimension_numbers = #tpu.dot_dimension_numbers<[0], [0], [1], [1], [0, 1, 1, 1], [], []>, transpose_lhs_hint = false} : vector<32x128xf32>, vector<32x128xf32>, vector<128x128xf32> -> vector<128x128xf32>
    %add3A_1511 = arith.addf %add3A_1505, %dot_general3A_1510 : vector<128x128xf32>
    %get3A_1512 = arith.constant 0 : index
    %get3A_1513 = arith.constant 25984 : index
    %get3A_1514 = vector.load %arg1[%get3A_1512, %get3A_1513] : memref<32x32768xf32, #tpu.memory_space<vmem>>, vector<32x128xf32>
    %dot_general3A_1515 = arith.constant dense<0.000000e+00> : vector<128x128xf32>
    %dot_general3A_1516 = tpu.matmul %get3A_1514, %pad3A_45, %dot_general3A_1515 {dimension_numbers = #tpu.dot_dimension_numbers<[0], [0], [1], [1], [0, 1, 1, 1], [], []>, transpose_lhs_hint = false} : vector<32x128xf32>, vector<32x128xf32>, vector<128x128xf32> -> vector<128x128xf32>
    %add3A_1517 = arith.addf %add3A_1511, %dot_general3A_1516 : vector<128x128xf32>
    %swap3A_1518 = arith.constant 6400 : index
    %swap3A_1519 = arith.constant 0 : index
    %swap3A_1520 = vector.load %arg2[%swap3A_1518, %swap3A_1519] : memref<8192x128xf32, #tpu.memory_space<vmem>>, vector<128x128xf32>
    tpu.vector_store %arg2[%swap3A_1518, %swap3A_1519], %add3A_1517 {strides = array<i32>} : memref<8192x128xf32, #tpu.memory_space<vmem>>, vector<128x128xf32>,
    %broadcast_in_dim3A_1521 = arith.constant 0.000000e+00 : f32
    %broadcast_in_dim3A_1522 = vector.broadcast %broadcast_in_dim3A_1521 : f32 to vector<128x128xf32>
    %get3A_1523 = arith.constant 0 : index
    %get3A_1524 = arith.constant 26112 : index
    %get3A_1525 = vector.load %arg1[%get3A_1523, %get3A_1524] : memref<32x32768xf32, #tpu.memory_space<vmem>>, vector<32x128xf32>
    %dot_general3A_1526 = arith.constant dense<0.000000e+00> : vector<128x128xf32>
    %dot_general3A_1527 = tpu.matmul %get3A_1525, %pad3A_5, %dot_general3A_1526 {dimension_numbers = #tpu.dot_dimension_numbers<[0], [0], [1], [1], [0, 1, 1, 1], [], []>, transpose_lhs_hint = false} : vector<32x128xf32>, vector<32x128xf32>, vector<128x128xf32> -> vector<128x128xf32>
    %add3A_1528 = arith.addf %broadcast_in_dim3A_1522, %dot_general3A_1527 : vector<128x128xf32>
    %get3A_1529 = arith.constant 0 : index
    %get3A_1530 = arith.constant 26240 : index
    %get3A_1531 = vector.load %arg1[%get3A_1529, %get3A_1530] : memref<32x32768xf32, #tpu.memory_space<vmem>>, vector<32x128xf32>
    %dot_general3A_1532 = arith.constant dense<0.000000e+00> : vector<128x128xf32>
    %dot_general3A_1533 = tpu.matmul %get3A_1531, %pad3A_19, %dot_general3A_1532 {dimension_numbers = #tpu.dot_dimension_numbers<[0], [0], [1], [1], [0, 1, 1, 1], [], []>, transpose_lhs_hint = false} : vector<32x128xf32>, vector<32x128xf32>, vector<128x128xf32> -> vector<128x128xf32>
    %add3A_1534 = arith.addf %add3A_1528, %dot_general3A_1533 : vector<128x128xf32>
    %get3A_1535 = arith.constant 0 : index
    %get3A_1536 = arith.constant 26368 : index
    %get3A_1537 = vector.load %arg1[%get3A_1535, %get3A_1536] : memref<32x32768xf32, #tpu.memory_space<vmem>>, vector<32x128xf32>
    %dot_general3A_1538 = arith.constant dense<0.000000e+00> : vector<128x128xf32>
    %dot_general3A_1539 = tpu.matmul %get3A_1537, %pad3A_33, %dot_general3A_1538 {dimension_numbers = #tpu.dot_dimension_numbers<[0], [0], [1], [1], [0, 1, 1, 1], [], []>, transpose_lhs_hint = false} : vector<32x128xf32>, vector<32x128xf32>, vector<128x128xf32> -> vector<128x128xf32>
    %add3A_1540 = arith.addf %add3A_1534, %dot_general3A_1539 : vector<128x128xf32>
    %get3A_1541 = arith.constant 0 : index
    %get3A_1542 = arith.constant 26496 : index
    %get3A_1543 = vector.load %arg1[%get3A_1541, %get3A_1542] : memref<32x32768xf32, #tpu.memory_space<vmem>>, vector<32x128xf32>
    %dot_general3A_1544 = arith.constant dense<0.000000e+00> : vector<128x128xf32>
    %dot_general3A_1545 = tpu.matmul %get3A_1543, %pad3A_45, %dot_general3A_1544 {dimension_numbers = #tpu.dot_dimension_numbers<[0], [0], [1], [1], [0, 1, 1, 1], [], []>, transpose_lhs_hint = false} : vector<32x128xf32>, vector<32x128xf32>, vector<128x128xf32> -> vector<128x128xf32>
    %add3A_1546 = arith.addf %add3A_1540, %dot_general3A_1545 : vector<128x128xf32>
    %swap3A_1547 = arith.constant 6528 : index
    %swap3A_1548 = arith.constant 0 : index
    %swap3A_1549 = vector.load %arg2[%swap3A_1547, %swap3A_1548] : memref<8192x128xf32, #tpu.memory_space<vmem>>, vector<128x128xf32>
    tpu.vector_store %arg2[%swap3A_1547, %swap3A_1548], %add3A_1546 {strides = array<i32>} : memref<8192x128xf32, #tpu.memory_space<vmem>>, vector<128x128xf32>,
    %broadcast_in_dim3A_1550 = arith.constant 0.000000e+00 : f32
    %broadcast_in_dim3A_1551 = vector.broadcast %broadcast_in_dim3A_1550 : f32 to vector<128x128xf32>
    %get3A_1552 = arith.constant 0 : index
    %get3A_1553 = arith.constant 26624 : index
    %get3A_1554 = vector.load %arg1[%get3A_1552, %get3A_1553] : memref<32x32768xf32, #tpu.memory_space<vmem>>, vector<32x128xf32>
    %dot_general3A_1555 = arith.constant dense<0.000000e+00> : vector<128x128xf32>
    %dot_general3A_1556 = tpu.matmul %get3A_1554, %pad3A_5, %dot_general3A_1555 {dimension_numbers = #tpu.dot_dimension_numbers<[0], [0], [1], [1], [0, 1, 1, 1], [], []>, transpose_lhs_hint = false} : vector<32x128xf32>, vector<32x128xf32>, vector<128x128xf32> -> vector<128x128xf32>
    %add3A_1557 = arith.addf %broadcast_in_dim3A_1551, %dot_general3A_1556 : vector<128x128xf32>
    %get3A_1558 = arith.constant 0 : index
    %get3A_1559 = arith.constant 26752 : index
    %get3A_1560 = vector.load %arg1[%get3A_1558, %get3A_1559] : memref<32x32768xf32, #tpu.memory_space<vmem>>, vector<32x128xf32>
    %dot_general3A_1561 = arith.constant dense<0.000000e+00> : vector<128x128xf32>
    %dot_general3A_1562 = tpu.matmul %get3A_1560, %pad3A_19, %dot_general3A_1561 {dimension_numbers = #tpu.dot_dimension_numbers<[0], [0], [1], [1], [0, 1, 1, 1], [], []>, transpose_lhs_hint = false} : vector<32x128xf32>, vector<32x128xf32>, vector<128x128xf32> -> vector<128x128xf32>
    %add3A_1563 = arith.addf %add3A_1557, %dot_general3A_1562 : vector<128x128xf32>
    %get3A_1564 = arith.constant 0 : index
    %get3A_1565 = arith.constant 26880 : index
    %get3A_1566 = vector.load %arg1[%get3A_1564, %get3A_1565] : memref<32x32768xf32, #tpu.memory_space<vmem>>, vector<32x128xf32>
    %dot_general3A_1567 = arith.constant dense<0.000000e+00> : vector<128x128xf32>
    %dot_general3A_1568 = tpu.matmul %get3A_1566, %pad3A_33, %dot_general3A_1567 {dimension_numbers = #tpu.dot_dimension_numbers<[0], [0], [1], [1], [0, 1, 1, 1], [], []>, transpose_lhs_hint = false} : vector<32x128xf32>, vector<32x128xf32>, vector<128x128xf32> -> vector<128x128xf32>
    %add3A_1569 = arith.addf %add3A_1563, %dot_general3A_1568 : vector<128x128xf32>
    %get3A_1570 = arith.constant 0 : index
    %get3A_1571 = arith.constant 27008 : index
    %get3A_1572 = vector.load %arg1[%get3A_1570, %get3A_1571] : memref<32x32768xf32, #tpu.memory_space<vmem>>, vector<32x128xf32>
    %dot_general3A_1573 = arith.constant dense<0.000000e+00> : vector<128x128xf32>
    %dot_general3A_1574 = tpu.matmul %get3A_1572, %pad3A_45, %dot_general3A_1573 {dimension_numbers = #tpu.dot_dimension_numbers<[0], [0], [1], [1], [0, 1, 1, 1], [], []>, transpose_lhs_hint = false} : vector<32x128xf32>, vector<32x128xf32>, vector<128x128xf32> -> vector<128x128xf32>
    %add3A_1575 = arith.addf %add3A_1569, %dot_general3A_1574 : vector<128x128xf32>
    %swap3A_1576 = arith.constant 6656 : index
    %swap3A_1577 = arith.constant 0 : index
    %swap3A_1578 = vector.load %arg2[%swap3A_1576, %swap3A_1577] : memref<8192x128xf32, #tpu.memory_space<vmem>>, vector<128x128xf32>
    tpu.vector_store %arg2[%swap3A_1576, %swap3A_1577], %add3A_1575 {strides = array<i32>} : memref<8192x128xf32, #tpu.memory_space<vmem>>, vector<128x128xf32>,
    %broadcast_in_dim3A_1579 = arith.constant 0.000000e+00 : f32
    %broadcast_in_dim3A_1580 = vector.broadcast %broadcast_in_dim3A_1579 : f32 to vector<128x128xf32>
    %get3A_1581 = arith.constant 0 : index
    %get3A_1582 = arith.constant 27136 : index
    %get3A_1583 = vector.load %arg1[%get3A_1581, %get3A_1582] : memref<32x32768xf32, #tpu.memory_space<vmem>>, vector<32x128xf32>
    %dot_general3A_1584 = arith.constant dense<0.000000e+00> : vector<128x128xf32>
    %dot_general3A_1585 = tpu.matmul %get3A_1583, %pad3A_5, %dot_general3A_1584 {dimension_numbers = #tpu.dot_dimension_numbers<[0], [0], [1], [1], [0, 1, 1, 1], [], []>, transpose_lhs_hint = false} : vector<32x128xf32>, vector<32x128xf32>, vector<128x128xf32> -> vector<128x128xf32>
    %add3A_1586 = arith.addf %broadcast_in_dim3A_1580, %dot_general3A_1585 : vector<128x128xf32>
    %get3A_1587 = arith.constant 0 : index
    %get3A_1588 = arith.constant 27264 : index
    %get3A_1589 = vector.load %arg1[%get3A_1587, %get3A_1588] : memref<32x32768xf32, #tpu.memory_space<vmem>>, vector<32x128xf32>
    %dot_general3A_1590 = arith.constant dense<0.000000e+00> : vector<128x128xf32>
    %dot_general3A_1591 = tpu.matmul %get3A_1589, %pad3A_19, %dot_general3A_1590 {dimension_numbers = #tpu.dot_dimension_numbers<[0], [0], [1], [1], [0, 1, 1, 1], [], []>, transpose_lhs_hint = false} : vector<32x128xf32>, vector<32x128xf32>, vector<128x128xf32> -> vector<128x128xf32>
    %add3A_1592 = arith.addf %add3A_1586, %dot_general3A_1591 : vector<128x128xf32>
    %get3A_1593 = arith.constant 0 : index
    %get3A_1594 = arith.constant 27392 : index
    %get3A_1595 = vector.load %arg1[%get3A_1593, %get3A_1594] : memref<32x32768xf32, #tpu.memory_space<vmem>>, vector<32x128xf32>
    %dot_general3A_1596 = arith.constant dense<0.000000e+00> : vector<128x128xf32>
    %dot_general3A_1597 = tpu.matmul %get3A_1595, %pad3A_33, %dot_general3A_1596 {dimension_numbers = #tpu.dot_dimension_numbers<[0], [0], [1], [1], [0, 1, 1, 1], [], []>, transpose_lhs_hint = false} : vector<32x128xf32>, vector<32x128xf32>, vector<128x128xf32> -> vector<128x128xf32>
    %add3A_1598 = arith.addf %add3A_1592, %dot_general3A_1597 : vector<128x128xf32>
    %get3A_1599 = arith.constant 0 : index
    %get3A_1600 = arith.constant 27520 : index
    %get3A_1601 = vector.load %arg1[%get3A_1599, %get3A_1600] : memref<32x32768xf32, #tpu.memory_space<vmem>>, vector<32x128xf32>
    %dot_general3A_1602 = arith.constant dense<0.000000e+00> : vector<128x128xf32>
    %dot_general3A_1603 = tpu.matmul %get3A_1601, %pad3A_45, %dot_general3A_1602 {dimension_numbers = #tpu.dot_dimension_numbers<[0], [0], [1], [1], [0, 1, 1, 1], [], []>, transpose_lhs_hint = false} : vector<32x128xf32>, vector<32x128xf32>, vector<128x128xf32> -> vector<128x128xf32>
    %add3A_1604 = arith.addf %add3A_1598, %dot_general3A_1603 : vector<128x128xf32>
    %swap3A_1605 = arith.constant 6784 : index
    %swap3A_1606 = arith.constant 0 : index
    %swap3A_1607 = vector.load %arg2[%swap3A_1605, %swap3A_1606] : memref<8192x128xf32, #tpu.memory_space<vmem>>, vector<128x128xf32>
    tpu.vector_store %arg2[%swap3A_1605, %swap3A_1606], %add3A_1604 {strides = array<i32>} : memref<8192x128xf32, #tpu.memory_space<vmem>>, vector<128x128xf32>,
    %broadcast_in_dim3A_1608 = arith.constant 0.000000e+00 : f32
    %broadcast_in_dim3A_1609 = vector.broadcast %broadcast_in_dim3A_1608 : f32 to vector<128x128xf32>
    %get3A_1610 = arith.constant 0 : index
    %get3A_1611 = arith.constant 27648 : index
    %get3A_1612 = vector.load %arg1[%get3A_1610, %get3A_1611] : memref<32x32768xf32, #tpu.memory_space<vmem>>, vector<32x128xf32>
    %dot_general3A_1613 = arith.constant dense<0.000000e+00> : vector<128x128xf32>
    %dot_general3A_1614 = tpu.matmul %get3A_1612, %pad3A_5, %dot_general3A_1613 {dimension_numbers = #tpu.dot_dimension_numbers<[0], [0], [1], [1], [0, 1, 1, 1], [], []>, transpose_lhs_hint = false} : vector<32x128xf32>, vector<32x128xf32>, vector<128x128xf32> -> vector<128x128xf32>
    %add3A_1615 = arith.addf %broadcast_in_dim3A_1609, %dot_general3A_1614 : vector<128x128xf32>
    %get3A_1616 = arith.constant 0 : index
    %get3A_1617 = arith.constant 27776 : index
    %get3A_1618 = vector.load %arg1[%get3A_1616, %get3A_1617] : memref<32x32768xf32, #tpu.memory_space<vmem>>, vector<32x128xf32>
    %dot_general3A_1619 = arith.constant dense<0.000000e+00> : vector<128x128xf32>
    %dot_general3A_1620 = tpu.matmul %get3A_1618, %pad3A_19, %dot_general3A_1619 {dimension_numbers = #tpu.dot_dimension_numbers<[0], [0], [1], [1], [0, 1, 1, 1], [], []>, transpose_lhs_hint = false} : vector<32x128xf32>, vector<32x128xf32>, vector<128x128xf32> -> vector<128x128xf32>
    %add3A_1621 = arith.addf %add3A_1615, %dot_general3A_1620 : vector<128x128xf32>
    %get3A_1622 = arith.constant 0 : index
    %get3A_1623 = arith.constant 27904 : index
    %get3A_1624 = vector.load %arg1[%get3A_1622, %get3A_1623] : memref<32x32768xf32, #tpu.memory_space<vmem>>, vector<32x128xf32>
    %dot_general3A_1625 = arith.constant dense<0.000000e+00> : vector<128x128xf32>
    %dot_general3A_1626 = tpu.matmul %get3A_1624, %pad3A_33, %dot_general3A_1625 {dimension_numbers = #tpu.dot_dimension_numbers<[0], [0], [1], [1], [0, 1, 1, 1], [], []>, transpose_lhs_hint = false} : vector<32x128xf32>, vector<32x128xf32>, vector<128x128xf32> -> vector<128x128xf32>
    %add3A_1627 = arith.addf %add3A_1621, %dot_general3A_1626 : vector<128x128xf32>
    %get3A_1628 = arith.constant 0 : index
    %get3A_1629 = arith.constant 28032 : index
    %get3A_1630 = vector.load %arg1[%get3A_1628, %get3A_1629] : memref<32x32768xf32, #tpu.memory_space<vmem>>, vector<32x128xf32>
    %dot_general3A_1631 = arith.constant dense<0.000000e+00> : vector<128x128xf32>
    %dot_general3A_1632 = tpu.matmul %get3A_1630, %pad3A_45, %dot_general3A_1631 {dimension_numbers = #tpu.dot_dimension_numbers<[0], [0], [1], [1], [0, 1, 1, 1], [], []>, transpose_lhs_hint = false} : vector<32x128xf32>, vector<32x128xf32>, vector<128x128xf32> -> vector<128x128xf32>
    %add3A_1633 = arith.addf %add3A_1627, %dot_general3A_1632 : vector<128x128xf32>
    %swap3A_1634 = arith.constant 6912 : index
    %swap3A_1635 = arith.constant 0 : index
    %swap3A_1636 = vector.load %arg2[%swap3A_1634, %swap3A_1635] : memref<8192x128xf32, #tpu.memory_space<vmem>>, vector<128x128xf32>
    tpu.vector_store %arg2[%swap3A_1634, %swap3A_1635], %add3A_1633 {strides = array<i32>} : memref<8192x128xf32, #tpu.memory_space<vmem>>, vector<128x128xf32>,
    %broadcast_in_dim3A_1637 = arith.constant 0.000000e+00 : f32
    %broadcast_in_dim3A_1638 = vector.broadcast %broadcast_in_dim3A_1637 : f32 to vector<128x128xf32>
    %get3A_1639 = arith.constant 0 : index
    %get3A_1640 = arith.constant 28160 : index
    %get3A_1641 = vector.load %arg1[%get3A_1639, %get3A_1640] : memref<32x32768xf32, #tpu.memory_space<vmem>>, vector<32x128xf32>
    %dot_general3A_1642 = arith.constant dense<0.000000e+00> : vector<128x128xf32>
    %dot_general3A_1643 = tpu.matmul %get3A_1641, %pad3A_5, %dot_general3A_1642 {dimension_numbers = #tpu.dot_dimension_numbers<[0], [0], [1], [1], [0, 1, 1, 1], [], []>, transpose_lhs_hint = false} : vector<32x128xf32>, vector<32x128xf32>, vector<128x128xf32> -> vector<128x128xf32>
    %add3A_1644 = arith.addf %broadcast_in_dim3A_1638, %dot_general3A_1643 : vector<128x128xf32>
    %get3A_1645 = arith.constant 0 : index
    %get3A_1646 = arith.constant 28288 : index
    %get3A_1647 = vector.load %arg1[%get3A_1645, %get3A_1646] : memref<32x32768xf32, #tpu.memory_space<vmem>>, vector<32x128xf32>
    %dot_general3A_1648 = arith.constant dense<0.000000e+00> : vector<128x128xf32>
    %dot_general3A_1649 = tpu.matmul %get3A_1647, %pad3A_19, %dot_general3A_1648 {dimension_numbers = #tpu.dot_dimension_numbers<[0], [0], [1], [1], [0, 1, 1, 1], [], []>, transpose_lhs_hint = false} : vector<32x128xf32>, vector<32x128xf32>, vector<128x128xf32> -> vector<128x128xf32>
    %add3A_1650 = arith.addf %add3A_1644, %dot_general3A_1649 : vector<128x128xf32>
    %get3A_1651 = arith.constant 0 : index
    %get3A_1652 = arith.constant 28416 : index
    %get3A_1653 = vector.load %arg1[%get3A_1651, %get3A_1652] : memref<32x32768xf32, #tpu.memory_space<vmem>>, vector<32x128xf32>
    %dot_general3A_1654 = arith.constant dense<0.000000e+00> : vector<128x128xf32>
    %dot_general3A_1655 = tpu.matmul %get3A_1653, %pad3A_33, %dot_general3A_1654 {dimension_numbers = #tpu.dot_dimension_numbers<[0], [0], [1], [1], [0, 1, 1, 1], [], []>, transpose_lhs_hint = false} : vector<32x128xf32>, vector<32x128xf32>, vector<128x128xf32> -> vector<128x128xf32>
    %add3A_1656 = arith.addf %add3A_1650, %dot_general3A_1655 : vector<128x128xf32>
    %get3A_1657 = arith.constant 0 : index
    %get3A_1658 = arith.constant 28544 : index
    %get3A_1659 = vector.load %arg1[%get3A_1657, %get3A_1658] : memref<32x32768xf32, #tpu.memory_space<vmem>>, vector<32x128xf32>
    %dot_general3A_1660 = arith.constant dense<0.000000e+00> : vector<128x128xf32>
    %dot_general3A_1661 = tpu.matmul %get3A_1659, %pad3A_45, %dot_general3A_1660 {dimension_numbers = #tpu.dot_dimension_numbers<[0], [0], [1], [1], [0, 1, 1, 1], [], []>, transpose_lhs_hint = false} : vector<32x128xf32>, vector<32x128xf32>, vector<128x128xf32> -> vector<128x128xf32>
    %add3A_1662 = arith.addf %add3A_1656, %dot_general3A_1661 : vector<128x128xf32>
    %swap3A_1663 = arith.constant 7040 : index
    %swap3A_1664 = arith.constant 0 : index
    %swap3A_1665 = vector.load %arg2[%swap3A_1663, %swap3A_1664] : memref<8192x128xf32, #tpu.memory_space<vmem>>, vector<128x128xf32>
    tpu.vector_store %arg2[%swap3A_1663, %swap3A_1664], %add3A_1662 {strides = array<i32>} : memref<8192x128xf32, #tpu.memory_space<vmem>>, vector<128x128xf32>,
    %broadcast_in_dim3A_1666 = arith.constant 0.000000e+00 : f32
    %broadcast_in_dim3A_1667 = vector.broadcast %broadcast_in_dim3A_1666 : f32 to vector<128x128xf32>
    %get3A_1668 = arith.constant 0 : index
    %get3A_1669 = arith.constant 28672 : index
    %get3A_1670 = vector.load %arg1[%get3A_1668, %get3A_1669] : memref<32x32768xf32, #tpu.memory_space<vmem>>, vector<32x128xf32>
    %dot_general3A_1671 = arith.constant dense<0.000000e+00> : vector<128x128xf32>
    %dot_general3A_1672 = tpu.matmul %get3A_1670, %pad3A_5, %dot_general3A_1671 {dimension_numbers = #tpu.dot_dimension_numbers<[0], [0], [1], [1], [0, 1, 1, 1], [], []>, transpose_lhs_hint = false} : vector<32x128xf32>, vector<32x128xf32>, vector<128x128xf32> -> vector<128x128xf32>
    %add3A_1673 = arith.addf %broadcast_in_dim3A_1667, %dot_general3A_1672 : vector<128x128xf32>
    %get3A_1674 = arith.constant 0 : index
    %get3A_1675 = arith.constant 28800 : index
    %get3A_1676 = vector.load %arg1[%get3A_1674, %get3A_1675] : memref<32x32768xf32, #tpu.memory_space<vmem>>, vector<32x128xf32>
    %dot_general3A_1677 = arith.constant dense<0.000000e+00> : vector<128x128xf32>
    %dot_general3A_1678 = tpu.matmul %get3A_1676, %pad3A_19, %dot_general3A_1677 {dimension_numbers = #tpu.dot_dimension_numbers<[0], [0], [1], [1], [0, 1, 1, 1], [], []>, transpose_lhs_hint = false} : vector<32x128xf32>, vector<32x128xf32>, vector<128x128xf32> -> vector<128x128xf32>
    %add3A_1679 = arith.addf %add3A_1673, %dot_general3A_1678 : vector<128x128xf32>
    %get3A_1680 = arith.constant 0 : index
    %get3A_1681 = arith.constant 28928 : index
    %get3A_1682 = vector.load %arg1[%get3A_1680, %get3A_1681] : memref<32x32768xf32, #tpu.memory_space<vmem>>, vector<32x128xf32>
    %dot_general3A_1683 = arith.constant dense<0.000000e+00> : vector<128x128xf32>
    %dot_general3A_1684 = tpu.matmul %get3A_1682, %pad3A_33, %dot_general3A_1683 {dimension_numbers = #tpu.dot_dimension_numbers<[0], [0], [1], [1], [0, 1, 1, 1], [], []>, transpose_lhs_hint = false} : vector<32x128xf32>, vector<32x128xf32>, vector<128x128xf32> -> vector<128x128xf32>
    %add3A_1685 = arith.addf %add3A_1679, %dot_general3A_1684 : vector<128x128xf32>
    %get3A_1686 = arith.constant 0 : index
    %get3A_1687 = arith.constant 29056 : index
    %get3A_1688 = vector.load %arg1[%get3A_1686, %get3A_1687] : memref<32x32768xf32, #tpu.memory_space<vmem>>, vector<32x128xf32>
    %dot_general3A_1689 = arith.constant dense<0.000000e+00> : vector<128x128xf32>
    %dot_general3A_1690 = tpu.matmul %get3A_1688, %pad3A_45, %dot_general3A_1689 {dimension_numbers = #tpu.dot_dimension_numbers<[0], [0], [1], [1], [0, 1, 1, 1], [], []>, transpose_lhs_hint = false} : vector<32x128xf32>, vector<32x128xf32>, vector<128x128xf32> -> vector<128x128xf32>
    %add3A_1691 = arith.addf %add3A_1685, %dot_general3A_1690 : vector<128x128xf32>
    %swap3A_1692 = arith.constant 7168 : index
    %swap3A_1693 = arith.constant 0 : index
    %swap3A_1694 = vector.load %arg2[%swap3A_1692, %swap3A_1693] : memref<8192x128xf32, #tpu.memory_space<vmem>>, vector<128x128xf32>
    tpu.vector_store %arg2[%swap3A_1692, %swap3A_1693], %add3A_1691 {strides = array<i32>} : memref<8192x128xf32, #tpu.memory_space<vmem>>, vector<128x128xf32>,
    %broadcast_in_dim3A_1695 = arith.constant 0.000000e+00 : f32
    %broadcast_in_dim3A_1696 = vector.broadcast %broadcast_in_dim3A_1695 : f32 to vector<128x128xf32>
    %get3A_1697 = arith.constant 0 : index
    %get3A_1698 = arith.constant 29184 : index
    %get3A_1699 = vector.load %arg1[%get3A_1697, %get3A_1698] : memref<32x32768xf32, #tpu.memory_space<vmem>>, vector<32x128xf32>
    %dot_general3A_1700 = arith.constant dense<0.000000e+00> : vector<128x128xf32>
    %dot_general3A_1701 = tpu.matmul %get3A_1699, %pad3A_5, %dot_general3A_1700 {dimension_numbers = #tpu.dot_dimension_numbers<[0], [0], [1], [1], [0, 1, 1, 1], [], []>, transpose_lhs_hint = false} : vector<32x128xf32>, vector<32x128xf32>, vector<128x128xf32> -> vector<128x128xf32>
    %add3A_1702 = arith.addf %broadcast_in_dim3A_1696, %dot_general3A_1701 : vector<128x128xf32>
    %get3A_1703 = arith.constant 0 : index
    %get3A_1704 = arith.constant 29312 : index
    %get3A_1705 = vector.load %arg1[%get3A_1703, %get3A_1704] : memref<32x32768xf32, #tpu.memory_space<vmem>>, vector<32x128xf32>
    %dot_general3A_1706 = arith.constant dense<0.000000e+00> : vector<128x128xf32>
    %dot_general3A_1707 = tpu.matmul %get3A_1705, %pad3A_19, %dot_general3A_1706 {dimension_numbers = #tpu.dot_dimension_numbers<[0], [0], [1], [1], [0, 1, 1, 1], [], []>, transpose_lhs_hint = false} : vector<32x128xf32>, vector<32x128xf32>, vector<128x128xf32> -> vector<128x128xf32>
    %add3A_1708 = arith.addf %add3A_1702, %dot_general3A_1707 : vector<128x128xf32>
    %get3A_1709 = arith.constant 0 : index
    %get3A_1710 = arith.constant 29440 : index
    %get3A_1711 = vector.load %arg1[%get3A_1709, %get3A_1710] : memref<32x32768xf32, #tpu.memory_space<vmem>>, vector<32x128xf32>
    %dot_general3A_1712 = arith.constant dense<0.000000e+00> : vector<128x128xf32>
    %dot_general3A_1713 = tpu.matmul %get3A_1711, %pad3A_33, %dot_general3A_1712 {dimension_numbers = #tpu.dot_dimension_numbers<[0], [0], [1], [1], [0, 1, 1, 1], [], []>, transpose_lhs_hint = false} : vector<32x128xf32>, vector<32x128xf32>, vector<128x128xf32> -> vector<128x128xf32>
    %add3A_1714 = arith.addf %add3A_1708, %dot_general3A_1713 : vector<128x128xf32>
    %get3A_1715 = arith.constant 0 : index
    %get3A_1716 = arith.constant 29568 : index
    %get3A_1717 = vector.load %arg1[%get3A_1715, %get3A_1716] : memref<32x32768xf32, #tpu.memory_space<vmem>>, vector<32x128xf32>
    %dot_general3A_1718 = arith.constant dense<0.000000e+00> : vector<128x128xf32>
    %dot_general3A_1719 = tpu.matmul %get3A_1717, %pad3A_45, %dot_general3A_1718 {dimension_numbers = #tpu.dot_dimension_numbers<[0], [0], [1], [1], [0, 1, 1, 1], [], []>, transpose_lhs_hint = false} : vector<32x128xf32>, vector<32x128xf32>, vector<128x128xf32> -> vector<128x128xf32>
    %add3A_1720 = arith.addf %add3A_1714, %dot_general3A_1719 : vector<128x128xf32>
    %swap3A_1721 = arith.constant 7296 : index
    %swap3A_1722 = arith.constant 0 : index
    %swap3A_1723 = vector.load %arg2[%swap3A_1721, %swap3A_1722] : memref<8192x128xf32, #tpu.memory_space<vmem>>, vector<128x128xf32>
    tpu.vector_store %arg2[%swap3A_1721, %swap3A_1722], %add3A_1720 {strides = array<i32>} : memref<8192x128xf32, #tpu.memory_space<vmem>>, vector<128x128xf32>,
    %broadcast_in_dim3A_1724 = arith.constant 0.000000e+00 : f32
    %broadcast_in_dim3A_1725 = vector.broadcast %broadcast_in_dim3A_1724 : f32 to vector<128x128xf32>
    %get3A_1726 = arith.constant 0 : index
    %get3A_1727 = arith.constant 29696 : index
    %get3A_1728 = vector.load %arg1[%get3A_1726, %get3A_1727] : memref<32x32768xf32, #tpu.memory_space<vmem>>, vector<32x128xf32>
    %dot_general3A_1729 = arith.constant dense<0.000000e+00> : vector<128x128xf32>
    %dot_general3A_1730 = tpu.matmul %get3A_1728, %pad3A_5, %dot_general3A_1729 {dimension_numbers = #tpu.dot_dimension_numbers<[0], [0], [1], [1], [0, 1, 1, 1], [], []>, transpose_lhs_hint = false} : vector<32x128xf32>, vector<32x128xf32>, vector<128x128xf32> -> vector<128x128xf32>
    %add3A_1731 = arith.addf %broadcast_in_dim3A_1725, %dot_general3A_1730 : vector<128x128xf32>
    %get3A_1732 = arith.constant 0 : index
    %get3A_1733 = arith.constant 29824 : index
    %get3A_1734 = vector.load %arg1[%get3A_1732, %get3A_1733] : memref<32x32768xf32, #tpu.memory_space<vmem>>, vector<32x128xf32>
    %dot_general3A_1735 = arith.constant dense<0.000000e+00> : vector<128x128xf32>
    %dot_general3A_1736 = tpu.matmul %get3A_1734, %pad3A_19, %dot_general3A_1735 {dimension_numbers = #tpu.dot_dimension_numbers<[0], [0], [1], [1], [0, 1, 1, 1], [], []>, transpose_lhs_hint = false} : vector<32x128xf32>, vector<32x128xf32>, vector<128x128xf32> -> vector<128x128xf32>
    %add3A_1737 = arith.addf %add3A_1731, %dot_general3A_1736 : vector<128x128xf32>
    %get3A_1738 = arith.constant 0 : index
    %get3A_1739 = arith.constant 29952 : index
    %get3A_1740 = vector.load %arg1[%get3A_1738, %get3A_1739] : memref<32x32768xf32, #tpu.memory_space<vmem>>, vector<32x128xf32>
    %dot_general3A_1741 = arith.constant dense<0.000000e+00> : vector<128x128xf32>
    %dot_general3A_1742 = tpu.matmul %get3A_1740, %pad3A_33, %dot_general3A_1741 {dimension_numbers = #tpu.dot_dimension_numbers<[0], [0], [1], [1], [0, 1, 1, 1], [], []>, transpose_lhs_hint = false} : vector<32x128xf32>, vector<32x128xf32>, vector<128x128xf32> -> vector<128x128xf32>
    %add3A_1743 = arith.addf %add3A_1737, %dot_general3A_1742 : vector<128x128xf32>
    %get3A_1744 = arith.constant 0 : index
    %get3A_1745 = arith.constant 30080 : index
    %get3A_1746 = vector.load %arg1[%get3A_1744, %get3A_1745] : memref<32x32768xf32, #tpu.memory_space<vmem>>, vector<32x128xf32>
    %dot_general3A_1747 = arith.constant dense<0.000000e+00> : vector<128x128xf32>
    %dot_general3A_1748 = tpu.matmul %get3A_1746, %pad3A_45, %dot_general3A_1747 {dimension_numbers = #tpu.dot_dimension_numbers<[0], [0], [1], [1], [0, 1, 1, 1], [], []>, transpose_lhs_hint = false} : vector<32x128xf32>, vector<32x128xf32>, vector<128x128xf32> -> vector<128x128xf32>
    %add3A_1749 = arith.addf %add3A_1743, %dot_general3A_1748 : vector<128x128xf32>
    %swap3A_1750 = arith.constant 7424 : index
    %swap3A_1751 = arith.constant 0 : index
    %swap3A_1752 = vector.load %arg2[%swap3A_1750, %swap3A_1751] : memref<8192x128xf32, #tpu.memory_space<vmem>>, vector<128x128xf32>
    tpu.vector_store %arg2[%swap3A_1750, %swap3A_1751], %add3A_1749 {strides = array<i32>} : memref<8192x128xf32, #tpu.memory_space<vmem>>, vector<128x128xf32>,
    %broadcast_in_dim3A_1753 = arith.constant 0.000000e+00 : f32
    %broadcast_in_dim3A_1754 = vector.broadcast %broadcast_in_dim3A_1753 : f32 to vector<128x128xf32>
    %get3A_1755 = arith.constant 0 : index
    %get3A_1756 = arith.constant 30208 : index
    %get3A_1757 = vector.load %arg1[%get3A_1755, %get3A_1756] : memref<32x32768xf32, #tpu.memory_space<vmem>>, vector<32x128xf32>
    %dot_general3A_1758 = arith.constant dense<0.000000e+00> : vector<128x128xf32>
    %dot_general3A_1759 = tpu.matmul %get3A_1757, %pad3A_5, %dot_general3A_1758 {dimension_numbers = #tpu.dot_dimension_numbers<[0], [0], [1], [1], [0, 1, 1, 1], [], []>, transpose_lhs_hint = false} : vector<32x128xf32>, vector<32x128xf32>, vector<128x128xf32> -> vector<128x128xf32>
    %add3A_1760 = arith.addf %broadcast_in_dim3A_1754, %dot_general3A_1759 : vector<128x128xf32>
    %get3A_1761 = arith.constant 0 : index
    %get3A_1762 = arith.constant 30336 : index
    %get3A_1763 = vector.load %arg1[%get3A_1761, %get3A_1762] : memref<32x32768xf32, #tpu.memory_space<vmem>>, vector<32x128xf32>
    %dot_general3A_1764 = arith.constant dense<0.000000e+00> : vector<128x128xf32>
    %dot_general3A_1765 = tpu.matmul %get3A_1763, %pad3A_19, %dot_general3A_1764 {dimension_numbers = #tpu.dot_dimension_numbers<[0], [0], [1], [1], [0, 1, 1, 1], [], []>, transpose_lhs_hint = false} : vector<32x128xf32>, vector<32x128xf32>, vector<128x128xf32> -> vector<128x128xf32>
    %add3A_1766 = arith.addf %add3A_1760, %dot_general3A_1765 : vector<128x128xf32>
    %get3A_1767 = arith.constant 0 : index
    %get3A_1768 = arith.constant 30464 : index
    %get3A_1769 = vector.load %arg1[%get3A_1767, %get3A_1768] : memref<32x32768xf32, #tpu.memory_space<vmem>>, vector<32x128xf32>
    %dot_general3A_1770 = arith.constant dense<0.000000e+00> : vector<128x128xf32>
    %dot_general3A_1771 = tpu.matmul %get3A_1769, %pad3A_33, %dot_general3A_1770 {dimension_numbers = #tpu.dot_dimension_numbers<[0], [0], [1], [1], [0, 1, 1, 1], [], []>, transpose_lhs_hint = false} : vector<32x128xf32>, vector<32x128xf32>, vector<128x128xf32> -> vector<128x128xf32>
    %add3A_1772 = arith.addf %add3A_1766, %dot_general3A_1771 : vector<128x128xf32>
    %get3A_1773 = arith.constant 0 : index
    %get3A_1774 = arith.constant 30592 : index
    %get3A_1775 = vector.load %arg1[%get3A_1773, %get3A_1774] : memref<32x32768xf32, #tpu.memory_space<vmem>>, vector<32x128xf32>
    %dot_general3A_1776 = arith.constant dense<0.000000e+00> : vector<128x128xf32>
    %dot_general3A_1777 = tpu.matmul %get3A_1775, %pad3A_45, %dot_general3A_1776 {dimension_numbers = #tpu.dot_dimension_numbers<[0], [0], [1], [1], [0, 1, 1, 1], [], []>, transpose_lhs_hint = false} : vector<32x128xf32>, vector<32x128xf32>, vector<128x128xf32> -> vector<128x128xf32>
    %add3A_1778 = arith.addf %add3A_1772, %dot_general3A_1777 : vector<128x128xf32>
    %swap3A_1779 = arith.constant 7552 : index
    %swap3A_1780 = arith.constant 0 : index
    %swap3A_1781 = vector.load %arg2[%swap3A_1779, %swap3A_1780] : memref<8192x128xf32, #tpu.memory_space<vmem>>, vector<128x128xf32>
    tpu.vector_store %arg2[%swap3A_1779, %swap3A_1780], %add3A_1778 {strides = array<i32>} : memref<8192x128xf32, #tpu.memory_space<vmem>>, vector<128x128xf32>,
    %broadcast_in_dim3A_1782 = arith.constant 0.000000e+00 : f32
    %broadcast_in_dim3A_1783 = vector.broadcast %broadcast_in_dim3A_1782 : f32 to vector<128x128xf32>
    %get3A_1784 = arith.constant 0 : index
    %get3A_1785 = arith.constant 30720 : index
    %get3A_1786 = vector.load %arg1[%get3A_1784, %get3A_1785] : memref<32x32768xf32, #tpu.memory_space<vmem>>, vector<32x128xf32>
    %dot_general3A_1787 = arith.constant dense<0.000000e+00> : vector<128x128xf32>
    %dot_general3A_1788 = tpu.matmul %get3A_1786, %pad3A_5, %dot_general3A_1787 {dimension_numbers = #tpu.dot_dimension_numbers<[0], [0], [1], [1], [0, 1, 1, 1], [], []>, transpose_lhs_hint = false} : vector<32x128xf32>, vector<32x128xf32>, vector<128x128xf32> -> vector<128x128xf32>
    %add3A_1789 = arith.addf %broadcast_in_dim3A_1783, %dot_general3A_1788 : vector<128x128xf32>
    %get3A_1790 = arith.constant 0 : index
    %get3A_1791 = arith.constant 30848 : index
    %get3A_1792 = vector.load %arg1[%get3A_1790, %get3A_1791] : memref<32x32768xf32, #tpu.memory_space<vmem>>, vector<32x128xf32>
    %dot_general3A_1793 = arith.constant dense<0.000000e+00> : vector<128x128xf32>
    %dot_general3A_1794 = tpu.matmul %get3A_1792, %pad3A_19, %dot_general3A_1793 {dimension_numbers = #tpu.dot_dimension_numbers<[0], [0], [1], [1], [0, 1, 1, 1], [], []>, transpose_lhs_hint = false} : vector<32x128xf32>, vector<32x128xf32>, vector<128x128xf32> -> vector<128x128xf32>
    %add3A_1795 = arith.addf %add3A_1789, %dot_general3A_1794 : vector<128x128xf32>
    %get3A_1796 = arith.constant 0 : index
    %get3A_1797 = arith.constant 30976 : index
    %get3A_1798 = vector.load %arg1[%get3A_1796, %get3A_1797] : memref<32x32768xf32, #tpu.memory_space<vmem>>, vector<32x128xf32>
    %dot_general3A_1799 = arith.constant dense<0.000000e+00> : vector<128x128xf32>
    %dot_general3A_1800 = tpu.matmul %get3A_1798, %pad3A_33, %dot_general3A_1799 {dimension_numbers = #tpu.dot_dimension_numbers<[0], [0], [1], [1], [0, 1, 1, 1], [], []>, transpose_lhs_hint = false} : vector<32x128xf32>, vector<32x128xf32>, vector<128x128xf32> -> vector<128x128xf32>
    %add3A_1801 = arith.addf %add3A_1795, %dot_general3A_1800 : vector<128x128xf32>
    %get3A_1802 = arith.constant 0 : index
    %get3A_1803 = arith.constant 31104 : index
    %get3A_1804 = vector.load %arg1[%get3A_1802, %get3A_1803] : memref<32x32768xf32, #tpu.memory_space<vmem>>, vector<32x128xf32>
    %dot_general3A_1805 = arith.constant dense<0.000000e+00> : vector<128x128xf32>
    %dot_general3A_1806 = tpu.matmul %get3A_1804, %pad3A_45, %dot_general3A_1805 {dimension_numbers = #tpu.dot_dimension_numbers<[0], [0], [1], [1], [0, 1, 1, 1], [], []>, transpose_lhs_hint = false} : vector<32x128xf32>, vector<32x128xf32>, vector<128x128xf32> -> vector<128x128xf32>
    %add3A_1807 = arith.addf %add3A_1801, %dot_general3A_1806 : vector<128x128xf32>
    %swap3A_1808 = arith.constant 7680 : index
    %swap3A_1809 = arith.constant 0 : index
    %swap3A_1810 = vector.load %arg2[%swap3A_1808, %swap3A_1809] : memref<8192x128xf32, #tpu.memory_space<vmem>>, vector<128x128xf32>
    tpu.vector_store %arg2[%swap3A_1808, %swap3A_1809], %add3A_1807 {strides = array<i32>} : memref<8192x128xf32, #tpu.memory_space<vmem>>, vector<128x128xf32>,
    %broadcast_in_dim3A_1811 = arith.constant 0.000000e+00 : f32
    %broadcast_in_dim3A_1812 = vector.broadcast %broadcast_in_dim3A_1811 : f32 to vector<128x128xf32>
    %get3A_1813 = arith.constant 0 : index
    %get3A_1814 = arith.constant 31232 : index
    %get3A_1815 = vector.load %arg1[%get3A_1813, %get3A_1814] : memref<32x32768xf32, #tpu.memory_space<vmem>>, vector<32x128xf32>
    %dot_general3A_1816 = arith.constant dense<0.000000e+00> : vector<128x128xf32>
    %dot_general3A_1817 = tpu.matmul %get3A_1815, %pad3A_5, %dot_general3A_1816 {dimension_numbers = #tpu.dot_dimension_numbers<[0], [0], [1], [1], [0, 1, 1, 1], [], []>, transpose_lhs_hint = false} : vector<32x128xf32>, vector<32x128xf32>, vector<128x128xf32> -> vector<128x128xf32>
    %add3A_1818 = arith.addf %broadcast_in_dim3A_1812, %dot_general3A_1817 : vector<128x128xf32>
    %get3A_1819 = arith.constant 0 : index
    %get3A_1820 = arith.constant 31360 : index
    %get3A_1821 = vector.load %arg1[%get3A_1819, %get3A_1820] : memref<32x32768xf32, #tpu.memory_space<vmem>>, vector<32x128xf32>
    %dot_general3A_1822 = arith.constant dense<0.000000e+00> : vector<128x128xf32>
    %dot_general3A_1823 = tpu.matmul %get3A_1821, %pad3A_19, %dot_general3A_1822 {dimension_numbers = #tpu.dot_dimension_numbers<[0], [0], [1], [1], [0, 1, 1, 1], [], []>, transpose_lhs_hint = false} : vector<32x128xf32>, vector<32x128xf32>, vector<128x128xf32> -> vector<128x128xf32>
    %add3A_1824 = arith.addf %add3A_1818, %dot_general3A_1823 : vector<128x128xf32>
    %get3A_1825 = arith.constant 0 : index
    %get3A_1826 = arith.constant 31488 : index
    %get3A_1827 = vector.load %arg1[%get3A_1825, %get3A_1826] : memref<32x32768xf32, #tpu.memory_space<vmem>>, vector<32x128xf32>
    %dot_general3A_1828 = arith.constant dense<0.000000e+00> : vector<128x128xf32>
    %dot_general3A_1829 = tpu.matmul %get3A_1827, %pad3A_33, %dot_general3A_1828 {dimension_numbers = #tpu.dot_dimension_numbers<[0], [0], [1], [1], [0, 1, 1, 1], [], []>, transpose_lhs_hint = false} : vector<32x128xf32>, vector<32x128xf32>, vector<128x128xf32> -> vector<128x128xf32>
    %add3A_1830 = arith.addf %add3A_1824, %dot_general3A_1829 : vector<128x128xf32>
    %get3A_1831 = arith.constant 0 : index
    %get3A_1832 = arith.constant 31616 : index
    %get3A_1833 = vector.load %arg1[%get3A_1831, %get3A_1832] : memref<32x32768xf32, #tpu.memory_space<vmem>>, vector<32x128xf32>
    %dot_general3A_1834 = arith.constant dense<0.000000e+00> : vector<128x128xf32>
    %dot_general3A_1835 = tpu.matmul %get3A_1833, %pad3A_45, %dot_general3A_1834 {dimension_numbers = #tpu.dot_dimension_numbers<[0], [0], [1], [1], [0, 1, 1, 1], [], []>, transpose_lhs_hint = false} : vector<32x128xf32>, vector<32x128xf32>, vector<128x128xf32> -> vector<128x128xf32>
    %add3A_1836 = arith.addf %add3A_1830, %dot_general3A_1835 : vector<128x128xf32>
    %swap3A_1837 = arith.constant 7808 : index
    %swap3A_1838 = arith.constant 0 : index
    %swap3A_1839 = vector.load %arg2[%swap3A_1837, %swap3A_1838] : memref<8192x128xf32, #tpu.memory_space<vmem>>, vector<128x128xf32>
    tpu.vector_store %arg2[%swap3A_1837, %swap3A_1838], %add3A_1836 {strides = array<i32>} : memref<8192x128xf32, #tpu.memory_space<vmem>>, vector<128x128xf32>,
    %broadcast_in_dim3A_1840 = arith.constant 0.000000e+00 : f32
    %broadcast_in_dim3A_1841 = vector.broadcast %broadcast_in_dim3A_1840 : f32 to vector<128x128xf32>
    %get3A_1842 = arith.constant 0 : index
    %get3A_1843 = arith.constant 31744 : index
    %get3A_1844 = vector.load %arg1[%get3A_1842, %get3A_1843] : memref<32x32768xf32, #tpu.memory_space<vmem>>, vector<32x128xf32>
    %dot_general3A_1845 = arith.constant dense<0.000000e+00> : vector<128x128xf32>
    %dot_general3A_1846 = tpu.matmul %get3A_1844, %pad3A_5, %dot_general3A_1845 {dimension_numbers = #tpu.dot_dimension_numbers<[0], [0], [1], [1], [0, 1, 1, 1], [], []>, transpose_lhs_hint = false} : vector<32x128xf32>, vector<32x128xf32>, vector<128x128xf32> -> vector<128x128xf32>
    %add3A_1847 = arith.addf %broadcast_in_dim3A_1841, %dot_general3A_1846 : vector<128x128xf32>
    %get3A_1848 = arith.constant 0 : index
    %get3A_1849 = arith.constant 31872 : index
    %get3A_1850 = vector.load %arg1[%get3A_1848, %get3A_1849] : memref<32x32768xf32, #tpu.memory_space<vmem>>, vector<32x128xf32>
    %dot_general3A_1851 = arith.constant dense<0.000000e+00> : vector<128x128xf32>
    %dot_general3A_1852 = tpu.matmul %get3A_1850, %pad3A_19, %dot_general3A_1851 {dimension_numbers = #tpu.dot_dimension_numbers<[0], [0], [1], [1], [0, 1, 1, 1], [], []>, transpose_lhs_hint = false} : vector<32x128xf32>, vector<32x128xf32>, vector<128x128xf32> -> vector<128x128xf32>
    %add3A_1853 = arith.addf %add3A_1847, %dot_general3A_1852 : vector<128x128xf32>
    %get3A_1854 = arith.constant 0 : index
    %get3A_1855 = arith.constant 32000 : index
    %get3A_1856 = vector.load %arg1[%get3A_1854, %get3A_1855] : memref<32x32768xf32, #tpu.memory_space<vmem>>, vector<32x128xf32>
    %dot_general3A_1857 = arith.constant dense<0.000000e+00> : vector<128x128xf32>
    %dot_general3A_1858 = tpu.matmul %get3A_1856, %pad3A_33, %dot_general3A_1857 {dimension_numbers = #tpu.dot_dimension_numbers<[0], [0], [1], [1], [0, 1, 1, 1], [], []>, transpose_lhs_hint = false} : vector<32x128xf32>, vector<32x128xf32>, vector<128x128xf32> -> vector<128x128xf32>
    %add3A_1859 = arith.addf %add3A_1853, %dot_general3A_1858 : vector<128x128xf32>
    %get3A_1860 = arith.constant 0 : index
    %get3A_1861 = arith.constant 32128 : index
    %get3A_1862 = vector.load %arg1[%get3A_1860, %get3A_1861] : memref<32x32768xf32, #tpu.memory_space<vmem>>, vector<32x128xf32>
    %dot_general3A_1863 = arith.constant dense<0.000000e+00> : vector<128x128xf32>
    %dot_general3A_1864 = tpu.matmul %get3A_1862, %pad3A_45, %dot_general3A_1863 {dimension_numbers = #tpu.dot_dimension_numbers<[0], [0], [1], [1], [0, 1, 1, 1], [], []>, transpose_lhs_hint = false} : vector<32x128xf32>, vector<32x128xf32>, vector<128x128xf32> -> vector<128x128xf32>
    %add3A_1865 = arith.addf %add3A_1859, %dot_general3A_1864 : vector<128x128xf32>
    %swap3A_1866 = arith.constant 7936 : index
    %swap3A_1867 = arith.constant 0 : index
    %swap3A_1868 = vector.load %arg2[%swap3A_1866, %swap3A_1867] : memref<8192x128xf32, #tpu.memory_space<vmem>>, vector<128x128xf32>
    tpu.vector_store %arg2[%swap3A_1866, %swap3A_1867], %add3A_1865 {strides = array<i32>} : memref<8192x128xf32, #tpu.memory_space<vmem>>, vector<128x128xf32>,
    %broadcast_in_dim3A_1869 = arith.constant 0.000000e+00 : f32
    %broadcast_in_dim3A_1870 = vector.broadcast %broadcast_in_dim3A_1869 : f32 to vector<128x128xf32>
    %get3A_1871 = arith.constant 0 : index
    %get3A_1872 = arith.constant 32256 : index
    %get3A_1873 = vector.load %arg1[%get3A_1871, %get3A_1872] : memref<32x32768xf32, #tpu.memory_space<vmem>>, vector<32x128xf32>
    %dot_general3A_1874 = arith.constant dense<0.000000e+00> : vector<128x128xf32>
    %dot_general3A_1875 = tpu.matmul %get3A_1873, %pad3A_5, %dot_general3A_1874 {dimension_numbers = #tpu.dot_dimension_numbers<[0], [0], [1], [1], [0, 1, 1, 1], [], []>, transpose_lhs_hint = false} : vector<32x128xf32>, vector<32x128xf32>, vector<128x128xf32> -> vector<128x128xf32>
    %add3A_1876 = arith.addf %broadcast_in_dim3A_1870, %dot_general3A_1875 : vector<128x128xf32>
    %get3A_1877 = arith.constant 0 : index
    %get3A_1878 = arith.constant 32384 : index
    %get3A_1879 = vector.load %arg1[%get3A_1877, %get3A_1878] : memref<32x32768xf32, #tpu.memory_space<vmem>>, vector<32x128xf32>
    %dot_general3A_1880 = arith.constant dense<0.000000e+00> : vector<128x128xf32>
    %dot_general3A_1881 = tpu.matmul %get3A_1879, %pad3A_19, %dot_general3A_1880 {dimension_numbers = #tpu.dot_dimension_numbers<[0], [0], [1], [1], [0, 1, 1, 1], [], []>, transpose_lhs_hint = false} : vector<32x128xf32>, vector<32x128xf32>, vector<128x128xf32> -> vector<128x128xf32>
    %add3A_1882 = arith.addf %add3A_1876, %dot_general3A_1881 : vector<128x128xf32>
    %get3A_1883 = arith.constant 0 : index
    %get3A_1884 = arith.constant 32512 : index
    %get3A_1885 = vector.load %arg1[%get3A_1883, %get3A_1884] : memref<32x32768xf32, #tpu.memory_space<vmem>>, vector<32x128xf32>
    %dot_general3A_1886 = arith.constant dense<0.000000e+00> : vector<128x128xf32>
    %dot_general3A_1887 = tpu.matmul %get3A_1885, %pad3A_33, %dot_general3A_1886 {dimension_numbers = #tpu.dot_dimension_numbers<[0], [0], [1], [1], [0, 1, 1, 1], [], []>, transpose_lhs_hint = false} : vector<32x128xf32>, vector<32x128xf32>, vector<128x128xf32> -> vector<128x128xf32>
    %add3A_1888 = arith.addf %add3A_1882, %dot_general3A_1887 : vector<128x128xf32>
    %get3A_1889 = arith.constant 0 : index
    %get3A_1890 = arith.constant 32640 : index
    %get3A_1891 = vector.load %arg1[%get3A_1889, %get3A_1890] : memref<32x32768xf32, #tpu.memory_space<vmem>>, vector<32x128xf32>
    %dot_general3A_1892 = arith.constant dense<0.000000e+00> : vector<128x128xf32>
    %dot_general3A_1893 = tpu.matmul %get3A_1891, %pad3A_45, %dot_general3A_1892 {dimension_numbers = #tpu.dot_dimension_numbers<[0], [0], [1], [1], [0, 1, 1, 1], [], []>, transpose_lhs_hint = false} : vector<32x128xf32>, vector<32x128xf32>, vector<128x128xf32> -> vector<128x128xf32>
    %add3A_1894 = arith.addf %add3A_1888, %dot_general3A_1893 : vector<128x128xf32>
    %swap3A_1895 = arith.constant 8064 : index
    %swap3A_1896 = arith.constant 0 : index
    %swap3A_1897 = vector.load %arg2[%swap3A_1895, %swap3A_1896] : memref<8192x128xf32, #tpu.memory_space<vmem>>, vector<128x128xf32>
    tpu.vector_store %arg2[%swap3A_1895, %swap3A_1896], %add3A_1894 {strides = array<i32>} : memref<8192x128xf32, #tpu.memory_space<vmem>>, vector<128x128xf32>,
    return
  }
  func.func @transform_0(%arg0: i32) -> (i32, i32) {
    %c0_i32 = arith.constant 0 : i32
    %c0_i32_0 = arith.constant 0 : i32
    return %c0_i32, %arg0 : i32, i32
  }
  func.func @transform_1(%arg0: i32) -> (i32, i32) {
    %c0_i32 = arith.constant 0 : i32
    %c0_i32_0 = arith.constant 0 : i32
    return %arg0, %c0_i32 : i32, i32
  }
}

</mosaic_0001>

<sc_bundles>
// kernel: _mf.5.cloned.1.call-start
scs
__scs_entry_jumppad:
0x0: {  	(pc) =	sbr.rel $0x88, $3  }
0x1: {  	(tag) =	ssettag $0x0;
	lr =	simm.s32 $0x1  }
0x2: {  	[smem:$0x3F9D] =	sst lr;
	_ =	strace $0xD0000000  }
0x3: {  	_ = 	snop  }
0x4: {  	_ = 	snop  }
0x5: {  	_ = 	snop  }
0x6: {  	_ = 	snop  }
0x7: {  	_ = 	snop  }
__scs_overlays_trampoline_lowered:
0x8: {  	[smem:$0x3FAC] =	sst s0  }
0x9: {  	[smem:$0x3FAD] =	sst s1  }
0xa: {  	[smem:$0x3FAE] =	sst s2  }
0xb: {  	[smem:$0x3FAF] =	sst s3  }
0xc: {  	[smem:$0x3FB0] =	sst s4  }
0xd: {  	[smem:$0x3FB1] =	sst s5  }
0xe: {  	[smem:$0x3FB2] =	sst s6  }
0xf: {  	[smem:$0x3FB3] =	sst s7  }
0x10: {  	[smem:$0x3FB4] =	sst s8  }
0x11: {  	[smem:$0x3FB5] =	sst s9;
	s0 =	simm.s32 @!p0 $0x0  }
0x12: {  	s1 =	sld [smem:$0x3F9B];
	s0 =	simm.s32 @p0 $0x1  }
0x13: {  	[smem:$0x3FB6] =	sst s0;
	s0 =	simm.s32 @!p1 $0x0  }
0x14: {  	s2 =	sld [smem:$0x3F9A];
	s0 =	simm.s32 @p1 $0x1  }
0x15: {  	[smem:$0x3FB7] =	sst s0;
	s0 =	simm.s32 @!p2 $0x0  }
0x16: {  	s3 =	sld [smem:$0x3FDB];
	s0 =	simm.s32 @p2 $0x1  }
0x17: {  	s4 =	simm.s32 $0x1BF5;
	[smem:$0x3FB9] =	sst s0  }
0x18: {  	s0 =	sld [smem:$0x3F9C];
	_ =	swait.ge [sflag:s4], $0x0  }
0x19: {  	s7 =	sld [smem:$0x3F9D]  }
0x1a: {  	s8 =	sadd.s32 $0xFFFFE003, lr  }
0x1b: {  	s9 =	sadd.s32 $0xFFFFFEF7, lr;
	s5 =	simm.s32 $0xFFFFFFFF;
	p2 =	slt.u32 s8, $0xFFFFF086  }
0x1c: {  	p1 =	slt.u32 s9, $0xF7A;
	s5 =	simm.s32 @!p2 $0x0  }
0x1d: {  	s5 =	simm.s32 @p1 $0x1;
	p0 =	seq.s32 s7, s2  }
0x1e: {  	s7 =	smul.u32 @!p0 $0xF7A, s2;
	p2 =	seq.s32 @!p0 s5, $0x0  }
0x1f: {  	s9 =	smul.u32 $0xF7A, s1;
	s8 =	simm.s32 @!p0 $0x1BF5;
	p2 =	por !p2, p0  }
0x20: {  	[sflag:s8] =	ssyncset.s32 @!p0 $0xFFFFF086;
	s6 =	sadd.s32 @!p0 s3, s7;
	s7 =	simm.s32 @!p0 $0x108  }
0x21: {  	s3 =	sadd.s32 s3, s9;
	s6 =	sadd.s32 @!p0 $0x88, s6;
	s7 =	simm.s32 @p2 $0x1082  }
0x22: {  	[simem:s7], [sflag:s8] =	dma.local @!p0 [hbm:s6], $0xF7A  }
0x23: {  	s9 =	sor.u32 $0xD0000000, s2;
	s6 =	simm.s32 $0x108;
	_ =	swait.ge @!p0 [sflag:s8], $0x0  }
0x24: {  	s3 =	sadd.s32 $0x88, s3;
	s6 =	simm.s32 @!p1 $0x1082;
	[sflag:s4] =	ssyncset.s32 $0xFFFFF086  }
0x25: {  	[simem:s6], [sflag:s4] =	dma.local [hbm:s3], $0xF7A  }
0x26: {  	[smem:$0x3F9D] =	sst s1;
	(tag) =	ssettag s2;
	_ =	strace s9  }
0x27: {  	s1 =	sld [smem:$0x3FAD]  }
0x28: {  	s2 =	sld [smem:$0x3FAE]  }
0x29: {  	s4 =	sld [smem:$0x3FB0]  }
0x2a: {  	p0 =	seq.s32 s5, $0x0;
	s5 =	sld [smem:$0x3FB1]  }
0x2b: {  	s6 =	sld [smem:$0x3FB2]  }
0x2c: {  	s7 =	sld [smem:$0x3FB3]  }
0x2d: {  	s3 =	simm.s32 $0x108;
	s8 =	sld [smem:$0x3FB4]  }
0x2e: {  	s3 =	simm.s32 @!p0 $0x1082;
	s9 =	sld [smem:$0x3FB5]  }
0x2f: {  	lr =	sadd.s32 s0, s3;
	s0 =	sld [smem:$0x3FAC]  }
0x30: {  	s3 =	sld [smem:$0x3FAF]  }
0x31: {  	[smem:$0x3FB8] =	sst s10  }
0x32: {  	s10 =	sld [smem:$0x3FB6];
	_ =	sdelay $0x3  }
0x33: {  	p0 =	seq.s32 s10, $0x1;
	s10 =	sld [smem:$0x3FB8];
	_ =	sdelay $0x3  }
0x34: {  	[smem:$0x3FB8] =	sst s10  }
0x35: {  	s10 =	sld [smem:$0x3FB7];
	_ =	sdelay $0x3  }
0x36: {  	p1 =	seq.s32 s10, $0x1;
	s10 =	sld [smem:$0x3FB8];
	_ =	sdelay $0x3  }
0x37: {  	[smem:$0x3FB8] =	sst s10  }
0x38: {  	s10 =	sld [smem:$0x3FB9]  }
0x39: {  	_ = 	snop;
	(pc) =	sbr.ind lr, $3  }
0x3a: {  	_ = 	snop  }
0x3b: {  	_ = 	snop  }
0x3c: {  	p2 =	seq.s32 s10, $0x1;
	s10 =	sld [smem:$0x3FB8]  }
0x3d: {  	_ =	shalt  }
0x3e: {  	_ =	shalt  }
0x3f: {  	_ =	shalt  }
0x40: {  	_ =	shalt  }
0x41: {  	_ =	shalt  }
0x42: {  	_ =	shalt  }
0x43: {  	_ =	shalt  }
0x44: {  	_ =	shalt  }
0x45: {  	_ =	shalt  }
0x46: {  	_ =	shalt  }
0x47: {  	_ =	shalt  }
0x48: {  	_ =	shalt  }
0x49: {  	_ =	shalt  }
0x4a: {  	_ =	shalt  }
0x4b: {  	_ =	shalt  }
0x4c: {  	_ =	shalt  }
0x4d: {  	_ =	shalt  }
0x4e: {  	_ =	shalt  }
0x4f: {  	_ =	shalt  }
0x50: {  	_ =	shalt  }
0x51: {  	_ =	shalt  }
0x52: {  	_ =	shalt  }
0x53: {  	_ =	shalt  }
0x54: {  	_ =	shalt  }
0x55: {  	_ =	shalt  }
0x56: {  	_ =	shalt  }
0x57: {  	_ =	shalt  }
0x58: {  	_ =	shalt  }
0x59: {  	_ =	shalt  }
0x5a: {  	_ =	shalt  }
0x5b: {  	_ =	shalt  }
0x5c: {  	_ =	shalt  }
0x5d: {  	_ =	shalt  }
0x5e: {  	_ =	shalt  }
0x5f: {  	_ =	shalt  }
0x60: {  	_ =	shalt  }
0x61: {  	_ =	shalt  }
0x62: {  	_ =	shalt  }
0x63: {  	_ =	shalt  }
0x64: {  	_ =	shalt  }
0x65: {  	_ =	shalt  }
0x66: {  	_ =	shalt  }
0x67: {  	_ =	shalt  }
0x68: {  	_ =	shalt  }
0x69: {  	_ =	shalt  }
0x6a: {  	_ =	shalt  }
0x6b: {  	_ =	shalt  }
0x6c: {  	_ =	shalt  }
0x6d: {  	_ =	shalt  }
0x6e: {  	_ =	shalt  }
0x6f: {  	_ =	shalt  }
0x70: {  	_ =	shalt  }
0x71: {  	_ =	shalt  }
0x72: {  	_ =	shalt  }
0x73: {  	_ =	shalt  }
0x74: {  	_ =	shalt  }
0x75: {  	_ =	shalt  }
0x76: {  	_ =	shalt  }
0x77: {  	_ =	shalt  }
0x78: {  	_ =	shalt  }
0x79: {  	_ =	shalt  }
0x7a: {  	_ =	shalt  }
0x7b: {  	_ =	shalt  }
0x7c: {  	_ =	shalt  }
0x7d: {  	_ =	shalt  }
0x7e: {  	_ =	shalt  }
0x7f: {  	_ =	shalt  }
0x80: {  	_ =	shalt  }
0x81: {  	_ =	shalt  }
0x82: {  	_ =	shalt  }
0x83: {  	_ =	shalt  }
0x84: {  	_ =	shalt  }
0x85: {  	_ =	shalt  }
0x86: {  	_ =	shalt  }
0x87: {  	_ =	shalt  }
.Lfunc_end0:
.L_simem_size_0:
called_computation_lowered:
.L_overlay_start_0:
0x88: {  	s2 =	sld [smem:$0x3FD9]  }
0x89: {  	s3 =	sld [smem:$0x3FFE];
	_ =	sdelay $0x1  }
0x8a: {  	s1 =	srdreg.scid  }
0x8b: {  	s0 =	sand.u32 $0x1, s1  }
0x8c: {  	s17 =	sshll.u32 s0, $0xA;
	s2 =	sadd.s32 s3, s2  }
0x8d: {  	s2 =	sadd.s32 s2, s17  }
0x8e: {  	[smem:$0x3FC4] =	sst s2  }
0x8f: {  	_ = 	snop  }
0x90: {  	s2 =	sld [smem:$0x3FC9]  }
0x91: {  	s18 =	sld [smem:$0x3FC8]  }
0x92: {  	s4 =	sld [smem:$0x3FD0];
	(tm) =	ssettm $0x1  }
0x93: {  	s5 =	sld [smem:$0x3FFB];
	_ =	sdelay $0x3  }
0x94: {  	_ =	strace s5  }
0x95: {  	s5 =	sld [smem:$0x3FFC];
	_ =	sdelay $0x3  }
0x96: {  	_ =	strace s5  }
0x97: {  	s5 =	sld [smem:$0x3FFD];
	_ =	sdelay $0x3  }
0x98: {  	_ =	strace s5  }
0x99: {  	_ =	strace $0x8FFFFFFF  }
0x9a: {  	s19 =	sld [smem:$0x3FDB];
	_ =	sdelay $0x1  }
0x9b: {  	s6 =	simm.s32 $_scs_section_size  }
0x9c: {  	s7 =	simm.s32 $_size__tile_overlayer_lowered;
	s8 =	simm.s32 $_tile_overlayer_lowered  }
0x9d: {  	s22 =	simm.s32 $0x1BFF;
	s21 =	sshll.u32 s8, $0x1;
	s5 =	sadd.s32 s6, s19  }
0x9e: {  	s9 =	simm.s32 $0x0;
	s20 =	sshll.u32 s7, $0x1;
	s7 =	sadd.s32 s21, s5  }
0x9f: {  	[timem:s9], [sflag:s22] =	dma.local [hbm:s7], s20  }
0xa0: {  	_ =	swait.ge [sflag:s22], s20  }
0xa1: {  	s6 =	ssub.s32 $0x0, s20;
	[sflag:s22] =	ssyncset.done $0x0  }
0xa2: {  	[sflag:s22] =	ssyncadd.s32 s6;
	_ =	sdelay $0x1  }
0xa3: {  	s23 =	simm.s32 $0x1B8B  }
0xa4: {  	_ =	swait.ge [sflag:s23], $0x1  }
0xa5: {  	[sflag:s23] =	ssyncset.done $0x0  }
0xa6: {  	s25 =	simm.s32 $0x1B8E;
	s24 =	sld [smem:$0x3FFE];
	[sflag:s23] =	ssyncadd.s32 $0xFFFFFFFF  }
0xa7: {  	s26 =	simm.s32 $execute0_lowered;
	[smem:$0x3FD2] =	sst s25  }
0xa8: {  	s7 =	sshll.u32 s26, $0x1;
	_ =	strace $0x80000046;
	[dreg:$0x1] =	wrdreg $0xFFFFFFFF  }
0xa9: {  	s28 =	simm.s32 $_size_execute0_lowered;
	s5 =	sadd.s32 s5, s7;
	[dreg:$0x0] =	wrdreg $0x0  }
0xaa: {  	s7 =	sshll.u32 s28, $0x1;
	[dreg:$0x2] =	wrdreg s5  }
0xab: {  	[dreg:$0x3] =	wrdreg s7  }
0xac: {  	[dreg:$0x4] =	wrdreg $0xC0  }
0xad: {  	_ =	task [dreg:s9], $0x5FFFF  }
0xae: {  	[dreg:$0x1] =	wrdreg $0xFFFFFFFF  }
0xaf: {  	[dreg:$0x0] =	wrdreg $0x60  }
0xb0: {  	[dreg:$0x2] =	wrdreg s2  }
0xb1: {  	[dreg:$0x3] =	wrdreg s18  }
0xb2: {  	[dreg:$0x4] =	wrdreg s24  }
0xb3: {  	[dreg:$0x5] =	wrdreg s4  }
0xb4: {  	[dreg:$0x6] =	wrdreg $0x9  }
0xb5: {  	_ =	task.clear_ibuf [dreg:s9], $0x7FFFF;
	_ =	strace $0x90000046  }
0xb6: {  	s29 =	simm.s32 $0x9;
	_ =	strace $0x80000048  }
0xb7: {  	_ =	swait.ge [sflag:s29], $0x1  }
0xb8: {  	[sflag:s29] =	ssyncadd.s32 $0xFFFFFFFF  }
0xb9: {  	_ =	strace $0x90000048  }
0xba: {  	_ =	sfence  }
0xbb: {  	s30 =	sld [smem:$0x0];
	_ =	sdelay $0x2  }
0xbc: {  	s31 =	sshll.u32 s1, $0xD;
	s1 =	sshrl.u32 s1, $0x2  }
0xbd: {  	s3 =	sand.u32 $0x4000, s31;
	s1 =	sadd.s32 s1, s30  }
0xbe: {  	s0 =	sor.u32 s3, s0;
	s1 =	sshll.u32 s1, $0x11  }
0xbf: {  	s0 =	sor.u32 s1, s0  }
0xc0: {  	s0 =	sadd.s32 $0x8F2B, s0  }
0xc1: {  	[sflag:s0] =	ssyncadd.remote.s32 $0x1  }
0xc2: {  	_ =	sfence.sel $0xFFFF  }
0xc3: {  	[dreg:$0x0] =	wrdreg $0xFFFFFFFF;
	(pc) =	sbr.abs _section_cstart, $3  }
0xc4: {  	[dreg:$0x1] =	wrdreg $0xFFFFFFFF  }
0xc5: {  	_ =	task.clear_ibuf [dreg:s9], $0x2FFFF;
	_ =	strace $0x9FFFFFFF  }
0xc6: {  	(tm) =	ssettm $0x7FFFFFFF  }
0xc7: {  	_ =	shalt  }
tec
execute0_lowered:
.L_overlay_start_1:
0x0: {  	(tag) =	ssettag $0x1  }
0x1: {  	s0 =	rddreg [dreg:$0x0]  }
0x2: {  	s1 =	rddreg [dreg:$0x1]  }
0x3: {  	s4 =	rddreg [dreg:$0x2]  }
0x4: {  	s13 =	rddreg [dreg:$0x3];
	s2 =	simm.s32 $0x0  }
0x5: {  	s3 =	srdreg.scid;
	s6 =	stileid.u32;
	s17 =	simm.s32 $0x80  }
0x6: {  	s18 =	simm.s32 $0x180;
	s19 =	simm.s32 $0x200;
	s20 =	simm.s32 $0x400  }
0x7: {  	s21 =	simm.s32 $0x300;
	s22 =	simm.s32 $0x8400;
	s23 =	simm.s32 $0x280  }
0x8: {  	s24 =	simm.s32 $0x4400;
	s25 =	simm.s32 $0x380;
	s26 =	simm.s32 $0xC400  }
0x9: {  	s28 =	simm.s32 $0x1;
	s30 =	simm.s32 $0x0;
	[smem:$0x7FF] =	sst s2  }
0xa: {  	s3 =	sand.u32 $0x1, s3;
	s6 =	sshll.u32 s6, $0x7;
	_ =	strace $0x80000047  }
0xb: {  	s5 =	ssub.s32 $0x2, s3;
	s7 =	sshll.u32 s3, $0x6;
	s3 =	sadd.s32 $0x400, s4  }
0xc: {  	s4 =	sadd.s32 $0x3E0400, s4;
	s8 =	sshrl.u32 s5, $0x1;
	s14 =	sor.u32 s7, s6  }
0xd: {  	s15 =	ssub.s32 s5, s8;
	s31 =	sor.u32 $0x10, s14;
	s5 =	sadd.s32 s0, s14  }
0xe: {  	s6 =	sadd.s32 s1, s14;
	s10 =	sor.u32 $0x20, s14;
	s12 =	sor.u32 $0x30, s14  }
0xf: {  	s13 =	sadd.s32 s13, s14;
	s7 =	sadd.s32 s0, s31;
	s8 =	sadd.s32 s1, s31  }
0x10: {  	v0 =	vlaneseq.u32;
	s9 =	sadd.s32 s0, s10;
	s10 =	sadd.s32 s1, s10;
	s11 =	sadd.s32 s0, s12  }
0x11: {  	v0 =	vmul.u32 $0x80, v0;
	s12 =	sadd.s32 s1, s12;
	s14 =	smax.u32 s15, $0x1;
	s15 =	simm.s32 $0x2  }
.LBB2_1:
0x12: {  	[tilespmem:s2], [sflag:$0x2] =	stream.linear.gather [hbm4b:s5+s2], $0x80, $0x38;
	[tilespmem:$0x10600] =	vst v63  }
0x13: {  	_ =	swait.ge [sflag:s15], $0x80  }
0x14: {  	[sflag:s15] =	ssyncset.done $0x0  }
0x15: {  	s0 =	simm.s32 $0x100;
	[sflag:s15] =	ssyncadd.s32 $0xFFFFFF80  }
0x16: {  	[tilespmem:s0], [sflag:$0x2] =	stream.linear.gather [hbm4b:s6+s2], $0x80, $0x38;
	[tilespmem:$0x10600] =	vst v63  }
0x17: {  	_ =	swait.ge [sflag:s15], $0x80  }
0x18: {  	[sflag:s15] =	ssyncset.done $0x0  }
0x19: {  	[sflag:s15] =	ssyncadd.s32 $0xFFFFFF80  }
0x1a: {  	[tilespmem:s17], [sflag:$0x2] =	stream.linear.gather [hbm4b:s7+s2], $0x80, $0x38;
	[tilespmem:$0x10600] =	vst v63  }
0x1b: {  	_ =	swait.ge [sflag:s15], $0x80  }
0x1c: {  	[sflag:s15] =	ssyncset.done $0x0  }
0x1d: {  	[sflag:s15] =	ssyncadd.s32 $0xFFFFFF80  }
0x1e: {  	[tilespmem:s18], [sflag:$0x2] =	stream.linear.gather [hbm4b:s8+s2], $0x80, $0x38;
	[tilespmem:$0x10600] =	vst v63  }
0x1f: {  	_ =	swait.ge [sflag:s15], $0x80  }
0x20: {  	[sflag:s15] =	ssyncset.done $0x0  }
0x21: {  	s0 =	simm.s32 $0x0;
	[sflag:s15] =	ssyncadd.s32 $0xFFFFFF80  }
0x22: {  	v1 =	vld [tilespmem:s0+$0x100]  }
0x23: {  	v2 =	vld [tilespmem:s0+$0x0];
	_ =	sdelay $0x1  }
0x24: {  	s1 =	simm.s32 $0x40  }
.LBB2_2:
0x25: {  	p0 =	sne.s32 s1, $0x3C0  }
.Ltmp0:
0x26: {  	s16 =	sshra.s32 s1, $0x2;
	s1 =	sadd.s32 $0x40, s1;
	v3 =	vshrl.u32 v1, $0x2;
	(pc) =	sbr.rel @p0 .LBB2_2-.Ltmp0, $4  }
0x27: {  	v5 =	vand.u32 $0x7F, v1;
	v4 =	vshrl.u32 v2, $0x2;
	v3 =	vand.u32 $0x3FFFFF80, v3;
	v1 =	vld [tilespmem:s16+$0x100]  }
0x28: {  	v6 =	vand.u32 $0x7F, v2;
	v4 =	vand.u32 $0x3FFFFF80, v4;
	v2 =	vld [tilespmem:s16+$0x0];
	v3 =	vor.u32 v5, v3  }
0x29: {  	v4 =	vor.u32 v6, v4;
	[tilespmem:s0+$0x300] =	vst v3  }
0x2a: {  	[tilespmem:s0+$0x200] =	vst v4;
	s0 =	smov.u32 s16  }
0x2b: {  	_ = 	snop  }
0x2c: {  	v3 =	vshrl.u32 v1, $0x2  }
0x2d: {  	v1 =	vand.u32 $0x7F, v1;
	v4 =	vshrl.u32 v2, $0x2;
	v3 =	vand.u32 $0x3FFFFF80, v3  }
0x2e: {  	v2 =	vand.u32 $0x7F, v2;
	v4 =	vand.u32 $0x3FFFFF80, v4;
	v1 =	vor.u32 v1, v3  }
0x2f: {  	v2 =	vor.u32 v2, v4;
	[tilespmem:s0+$0x300] =	vst v1  }
0x30: {  	[tilespmem:s0+$0x200] =	vst v2  }
0x31: {  	[tilespmem:s20], [sflag:$0x1] =	stream.indirect.gather [hbm4b:s3+s17], $0x80, s19, s17, $0xb8;
	[tilespmem:$0x10600] =	vst v63  }
0x32: {  	_ = 	snop  }
0x33: {  	[tilespmem:s22], [sflag:$0x1] =	stream.indirect.gather [hbm4b:s4+s17], $0x80, s21, s17, $0xb8;
	[tilespmem:$0x10600] =	vst v63  }
0x34: {  	_ = 	snop  }
0x35: {  	[tilespmem:s24], [sflag:$0x1] =	stream.indirect.gather [hbm4b:s3+s17], $0x80, s23, s17, $0xb8;
	[tilespmem:$0x10600] =	vst v63  }
0x36: {  	_ = 	snop  }
0x37: {  	[tilespmem:s26], [sflag:$0x1] =	stream.indirect.gather [hbm4b:s4+s17], $0x80, s25, s17, $0xb8;
	[tilespmem:$0x10600] =	vst v63  }
0x38: {  	_ =	swait.ge [sflag:s28], $0x4000  }
0x39: {  	[sflag:s28] =	ssyncset.done $0x0  }
0x3a: {  	[sflag:s28] =	ssyncadd.s32 $0xFFFFC000  }
0x3b: {  	_ =	swait.ge [sflag:s28], $0x4000  }
0x3c: {  	[sflag:s28] =	ssyncset.done $0x0  }
0x3d: {  	[sflag:s28] =	ssyncadd.s32 $0xFFFFC000  }
0x3e: {  	_ =	swait.ge [sflag:s28], $0x4000  }
0x3f: {  	[sflag:s28] =	ssyncset.done $0x0  }
0x40: {  	[sflag:s28] =	ssyncadd.s32 $0xFFFFC000  }
0x41: {  	_ =	swait.ge [sflag:s28], $0x4000  }
0x42: {  	[sflag:s28] =	ssyncset.done $0x0  }
0x43: {  	s16 =	simm.s32 $0x0;
	[sflag:s28] =	ssyncadd.s32 $0xFFFFC000  }
0x44: {  	s1 =	simm.s32 $0x100;
	v1 =	vld [tilespmem:s16+$0x0]  }
0x45: {  	v2 =	vld [tilespmem:s1+$0x0];
	_ =	sdelay $0x2  }
0x46: {  	v3 =	vmov s16  }
0x47: {  	v3 =	vshll.u32 v3, $0x7;
	v1 =	vshrl.u32 v1, $0x2  }
0x48: {  	v3 =	vor.u32 v0, v3;
	v2 =	vshrl.u32 v2, $0x2;
	v1 =	vand.u32 $0x60, v1  }
0x49: {  	v47 =	vand.u32 $0x60, v2;
	v2 =	vor.u32 v3, v1  }
0x4a: {  	v1 =	vor.u32 v3, v47  }
0x4b: {  	v3 =	vor.u32 $0x1, v2  }
0x4c: {  	v4 =	vor.u32 $0x1, v1  }
0x4d: {  	v5 =	vor.u32 $0x2, v2  }
0x4e: {  	v7 =	vor.u32 $0x2, v1;
	v6 =	vld.idx.msk [tilespmem:v2+s20+$0x0], $0xffff  }
0x4f: {  	v9 =	vor.u32 $0x3, v2;
	v8 =	vld.idx.msk [tilespmem:v1+s22+$0x0], $0xffff  }
0x50: {  	v10 =	vor.u32 $0x3, v1;
	v3 =	vld.idx.msk [tilespmem:v3+s20+$0x0], $0xffff  }
0x51: {  	v11 =	vor.u32 $0x4, v2;
	v4 =	vld.idx.msk [tilespmem:v4+s22+$0x0], $0xffff  }
0x52: {  	v12 =	vor.u32 $0x4, v1;
	v5 =	vld.idx.msk [tilespmem:v5+s20+$0x0], $0xffff  }
0x53: {  	v13 =	vor.u32 $0x5, v2;
	v7 =	vld.idx.msk [tilespmem:v7+s22+$0x0], $0xffff  }
0x54: {  	v14 =	vor.u32 $0x5, v1;
	v9 =	vld.idx.msk [tilespmem:v9+s20+$0x0], $0xffff;
	v6 =	vmul.f32 v8, v6  }
0x55: {  	v49 =	vor.u32 $0x6, v2;
	v48 =	vld.idx.msk [tilespmem:v10+s22+$0x0], $0xffff  }
0x56: {  	v15 =	vor.u32 $0x6, v1;
	v11 =	vld.idx.msk [tilespmem:v11+s20+$0x0], $0xffff;
	v3 =	vmul.f32 v4, v3;
	v6 =	vadd.f32 $0.0e+00, v6  }
0x57: {  	v51 =	vor.u32 $0x7, v2;
	v50 =	vld.idx.msk [tilespmem:v12+s22+$0x0], $0xffff  }
0x58: {  	v16 =	vor.u32 $0x7, v1;
	v13 =	vld.idx.msk [tilespmem:v13+s20+$0x0], $0xffff;
	v5 =	vmul.f32 v7, v5;
	v3 =	vadd.f32 v3, v6  }
0x59: {  	v54 =	vor.u32 $0x8, v1;
	v52 =	vld.idx.msk [tilespmem:v14+s22+$0x0], $0xffff  }
0x5a: {  	v53 =	vor.u32 $0x8, v2;
	v10 =	vld.idx.msk [tilespmem:v49+s20+$0x0], $0xffff;
	v55 =	vmul.f32 v48, v9;
	v3 =	vadd.f32 v5, v3  }
0x5b: {  	v58 =	vor.u32 $0x9, v1;
	v56 =	vld.idx.msk [tilespmem:v15+s22+$0x0], $0xffff  }
0x5c: {  	v57 =	vor.u32 $0x9, v2;
	v12 =	vld.idx.msk [tilespmem:v51+s20+$0x0], $0xffff;
	v4 =	vmul.f32 v50, v11;
	v3 =	vadd.f32 v55, v3  }
0x5d: {  	v61 =	vor.u32 $0xA, v1;
	v59 =	vld.idx.msk [tilespmem:v16+s22+$0x0], $0xffff  }
0x5e: {  	v60 =	vor.u32 $0xA, v2;
	v63 =	vld.idx.msk [tilespmem:v54+s22+$0x0], $0xffff;
	v62 =	vmul.f32 v52, v13;
	v3 =	vadd.f32 v4, v3  }
0x5f: {  	v20 =	vor.u32 $0xB, v1;
	v7 =	vld.idx.msk [tilespmem:v53+s20+$0x0], $0xffff  }
0x60: {  	v19 =	vor.u32 $0xB, v2;
	v22 =	vld.idx.msk [tilespmem:v58+s22+$0x0], $0xffff;
	v21 =	vmul.f32 v56, v10;
	v3 =	vadd.f32 v62, v3  }
0x61: {  	v24 =	vor.u32 $0xC, v1;
	v9 =	vld.idx.msk [tilespmem:v57+s20+$0x0], $0xffff  }
0x62: {  	v23 =	vor.u32 $0xC, v2;
	v26 =	vld.idx.msk [tilespmem:v61+s22+$0x0], $0xffff;
	v25 =	vmul.f32 v59, v12;
	v3 =	vadd.f32 v21, v3  }
0x63: {  	v28 =	vor.u32 $0xD, v1;
	v11 =	vld.idx.msk [tilespmem:v60+s20+$0x0], $0xffff  }
0x64: {  	v27 =	vor.u32 $0xD, v2;
	v30 =	vld.idx.msk [tilespmem:v20+s22+$0x0], $0xffff;
	v29 =	vmul.f32 v63, v7;
	v3 =	vadd.f32 v25, v3  }
0x65: {  	v32 =	vor.u32 $0xE, v1;
	v13 =	vld.idx.msk [tilespmem:v19+s20+$0x0], $0xffff  }
0x66: {  	v31 =	vor.u32 $0xE, v2;
	v34 =	vld.idx.msk [tilespmem:v24+s22+$0x0], $0xffff;
	v33 =	vmul.f32 v22, v9;
	v3 =	vadd.f32 v29, v3  }
0x67: {  	v36 =	vor.u32 $0xF, v1;
	v10 =	vld.idx.msk [tilespmem:v23+s20+$0x0], $0xffff  }
0x68: {  	v35 =	vor.u32 $0xF, v2;
	v38 =	vld.idx.msk [tilespmem:v28+s22+$0x0], $0xffff;
	v37 =	vmul.f32 v26, v11;
	v3 =	vadd.f32 v33, v3  }
0x69: {  	v40 =	vor.u32 $0x10, v1;
	v12 =	vld.idx.msk [tilespmem:v27+s20+$0x0], $0xffff  }
0x6a: {  	v39 =	vor.u32 $0x10, v2;
	v42 =	vld.idx.msk [tilespmem:v32+s22+$0x0], $0xffff;
	v41 =	vmul.f32 v30, v13;
	v3 =	vadd.f32 v37, v3  }
0x6b: {  	v44 =	vor.u32 $0x11, v1;
	v7 =	vld.idx.msk [tilespmem:v31+s20+$0x0], $0xffff  }
0x6c: {  	v43 =	vor.u32 $0x11, v2;
	v46 =	vld.idx.msk [tilespmem:v36+s22+$0x0], $0xffff;
	v45 =	vmul.f32 v34, v10;
	v3 =	vadd.f32 v41, v3  }
0x6d: {  	v47 =	vor.u32 $0x12, v2;
	v9 =	vld.idx.msk [tilespmem:v35+s20+$0x0], $0xffff  }
0x6e: {  	v48 =	vor.u32 $0x12, v1;
	v50 =	vld.idx.msk [tilespmem:v40+s22+$0x0], $0xffff;
	v49 =	vmul.f32 v38, v12;
	v3 =	vadd.f32 v45, v3  }
0x6f: {  	v51 =	vor.u32 $0x13, v2;
	v11 =	vld.idx.msk [tilespmem:v39+s20+$0x0], $0xffff  }
0x70: {  	v54 =	vld.idx.msk [tilespmem:v44+s22+$0x0], $0xffff;
	v52 =	vor.u32 $0x13, v1;
	v53 =	vmul.f32 v42, v7;
	v3 =	vadd.f32 v49, v3  }
0x71: {  	v56 =	vor.u32 $0x14, v1;
	v13 =	vld.idx.msk [tilespmem:v43+s20+$0x0], $0xffff  }
0x72: {  	v10 =	vld.idx.msk [tilespmem:v47+s20+$0x0], $0xffff;
	v55 =	vor.u32 $0x14, v2;
	v57 =	vmul.f32 v46, v9;
	v3 =	vadd.f32 v53, v3  }
0x73: {  	v60 =	vor.u32 $0x15, v1;
	v58 =	vld.idx.msk [tilespmem:v48+s22+$0x0], $0xffff  }
0x74: {  	v59 =	vor.u32 $0x15, v2;
	v12 =	vld.idx.msk [tilespmem:v51+s20+$0x0], $0xffff;
	v61 =	vmul.f32 v50, v11;
	v3 =	vadd.f32 v57, v3  }
0x75: {  	v20 =	vor.u32 $0x16, v1;
	v62 =	vld.idx.msk [tilespmem:v52+s22+$0x0], $0xffff  }
0x76: {  	v63 =	vor.u32 $0x16, v2;
	v22 =	vld.idx.msk [tilespmem:v56+s22+$0x0], $0xffff;
	v21 =	vmul.f32 v54, v13;
	v3 =	vadd.f32 v61, v3  }
0x77: {  	v24 =	vor.u32 $0x17, v1;
	v7 =	vld.idx.msk [tilespmem:v55+s20+$0x0], $0xffff  }
0x78: {  	v23 =	vor.u32 $0x17, v2;
	v26 =	vld.idx.msk [tilespmem:v60+s22+$0x0], $0xffff;
	v25 =	vmul.f32 v58, v10;
	v3 =	vadd.f32 v21, v3  }
0x79: {  	v28 =	vor.u32 $0x18, v1;
	v9 =	vld.idx.msk [tilespmem:v59+s20+$0x0], $0xffff  }
0x7a: {  	v27 =	vor.u32 $0x18, v2;
	v30 =	vld.idx.msk [tilespmem:v20+s22+$0x0], $0xffff;
	v29 =	vmul.f32 v62, v12;
	v3 =	vadd.f32 v25, v3  }
0x7b: {  	v32 =	vor.u32 $0x19, v1;
	v11 =	vld.idx.msk [tilespmem:v63+s20+$0x0], $0xffff  }
0x7c: {  	v31 =	vor.u32 $0x19, v2;
	v34 =	vld.idx.msk [tilespmem:v24+s22+$0x0], $0xffff;
	v33 =	vmul.f32 v22, v7;
	v3 =	vadd.f32 v29, v3  }
0x7d: {  	v36 =	vor.u32 $0x1A, v1;
	v13 =	vld.idx.msk [tilespmem:v23+s20+$0x0], $0xffff  }
0x7e: {  	v35 =	vor.u32 $0x1A, v2;
	v38 =	vld.idx.msk [tilespmem:v28+s22+$0x0], $0xffff;
	v37 =	vmul.f32 v26, v9;
	v3 =	vadd.f32 v33, v3  }
0x7f: {  	v40 =	vor.u32 $0x1B, v1;
	v10 =	vld.idx.msk [tilespmem:v27+s20+$0x0], $0xffff  }
0x80: {  	v39 =	vor.u32 $0x1B, v2;
	v42 =	vld.idx.msk [tilespmem:v32+s22+$0x0], $0xffff;
	v41 =	vmul.f32 v30, v11;
	v3 =	vadd.f32 v37, v3  }
0x81: {  	v44 =	vor.u32 $0x1C, v1;
	v12 =	vld.idx.msk [tilespmem:v31+s20+$0x0], $0xffff  }
0x82: {  	v43 =	vor.u32 $0x1C, v2;
	v46 =	vld.idx.msk [tilespmem:v36+s22+$0x0], $0xffff;
	v45 =	vmul.f32 v34, v13;
	v3 =	vadd.f32 v41, v3  }
0x83: {  	v47 =	vor.u32 $0x1D, v2;
	v7 =	vld.idx.msk [tilespmem:v35+s20+$0x0], $0xffff  }
0x84: {  	v48 =	vor.u32 $0x1D, v1;
	v50 =	vld.idx.msk [tilespmem:v40+s22+$0x0], $0xffff;
	v49 =	vmul.f32 v38, v10;
	v3 =	vadd.f32 v45, v3  }
0x85: {  	v51 =	vor.u32 $0x1E, v2;
	v9 =	vld.idx.msk [tilespmem:v39+s20+$0x0], $0xffff  }
0x86: {  	v52 =	vor.u32 $0x1E, v1;
	v54 =	vld.idx.msk [tilespmem:v44+s22+$0x0], $0xffff;
	v53 =	vmul.f32 v42, v12;
	v3 =	vadd.f32 v49, v3  }
0x87: {  	v2 =	vor.u32 $0x1F, v2;
	v11 =	vld.idx.msk [tilespmem:v43+s20+$0x0], $0xffff  }
0x88: {  	v1 =	vor.u32 $0x1F, v1;
	v55 =	vld.idx.msk [tilespmem:v47+s20+$0x0], $0xffff;
	v56 =	vmul.f32 v46, v7;
	v3 =	vadd.f32 v53, v3  }
0x89: {  	v57 =	vld.idx.msk [tilespmem:v48+s22+$0x0], $0xffff  }
0x8a: {  	v58 =	vld.idx.msk [tilespmem:v51+s20+$0x0], $0xffff;
	v59 =	vmul.f32 v50, v9;
	v3 =	vadd.f32 v56, v3  }
0x8b: {  	v60 =	vld.idx.msk [tilespmem:v52+s22+$0x0], $0xffff  }
0x8c: {  	v2 =	vld.idx.msk [tilespmem:v2+s20+$0x0], $0xffff;
	v61 =	vmul.f32 v54, v11;
	v3 =	vadd.f32 v59, v3  }
0x8d: {  	v1 =	vld.idx.msk [tilespmem:v1+s22+$0x0], $0xffff  }
0x8e: {  	v62 =	vmul.f32 v57, v55;
	v3 =	vadd.f32 v61, v3;
	_ =	sdelay $0x1  }
0x8f: {  	v63 =	vmul.f32 v60, v58;
	v3 =	vadd.f32 v62, v3;
	_ =	sdelay $0x1  }
0x90: {  	v1 =	vmul.f32 v1, v2;
	v3 =	vadd.f32 v63, v3;
	_ =	sdelay $0x1  }
0x91: {  	v1 =	vadd.f32 v1, v3  }
0x92: {  	s31 =	simm.s32 $0x10400  }
0x93: {  	s0 =	simm.s32 $0x10;
	[tilespmem:s31+$0x0] =	vst v1  }
0x94: {  	s1 =	simm.s32 $0x110;
	v1 =	vld [tilespmem:s0+$0x0]  }
0x95: {  	s29 =	simm.s32 $0x20;
	s16 =	simm.s32 $0x10;
	v2 =	vld [tilespmem:s1+$0x0]  }
.LBB2_4:
0x96: {  	p0 =	sne.s32 s29, $0xF0;
	_ =	sdelay $0x1  }
0x97: {  	v3 =	vmov s0;
	s0 =	smov.u32 s29  }
0x98: {  	v3 =	vshll.u32 v3, $0x7;
	v1 =	vshrl.u32 v1, $0x2  }
0x99: {  	v3 =	vor.u32 v0, v3;
	v1 =	vand.u32 $0x60, v1;
	v2 =	vshrl.u32 v2, $0x2  }
0x9a: {  	v4 =	vand.u32 $0x60, v2;
	v2 =	vor.u32 v3, v1  }
0x9b: {  	v1 =	vor.u32 v3, v4  }
0x9c: {  	v3 =	vor.u32 $0x1, v2  }
0x9d: {  	v4 =	vor.u32 $0x1, v1  }
0x9e: {  	v5 =	vor.u32 $0x2, v2  }
0x9f: {  	v7 =	vor.u32 $0x2, v1;
	v6 =	vld.idx.msk [tilespmem:v2+s20+$0x0], $0xffff  }
0xa0: {  	v9 =	vor.u32 $0x3, v2;
	v8 =	vld.idx.msk [tilespmem:v1+s22+$0x0], $0xffff  }
0xa1: {  	v10 =	vor.u32 $0x3, v1;
	v3 =	vld.idx.msk [tilespmem:v3+s20+$0x0], $0xffff  }
0xa2: {  	v11 =	vor.u32 $0x4, v2;
	v4 =	vld.idx.msk [tilespmem:v4+s22+$0x0], $0xffff  }
0xa3: {  	v12 =	vor.u32 $0x4, v1;
	v5 =	vld.idx.msk [tilespmem:v5+s20+$0x0], $0xffff  }
0xa4: {  	v13 =	vor.u32 $0x5, v2;
	v7 =	vld.idx.msk [tilespmem:v7+s22+$0x0], $0xffff  }
0xa5: {  	v14 =	vor.u32 $0x5, v1;
	v9 =	vld.idx.msk [tilespmem:v9+s20+$0x0], $0xffff  }
0xa6: {  	v6 =	vmul.f32 v8, v6;
	v8 =	vld.idx.msk [tilespmem:v10+s22+$0x0], $0xffff;
	v10 =	vor.u32 $0x6, v2  }
0xa7: {  	v15 =	vor.u32 $0x6, v1;
	v11 =	vld.idx.msk [tilespmem:v11+s20+$0x0], $0xffff  }
0xa8: {  	v6 =	vadd.f32 $0.0e+00, v6;
	v3 =	vmul.f32 v4, v3;
	v4 =	vld.idx.msk [tilespmem:v12+s22+$0x0], $0xffff;
	v12 =	vor.u32 $0x7, v2  }
0xa9: {  	v16 =	vor.u32 $0x7, v1;
	v13 =	vld.idx.msk [tilespmem:v13+s20+$0x0], $0xffff  }
0xaa: {  	v3 =	vadd.f32 v3, v6;
	v5 =	vmul.f32 v7, v5;
	v7 =	vor.u32 $0x8, v2;
	v6 =	vld.idx.msk [tilespmem:v14+s22+$0x0], $0xffff  }
0xab: {  	v14 =	vor.u32 $0x8, v1;
	v10 =	vld.idx.msk [tilespmem:v10+s20+$0x0], $0xffff  }
0xac: {  	v3 =	vadd.f32 v5, v3;
	v5 =	vmul.f32 v8, v9;
	v9 =	vor.u32 $0x9, v2;
	v8 =	vld.idx.msk [tilespmem:v15+s22+$0x0], $0xffff  }
0xad: {  	v15 =	vor.u32 $0x9, v1;
	v12 =	vld.idx.msk [tilespmem:v12+s20+$0x0], $0xffff  }
0xae: {  	v3 =	vadd.f32 v5, v3;
	v4 =	vmul.f32 v4, v11;
	v11 =	vor.u32 $0xA, v2;
	v5 =	vld.idx.msk [tilespmem:v16+s22+$0x0], $0xffff  }
0xaf: {  	v16 =	vor.u32 $0xA, v1;
	v7 =	vld.idx.msk [tilespmem:v7+s20+$0x0], $0xffff  }
0xb0: {  	v3 =	vadd.f32 v4, v3;
	v4 =	vmul.f32 v6, v13;
	v13 =	vor.u32 $0xB, v2;
	v6 =	vld.idx.msk [tilespmem:v14+s22+$0x0], $0xffff  }
0xb1: {  	v14 =	vor.u32 $0xB, v1;
	v9 =	vld.idx.msk [tilespmem:v9+s20+$0x0], $0xffff  }
0xb2: {  	v3 =	vadd.f32 v4, v3;
	v4 =	vmul.f32 v8, v10;
	v10 =	vor.u32 $0xC, v2;
	v8 =	vld.idx.msk [tilespmem:v15+s22+$0x0], $0xffff  }
0xb3: {  	v15 =	vor.u32 $0xC, v1;
	v11 =	vld.idx.msk [tilespmem:v11+s20+$0x0], $0xffff  }
0xb4: {  	v3 =	vadd.f32 v4, v3;
	v4 =	vmul.f32 v5, v12;
	v12 =	vor.u32 $0xD, v2;
	v5 =	vld.idx.msk [tilespmem:v16+s22+$0x0], $0xffff  }
0xb5: {  	v16 =	vor.u32 $0xD, v1;
	v13 =	vld.idx.msk [tilespmem:v13+s20+$0x0], $0xffff  }
0xb6: {  	v3 =	vadd.f32 v4, v3;
	v4 =	vmul.f32 v6, v7;
	v7 =	vor.u32 $0xE, v2;
	v6 =	vld.idx.msk [tilespmem:v14+s22+$0x0], $0xffff  }
0xb7: {  	v14 =	vor.u32 $0xE, v1;
	v10 =	vld.idx.msk [tilespmem:v10+s20+$0x0], $0xffff  }
0xb8: {  	v3 =	vadd.f32 v4, v3;
	v4 =	vmul.f32 v8, v9;
	v9 =	vor.u32 $0xF, v2;
	v8 =	vld.idx.msk [tilespmem:v15+s22+$0x0], $0xffff  }
0xb9: {  	v15 =	vor.u32 $0xF, v1;
	v12 =	vld.idx.msk [tilespmem:v12+s20+$0x0], $0xffff  }
0xba: {  	v3 =	vadd.f32 v4, v3;
	v4 =	vmul.f32 v5, v11;
	v11 =	vor.u32 $0x10, v2;
	v5 =	vld.idx.msk [tilespmem:v16+s22+$0x0], $0xffff  }
0xbb: {  	v16 =	vor.u32 $0x10, v1;
	v7 =	vld.idx.msk [tilespmem:v7+s20+$0x0], $0xffff  }
0xbc: {  	v3 =	vadd.f32 v4, v3;
	v4 =	vmul.f32 v6, v13;
	v13 =	vor.u32 $0x11, v2;
	v6 =	vld.idx.msk [tilespmem:v14+s22+$0x0], $0xffff  }
0xbd: {  	v14 =	vor.u32 $0x11, v1;
	v9 =	vld.idx.msk [tilespmem:v9+s20+$0x0], $0xffff  }
0xbe: {  	v3 =	vadd.f32 v4, v3;
	v4 =	vmul.f32 v8, v10;
	v10 =	vor.u32 $0x12, v2;
	v8 =	vld.idx.msk [tilespmem:v15+s22+$0x0], $0xffff  }
0xbf: {  	v15 =	vor.u32 $0x12, v1;
	v11 =	vld.idx.msk [tilespmem:v11+s20+$0x0], $0xffff  }
0xc0: {  	v3 =	vadd.f32 v4, v3;
	v4 =	vmul.f32 v5, v12;
	v12 =	vor.u32 $0x13, v2;
	v5 =	vld.idx.msk [tilespmem:v16+s22+$0x0], $0xffff  }
0xc1: {  	v16 =	vor.u32 $0x13, v1;
	v13 =	vld.idx.msk [tilespmem:v13+s20+$0x0], $0xffff  }
0xc2: {  	v3 =	vadd.f32 v4, v3;
	v4 =	vmul.f32 v6, v7;
	v7 =	vor.u32 $0x14, v2;
	v6 =	vld.idx.msk [tilespmem:v14+s22+$0x0], $0xffff  }
0xc3: {  	v14 =	vor.u32 $0x14, v1;
	v10 =	vld.idx.msk [tilespmem:v10+s20+$0x0], $0xffff  }
0xc4: {  	v3 =	vadd.f32 v4, v3;
	v4 =	vmul.f32 v8, v9;
	v9 =	vor.u32 $0x15, v2;
	v8 =	vld.idx.msk [tilespmem:v15+s22+$0x0], $0xffff  }
0xc5: {  	v15 =	vor.u32 $0x15, v1;
	v12 =	vld.idx.msk [tilespmem:v12+s20+$0x0], $0xffff  }
0xc6: {  	v3 =	vadd.f32 v4, v3;
	v4 =	vmul.f32 v5, v11;
	v11 =	vor.u32 $0x16, v2;
	v5 =	vld.idx.msk [tilespmem:v16+s22+$0x0], $0xffff  }
0xc7: {  	v16 =	vor.u32 $0x16, v1;
	v7 =	vld.idx.msk [tilespmem:v7+s20+$0x0], $0xffff  }
0xc8: {  	v3 =	vadd.f32 v4, v3;
	v4 =	vmul.f32 v6, v13;
	v13 =	vor.u32 $0x17, v2;
	v6 =	vld.idx.msk [tilespmem:v14+s22+$0x0], $0xffff  }
0xc9: {  	v14 =	vor.u32 $0x17, v1;
	v9 =	vld.idx.msk [tilespmem:v9+s20+$0x0], $0xffff  }
0xca: {  	v3 =	vadd.f32 v4, v3;
	v4 =	vmul.f32 v8, v10;
	v10 =	vor.u32 $0x18, v2;
	v8 =	vld.idx.msk [tilespmem:v15+s22+$0x0], $0xffff  }
0xcb: {  	v15 =	vor.u32 $0x18, v1;
	v11 =	vld.idx.msk [tilespmem:v11+s20+$0x0], $0xffff  }
0xcc: {  	v3 =	vadd.f32 v4, v3;
	v4 =	vmul.f32 v5, v12;
	v12 =	vor.u32 $0x19, v2;
	v5 =	vld.idx.msk [tilespmem:v16+s22+$0x0], $0xffff  }
0xcd: {  	v16 =	vor.u32 $0x19, v1;
	v13 =	vld.idx.msk [tilespmem:v13+s20+$0x0], $0xffff  }
0xce: {  	v3 =	vadd.f32 v4, v3;
	v4 =	vmul.f32 v6, v7;
	v7 =	vor.u32 $0x1A, v2;
	v6 =	vld.idx.msk [tilespmem:v14+s22+$0x0], $0xffff  }
0xcf: {  	v14 =	vor.u32 $0x1A, v1;
	v10 =	vld.idx.msk [tilespmem:v10+s20+$0x0], $0xffff  }
0xd0: {  	v3 =	vadd.f32 v4, v3;
	v4 =	vmul.f32 v8, v9;
	v9 =	vor.u32 $0x1B, v2;
	v8 =	vld.idx.msk [tilespmem:v15+s22+$0x0], $0xffff  }
0xd1: {  	v15 =	vor.u32 $0x1B, v1;
	v12 =	vld.idx.msk [tilespmem:v12+s20+$0x0], $0xffff  }
0xd2: {  	v3 =	vadd.f32 v4, v3;
	v4 =	vmul.f32 v5, v11;
	v11 =	vor.u32 $0x1C, v2;
	v5 =	vld.idx.msk [tilespmem:v16+s22+$0x0], $0xffff  }
0xd3: {  	v16 =	vor.u32 $0x1C, v1;
	v7 =	vld.idx.msk [tilespmem:v7+s20+$0x0], $0xffff  }
0xd4: {  	v3 =	vadd.f32 v4, v3;
	v4 =	vmul.f32 v6, v13;
	v13 =	vor.u32 $0x1D, v2;
	v6 =	vld.idx.msk [tilespmem:v14+s22+$0x0], $0xffff  }
0xd5: {  	v14 =	vor.u32 $0x1D, v1;
	v9 =	vld.idx.msk [tilespmem:v9+s20+$0x0], $0xffff  }
0xd6: {  	v3 =	vadd.f32 v4, v3;
	v4 =	vmul.f32 v8, v10;
	v10 =	vor.u32 $0x1E, v2;
	v8 =	vld.idx.msk [tilespmem:v15+s22+$0x0], $0xffff  }
0xd7: {  	v15 =	vor.u32 $0x1E, v1;
	v11 =	vld.idx.msk [tilespmem:v11+s20+$0x0], $0xffff  }
0xd8: {  	v2 =	vor.u32 $0x1F, v2;
	v3 =	vadd.f32 v4, v3;
	v4 =	vmul.f32 v5, v12;
	v5 =	vld.idx.msk [tilespmem:v16+s22+$0x0], $0xffff  }
0xd9: {  	v1 =	vor.u32 $0x1F, v1;
	v12 =	vld.idx.msk [tilespmem:v13+s20+$0x0], $0xffff  }
0xda: {  	v3 =	vadd.f32 v4, v3;
	v4 =	vmul.f32 v6, v7;
	v6 =	vld.idx.msk [tilespmem:v14+s22+$0x0], $0xffff  }
0xdb: {  	v7 =	vld.idx.msk [tilespmem:v10+s20+$0x0], $0xffff  }
0xdc: {  	v3 =	vadd.f32 v4, v3;
	v4 =	vmul.f32 v8, v9;
	v8 =	vld.idx.msk [tilespmem:v15+s22+$0x0], $0xffff  }
0xdd: {  	v2 =	vld.idx.msk [tilespmem:v2+s20+$0x0], $0xffff  }
0xde: {  	v3 =	vadd.f32 v4, v3;
	v4 =	vmul.f32 v5, v11;
	v1 =	vld.idx.msk [tilespmem:v1+s22+$0x0], $0xffff;
	_ =	sdelay $0x1  }
0xdf: {  	v3 =	vadd.f32 v4, v3;
	v4 =	vmul.f32 v6, v12;
	_ =	sdelay $0x1  }
0xe0: {  	v3 =	vadd.f32 v4, v3;
	v4 =	vmul.f32 v8, v7;
	_ =	sdelay $0x1  }
0xe1: {  	v3 =	vadd.f32 v4, v3;
	v1 =	vmul.f32 v1, v2;
	_ =	sdelay $0x1  }
.Ltmp1:
0xe2: {  	v1 =	vadd.f32 v1, v3;
	(pc) =	sbr.rel @p0 .LBB2_4-.Ltmp1, $4  }
0xe3: {  	s31 =	sadd.s32 $0x10, s31  }
0xe4: {  	s16 =	sadd.s32 $0x10, s16;
	[tilespmem:s31+$0x0] =	vst v1  }
0xe5: {  	s1 =	sadd.s32 $0x10, s1;
	v1 =	vld [tilespmem:s16+$0x0]  }
0xe6: {  	s29 =	sadd.s32 $0x10, s29;
	v2 =	vld [tilespmem:s1+$0x0]  }
0xe7: {  	_ =	sdelay $0x1  }
0xe8: {  	v3 =	vmov s0  }
0xe9: {  	v3 =	vshll.u32 v3, $0x7;
	v1 =	vshrl.u32 v1, $0x2  }
0xea: {  	v3 =	vor.u32 v0, v3;
	v1 =	vand.u32 $0x60, v1;
	v2 =	vshrl.u32 v2, $0x2  }
0xeb: {  	v4 =	vand.u32 $0x60, v2;
	v2 =	vor.u32 v3, v1  }
0xec: {  	v1 =	vor.u32 v3, v4  }
0xed: {  	v3 =	vor.u32 $0x1, v2  }
0xee: {  	v4 =	vor.u32 $0x1, v1  }
0xef: {  	v5 =	vor.u32 $0x2, v2  }
0xf0: {  	v7 =	vor.u32 $0x2, v1;
	v6 =	vld.idx.msk [tilespmem:v2+s20+$0x0], $0xffff  }
0xf1: {  	v9 =	vor.u32 $0x3, v2;
	v8 =	vld.idx.msk [tilespmem:v1+s22+$0x0], $0xffff  }
0xf2: {  	v10 =	vor.u32 $0x3, v1;
	v3 =	vld.idx.msk [tilespmem:v3+s20+$0x0], $0xffff  }
0xf3: {  	v11 =	vor.u32 $0x4, v2;
	v4 =	vld.idx.msk [tilespmem:v4+s22+$0x0], $0xffff  }
0xf4: {  	v12 =	vor.u32 $0x4, v1;
	v5 =	vld.idx.msk [tilespmem:v5+s20+$0x0], $0xffff  }
0xf5: {  	v13 =	vor.u32 $0x5, v2;
	v7 =	vld.idx.msk [tilespmem:v7+s22+$0x0], $0xffff  }
0xf6: {  	v14 =	vor.u32 $0x5, v1;
	v9 =	vld.idx.msk [tilespmem:v9+s20+$0x0], $0xffff;
	v6 =	vmul.f32 v8, v6  }
0xf7: {  	v49 =	vor.u32 $0x6, v2;
	v48 =	vld.idx.msk [tilespmem:v10+s22+$0x0], $0xffff  }
0xf8: {  	v15 =	vor.u32 $0x6, v1;
	v11 =	vld.idx.msk [tilespmem:v11+s20+$0x0], $0xffff;
	v3 =	vmul.f32 v4, v3;
	v6 =	vadd.f32 $0.0e+00, v6  }
0xf9: {  	v51 =	vor.u32 $0x7, v2;
	v50 =	vld.idx.msk [tilespmem:v12+s22+$0x0], $0xffff  }
0xfa: {  	v16 =	vor.u32 $0x7, v1;
	v13 =	vld.idx.msk [tilespmem:v13+s20+$0x0], $0xffff;
	v5 =	vmul.f32 v7, v5;
	v3 =	vadd.f32 v3, v6  }
0xfb: {  	v54 =	vor.u32 $0x8, v1;
	v52 =	vld.idx.msk [tilespmem:v14+s22+$0x0], $0xffff  }
0xfc: {  	v53 =	vor.u32 $0x8, v2;
	v10 =	vld.idx.msk [tilespmem:v49+s20+$0x0], $0xffff;
	v55 =	vmul.f32 v48, v9;
	v3 =	vadd.f32 v5, v3  }
0xfd: {  	v58 =	vor.u32 $0x9, v1;
	v56 =	vld.idx.msk [tilespmem:v15+s22+$0x0], $0xffff  }
0xfe: {  	v57 =	vor.u32 $0x9, v2;
	v12 =	vld.idx.msk [tilespmem:v51+s20+$0x0], $0xffff;
	v4 =	vmul.f32 v50, v11;
	v3 =	vadd.f32 v55, v3  }
0xff: {  	v61 =	vor.u32 $0xA, v1;
	v59 =	vld.idx.msk [tilespmem:v16+s22+$0x0], $0xffff  }
0x100: {  	v60 =	vor.u32 $0xA, v2;
	v63 =	vld.idx.msk [tilespmem:v54+s22+$0x0], $0xffff;
	v62 =	vmul.f32 v52, v13;
	v3 =	vadd.f32 v4, v3  }
0x101: {  	v20 =	vor.u32 $0xB, v1;
	v7 =	vld.idx.msk [tilespmem:v53+s20+$0x0], $0xffff  }
0x102: {  	v19 =	vor.u32 $0xB, v2;
	v22 =	vld.idx.msk [tilespmem:v58+s22+$0x0], $0xffff;
	v21 =	vmul.f32 v56, v10;
	v3 =	vadd.f32 v62, v3  }
0x103: {  	v24 =	vor.u32 $0xC, v1;
	v9 =	vld.idx.msk [tilespmem:v57+s20+$0x0], $0xffff  }
0x104: {  	v23 =	vor.u32 $0xC, v2;
	v26 =	vld.idx.msk [tilespmem:v61+s22+$0x0], $0xffff;
	v25 =	vmul.f32 v59, v12;
	v3 =	vadd.f32 v21, v3  }
0x105: {  	v28 =	vor.u32 $0xD, v1;
	v11 =	vld.idx.msk [tilespmem:v60+s20+$0x0], $0xffff  }
0x106: {  	v27 =	vor.u32 $0xD, v2;
	v30 =	vld.idx.msk [tilespmem:v20+s22+$0x0], $0xffff;
	v29 =	vmul.f32 v63, v7;
	v3 =	vadd.f32 v25, v3  }
0x107: {  	v32 =	vor.u32 $0xE, v1;
	v13 =	vld.idx.msk [tilespmem:v19+s20+$0x0], $0xffff  }
0x108: {  	v31 =	vor.u32 $0xE, v2;
	v34 =	vld.idx.msk [tilespmem:v24+s22+$0x0], $0xffff;
	v33 =	vmul.f32 v22, v9;
	v3 =	vadd.f32 v29, v3  }
0x109: {  	v36 =	vor.u32 $0xF, v1;
	v10 =	vld.idx.msk [tilespmem:v23+s20+$0x0], $0xffff  }
0x10a: {  	v35 =	vor.u32 $0xF, v2;
	v38 =	vld.idx.msk [tilespmem:v28+s22+$0x0], $0xffff;
	v37 =	vmul.f32 v26, v11;
	v3 =	vadd.f32 v33, v3  }
0x10b: {  	v40 =	vor.u32 $0x10, v1;
	v12 =	vld.idx.msk [tilespmem:v27+s20+$0x0], $0xffff  }
0x10c: {  	v39 =	vor.u32 $0x10, v2;
	v42 =	vld.idx.msk [tilespmem:v32+s22+$0x0], $0xffff;
	v41 =	vmul.f32 v30, v13;
	v3 =	vadd.f32 v37, v3  }
0x10d: {  	v44 =	vor.u32 $0x11, v1;
	v7 =	vld.idx.msk [tilespmem:v31+s20+$0x0], $0xffff  }
0x10e: {  	v43 =	vor.u32 $0x11, v2;
	v46 =	vld.idx.msk [tilespmem:v36+s22+$0x0], $0xffff;
	v45 =	vmul.f32 v34, v10;
	v3 =	vadd.f32 v41, v3  }
0x10f: {  	v47 =	vor.u32 $0x12, v2;
	v9 =	vld.idx.msk [tilespmem:v35+s20+$0x0], $0xffff  }
0x110: {  	v48 =	vor.u32 $0x12, v1;
	v50 =	vld.idx.msk [tilespmem:v40+s22+$0x0], $0xffff;
	v49 =	vmul.f32 v38, v12;
	v3 =	vadd.f32 v45, v3  }
0x111: {  	v51 =	vor.u32 $0x13, v2;
	v11 =	vld.idx.msk [tilespmem:v39+s20+$0x0], $0xffff  }
0x112: {  	v54 =	vld.idx.msk [tilespmem:v44+s22+$0x0], $0xffff;
	v52 =	vor.u32 $0x13, v1;
	v53 =	vmul.f32 v42, v7;
	v3 =	vadd.f32 v49, v3  }
0x113: {  	v56 =	vor.u32 $0x14, v1;
	v13 =	vld.idx.msk [tilespmem:v43+s20+$0x0], $0xffff  }
0x114: {  	v10 =	vld.idx.msk [tilespmem:v47+s20+$0x0], $0xffff;
	v55 =	vor.u32 $0x14, v2;
	v57 =	vmul.f32 v46, v9;
	v3 =	vadd.f32 v53, v3  }
0x115: {  	v60 =	vor.u32 $0x15, v1;
	v58 =	vld.idx.msk [tilespmem:v48+s22+$0x0], $0xffff  }
0x116: {  	v59 =	vor.u32 $0x15, v2;
	v12 =	vld.idx.msk [tilespmem:v51+s20+$0x0], $0xffff;
	v61 =	vmul.f32 v50, v11;
	v3 =	vadd.f32 v57, v3  }
0x117: {  	v20 =	vor.u32 $0x16, v1;
	v62 =	vld.idx.msk [tilespmem:v52+s22+$0x0], $0xffff  }
0x118: {  	v63 =	vor.u32 $0x16, v2;
	v22 =	vld.idx.msk [tilespmem:v56+s22+$0x0], $0xffff;
	v21 =	vmul.f32 v54, v13;
	v3 =	vadd.f32 v61, v3  }
0x119: {  	v24 =	vor.u32 $0x17, v1;
	v7 =	vld.idx.msk [tilespmem:v55+s20+$0x0], $0xffff  }
0x11a: {  	v23 =	vor.u32 $0x17, v2;
	v26 =	vld.idx.msk [tilespmem:v60+s22+$0x0], $0xffff;
	v25 =	vmul.f32 v58, v10;
	v3 =	vadd.f32 v21, v3  }
0x11b: {  	v28 =	vor.u32 $0x18, v1;
	v9 =	vld.idx.msk [tilespmem:v59+s20+$0x0], $0xffff  }
0x11c: {  	v27 =	vor.u32 $0x18, v2;
	v30 =	vld.idx.msk [tilespmem:v20+s22+$0x0], $0xffff;
	v29 =	vmul.f32 v62, v12;
	v3 =	vadd.f32 v25, v3  }
0x11d: {  	v32 =	vor.u32 $0x19, v1;
	v11 =	vld.idx.msk [tilespmem:v63+s20+$0x0], $0xffff  }
0x11e: {  	v31 =	vor.u32 $0x19, v2;
	v34 =	vld.idx.msk [tilespmem:v24+s22+$0x0], $0xffff;
	v33 =	vmul.f32 v22, v7;
	v3 =	vadd.f32 v29, v3  }
0x11f: {  	v36 =	vor.u32 $0x1A, v1;
	v13 =	vld.idx.msk [tilespmem:v23+s20+$0x0], $0xffff  }
0x120: {  	v35 =	vor.u32 $0x1A, v2;
	v38 =	vld.idx.msk [tilespmem:v28+s22+$0x0], $0xffff;
	v37 =	vmul.f32 v26, v9;
	v3 =	vadd.f32 v33, v3  }
0x121: {  	v40 =	vor.u32 $0x1B, v1;
	v10 =	vld.idx.msk [tilespmem:v27+s20+$0x0], $0xffff  }
0x122: {  	v39 =	vor.u32 $0x1B, v2;
	v42 =	vld.idx.msk [tilespmem:v32+s22+$0x0], $0xffff;
	v41 =	vmul.f32 v30, v11;
	v3 =	vadd.f32 v37, v3  }
0x123: {  	v44 =	vor.u32 $0x1C, v1;
	v12 =	vld.idx.msk [tilespmem:v31+s20+$0x0], $0xffff  }
0x124: {  	v43 =	vor.u32 $0x1C, v2;
	v46 =	vld.idx.msk [tilespmem:v36+s22+$0x0], $0xffff;
	v45 =	vmul.f32 v34, v13;
	v3 =	vadd.f32 v41, v3  }
0x125: {  	v47 =	vor.u32 $0x1D, v2;
	v7 =	vld.idx.msk [tilespmem:v35+s20+$0x0], $0xffff  }
0x126: {  	v48 =	vor.u32 $0x1D, v1;
	v50 =	vld.idx.msk [tilespmem:v40+s22+$0x0], $0xffff;
	v49 =	vmul.f32 v38, v10;
	v3 =	vadd.f32 v45, v3  }
0x127: {  	v51 =	vor.u32 $0x1E, v2;
	v9 =	vld.idx.msk [tilespmem:v39+s20+$0x0], $0xffff  }
0x128: {  	v52 =	vor.u32 $0x1E, v1;
	v54 =	vld.idx.msk [tilespmem:v44+s22+$0x0], $0xffff;
	v53 =	vmul.f32 v42, v12;
	v3 =	vadd.f32 v49, v3  }
0x129: {  	v2 =	vor.u32 $0x1F, v2;
	v11 =	vld.idx.msk [tilespmem:v43+s20+$0x0], $0xffff  }
0x12a: {  	v1 =	vor.u32 $0x1F, v1;
	v55 =	vld.idx.msk [tilespmem:v47+s20+$0x0], $0xffff;
	v56 =	vmul.f32 v46, v7;
	v3 =	vadd.f32 v53, v3  }
0x12b: {  	v57 =	vld.idx.msk [tilespmem:v48+s22+$0x0], $0xffff  }
0x12c: {  	v58 =	vld.idx.msk [tilespmem:v51+s20+$0x0], $0xffff;
	v59 =	vmul.f32 v50, v9;
	v3 =	vadd.f32 v56, v3  }
0x12d: {  	v60 =	vld.idx.msk [tilespmem:v52+s22+$0x0], $0xffff  }
0x12e: {  	v2 =	vld.idx.msk [tilespmem:v2+s20+$0x0], $0xffff;
	v61 =	vmul.f32 v54, v11;
	v3 =	vadd.f32 v59, v3  }
0x12f: {  	v1 =	vld.idx.msk [tilespmem:v1+s22+$0x0], $0xffff  }
0x130: {  	v62 =	vmul.f32 v57, v55;
	v3 =	vadd.f32 v61, v3;
	_ =	sdelay $0x1  }
0x131: {  	v63 =	vmul.f32 v60, v58;
	v3 =	vadd.f32 v62, v3;
	_ =	sdelay $0x1  }
0x132: {  	v1 =	vmul.f32 v1, v2;
	v3 =	vadd.f32 v63, v3;
	_ =	sdelay $0x1  }
0x133: {  	v1 =	vadd.f32 v1, v3  }
0x134: {  	s29 =	sadd.s32 $0x10, s31  }
0x135: {  	s31 =	simm.s32 $0x0;
	[tilespmem:s29+$0x0] =	vst v1  }
0x136: {  	[tilespmem:s31], [sflag:$0x2] =	stream.linear.gather [hbm4b:s9+s31], $0x80, $0x38;
	[tilespmem:$0x10600] =	vst v63  }
0x137: {  	_ =	swait.ge [sflag:s15], $0x80  }
0x138: {  	[sflag:s15] =	ssyncset.done $0x0  }
0x139: {  	s1 =	simm.s32 $0x100;
	[sflag:s15] =	ssyncadd.s32 $0xFFFFFF80  }
0x13a: {  	[tilespmem:s1], [sflag:$0x2] =	stream.linear.gather [hbm4b:s10+s31], $0x80, $0x38;
	[tilespmem:$0x10600] =	vst v63  }
0x13b: {  	_ =	swait.ge [sflag:s15], $0x80  }
0x13c: {  	[sflag:s15] =	ssyncset.done $0x0  }
0x13d: {  	[sflag:s15] =	ssyncadd.s32 $0xFFFFFF80  }
0x13e: {  	[tilespmem:s17], [sflag:$0x2] =	stream.linear.gather [hbm4b:s11+s31], $0x80, $0x38;
	[tilespmem:$0x10600] =	vst v63  }
0x13f: {  	_ =	swait.ge [sflag:s15], $0x80  }
0x140: {  	[sflag:s15] =	ssyncset.done $0x0  }
0x141: {  	[sflag:s15] =	ssyncadd.s32 $0xFFFFFF80  }
0x142: {  	[tilespmem:s18], [sflag:$0x2] =	stream.linear.gather [hbm4b:s12+s31], $0x80, $0x38;
	[tilespmem:$0x10600] =	vst v63  }
0x143: {  	_ =	swait.ge [sflag:s15], $0x80  }
0x144: {  	[sflag:s15] =	ssyncset.done $0x0  }
0x145: {  	s0 =	simm.s32 $0x0;
	[sflag:s15] =	ssyncadd.s32 $0xFFFFFF80  }
0x146: {  	v1 =	vld [tilespmem:s0+$0x100]  }
0x147: {  	v2 =	vld [tilespmem:s0+$0x0];
	_ =	sdelay $0x1  }
0x148: {  	s1 =	simm.s32 $0x40  }
.LBB2_6:
0x149: {  	p0 =	sne.s32 s1, $0x3C0  }
.Ltmp2:
0x14a: {  	s16 =	sshra.s32 s1, $0x2;
	s1 =	sadd.s32 $0x40, s1;
	v3 =	vshrl.u32 v1, $0x2;
	(pc) =	sbr.rel @p0 .LBB2_6-.Ltmp2, $4  }
0x14b: {  	v5 =	vand.u32 $0x7F, v1;
	v4 =	vshrl.u32 v2, $0x2;
	v3 =	vand.u32 $0x3FFFFF80, v3;
	v1 =	vld [tilespmem:s16+$0x100]  }
0x14c: {  	v6 =	vand.u32 $0x7F, v2;
	v4 =	vand.u32 $0x3FFFFF80, v4;
	v2 =	vld [tilespmem:s16+$0x0];
	v3 =	vor.u32 v5, v3  }
0x14d: {  	v4 =	vor.u32 v6, v4;
	[tilespmem:s0+$0x300] =	vst v3  }
0x14e: {  	[tilespmem:s0+$0x200] =	vst v4;
	s0 =	smov.u32 s16  }
0x14f: {  	_ = 	snop  }
0x150: {  	v3 =	vshrl.u32 v1, $0x2  }
0x151: {  	v1 =	vand.u32 $0x7F, v1;
	v4 =	vshrl.u32 v2, $0x2;
	v3 =	vand.u32 $0x3FFFFF80, v3  }
0x152: {  	v2 =	vand.u32 $0x7F, v2;
	v4 =	vand.u32 $0x3FFFFF80, v4;
	v1 =	vor.u32 v1, v3  }
0x153: {  	v2 =	vor.u32 v2, v4;
	[tilespmem:s0+$0x300] =	vst v1  }
0x154: {  	[tilespmem:s0+$0x200] =	vst v2  }
0x155: {  	[tilespmem:s20], [sflag:$0x1] =	stream.indirect.gather [hbm4b:s3+s17], $0x80, s19, s17, $0xb8;
	[tilespmem:$0x10600] =	vst v63  }
0x156: {  	_ = 	snop  }
0x157: {  	[tilespmem:s22], [sflag:$0x1] =	stream.indirect.gather [hbm4b:s4+s17], $0x80, s21, s17, $0xb8;
	[tilespmem:$0x10600] =	vst v63  }
0x158: {  	_ = 	snop  }
0x159: {  	[tilespmem:s24], [sflag:$0x1] =	stream.indirect.gather [hbm4b:s3+s17], $0x80, s23, s17, $0xb8;
	[tilespmem:$0x10600] =	vst v63  }
0x15a: {  	_ = 	snop  }
0x15b: {  	[tilespmem:s26], [sflag:$0x1] =	stream.indirect.gather [hbm4b:s4+s17], $0x80, s25, s17, $0xb8;
	[tilespmem:$0x10600] =	vst v63  }
0x15c: {  	_ =	swait.ge [sflag:s28], $0x4000  }
0x15d: {  	[sflag:s28] =	ssyncset.done $0x0  }
0x15e: {  	[sflag:s28] =	ssyncadd.s32 $0xFFFFC000  }
0x15f: {  	_ =	swait.ge [sflag:s28], $0x4000  }
0x160: {  	[sflag:s28] =	ssyncset.done $0x0  }
0x161: {  	[sflag:s28] =	ssyncadd.s32 $0xFFFFC000  }
0x162: {  	_ =	swait.ge [sflag:s28], $0x4000  }
0x163: {  	[sflag:s28] =	ssyncset.done $0x0  }
0x164: {  	[sflag:s28] =	ssyncadd.s32 $0xFFFFC000  }
0x165: {  	_ =	swait.ge [sflag:s28], $0x4000  }
0x166: {  	[sflag:s28] =	ssyncset.done $0x0  }
0x167: {  	s31 =	simm.s32 $0x0;
	[sflag:s28] =	ssyncadd.s32 $0xFFFFC000  }
0x168: {  	s0 =	simm.s32 $0x100;
	v2 =	vld [tilespmem:s31+$0x0]  }
0x169: {  	s1 =	simm.s32 $0x10;
	s16 =	simm.s32 $0x0;
	v1 =	vld [tilespmem:s0+$0x0]  }
.LBB2_8:
0x16a: {  	p0 =	sne.s32 s1, $0xF0;
	_ =	sdelay $0x1  }
0x16b: {  	v3 =	vmov s31  }
0x16c: {  	v3 =	vshll.u32 v3, $0x7;
	v2 =	vshrl.u32 v2, $0x2  }
0x16d: {  	v3 =	vor.u32 v0, v3;
	v2 =	vand.u32 $0x60, v2;
	v1 =	vshrl.u32 v1, $0x2  }
0x16e: {  	v1 =	vand.u32 $0x60, v1;
	v2 =	vor.u32 v3, v2  }
0x16f: {  	v1 =	vor.u32 v3, v1  }
0x170: {  	v3 =	vor.u32 $0x1, v2  }
0x171: {  	v4 =	vor.u32 $0x1, v1  }
0x172: {  	v5 =	vor.u32 $0x2, v2  }
0x173: {  	v7 =	vor.u32 $0x2, v1;
	v6 =	vld.idx.msk [tilespmem:v2+s20+$0x0], $0xffff  }
0x174: {  	v9 =	vor.u32 $0x3, v2;
	v8 =	vld.idx.msk [tilespmem:v1+s22+$0x0], $0xffff  }
0x175: {  	v10 =	vor.u32 $0x3, v1;
	v3 =	vld.idx.msk [tilespmem:v3+s20+$0x0], $0xffff  }
0x176: {  	v11 =	vor.u32 $0x4, v2;
	v4 =	vld.idx.msk [tilespmem:v4+s22+$0x0], $0xffff  }
0x177: {  	v12 =	vor.u32 $0x4, v1;
	v5 =	vld.idx.msk [tilespmem:v5+s20+$0x0], $0xffff  }
0x178: {  	v13 =	vor.u32 $0x5, v2;
	v7 =	vld.idx.msk [tilespmem:v7+s22+$0x0], $0xffff  }
0x179: {  	v14 =	vor.u32 $0x5, v1;
	v9 =	vld.idx.msk [tilespmem:v9+s20+$0x0], $0xffff  }
0x17a: {  	v6 =	vmul.f32 v8, v6;
	v8 =	vld.idx.msk [tilespmem:v10+s22+$0x0], $0xffff;
	v10 =	vor.u32 $0x6, v2  }
0x17b: {  	v15 =	vor.u32 $0x6, v1;
	v11 =	vld.idx.msk [tilespmem:v11+s20+$0x0], $0xffff  }
0x17c: {  	v6 =	vadd.f32 $0.0e+00, v6;
	v3 =	vmul.f32 v4, v3;
	v4 =	vld.idx.msk [tilespmem:v12+s22+$0x0], $0xffff;
	v12 =	vor.u32 $0x7, v2  }
0x17d: {  	v16 =	vor.u32 $0x7, v1;
	v13 =	vld.idx.msk [tilespmem:v13+s20+$0x0], $0xffff  }
0x17e: {  	v3 =	vadd.f32 v3, v6;
	v5 =	vmul.f32 v7, v5;
	v7 =	vor.u32 $0x8, v2;
	v6 =	vld.idx.msk [tilespmem:v14+s22+$0x0], $0xffff  }
0x17f: {  	v14 =	vor.u32 $0x8, v1;
	v10 =	vld.idx.msk [tilespmem:v10+s20+$0x0], $0xffff  }
0x180: {  	v3 =	vadd.f32 v5, v3;
	v5 =	vmul.f32 v8, v9;
	v9 =	vor.u32 $0x9, v2;
	v8 =	vld.idx.msk [tilespmem:v15+s22+$0x0], $0xffff  }
0x181: {  	v15 =	vor.u32 $0x9, v1;
	v12 =	vld.idx.msk [tilespmem:v12+s20+$0x0], $0xffff  }
0x182: {  	v3 =	vadd.f32 v5, v3;
	v4 =	vmul.f32 v4, v11;
	v11 =	vor.u32 $0xA, v2;
	v5 =	vld.idx.msk [tilespmem:v16+s22+$0x0], $0xffff  }
0x183: {  	v16 =	vor.u32 $0xA, v1;
	v7 =	vld.idx.msk [tilespmem:v7+s20+$0x0], $0xffff  }
0x184: {  	v3 =	vadd.f32 v4, v3;
	v4 =	vmul.f32 v6, v13;
	v13 =	vor.u32 $0xB, v2;
	v6 =	vld.idx.msk [tilespmem:v14+s22+$0x0], $0xffff  }
0x185: {  	v14 =	vor.u32 $0xB, v1;
	v9 =	vld.idx.msk [tilespmem:v9+s20+$0x0], $0xffff  }
0x186: {  	v3 =	vadd.f32 v4, v3;
	v4 =	vmul.f32 v8, v10;
	v10 =	vor.u32 $0xC, v2;
	v8 =	vld.idx.msk [tilespmem:v15+s22+$0x0], $0xffff  }
0x187: {  	v15 =	vor.u32 $0xC, v1;
	v11 =	vld.idx.msk [tilespmem:v11+s20+$0x0], $0xffff  }
0x188: {  	v3 =	vadd.f32 v4, v3;
	v4 =	vmul.f32 v5, v12;
	v12 =	vor.u32 $0xD, v2;
	v5 =	vld.idx.msk [tilespmem:v16+s22+$0x0], $0xffff  }
0x189: {  	v16 =	vor.u32 $0xD, v1;
	v13 =	vld.idx.msk [tilespmem:v13+s20+$0x0], $0xffff  }
0x18a: {  	v3 =	vadd.f32 v4, v3;
	v4 =	vmul.f32 v6, v7;
	v7 =	vor.u32 $0xE, v2;
	v6 =	vld.idx.msk [tilespmem:v14+s22+$0x0], $0xffff  }
0x18b: {  	v14 =	vor.u32 $0xE, v1;
	v10 =	vld.idx.msk [tilespmem:v10+s20+$0x0], $0xffff  }
0x18c: {  	v3 =	vadd.f32 v4, v3;
	v4 =	vmul.f32 v8, v9;
	v9 =	vor.u32 $0xF, v2;
	v8 =	vld.idx.msk [tilespmem:v15+s22+$0x0], $0xffff  }
0x18d: {  	v15 =	vor.u32 $0xF, v1;
	v12 =	vld.idx.msk [tilespmem:v12+s20+$0x0], $0xffff  }
0x18e: {  	v3 =	vadd.f32 v4, v3;
	v4 =	vmul.f32 v5, v11;
	v11 =	vor.u32 $0x10, v2;
	v5 =	vld.idx.msk [tilespmem:v16+s22+$0x0], $0xffff  }
0x18f: {  	v16 =	vor.u32 $0x10, v1;
	v7 =	vld.idx.msk [tilespmem:v7+s20+$0x0], $0xffff  }
0x190: {  	v3 =	vadd.f32 v4, v3;
	v4 =	vmul.f32 v6, v13;
	v13 =	vor.u32 $0x11, v2;
	v6 =	vld.idx.msk [tilespmem:v14+s22+$0x0], $0xffff  }
0x191: {  	v14 =	vor.u32 $0x11, v1;
	v9 =	vld.idx.msk [tilespmem:v9+s20+$0x0], $0xffff  }
0x192: {  	v3 =	vadd.f32 v4, v3;
	v4 =	vmul.f32 v8, v10;
	v10 =	vor.u32 $0x12, v2;
	v8 =	vld.idx.msk [tilespmem:v15+s22+$0x0], $0xffff  }
0x193: {  	v15 =	vor.u32 $0x12, v1;
	v11 =	vld.idx.msk [tilespmem:v11+s20+$0x0], $0xffff  }
0x194: {  	v3 =	vadd.f32 v4, v3;
	v4 =	vmul.f32 v5, v12;
	v12 =	vor.u32 $0x13, v2;
	v5 =	vld.idx.msk [tilespmem:v16+s22+$0x0], $0xffff  }
0x195: {  	v16 =	vor.u32 $0x13, v1;
	v13 =	vld.idx.msk [tilespmem:v13+s20+$0x0], $0xffff  }
0x196: {  	v3 =	vadd.f32 v4, v3;
	v4 =	vmul.f32 v6, v7;
	v7 =	vor.u32 $0x14, v2;
	v6 =	vld.idx.msk [tilespmem:v14+s22+$0x0], $0xffff  }
0x197: {  	v14 =	vor.u32 $0x14, v1;
	v10 =	vld.idx.msk [tilespmem:v10+s20+$0x0], $0xffff  }
0x198: {  	v3 =	vadd.f32 v4, v3;
	v4 =	vmul.f32 v8, v9;
	v9 =	vor.u32 $0x15, v2;
	v8 =	vld.idx.msk [tilespmem:v15+s22+$0x0], $0xffff  }
0x199: {  	v15 =	vor.u32 $0x15, v1;
	v12 =	vld.idx.msk [tilespmem:v12+s20+$0x0], $0xffff  }
0x19a: {  	v3 =	vadd.f32 v4, v3;
	v4 =	vmul.f32 v5, v11;
	v11 =	vor.u32 $0x16, v2;
	v5 =	vld.idx.msk [tilespmem:v16+s22+$0x0], $0xffff  }
0x19b: {  	v16 =	vor.u32 $0x16, v1;
	v7 =	vld.idx.msk [tilespmem:v7+s20+$0x0], $0xffff  }
0x19c: {  	v3 =	vadd.f32 v4, v3;
	v4 =	vmul.f32 v6, v13;
	v13 =	vor.u32 $0x17, v2;
	v6 =	vld.idx.msk [tilespmem:v14+s22+$0x0], $0xffff  }
0x19d: {  	v14 =	vor.u32 $0x17, v1;
	v9 =	vld.idx.msk [tilespmem:v9+s20+$0x0], $0xffff  }
0x19e: {  	v3 =	vadd.f32 v4, v3;
	v4 =	vmul.f32 v8, v10;
	v10 =	vor.u32 $0x18, v2;
	v8 =	vld.idx.msk [tilespmem:v15+s22+$0x0], $0xffff  }
0x19f: {  	v15 =	vor.u32 $0x18, v1;
	v11 =	vld.idx.msk [tilespmem:v11+s20+$0x0], $0xffff  }
0x1a0: {  	v3 =	vadd.f32 v4, v3;
	v4 =	vmul.f32 v5, v12;
	v12 =	vor.u32 $0x19, v2;
	v5 =	vld.idx.msk [tilespmem:v16+s22+$0x0], $0xffff  }
0x1a1: {  	v16 =	vor.u32 $0x19, v1;
	v13 =	vld.idx.msk [tilespmem:v13+s20+$0x0], $0xffff  }
0x1a2: {  	v3 =	vadd.f32 v4, v3;
	v4 =	vmul.f32 v6, v7;
	v7 =	vor.u32 $0x1A, v2;
	v6 =	vld.idx.msk [tilespmem:v14+s22+$0x0], $0xffff  }
0x1a3: {  	v14 =	vor.u32 $0x1A, v1;
	v10 =	vld.idx.msk [tilespmem:v10+s20+$0x0], $0xffff  }
0x1a4: {  	v3 =	vadd.f32 v4, v3;
	v4 =	vmul.f32 v8, v9;
	v9 =	vor.u32 $0x1B, v2;
	v8 =	vld.idx.msk [tilespmem:v15+s22+$0x0], $0xffff  }
0x1a5: {  	v15 =	vor.u32 $0x1B, v1;
	v12 =	vld.idx.msk [tilespmem:v12+s20+$0x0], $0xffff  }
0x1a6: {  	v3 =	vadd.f32 v4, v3;
	v4 =	vmul.f32 v5, v11;
	v11 =	vor.u32 $0x1C, v2;
	v5 =	vld.idx.msk [tilespmem:v16+s22+$0x0], $0xffff  }
0x1a7: {  	v16 =	vor.u32 $0x1C, v1;
	v7 =	vld.idx.msk [tilespmem:v7+s20+$0x0], $0xffff  }
0x1a8: {  	v3 =	vadd.f32 v4, v3;
	v4 =	vmul.f32 v6, v13;
	v13 =	vor.u32 $0x1D, v2;
	v6 =	vld.idx.msk [tilespmem:v14+s22+$0x0], $0xffff  }
0x1a9: {  	v14 =	vor.u32 $0x1D, v1;
	v9 =	vld.idx.msk [tilespmem:v9+s20+$0x0], $0xffff  }
0x1aa: {  	v3 =	vadd.f32 v4, v3;
	v4 =	vmul.f32 v8, v10;
	v10 =	vor.u32 $0x1E, v2;
	v8 =	vld.idx.msk [tilespmem:v15+s22+$0x0], $0xffff  }
0x1ab: {  	v15 =	vor.u32 $0x1E, v1;
	v11 =	vld.idx.msk [tilespmem:v11+s20+$0x0], $0xffff  }
0x1ac: {  	v2 =	vor.u32 $0x1F, v2;
	v3 =	vadd.f32 v4, v3;
	v4 =	vmul.f32 v5, v12;
	v5 =	vld.idx.msk [tilespmem:v16+s22+$0x0], $0xffff  }
0x1ad: {  	v1 =	vor.u32 $0x1F, v1;
	v12 =	vld.idx.msk [tilespmem:v13+s20+$0x0], $0xffff  }
0x1ae: {  	v3 =	vadd.f32 v4, v3;
	v4 =	vmul.f32 v6, v7;
	v6 =	vld.idx.msk [tilespmem:v14+s22+$0x0], $0xffff  }
0x1af: {  	v7 =	vld.idx.msk [tilespmem:v10+s20+$0x0], $0xffff  }
0x1b0: {  	v3 =	vadd.f32 v4, v3;
	v4 =	vmul.f32 v8, v9;
	v8 =	vld.idx.msk [tilespmem:v15+s22+$0x0], $0xffff  }
0x1b1: {  	v2 =	vld.idx.msk [tilespmem:v2+s20+$0x0], $0xffff  }
0x1b2: {  	v3 =	vadd.f32 v4, v3;
	v4 =	vmul.f32 v5, v11;
	v1 =	vld.idx.msk [tilespmem:v1+s22+$0x0], $0xffff;
	_ =	sdelay $0x1  }
0x1b3: {  	v3 =	vadd.f32 v4, v3;
	v4 =	vmul.f32 v6, v12;
	_ =	sdelay $0x1  }
0x1b4: {  	v3 =	vadd.f32 v4, v3;
	v4 =	vmul.f32 v8, v7;
	_ =	sdelay $0x1  }
0x1b5: {  	v3 =	vadd.f32 v4, v3;
	v1 =	vmul.f32 v1, v2;
	_ =	sdelay $0x1  }
.Ltmp3:
0x1b6: {  	v1 =	vadd.f32 v1, v3;
	(pc) =	sbr.rel @p0 .LBB2_8-.Ltmp3, $4  }
0x1b7: {  	s29 =	sand.u32 $0xF0, s31;
	s31 =	smov.u32 s1  }
0x1b8: {  	s16 =	sadd.s32 $0x10, s16;
	[tilespmem:s29+$0x10500] =	vst v1  }
0x1b9: {  	s0 =	sadd.s32 $0x10, s0;
	v2 =	vld [tilespmem:s16+$0x0]  }
0x1ba: {  	s1 =	sadd.s32 $0x10, s1;
	v1 =	vld [tilespmem:s0+$0x0]  }
0x1bb: {  	_ =	sdelay $0x1  }
0x1bc: {  	v3 =	vmov s31  }
0x1bd: {  	v3 =	vshll.u32 v3, $0x7;
	v2 =	vshrl.u32 v2, $0x2  }
0x1be: {  	v3 =	vor.u32 v0, v3;
	v2 =	vand.u32 $0x60, v2;
	v1 =	vshrl.u32 v1, $0x2  }
0x1bf: {  	v1 =	vand.u32 $0x60, v1;
	v2 =	vor.u32 v3, v2  }
0x1c0: {  	v1 =	vor.u32 v3, v1  }
0x1c1: {  	v3 =	vor.u32 $0x1, v2  }
0x1c2: {  	v4 =	vor.u32 $0x1, v1  }
0x1c3: {  	v5 =	vor.u32 $0x2, v2  }
0x1c4: {  	v7 =	vor.u32 $0x2, v1;
	v6 =	vld.idx.msk [tilespmem:v2+s20+$0x0], $0xffff  }
0x1c5: {  	v9 =	vor.u32 $0x3, v2;
	v8 =	vld.idx.msk [tilespmem:v1+s22+$0x0], $0xffff  }
0x1c6: {  	v10 =	vor.u32 $0x3, v1;
	v3 =	vld.idx.msk [tilespmem:v3+s20+$0x0], $0xffff  }
0x1c7: {  	v11 =	vor.u32 $0x4, v2;
	v4 =	vld.idx.msk [tilespmem:v4+s22+$0x0], $0xffff  }
0x1c8: {  	v12 =	vor.u32 $0x4, v1;
	v5 =	vld.idx.msk [tilespmem:v5+s20+$0x0], $0xffff  }
0x1c9: {  	v13 =	vor.u32 $0x5, v2;
	v7 =	vld.idx.msk [tilespmem:v7+s22+$0x0], $0xffff  }
0x1ca: {  	v14 =	vor.u32 $0x5, v1;
	v9 =	vld.idx.msk [tilespmem:v9+s20+$0x0], $0xffff;
	v6 =	vmul.f32 v8, v6  }
0x1cb: {  	v49 =	vor.u32 $0x6, v2;
	v48 =	vld.idx.msk [tilespmem:v10+s22+$0x0], $0xffff  }
0x1cc: {  	v15 =	vor.u32 $0x6, v1;
	v11 =	vld.idx.msk [tilespmem:v11+s20+$0x0], $0xffff;
	v3 =	vmul.f32 v4, v3;
	v6 =	vadd.f32 $0.0e+00, v6  }
0x1cd: {  	v51 =	vor.u32 $0x7, v2;
	v50 =	vld.idx.msk [tilespmem:v12+s22+$0x0], $0xffff  }
0x1ce: {  	v16 =	vor.u32 $0x7, v1;
	v13 =	vld.idx.msk [tilespmem:v13+s20+$0x0], $0xffff;
	v5 =	vmul.f32 v7, v5;
	v3 =	vadd.f32 v3, v6  }
0x1cf: {  	v54 =	vor.u32 $0x8, v1;
	v52 =	vld.idx.msk [tilespmem:v14+s22+$0x0], $0xffff  }
0x1d0: {  	v53 =	vor.u32 $0x8, v2;
	v10 =	vld.idx.msk [tilespmem:v49+s20+$0x0], $0xffff;
	v55 =	vmul.f32 v48, v9;
	v3 =	vadd.f32 v5, v3  }
0x1d1: {  	v58 =	vor.u32 $0x9, v1;
	v56 =	vld.idx.msk [tilespmem:v15+s22+$0x0], $0xffff  }
0x1d2: {  	v57 =	vor.u32 $0x9, v2;
	v12 =	vld.idx.msk [tilespmem:v51+s20+$0x0], $0xffff;
	v4 =	vmul.f32 v50, v11;
	v3 =	vadd.f32 v55, v3  }
0x1d3: {  	v61 =	vor.u32 $0xA, v1;
	v59 =	vld.idx.msk [tilespmem:v16+s22+$0x0], $0xffff  }
0x1d4: {  	v60 =	vor.u32 $0xA, v2;
	v63 =	vld.idx.msk [tilespmem:v54+s22+$0x0], $0xffff;
	v62 =	vmul.f32 v52, v13;
	v3 =	vadd.f32 v4, v3  }
0x1d5: {  	v20 =	vor.u32 $0xB, v1;
	v7 =	vld.idx.msk [tilespmem:v53+s20+$0x0], $0xffff  }
0x1d6: {  	v19 =	vor.u32 $0xB, v2;
	v22 =	vld.idx.msk [tilespmem:v58+s22+$0x0], $0xffff;
	v21 =	vmul.f32 v56, v10;
	v3 =	vadd.f32 v62, v3  }
0x1d7: {  	v24 =	vor.u32 $0xC, v1;
	v9 =	vld.idx.msk [tilespmem:v57+s20+$0x0], $0xffff  }
0x1d8: {  	v23 =	vor.u32 $0xC, v2;
	v26 =	vld.idx.msk [tilespmem:v61+s22+$0x0], $0xffff;
	v25 =	vmul.f32 v59, v12;
	v3 =	vadd.f32 v21, v3  }
0x1d9: {  	v28 =	vor.u32 $0xD, v1;
	v11 =	vld.idx.msk [tilespmem:v60+s20+$0x0], $0xffff  }
0x1da: {  	v27 =	vor.u32 $0xD, v2;
	v30 =	vld.idx.msk [tilespmem:v20+s22+$0x0], $0xffff;
	v29 =	vmul.f32 v63, v7;
	v3 =	vadd.f32 v25, v3  }
0x1db: {  	v32 =	vor.u32 $0xE, v1;
	v13 =	vld.idx.msk [tilespmem:v19+s20+$0x0], $0xffff  }
0x1dc: {  	v31 =	vor.u32 $0xE, v2;
	v34 =	vld.idx.msk [tilespmem:v24+s22+$0x0], $0xffff;
	v33 =	vmul.f32 v22, v9;
	v3 =	vadd.f32 v29, v3  }
0x1dd: {  	v36 =	vor.u32 $0xF, v1;
	v10 =	vld.idx.msk [tilespmem:v23+s20+$0x0], $0xffff  }
0x1de: {  	v35 =	vor.u32 $0xF, v2;
	v38 =	vld.idx.msk [tilespmem:v28+s22+$0x0], $0xffff;
	v37 =	vmul.f32 v26, v11;
	v3 =	vadd.f32 v33, v3  }
0x1df: {  	v40 =	vor.u32 $0x10, v1;
	v12 =	vld.idx.msk [tilespmem:v27+s20+$0x0], $0xffff  }
0x1e0: {  	v39 =	vor.u32 $0x10, v2;
	v42 =	vld.idx.msk [tilespmem:v32+s22+$0x0], $0xffff;
	v41 =	vmul.f32 v30, v13;
	v3 =	vadd.f32 v37, v3  }
0x1e1: {  	v44 =	vor.u32 $0x11, v1;
	v7 =	vld.idx.msk [tilespmem:v31+s20+$0x0], $0xffff  }
0x1e2: {  	v43 =	vor.u32 $0x11, v2;
	v46 =	vld.idx.msk [tilespmem:v36+s22+$0x0], $0xffff;
	v45 =	vmul.f32 v34, v10;
	v3 =	vadd.f32 v41, v3  }
0x1e3: {  	v47 =	vor.u32 $0x12, v2;
	v9 =	vld.idx.msk [tilespmem:v35+s20+$0x0], $0xffff  }
0x1e4: {  	v48 =	vor.u32 $0x12, v1;
	v50 =	vld.idx.msk [tilespmem:v40+s22+$0x0], $0xffff;
	v49 =	vmul.f32 v38, v12;
	v3 =	vadd.f32 v45, v3  }
0x1e5: {  	v51 =	vor.u32 $0x13, v2;
	v11 =	vld.idx.msk [tilespmem:v39+s20+$0x0], $0xffff  }
0x1e6: {  	v54 =	vld.idx.msk [tilespmem:v44+s22+$0x0], $0xffff;
	v52 =	vor.u32 $0x13, v1;
	v53 =	vmul.f32 v42, v7;
	v3 =	vadd.f32 v49, v3  }
0x1e7: {  	v56 =	vor.u32 $0x14, v1;
	v13 =	vld.idx.msk [tilespmem:v43+s20+$0x0], $0xffff  }
0x1e8: {  	v10 =	vld.idx.msk [tilespmem:v47+s20+$0x0], $0xffff;
	v55 =	vor.u32 $0x14, v2;
	v57 =	vmul.f32 v46, v9;
	v3 =	vadd.f32 v53, v3  }
0x1e9: {  	v60 =	vor.u32 $0x15, v1;
	v58 =	vld.idx.msk [tilespmem:v48+s22+$0x0], $0xffff  }
0x1ea: {  	v59 =	vor.u32 $0x15, v2;
	v12 =	vld.idx.msk [tilespmem:v51+s20+$0x0], $0xffff;
	v61 =	vmul.f32 v50, v11;
	v3 =	vadd.f32 v57, v3  }
0x1eb: {  	v20 =	vor.u32 $0x16, v1;
	v62 =	vld.idx.msk [tilespmem:v52+s22+$0x0], $0xffff  }
0x1ec: {  	v63 =	vor.u32 $0x16, v2;
	v22 =	vld.idx.msk [tilespmem:v56+s22+$0x0], $0xffff;
	v21 =	vmul.f32 v54, v13;
	v3 =	vadd.f32 v61, v3  }
0x1ed: {  	v24 =	vor.u32 $0x17, v1;
	v7 =	vld.idx.msk [tilespmem:v55+s20+$0x0], $0xffff  }
0x1ee: {  	v23 =	vor.u32 $0x17, v2;
	v26 =	vld.idx.msk [tilespmem:v60+s22+$0x0], $0xffff;
	v25 =	vmul.f32 v58, v10;
	v3 =	vadd.f32 v21, v3  }
0x1ef: {  	v28 =	vor.u32 $0x18, v1;
	v9 =	vld.idx.msk [tilespmem:v59+s20+$0x0], $0xffff  }
0x1f0: {  	v27 =	vor.u32 $0x18, v2;
	v30 =	vld.idx.msk [tilespmem:v20+s22+$0x0], $0xffff;
	v29 =	vmul.f32 v62, v12;
	v3 =	vadd.f32 v25, v3  }
0x1f1: {  	v32 =	vor.u32 $0x19, v1;
	v11 =	vld.idx.msk [tilespmem:v63+s20+$0x0], $0xffff  }
0x1f2: {  	v31 =	vor.u32 $0x19, v2;
	v34 =	vld.idx.msk [tilespmem:v24+s22+$0x0], $0xffff;
	v33 =	vmul.f32 v22, v7;
	v3 =	vadd.f32 v29, v3  }
0x1f3: {  	v36 =	vor.u32 $0x1A, v1;
	v13 =	vld.idx.msk [tilespmem:v23+s20+$0x0], $0xffff  }
0x1f4: {  	v35 =	vor.u32 $0x1A, v2;
	v38 =	vld.idx.msk [tilespmem:v28+s22+$0x0], $0xffff;
	v37 =	vmul.f32 v26, v9;
	v3 =	vadd.f32 v33, v3  }
0x1f5: {  	v40 =	vor.u32 $0x1B, v1;
	v10 =	vld.idx.msk [tilespmem:v27+s20+$0x0], $0xffff  }
0x1f6: {  	v39 =	vor.u32 $0x1B, v2;
	v42 =	vld.idx.msk [tilespmem:v32+s22+$0x0], $0xffff;
	v41 =	vmul.f32 v30, v11;
	v3 =	vadd.f32 v37, v3  }
0x1f7: {  	v44 =	vor.u32 $0x1C, v1;
	v12 =	vld.idx.msk [tilespmem:v31+s20+$0x0], $0xffff  }
0x1f8: {  	v43 =	vor.u32 $0x1C, v2;
	v46 =	vld.idx.msk [tilespmem:v36+s22+$0x0], $0xffff;
	v45 =	vmul.f32 v34, v13;
	v3 =	vadd.f32 v41, v3  }
0x1f9: {  	v47 =	vor.u32 $0x1D, v2;
	v7 =	vld.idx.msk [tilespmem:v35+s20+$0x0], $0xffff  }
0x1fa: {  	v48 =	vor.u32 $0x1D, v1;
	v50 =	vld.idx.msk [tilespmem:v40+s22+$0x0], $0xffff;
	v49 =	vmul.f32 v38, v10;
	v3 =	vadd.f32 v45, v3  }
0x1fb: {  	v51 =	vor.u32 $0x1E, v2;
	v9 =	vld.idx.msk [tilespmem:v39+s20+$0x0], $0xffff  }
0x1fc: {  	v52 =	vor.u32 $0x1E, v1;
	v54 =	vld.idx.msk [tilespmem:v44+s22+$0x0], $0xffff;
	v53 =	vmul.f32 v42, v12;
	v3 =	vadd.f32 v49, v3  }
0x1fd: {  	v2 =	vor.u32 $0x1F, v2;
	v11 =	vld.idx.msk [tilespmem:v43+s20+$0x0], $0xffff  }
0x1fe: {  	v1 =	vor.u32 $0x1F, v1;
	v55 =	vld.idx.msk [tilespmem:v47+s20+$0x0], $0xffff;
	v56 =	vmul.f32 v46, v7;
	v3 =	vadd.f32 v53, v3  }
0x1ff: {  	v57 =	vld.idx.msk [tilespmem:v48+s22+$0x0], $0xffff  }
0x200: {  	v58 =	vld.idx.msk [tilespmem:v51+s20+$0x0], $0xffff;
	v59 =	vmul.f32 v50, v9;
	v3 =	vadd.f32 v56, v3  }
0x201: {  	v60 =	vld.idx.msk [tilespmem:v52+s22+$0x0], $0xffff  }
0x202: {  	v2 =	vld.idx.msk [tilespmem:v2+s20+$0x0], $0xffff;
	v61 =	vmul.f32 v54, v11;
	v3 =	vadd.f32 v59, v3  }
0x203: {  	v1 =	vld.idx.msk [tilespmem:v1+s22+$0x0], $0xffff  }
0x204: {  	v62 =	vmul.f32 v57, v55;
	v3 =	vadd.f32 v61, v3;
	_ =	sdelay $0x1  }
0x205: {  	v63 =	vmul.f32 v60, v58;
	v3 =	vadd.f32 v62, v3;
	_ =	sdelay $0x1  }
0x206: {  	v1 =	vmul.f32 v1, v2;
	v3 =	vadd.f32 v63, v3;
	_ =	sdelay $0x1  }
0x207: {  	s30 =	sadd.s32 $0x1, s30;
	v1 =	vadd.f32 v1, v3  }
0x208: {  	s0 =	sand.u32 $0xF0, s31;
	p0 =	sne.s32 s30, s14  }
.Ltmp4:
0x209: {  	s31 =	simm.s32 $0x10400;
	[tilespmem:s0+$0x10500] =	vst v1;
	(pc) =	sbr.rel @p0 .LBB2_1-.Ltmp4, $4  }
0x20a: {  	[hbm4b:s13+s2] =	stream.linear.scatter [tilespmem:s31], [sflag:$0x2], $0x200, $0x38;
	[tilespmem:$0x10600] =	vst v63  }
0x20b: {  	_ =	swait.ge [sflag:s15], $0x200  }
0x20c: {  	[sflag:s15] =	ssyncset.done $0x0  }
0x20d: {  	[sflag:s15] =	ssyncadd.s32 $0xFFFFFE00  }
0x20e: {  	_ =	sfence.sel $0x180000  }
0x20f: {  	[bflag:$0x0] =	sbarrier.arrive $0xFFFF  }
0x210: {  	_ =	strace $0x90000047  }
0x211: {  	s0 =	stileid.u32;
	[bflag:$0x2] =	sbarrier.arrive $0xFFFF  }
0x212: {  	p0 =	sne.s32 s0, $0x0;
	s0 =	rddreg [dreg:$0x4]  }
0x213: {  	s0 =	sadd.s32 @!p0 $0x100000, s0  }
0x214: {  	[sflag:s0] =	ssyncadd.tile.s32 @!p0 $0x1;
	_ =	shalt  }
.Lfunc_end2:
_tile_overlayer_lowered:
.L_overlay_start_2:
0x215: {  	(tag) =	ssettag $0x2  }
0x216: {  	s0 =	rddreg [dreg:$0x0];
	s2 =	stileid.u32  }
0x217: {  	s1 =	rddreg [dreg:$0x1];
	p0 =	sne.s32 s2, $0x0  }
0x218: {  	s3 =	rddreg [dreg:$0x2];
	[bflag:$0x3] =	sbarrier.arrive $0xFFFF;
	s2 =	simm.s32 @!p0 $0x1C02  }
0x219: {  	[timem:s3], [sflag:s2] =	dma.local @!p0 [hbm:s0], s1  }
0x21a: {  	s0 =	simm.s32 @!p0 $0x2  }
0x21b: {  	_ =	swait.ge @!p0 [sflag:s0], s1  }
0x21c: {  	s1 =	ssub.s32 @!p0 $0x0, s1;
	[sflag:s0] =	ssyncset.done @!p0 $0x0  }
0x21d: {  	[sflag:s0] =	ssyncadd.s32 @!p0 s1  }
0x21e: {  	[bflag:$0x3] =	sbarrier.arrive $0xFFFF  }
0x21f: {  	_ =	shalt  }

</sc_bundles>
